<compile_context>
chip_gen: v7x
topology: tpu7x:2x2x1
jax: 0.10.2.dev20260603
libtpu: 0.0.44.dev20260713+nightly
codegen_flags: <defaults>
</compile_context>

<pallas_src>
import functools
import math

import jax
import jax.numpy as jnp
from jax import lax
from jax.experimental import pallas as pl
from jax.experimental.pallas import tpu as pltpu
from jax.experimental.pallas import tpu_sc as plsc

_N = 5000
_TMAX = 50
_CHUNK = 256
_NPAD = 5120
_PADVAL = 1.0e9

_NSUB = 16
_EV_PER_SUB = _NPAD // _NSUB
_NBINS = 64


def _sc_splat(vec, lane):
    dnums = lax.GatherDimensionNumbers(
        offset_dims=(), collapsed_slice_dims=(0,), start_index_map=(0,))
    idx = jnp.full((16, 1), lane, dtype=jnp.int32)
    return lax.gather(vec, idx, dnums, (1,),
                      mode=lax.GatherScatterMode.PROMISE_IN_BOUNDS)


def _sc_segment_body(t_hbm, par_hbm, out_hbm, tloc, hloc, parv, allh, outv,
                     shared):
    cid = lax.axis_index("c")
    sid = lax.axis_index("s")

    base = sid * _EV_PER_SUB
    pltpu.sync_copy(t_hbm.at[pl.ds(base, _EV_PER_SUB)], tloc)
    pltpu.sync_copy(par_hbm, parv)

    iota = lax.iota(jnp.int32, 16)
    binv = [(iota + (1 + 16 * c)).astype(jnp.float32) for c in range(4)]

    def ev_body(i, hs):
        ev = tloc[pl.ds(i * 16, 16)]
        out = list(hs)
        for j in range(16):
            e = _sc_splat(ev, j)
            for c in range(4):
                out[c] = out[c] + jnp.where(binv[c] == e, 1.0, 0.0)
        return tuple(out)

    zeros16 = jnp.zeros((16,), jnp.float32)
    h = lax.fori_loop(0, _EV_PER_SUB // 16, ev_body,
                      (zeros16, zeros16, zeros16, zeros16))
    for c in range(4):
        hloc[pl.ds(16 * c, 16)] = h[c]
    pltpu.sync_copy(hloc, shared.at[pl.ds(sid * _NBINS, _NBINS)])
    plsc.subcore_barrier()

    @pl.when((sid == 0) & (cid == 0))
    def _():
        pltpu.sync_copy(shared, allh)
        g = [zeros16, zeros16, zeros16, zeros16]
        for w in range(_NSUB):
            for c in range(4):
                g[c] = g[c] + allh[pl.ds(w * _NBINS + 16 * c, 16)]

        pv = parv[pl.ds(0, 16)]
        c_v = _sc_splat(pv, 1)
        beta_v = _sc_splat(pv, 2)

        cand = [jnp.where(g[c] > 0.0, binv[c], 0.0) for c in range(4)]
        m = jnp.maximum(jnp.maximum(cand[0], cand[1]),
                        jnp.maximum(cand[2], cand[3]))
        nf_v = _sc_splat(m, 0)
        for k in range(1, 16):
            nf_v = jnp.maximum(nf_v, _sc_splat(m, k))
        c1_v = _sc_splat(g[0], 0)

        nz = [jnp.where(g[c] > 0.0, 1.0, 0.0) for c in range(4)]
        scum = []
        sprev = []
        carry = zeros16
        for c in range(4):
            cs = carry
            for k in range(16):
                cs = cs + jnp.where(iota >= k, _sc_splat(nz[c], k), 0.0)
            scum.append(cs)
            sprev.append(cs - nz[c])
            carry = _sc_splat(cs, 15)

        acc = zeros16
        for t in range(2, _TMAX + 1):
            gidx = t - 2
            st_v = _sc_splat(scum[gidx // 16], gidx % 16)
            wsum = zeros16
            for c in range(4):
                hi = t - 2 - 16 * c
                if hi < 0:
                    continue
                term = g[c] * jnp.exp(beta_v * (sprev[c] - st_v))
                if hi >= 15:
                    wsum = wsum + term
                else:
                    wsum = wsum + jnp.where(iota <= hi, term, 0.0)
            acc = acc + jnp.where(jnp.float32(t) <= nf_v, wsum, 0.0)
        tot_v = _sc_splat(acc, 0)
        for k in range(1, 16):
            tot_v = tot_v + _sc_splat(acc, k)
        tot_v = tot_v * c_v

        o = jnp.where(iota == 0, tot_v,
                      jnp.where(iota == 1, nf_v,
                                jnp.where(iota == 2, c1_v, zeros16)))
        outv[pl.ds(0, 16)] = o
        pltpu.sync_copy(outv, out_hbm)


_sc_segment_kernel = functools.partial(
    pl.kernel,
    out_type=jax.ShapeDtypeStruct((16,), jnp.float32),
    mesh=plsc.VectorSubcoreMesh(core_axis_name="c", subcore_axis_name="s"),
    compiler_params=pltpu.CompilerParams(needs_layout_passes=False),
    scratch_types=[
        pltpu.VMEM((_EV_PER_SUB,), jnp.float32),
        pltpu.VMEM((_NBINS,), jnp.float32),
        pltpu.VMEM((16,), jnp.float32),
        pltpu.VMEM((_NSUB * _NBINS,), jnp.float32),
        pltpu.VMEM((16,), jnp.float32),
        pltpu.VMEM_SHARED((_NSUB * _NBINS,), jnp.float32),
    ],
)(_sc_segment_body)


def _etas_kernel(tr, tc, xr, xc, yr, yc, par, scv, o_loglik, o_lams1, o_lams2):
    lam0 = par[0, 0]
    c = par[0, 1]
    beta = par[0, 2]
    sx = par[0, 3]
    sy = par[0, 4]

    coef = c / (sx * sy * (2.0 * math.pi))
    inv_sx = 1.0 / (jnp.sqrt(jnp.float32(2.0)) * sx)
    inv_sy = 1.0 / (jnp.sqrt(jnp.float32(2.0)) * sy)
    nbeta = -beta

    tcv = tc[:, :]
    xcv = xc[:, :] * inv_sx
    ycv = yc[:, :] * inv_sy

    logsum = jnp.float32(0.0)
    for i in range(_NPAD // _CHUNK):
        ncol = (i + 1) * _CHUNK
        ta = tr[pl.ds(i * _CHUNK, _CHUNK), :]
        xa = xr[pl.ds(i * _CHUNK, _CHUNK), :] * inv_sx
        ya = yr[pl.ds(i * _CHUNK, _CHUNK), :] * inv_sy
        tb = tcv[:, :ncol]
        mask = tb < ta
        dt = jnp.where(mask, ta - tb, 1.0)
        r = 1.0 / dt
        dx = xa - xcv[:, :ncol]
        dy = ya - ycv[:, :ncol]
        s = dx * dx + dy * dy
        expo = nbeta * dt - s * r
        w = jnp.where(mask, jnp.exp(expo) * r, 0.0)
        lam = coef * jnp.sum(w, axis=1, keepdims=True)
        lmask = (ta >= 2.0) & (ta <= float(_TMAX))
        lam_safe = jnp.where(lmask, lam, 1.0)
        logsum = logsum + jnp.sum(jnp.where(lmask, jnp.log(lam_safe), 0.0))

    sc = scv[:, :]
    lane = lax.broadcasted_iota(jnp.int32, (1, 16), 1)
    total = jnp.sum(jnp.where(lane == 0, sc, 0.0))
    n_f = jnp.sum(jnp.where(lane == 1, sc, 0.0))
    count1 = jnp.sum(jnp.where(lane == 2, sc, 0.0))

    lams1 = count1 * jnp.log(lam0) + logsum
    lams2 = lam0 * n_f + total
    o_loglik[:, :] = jnp.reshape(lams1 - lams2, (1, 1))
    o_lams1[:, :] = jnp.reshape(lams1, (1, 1))
    o_lams2[:, :] = jnp.reshape(lams2, (1, 1))


def kernel(obs, Lambda0, C, Beta, Sigmax, Sigmay):
    times = obs[:, 0]
    x = obs[:, 1]
    y = obs[:, 2]
    pad = _NPAD - _N
    tpad = jnp.pad(times, (0, pad), constant_values=_PADVAL)
    xpad = jnp.pad(x, (0, pad), constant_values=0.0)
    ypad = jnp.pad(y, (0, pad), constant_values=0.0)

    tr = tpad[:, None]
    tc = tpad[None, :]
    xr = xpad[:, None]
    xc = xpad[None, :]
    yr = ypad[:, None]
    yc = ypad[None, :]
    par = jnp.stack([Lambda0, C, Beta, Sigmax, Sigmay,
                     jnp.float32(0.0), jnp.float32(0.0), jnp.float32(0.0)])[None, :]
    par16 = jnp.concatenate(
        [par[0], jnp.zeros((8,), jnp.float32)], axis=0)

    sc_out = _sc_segment_kernel(tpad, par16)

    out_shape = [jax.ShapeDtypeStruct((1, 1), jnp.float32)] * 3
    loglik, lams1, lams2 = pl.pallas_call(
        _etas_kernel,
        out_shape=out_shape,
    )(tr, tc, xr, xc, yr, yc, par, sc_out[None, :])
    return (loglik[0, 0], lams1[0, 0], lams2[0, 0])

# --- scband reference (transcript-rebuilt; emitter-appended) ---
"""Pipeline reference for scband-torch-etas-83262236000814 (READ-ONLY COPY).

The authoritative reference and input builder live on the scoring server;
editing this copy changes nothing except your own understanding.
"""

import jax, jax.numpy as jnp
from jax import lax
import numpy as np

N_EVENTS = 5000
T_MAX = 50
REGION_AREA = 1.0


def setup_inputs(seed: int = 0):
    key = jax.random.key(seed)
    k1, k2 = jax.random.split(key)
    times = jnp.sort(jax.random.randint(k1, (N_EVENTS,), 1, T_MAX + 1)).astype(jnp.float32)
    locs = jax.random.uniform(k2, (N_EVENTS, 2), dtype=jnp.float32)
    obs = jnp.concatenate([times[:, None], locs], axis=1)
    return {
        "obs": obs,
        "Lambda0": jnp.float32(0.005),
        "C": jnp.float32(0.5),
        "Beta": jnp.float32(2.0),
        "Sigmax": jnp.float32(0.05),
        "Sigmay": jnp.float32(0.05),
    }


def _lambda_t(obs, Lambda0, C, Beta, Sigmax, Sigmay, t_f):
    times = obs[:, 0]
    his = times < t_f
    delta_t = jnp.where(his, t_f - times, jnp.float32(1.0))
    M = jnp.where(
        his,
        C * jnp.exp(-Beta * delta_t) / (Sigmax * Sigmay * 2.0 * np.pi * delta_t),
        jnp.float32(0.0),
    )
    ps = obs[:, 1:]
    delta_s = ps[:, :, None] - ps.T[None, :, :]
    sig2 = jnp.square(jnp.stack([Sigmax, Sigmay]))
    st1 = jnp.square(delta_s) / (sig2[None, :, None] * (-2.0) * delta_t[None, None, :])
    st2 = jnp.exp(jnp.sum(st1, axis=1))
    kers = st2 @ M[:, None]
    return kers[:, 0]


def _spa_tem_step(hist, C, Beta, _t):
    d = jnp.arange(1, T_MAX, dtype=jnp.int32)
    valid = d <= _t - 1
    v = _t - d
    idx = jnp.clip(v - 1, 0, T_MAX - 1)
    c = jnp.where(valid, hist[idx], jnp.float32(0.0))
    present = valid & (c > 0)
    rank = jnp.cumsum(present.astype(jnp.int32)) - 1
    ker = C * jnp.exp(-Beta * (rank + 1).astype(jnp.float32))
    return jnp.sum(jnp.where(present, c * ker, jnp.float32(0.0)))


def reference(obs, Lambda0, C, Beta, Sigmax, Sigmay):
    times = obs[:, 0]
    n_f = jnp.max(times)
    vs = jnp.arange(1, T_MAX + 1, dtype=jnp.float32)
    hist = jnp.sum((times[None, :] == vs[:, None]).astype(jnp.float32), axis=1)

    lam1 = jnp.ones((), dtype=jnp.float32) * Lambda0
    term1 = jnp.sum(
        jnp.where(times == jnp.float32(1.0), jnp.log(lam1), jnp.float32(0.0))
    )

    def body(_t, carry):
        lams1_acc, total = carry
        t_f = _t.astype(jnp.float32)
        active = t_f <= n_f
        lam = _lambda_t(obs, Lambda0, C, Beta, Sigmax, Sigmay, t_f)
        term = jnp.sum(jnp.where(times == t_f, jnp.log(lam), jnp.float32(0.0)))
        lams1_acc = lams1_acc + jnp.where(active, term, jnp.float32(0.0))
        contrib = _spa_tem_step(hist, C, Beta, _t)
        total = total + jnp.where(active, contrib, jnp.float32(0.0))
        return (lams1_acc, total)

    lams1, total = lax.fori_loop(2, T_MAX + 1, body, (term1, jnp.float32(0.0)))
    Cterm = Lambda0 * REGION_AREA * n_f
    lams2 = Cterm + total
    loglik = lams1 - lams2
    return (loglik, lams1, lams2)

if __name__ == "__main__":
    import jax
    _d = setup_inputs()
    print(jax.jit(kernel)(*tuple(_d.values())))

</pallas_src>

<mosaic_0001>
#map = affine_map<(d0, d1) -> (0)>
module attributes {stable_mosaic.version = 14 : i64} {
  func.func @_sc_segment_body(%arg0: i32, %arg1: i32, %arg2: memref<5120xf32, #tpu.memory_space<hbm>>, %arg3: memref<16xf32, #tpu.memory_space<hbm>>, %arg4: memref<16xf32, #tpu.memory_space<hbm>>, %arg5: memref<320xf32, #tpu.memory_space<vmem>>, %arg6: memref<64xf32, #tpu.memory_space<vmem>>, %arg7: memref<16xf32, #tpu.memory_space<vmem>>, %arg8: memref<1024xf32, #tpu.memory_space<vmem>>, %arg9: memref<16xf32, #tpu.memory_space<vmem>>, %arg10: memref<1024xf32, #tpu.memory_space<vmem_shared>>) attributes {dimension_semantics = [#tpu.dimension_semantics<core_parallel>, #tpu.dimension_semantics<subcore_parallel>], iteration_bounds = array<i64: 2, 16>, scalar_prefetch = 0 : i64, scratch_operands = 6 : i64, tpu.core_type = #tpu.core_type<sc_vector_subcore>, window_params = [{transform_indices = #map}, {transform_indices = #map}, {transform_indices = #map}]} {
    %mul3A = arith.constant 320 : i32
    %mul3A_0 = arith.muli %arg1, %mul3A : i32
    "tpu.region"() ({
      %run_scoped3A = tpu.sem_alloc : memref<!tpu.dma_semaphore, #tpu.memory_space<semaphore_mem>>
      %dma_start3A = tpu.memref_slice %arg2[%mul3A_0] : memref<5120xf32, #tpu.memory_space<hbm>> -> memref<320xf32, #tpu.memory_space<hbm>>
      %dma_start3A_35 = tpu.memref_slice %arg2[%mul3A_0] : memref<5120xf32, #tpu.memory_space<hbm>> -> memref<320xf32, #tpu.memory_space<hbm>>
      tpu.enqueue_dma source(%dma_start3A_35 : memref<320xf32, #tpu.memory_space<hbm>>) target(%arg5 : memref<320xf32, #tpu.memory_space<vmem>>) target_semaphore(%run_scoped3A : memref<!tpu.dma_semaphore, #tpu.memory_space<semaphore_mem>>)
      %dma_wait3A = tpu.memref_slice %arg2[%mul3A_0] : memref<5120xf32, #tpu.memory_space<hbm>> -> memref<320xf32, #tpu.memory_space<hbm>>
      %dma_wait3A_36 = tpu.memref_slice %arg2[%mul3A_0] : memref<5120xf32, #tpu.memory_space<hbm>> -> memref<320xf32, #tpu.memory_space<hbm>>
      tpu.wait_dma2 semaphore(%run_scoped3A : memref<!tpu.dma_semaphore, #tpu.memory_space<semaphore_mem>>) src(%dma_wait3A_36 : memref<320xf32, #tpu.memory_space<hbm>>) dst(%arg5 : memref<320xf32, #tpu.memory_space<vmem>>)
      tpu.yield
    }) : () -> ()
    "tpu.region"() ({
      %run_scoped3A = tpu.sem_alloc : memref<!tpu.dma_semaphore, #tpu.memory_space<semaphore_mem>>
      tpu.enqueue_dma source(%arg3 : memref<16xf32, #tpu.memory_space<hbm>>) target(%arg7 : memref<16xf32, #tpu.memory_space<vmem>>) target_semaphore(%run_scoped3A : memref<!tpu.dma_semaphore, #tpu.memory_space<semaphore_mem>>)
      tpu.wait_dma2 semaphore(%run_scoped3A : memref<!tpu.dma_semaphore, #tpu.memory_space<semaphore_mem>>) src(%arg3 : memref<16xf32, #tpu.memory_space<hbm>>) dst(%arg7 : memref<16xf32, #tpu.memory_space<vmem>>)
      tpu.yield
    }) : () -> ()
    %iota3A = tpu.iota {dimensions = array<i32: 0>} : vector<16xi32>
    %add3A = arith.constant 1 : i32
    %add3A_1 = vector.broadcast %add3A : i32 to vector<16xi32>
    %add3A_2 = arith.addi %iota3A, %add3A_1 : vector<16xi32>
    %convert_element_type3A = arith.sitofp %add3A_2 : vector<16xi32> to vector<16xf32>
    %add3A_3 = arith.constant 17 : i32
    %add3A_4 = vector.broadcast %add3A_3 : i32 to vector<16xi32>
    %add3A_5 = arith.addi %iota3A, %add3A_4 : vector<16xi32>
    %convert_element_type3A_6 = arith.sitofp %add3A_5 : vector<16xi32> to vector<16xf32>
    %add3A_7 = arith.constant 33 : i32
    %add3A_8 = vector.broadcast %add3A_7 : i32 to vector<16xi32>
    %add3A_9 = arith.addi %iota3A, %add3A_8 : vector<16xi32>
    %convert_element_type3A_10 = arith.sitofp %add3A_9 : vector<16xi32> to vector<16xf32>
    %add3A_11 = arith.constant 49 : i32
    %add3A_12 = vector.broadcast %add3A_11 : i32 to vector<16xi32>
    %add3A_13 = arith.addi %iota3A, %add3A_12 : vector<16xi32>
    %convert_element_type3A_14 = arith.sitofp %add3A_13 : vector<16xi32> to vector<16xf32>
    %broadcast_in_dim3A = arith.constant 0.000000e+00 : f32
    %broadcast_in_dim3A_15 = vector.broadcast %broadcast_in_dim3A : f32 to vector<16xf32>
    %scan3A = arith.constant 0 : i32
    %scan3A_16 = arith.constant 20 : i32
    %scan3A_17 = arith.addi %scan3A, %scan3A_16 : i32
    %scan3A_18 = arith.constant 1 : i32
    %scan3A_19:4 = scf.for %scan3A_35 = %scan3A to %scan3A_17 step %scan3A_18 iter_args(%scan3A_36 = %broadcast_in_dim3A_15, %scan3A_37 = %broadcast_in_dim3A_15, %scan3A_38 = %broadcast_in_dim3A_15, %scan3A_39 = %broadcast_in_dim3A_15) -> (vector<16xf32>, vector<16xf32>, vector<16xf32>, vector<16xf32>)  : i32 {
      %mul3A_40 = arith.constant 16 : i32
      %mul3A_41 = arith.muli %scan3A_35, %mul3A_40 : i32
      %get3A = arith.index_cast %mul3A_41 : i32 to index
      %get3A_42 = tpu.vector_load %arg5[%get3A] {strides = array<i32>} : memref<320xf32, #tpu.memory_space<vmem>>, vector<16xf32>,
      %broadcast_in_dim3A_43 = arith.constant 0 : i32
      %broadcast_in_dim3A_44 = vector.broadcast %broadcast_in_dim3A_43 : i32 to vector<16x1xi32>
      %gather3A = vector.shape_cast %broadcast_in_dim3A_44 : vector<16x1xi32> to vector<16xi32>
      %gather3A_45 = tpu.dynamic_gather %get3A_42[%gather3A] in [0] : vector<16xf32>, vector<16xi32> -> vector<16xf32>
      %eq3A_46 = arith.cmpf oeq, %convert_element_type3A, %gather3A_45 : vector<16xf32>
      %jit3A = arith.constant 1.000000e+00 : f32
      %jit3A_47 = arith.constant 0.000000e+00 : f32
      %broadcast_in_dim3A_48 = vector.broadcast %jit3A : f32 to vector<16xf32>
      %broadcast_in_dim3A_49 = vector.broadcast %jit3A_47 : f32 to vector<16xf32>
      %select_n3A = arith.select %eq3A_46, %broadcast_in_dim3A_48, %broadcast_in_dim3A_49 : vector<16xi1>, vector<16xf32>
      %add3A_50 = arith.addf %scan3A_36, %select_n3A : vector<16xf32>
      %eq3A_51 = arith.cmpf oeq, %convert_element_type3A_6, %gather3A_45 : vector<16xf32>
      %jit3A_52 = arith.constant 1.000000e+00 : f32
      %jit3A_53 = arith.constant 0.000000e+00 : f32
      %broadcast_in_dim3A_54 = vector.broadcast %jit3A_52 : f32 to vector<16xf32>
      %broadcast_in_dim3A_55 = vector.broadcast %jit3A_53 : f32 to vector<16xf32>
      %select_n3A_56 = arith.select %eq3A_51, %broadcast_in_dim3A_54, %broadcast_in_dim3A_55 : vector<16xi1>, vector<16xf32>
      %add3A_57 = arith.addf %scan3A_37, %select_n3A_56 : vector<16xf32>
      %eq3A_58 = arith.cmpf oeq, %convert_element_type3A_10, %gather3A_45 : vector<16xf32>
      %jit3A_59 = arith.constant 1.000000e+00 : f32
      %jit3A_60 = arith.constant 0.000000e+00 : f32
      %broadcast_in_dim3A_61 = vector.broadcast %jit3A_59 : f32 to vector<16xf32>
      %broadcast_in_dim3A_62 = vector.broadcast %jit3A_60 : f32 to vector<16xf32>
      %select_n3A_63 = arith.select %eq3A_58, %broadcast_in_dim3A_61, %broadcast_in_dim3A_62 : vector<16xi1>, vector<16xf32>
      %add3A_64 = arith.addf %scan3A_38, %select_n3A_63 : vector<16xf32>
      %eq3A_65 = arith.cmpf oeq, %convert_element_type3A_14, %gather3A_45 : vector<16xf32>
      %jit3A_66 = arith.constant 1.000000e+00 : f32
      %jit3A_67 = arith.constant 0.000000e+00 : f32
      %broadcast_in_dim3A_68 = vector.broadcast %jit3A_66 : f32 to vector<16xf32>
      %broadcast_in_dim3A_69 = vector.broadcast %jit3A_67 : f32 to vector<16xf32>
      %select_n3A_70 = arith.select %eq3A_65, %broadcast_in_dim3A_68, %broadcast_in_dim3A_69 : vector<16xi1>, vector<16xf32>
      %add3A_71 = arith.addf %scan3A_39, %select_n3A_70 : vector<16xf32>
      %broadcast_in_dim3A_72 = arith.constant 1 : i32
      %broadcast_in_dim3A_73 = vector.broadcast %broadcast_in_dim3A_72 : i32 to vector<16x1xi32>
      %gather3A_74 = vector.shape_cast %broadcast_in_dim3A_73 : vector<16x1xi32> to vector<16xi32>
      %gather3A_75 = tpu.dynamic_gather %get3A_42[%gather3A_74] in [0] : vector<16xf32>, vector<16xi32> -> vector<16xf32>
      %eq3A_76 = arith.cmpf oeq, %convert_element_type3A, %gather3A_75 : vector<16xf32>
      %jit3A_77 = arith.constant 1.000000e+00 : f32
      %jit3A_78 = arith.constant 0.000000e+00 : f32
      %broadcast_in_dim3A_79 = vector.broadcast %jit3A_77 : f32 to vector<16xf32>
      %broadcast_in_dim3A_80 = vector.broadcast %jit3A_78 : f32 to vector<16xf32>
      %select_n3A_81 = arith.select %eq3A_76, %broadcast_in_dim3A_79, %broadcast_in_dim3A_80 : vector<16xi1>, vector<16xf32>
      %add3A_82 = arith.addf %add3A_50, %select_n3A_81 : vector<16xf32>
      %eq3A_83 = arith.cmpf oeq, %convert_element_type3A_6, %gather3A_75 : vector<16xf32>
      %jit3A_84 = arith.constant 1.000000e+00 : f32
      %jit3A_85 = arith.constant 0.000000e+00 : f32
      %broadcast_in_dim3A_86 = vector.broadcast %jit3A_84 : f32 to vector<16xf32>
      %broadcast_in_dim3A_87 = vector.broadcast %jit3A_85 : f32 to vector<16xf32>
      %select_n3A_88 = arith.select %eq3A_83, %broadcast_in_dim3A_86, %broadcast_in_dim3A_87 : vector<16xi1>, vector<16xf32>
      %add3A_89 = arith.addf %add3A_57, %select_n3A_88 : vector<16xf32>
      %eq3A_90 = arith.cmpf oeq, %convert_element_type3A_10, %gather3A_75 : vector<16xf32>
      %jit3A_91 = arith.constant 1.000000e+00 : f32
      %jit3A_92 = arith.constant 0.000000e+00 : f32
      %broadcast_in_dim3A_93 = vector.broadcast %jit3A_91 : f32 to vector<16xf32>
      %broadcast_in_dim3A_94 = vector.broadcast %jit3A_92 : f32 to vector<16xf32>
      %select_n3A_95 = arith.select %eq3A_90, %broadcast_in_dim3A_93, %broadcast_in_dim3A_94 : vector<16xi1>, vector<16xf32>
      %add3A_96 = arith.addf %add3A_64, %select_n3A_95 : vector<16xf32>
      %eq3A_97 = arith.cmpf oeq, %convert_element_type3A_14, %gather3A_75 : vector<16xf32>
      %jit3A_98 = arith.constant 1.000000e+00 : f32
      %jit3A_99 = arith.constant 0.000000e+00 : f32
      %broadcast_in_dim3A_100 = vector.broadcast %jit3A_98 : f32 to vector<16xf32>
      %broadcast_in_dim3A_101 = vector.broadcast %jit3A_99 : f32 to vector<16xf32>
      %select_n3A_102 = arith.select %eq3A_97, %broadcast_in_dim3A_100, %broadcast_in_dim3A_101 : vector<16xi1>, vector<16xf32>
      %add3A_103 = arith.addf %add3A_71, %select_n3A_102 : vector<16xf32>
      %broadcast_in_dim3A_104 = arith.constant 2 : i32
      %broadcast_in_dim3A_105 = vector.broadcast %broadcast_in_dim3A_104 : i32 to vector<16x1xi32>
      %gather3A_106 = vector.shape_cast %broadcast_in_dim3A_105 : vector<16x1xi32> to vector<16xi32>
      %gather3A_107 = tpu.dynamic_gather %get3A_42[%gather3A_106] in [0] : vector<16xf32>, vector<16xi32> -> vector<16xf32>
      %eq3A_108 = arith.cmpf oeq, %convert_element_type3A, %gather3A_107 : vector<16xf32>
      %jit3A_109 = arith.constant 1.000000e+00 : f32
      %jit3A_110 = arith.constant 0.000000e+00 : f32
      %broadcast_in_dim3A_111 = vector.broadcast %jit3A_109 : f32 to vector<16xf32>
      %broadcast_in_dim3A_112 = vector.broadcast %jit3A_110 : f32 to vector<16xf32>
      %select_n3A_113 = arith.select %eq3A_108, %broadcast_in_dim3A_111, %broadcast_in_dim3A_112 : vector<16xi1>, vector<16xf32>
      %add3A_114 = arith.addf %add3A_82, %select_n3A_113 : vector<16xf32>
      %eq3A_115 = arith.cmpf oeq, %convert_element_type3A_6, %gather3A_107 : vector<16xf32>
      %jit3A_116 = arith.constant 1.000000e+00 : f32
      %jit3A_117 = arith.constant 0.000000e+00 : f32
      %broadcast_in_dim3A_118 = vector.broadcast %jit3A_116 : f32 to vector<16xf32>
      %broadcast_in_dim3A_119 = vector.broadcast %jit3A_117 : f32 to vector<16xf32>
      %select_n3A_120 = arith.select %eq3A_115, %broadcast_in_dim3A_118, %broadcast_in_dim3A_119 : vector<16xi1>, vector<16xf32>
      %add3A_121 = arith.addf %add3A_89, %select_n3A_120 : vector<16xf32>
      %eq3A_122 = arith.cmpf oeq, %convert_element_type3A_10, %gather3A_107 : vector<16xf32>
      %jit3A_123 = arith.constant 1.000000e+00 : f32
      %jit3A_124 = arith.constant 0.000000e+00 : f32
      %broadcast_in_dim3A_125 = vector.broadcast %jit3A_123 : f32 to vector<16xf32>
      %broadcast_in_dim3A_126 = vector.broadcast %jit3A_124 : f32 to vector<16xf32>
      %select_n3A_127 = arith.select %eq3A_122, %broadcast_in_dim3A_125, %broadcast_in_dim3A_126 : vector<16xi1>, vector<16xf32>
      %add3A_128 = arith.addf %add3A_96, %select_n3A_127 : vector<16xf32>
      %eq3A_129 = arith.cmpf oeq, %convert_element_type3A_14, %gather3A_107 : vector<16xf32>
      %jit3A_130 = arith.constant 1.000000e+00 : f32
      %jit3A_131 = arith.constant 0.000000e+00 : f32
      %broadcast_in_dim3A_132 = vector.broadcast %jit3A_130 : f32 to vector<16xf32>
      %broadcast_in_dim3A_133 = vector.broadcast %jit3A_131 : f32 to vector<16xf32>
      %select_n3A_134 = arith.select %eq3A_129, %broadcast_in_dim3A_132, %broadcast_in_dim3A_133 : vector<16xi1>, vector<16xf32>
      %add3A_135 = arith.addf %add3A_103, %select_n3A_134 : vector<16xf32>
      %broadcast_in_dim3A_136 = arith.constant 3 : i32
      %broadcast_in_dim3A_137 = vector.broadcast %broadcast_in_dim3A_136 : i32 to vector<16x1xi32>
      %gather3A_138 = vector.shape_cast %broadcast_in_dim3A_137 : vector<16x1xi32> to vector<16xi32>
      %gather3A_139 = tpu.dynamic_gather %get3A_42[%gather3A_138] in [0] : vector<16xf32>, vector<16xi32> -> vector<16xf32>
      %eq3A_140 = arith.cmpf oeq, %convert_element_type3A, %gather3A_139 : vector<16xf32>
      %jit3A_141 = arith.constant 1.000000e+00 : f32
      %jit3A_142 = arith.constant 0.000000e+00 : f32
      %broadcast_in_dim3A_143 = vector.broadcast %jit3A_141 : f32 to vector<16xf32>
      %broadcast_in_dim3A_144 = vector.broadcast %jit3A_142 : f32 to vector<16xf32>
      %select_n3A_145 = arith.select %eq3A_140, %broadcast_in_dim3A_143, %broadcast_in_dim3A_144 : vector<16xi1>, vector<16xf32>
      %add3A_146 = arith.addf %add3A_114, %select_n3A_145 : vector<16xf32>
      %eq3A_147 = arith.cmpf oeq, %convert_element_type3A_6, %gather3A_139 : vector<16xf32>
      %jit3A_148 = arith.constant 1.000000e+00 : f32
      %jit3A_149 = arith.constant 0.000000e+00 : f32
      %broadcast_in_dim3A_150 = vector.broadcast %jit3A_148 : f32 to vector<16xf32>
      %broadcast_in_dim3A_151 = vector.broadcast %jit3A_149 : f32 to vector<16xf32>
      %select_n3A_152 = arith.select %eq3A_147, %broadcast_in_dim3A_150, %broadcast_in_dim3A_151 : vector<16xi1>, vector<16xf32>
      %add3A_153 = arith.addf %add3A_121, %select_n3A_152 : vector<16xf32>
      %eq3A_154 = arith.cmpf oeq, %convert_element_type3A_10, %gather3A_139 : vector<16xf32>
      %jit3A_155 = arith.constant 1.000000e+00 : f32
      %jit3A_156 = arith.constant 0.000000e+00 : f32
      %broadcast_in_dim3A_157 = vector.broadcast %jit3A_155 : f32 to vector<16xf32>
      %broadcast_in_dim3A_158 = vector.broadcast %jit3A_156 : f32 to vector<16xf32>
      %select_n3A_159 = arith.select %eq3A_154, %broadcast_in_dim3A_157, %broadcast_in_dim3A_158 : vector<16xi1>, vector<16xf32>
      %add3A_160 = arith.addf %add3A_128, %select_n3A_159 : vector<16xf32>
      %eq3A_161 = arith.cmpf oeq, %convert_element_type3A_14, %gather3A_139 : vector<16xf32>
      %jit3A_162 = arith.constant 1.000000e+00 : f32
      %jit3A_163 = arith.constant 0.000000e+00 : f32
      %broadcast_in_dim3A_164 = vector.broadcast %jit3A_162 : f32 to vector<16xf32>
      %broadcast_in_dim3A_165 = vector.broadcast %jit3A_163 : f32 to vector<16xf32>
      %select_n3A_166 = arith.select %eq3A_161, %broadcast_in_dim3A_164, %broadcast_in_dim3A_165 : vector<16xi1>, vector<16xf32>
      %add3A_167 = arith.addf %add3A_135, %select_n3A_166 : vector<16xf32>
      %broadcast_in_dim3A_168 = arith.constant 4 : i32
      %broadcast_in_dim3A_169 = vector.broadcast %broadcast_in_dim3A_168 : i32 to vector<16x1xi32>
      %gather3A_170 = vector.shape_cast %broadcast_in_dim3A_169 : vector<16x1xi32> to vector<16xi32>
      %gather3A_171 = tpu.dynamic_gather %get3A_42[%gather3A_170] in [0] : vector<16xf32>, vector<16xi32> -> vector<16xf32>
      %eq3A_172 = arith.cmpf oeq, %convert_element_type3A, %gather3A_171 : vector<16xf32>
      %jit3A_173 = arith.constant 1.000000e+00 : f32
      %jit3A_174 = arith.constant 0.000000e+00 : f32
      %broadcast_in_dim3A_175 = vector.broadcast %jit3A_173 : f32 to vector<16xf32>
      %broadcast_in_dim3A_176 = vector.broadcast %jit3A_174 : f32 to vector<16xf32>
      %select_n3A_177 = arith.select %eq3A_172, %broadcast_in_dim3A_175, %broadcast_in_dim3A_176 : vector<16xi1>, vector<16xf32>
      %add3A_178 = arith.addf %add3A_146, %select_n3A_177 : vector<16xf32>
      %eq3A_179 = arith.cmpf oeq, %convert_element_type3A_6, %gather3A_171 : vector<16xf32>
      %jit3A_180 = arith.constant 1.000000e+00 : f32
      %jit3A_181 = arith.constant 0.000000e+00 : f32
      %broadcast_in_dim3A_182 = vector.broadcast %jit3A_180 : f32 to vector<16xf32>
      %broadcast_in_dim3A_183 = vector.broadcast %jit3A_181 : f32 to vector<16xf32>
      %select_n3A_184 = arith.select %eq3A_179, %broadcast_in_dim3A_182, %broadcast_in_dim3A_183 : vector<16xi1>, vector<16xf32>
      %add3A_185 = arith.addf %add3A_153, %select_n3A_184 : vector<16xf32>
      %eq3A_186 = arith.cmpf oeq, %convert_element_type3A_10, %gather3A_171 : vector<16xf32>
      %jit3A_187 = arith.constant 1.000000e+00 : f32
      %jit3A_188 = arith.constant 0.000000e+00 : f32
      %broadcast_in_dim3A_189 = vector.broadcast %jit3A_187 : f32 to vector<16xf32>
      %broadcast_in_dim3A_190 = vector.broadcast %jit3A_188 : f32 to vector<16xf32>
      %select_n3A_191 = arith.select %eq3A_186, %broadcast_in_dim3A_189, %broadcast_in_dim3A_190 : vector<16xi1>, vector<16xf32>
      %add3A_192 = arith.addf %add3A_160, %select_n3A_191 : vector<16xf32>
      %eq3A_193 = arith.cmpf oeq, %convert_element_type3A_14, %gather3A_171 : vector<16xf32>
      %jit3A_194 = arith.constant 1.000000e+00 : f32
      %jit3A_195 = arith.constant 0.000000e+00 : f32
      %broadcast_in_dim3A_196 = vector.broadcast %jit3A_194 : f32 to vector<16xf32>
      %broadcast_in_dim3A_197 = vector.broadcast %jit3A_195 : f32 to vector<16xf32>
      %select_n3A_198 = arith.select %eq3A_193, %broadcast_in_dim3A_196, %broadcast_in_dim3A_197 : vector<16xi1>, vector<16xf32>
      %add3A_199 = arith.addf %add3A_167, %select_n3A_198 : vector<16xf32>
      %broadcast_in_dim3A_200 = arith.constant 5 : i32
      %broadcast_in_dim3A_201 = vector.broadcast %broadcast_in_dim3A_200 : i32 to vector<16x1xi32>
      %gather3A_202 = vector.shape_cast %broadcast_in_dim3A_201 : vector<16x1xi32> to vector<16xi32>
      %gather3A_203 = tpu.dynamic_gather %get3A_42[%gather3A_202] in [0] : vector<16xf32>, vector<16xi32> -> vector<16xf32>
      %eq3A_204 = arith.cmpf oeq, %convert_element_type3A, %gather3A_203 : vector<16xf32>
      %jit3A_205 = arith.constant 1.000000e+00 : f32
      %jit3A_206 = arith.constant 0.000000e+00 : f32
      %broadcast_in_dim3A_207 = vector.broadcast %jit3A_205 : f32 to vector<16xf32>
      %broadcast_in_dim3A_208 = vector.broadcast %jit3A_206 : f32 to vector<16xf32>
      %select_n3A_209 = arith.select %eq3A_204, %broadcast_in_dim3A_207, %broadcast_in_dim3A_208 : vector<16xi1>, vector<16xf32>
      %add3A_210 = arith.addf %add3A_178, %select_n3A_209 : vector<16xf32>
      %eq3A_211 = arith.cmpf oeq, %convert_element_type3A_6, %gather3A_203 : vector<16xf32>
      %jit3A_212 = arith.constant 1.000000e+00 : f32
      %jit3A_213 = arith.constant 0.000000e+00 : f32
      %broadcast_in_dim3A_214 = vector.broadcast %jit3A_212 : f32 to vector<16xf32>
      %broadcast_in_dim3A_215 = vector.broadcast %jit3A_213 : f32 to vector<16xf32>
      %select_n3A_216 = arith.select %eq3A_211, %broadcast_in_dim3A_214, %broadcast_in_dim3A_215 : vector<16xi1>, vector<16xf32>
      %add3A_217 = arith.addf %add3A_185, %select_n3A_216 : vector<16xf32>
      %eq3A_218 = arith.cmpf oeq, %convert_element_type3A_10, %gather3A_203 : vector<16xf32>
      %jit3A_219 = arith.constant 1.000000e+00 : f32
      %jit3A_220 = arith.constant 0.000000e+00 : f32
      %broadcast_in_dim3A_221 = vector.broadcast %jit3A_219 : f32 to vector<16xf32>
      %broadcast_in_dim3A_222 = vector.broadcast %jit3A_220 : f32 to vector<16xf32>
      %select_n3A_223 = arith.select %eq3A_218, %broadcast_in_dim3A_221, %broadcast_in_dim3A_222 : vector<16xi1>, vector<16xf32>
      %add3A_224 = arith.addf %add3A_192, %select_n3A_223 : vector<16xf32>
      %eq3A_225 = arith.cmpf oeq, %convert_element_type3A_14, %gather3A_203 : vector<16xf32>
      %jit3A_226 = arith.constant 1.000000e+00 : f32
      %jit3A_227 = arith.constant 0.000000e+00 : f32
      %broadcast_in_dim3A_228 = vector.broadcast %jit3A_226 : f32 to vector<16xf32>
      %broadcast_in_dim3A_229 = vector.broadcast %jit3A_227 : f32 to vector<16xf32>
      %select_n3A_230 = arith.select %eq3A_225, %broadcast_in_dim3A_228, %broadcast_in_dim3A_229 : vector<16xi1>, vector<16xf32>
      %add3A_231 = arith.addf %add3A_199, %select_n3A_230 : vector<16xf32>
      %broadcast_in_dim3A_232 = arith.constant 6 : i32
      %broadcast_in_dim3A_233 = vector.broadcast %broadcast_in_dim3A_232 : i32 to vector<16x1xi32>
      %gather3A_234 = vector.shape_cast %broadcast_in_dim3A_233 : vector<16x1xi32> to vector<16xi32>
      %gather3A_235 = tpu.dynamic_gather %get3A_42[%gather3A_234] in [0] : vector<16xf32>, vector<16xi32> -> vector<16xf32>
      %eq3A_236 = arith.cmpf oeq, %convert_element_type3A, %gather3A_235 : vector<16xf32>
      %jit3A_237 = arith.constant 1.000000e+00 : f32
      %jit3A_238 = arith.constant 0.000000e+00 : f32
      %broadcast_in_dim3A_239 = vector.broadcast %jit3A_237 : f32 to vector<16xf32>
      %broadcast_in_dim3A_240 = vector.broadcast %jit3A_238 : f32 to vector<16xf32>
      %select_n3A_241 = arith.select %eq3A_236, %broadcast_in_dim3A_239, %broadcast_in_dim3A_240 : vector<16xi1>, vector<16xf32>
      %add3A_242 = arith.addf %add3A_210, %select_n3A_241 : vector<16xf32>
      %eq3A_243 = arith.cmpf oeq, %convert_element_type3A_6, %gather3A_235 : vector<16xf32>
      %jit3A_244 = arith.constant 1.000000e+00 : f32
      %jit3A_245 = arith.constant 0.000000e+00 : f32
      %broadcast_in_dim3A_246 = vector.broadcast %jit3A_244 : f32 to vector<16xf32>
      %broadcast_in_dim3A_247 = vector.broadcast %jit3A_245 : f32 to vector<16xf32>
      %select_n3A_248 = arith.select %eq3A_243, %broadcast_in_dim3A_246, %broadcast_in_dim3A_247 : vector<16xi1>, vector<16xf32>
      %add3A_249 = arith.addf %add3A_217, %select_n3A_248 : vector<16xf32>
      %eq3A_250 = arith.cmpf oeq, %convert_element_type3A_10, %gather3A_235 : vector<16xf32>
      %jit3A_251 = arith.constant 1.000000e+00 : f32
      %jit3A_252 = arith.constant 0.000000e+00 : f32
      %broadcast_in_dim3A_253 = vector.broadcast %jit3A_251 : f32 to vector<16xf32>
      %broadcast_in_dim3A_254 = vector.broadcast %jit3A_252 : f32 to vector<16xf32>
      %select_n3A_255 = arith.select %eq3A_250, %broadcast_in_dim3A_253, %broadcast_in_dim3A_254 : vector<16xi1>, vector<16xf32>
      %add3A_256 = arith.addf %add3A_224, %select_n3A_255 : vector<16xf32>
      %eq3A_257 = arith.cmpf oeq, %convert_element_type3A_14, %gather3A_235 : vector<16xf32>
      %jit3A_258 = arith.constant 1.000000e+00 : f32
      %jit3A_259 = arith.constant 0.000000e+00 : f32
      %broadcast_in_dim3A_260 = vector.broadcast %jit3A_258 : f32 to vector<16xf32>
      %broadcast_in_dim3A_261 = vector.broadcast %jit3A_259 : f32 to vector<16xf32>
      %select_n3A_262 = arith.select %eq3A_257, %broadcast_in_dim3A_260, %broadcast_in_dim3A_261 : vector<16xi1>, vector<16xf32>
      %add3A_263 = arith.addf %add3A_231, %select_n3A_262 : vector<16xf32>
      %broadcast_in_dim3A_264 = arith.constant 7 : i32
      %broadcast_in_dim3A_265 = vector.broadcast %broadcast_in_dim3A_264 : i32 to vector<16x1xi32>
      %gather3A_266 = vector.shape_cast %broadcast_in_dim3A_265 : vector<16x1xi32> to vector<16xi32>
      %gather3A_267 = tpu.dynamic_gather %get3A_42[%gather3A_266] in [0] : vector<16xf32>, vector<16xi32> -> vector<16xf32>
      %eq3A_268 = arith.cmpf oeq, %convert_element_type3A, %gather3A_267 : vector<16xf32>
      %jit3A_269 = arith.constant 1.000000e+00 : f32
      %jit3A_270 = arith.constant 0.000000e+00 : f32
      %broadcast_in_dim3A_271 = vector.broadcast %jit3A_269 : f32 to vector<16xf32>
      %broadcast_in_dim3A_272 = vector.broadcast %jit3A_270 : f32 to vector<16xf32>
      %select_n3A_273 = arith.select %eq3A_268, %broadcast_in_dim3A_271, %broadcast_in_dim3A_272 : vector<16xi1>, vector<16xf32>
      %add3A_274 = arith.addf %add3A_242, %select_n3A_273 : vector<16xf32>
      %eq3A_275 = arith.cmpf oeq, %convert_element_type3A_6, %gather3A_267 : vector<16xf32>
      %jit3A_276 = arith.constant 1.000000e+00 : f32
      %jit3A_277 = arith.constant 0.000000e+00 : f32
      %broadcast_in_dim3A_278 = vector.broadcast %jit3A_276 : f32 to vector<16xf32>
      %broadcast_in_dim3A_279 = vector.broadcast %jit3A_277 : f32 to vector<16xf32>
      %select_n3A_280 = arith.select %eq3A_275, %broadcast_in_dim3A_278, %broadcast_in_dim3A_279 : vector<16xi1>, vector<16xf32>
      %add3A_281 = arith.addf %add3A_249, %select_n3A_280 : vector<16xf32>
      %eq3A_282 = arith.cmpf oeq, %convert_element_type3A_10, %gather3A_267 : vector<16xf32>
      %jit3A_283 = arith.constant 1.000000e+00 : f32
      %jit3A_284 = arith.constant 0.000000e+00 : f32
      %broadcast_in_dim3A_285 = vector.broadcast %jit3A_283 : f32 to vector<16xf32>
      %broadcast_in_dim3A_286 = vector.broadcast %jit3A_284 : f32 to vector<16xf32>
      %select_n3A_287 = arith.select %eq3A_282, %broadcast_in_dim3A_285, %broadcast_in_dim3A_286 : vector<16xi1>, vector<16xf32>
      %add3A_288 = arith.addf %add3A_256, %select_n3A_287 : vector<16xf32>
      %eq3A_289 = arith.cmpf oeq, %convert_element_type3A_14, %gather3A_267 : vector<16xf32>
      %jit3A_290 = arith.constant 1.000000e+00 : f32
      %jit3A_291 = arith.constant 0.000000e+00 : f32
      %broadcast_in_dim3A_292 = vector.broadcast %jit3A_290 : f32 to vector<16xf32>
      %broadcast_in_dim3A_293 = vector.broadcast %jit3A_291 : f32 to vector<16xf32>
      %select_n3A_294 = arith.select %eq3A_289, %broadcast_in_dim3A_292, %broadcast_in_dim3A_293 : vector<16xi1>, vector<16xf32>
      %add3A_295 = arith.addf %add3A_263, %select_n3A_294 : vector<16xf32>
      %broadcast_in_dim3A_296 = arith.constant 8 : i32
      %broadcast_in_dim3A_297 = vector.broadcast %broadcast_in_dim3A_296 : i32 to vector<16x1xi32>
      %gather3A_298 = vector.shape_cast %broadcast_in_dim3A_297 : vector<16x1xi32> to vector<16xi32>
      %gather3A_299 = tpu.dynamic_gather %get3A_42[%gather3A_298] in [0] : vector<16xf32>, vector<16xi32> -> vector<16xf32>
      %eq3A_300 = arith.cmpf oeq, %convert_element_type3A, %gather3A_299 : vector<16xf32>
      %jit3A_301 = arith.constant 1.000000e+00 : f32
      %jit3A_302 = arith.constant 0.000000e+00 : f32
      %broadcast_in_dim3A_303 = vector.broadcast %jit3A_301 : f32 to vector<16xf32>
      %broadcast_in_dim3A_304 = vector.broadcast %jit3A_302 : f32 to vector<16xf32>
      %select_n3A_305 = arith.select %eq3A_300, %broadcast_in_dim3A_303, %broadcast_in_dim3A_304 : vector<16xi1>, vector<16xf32>
      %add3A_306 = arith.addf %add3A_274, %select_n3A_305 : vector<16xf32>
      %eq3A_307 = arith.cmpf oeq, %convert_element_type3A_6, %gather3A_299 : vector<16xf32>
      %jit3A_308 = arith.constant 1.000000e+00 : f32
      %jit3A_309 = arith.constant 0.000000e+00 : f32
      %broadcast_in_dim3A_310 = vector.broadcast %jit3A_308 : f32 to vector<16xf32>
      %broadcast_in_dim3A_311 = vector.broadcast %jit3A_309 : f32 to vector<16xf32>
      %select_n3A_312 = arith.select %eq3A_307, %broadcast_in_dim3A_310, %broadcast_in_dim3A_311 : vector<16xi1>, vector<16xf32>
      %add3A_313 = arith.addf %add3A_281, %select_n3A_312 : vector<16xf32>
      %eq3A_314 = arith.cmpf oeq, %convert_element_type3A_10, %gather3A_299 : vector<16xf32>
      %jit3A_315 = arith.constant 1.000000e+00 : f32
      %jit3A_316 = arith.constant 0.000000e+00 : f32
      %broadcast_in_dim3A_317 = vector.broadcast %jit3A_315 : f32 to vector<16xf32>
      %broadcast_in_dim3A_318 = vector.broadcast %jit3A_316 : f32 to vector<16xf32>
      %select_n3A_319 = arith.select %eq3A_314, %broadcast_in_dim3A_317, %broadcast_in_dim3A_318 : vector<16xi1>, vector<16xf32>
      %add3A_320 = arith.addf %add3A_288, %select_n3A_319 : vector<16xf32>
      %eq3A_321 = arith.cmpf oeq, %convert_element_type3A_14, %gather3A_299 : vector<16xf32>
      %jit3A_322 = arith.constant 1.000000e+00 : f32
      %jit3A_323 = arith.constant 0.000000e+00 : f32
      %broadcast_in_dim3A_324 = vector.broadcast %jit3A_322 : f32 to vector<16xf32>
      %broadcast_in_dim3A_325 = vector.broadcast %jit3A_323 : f32 to vector<16xf32>
      %select_n3A_326 = arith.select %eq3A_321, %broadcast_in_dim3A_324, %broadcast_in_dim3A_325 : vector<16xi1>, vector<16xf32>
      %add3A_327 = arith.addf %add3A_295, %select_n3A_326 : vector<16xf32>
      %broadcast_in_dim3A_328 = arith.constant 9 : i32
      %broadcast_in_dim3A_329 = vector.broadcast %broadcast_in_dim3A_328 : i32 to vector<16x1xi32>
      %gather3A_330 = vector.shape_cast %broadcast_in_dim3A_329 : vector<16x1xi32> to vector<16xi32>
      %gather3A_331 = tpu.dynamic_gather %get3A_42[%gather3A_330] in [0] : vector<16xf32>, vector<16xi32> -> vector<16xf32>
      %eq3A_332 = arith.cmpf oeq, %convert_element_type3A, %gather3A_331 : vector<16xf32>
      %jit3A_333 = arith.constant 1.000000e+00 : f32
      %jit3A_334 = arith.constant 0.000000e+00 : f32
      %broadcast_in_dim3A_335 = vector.broadcast %jit3A_333 : f32 to vector<16xf32>
      %broadcast_in_dim3A_336 = vector.broadcast %jit3A_334 : f32 to vector<16xf32>
      %select_n3A_337 = arith.select %eq3A_332, %broadcast_in_dim3A_335, %broadcast_in_dim3A_336 : vector<16xi1>, vector<16xf32>
      %add3A_338 = arith.addf %add3A_306, %select_n3A_337 : vector<16xf32>
      %eq3A_339 = arith.cmpf oeq, %convert_element_type3A_6, %gather3A_331 : vector<16xf32>
      %jit3A_340 = arith.constant 1.000000e+00 : f32
      %jit3A_341 = arith.constant 0.000000e+00 : f32
      %broadcast_in_dim3A_342 = vector.broadcast %jit3A_340 : f32 to vector<16xf32>
      %broadcast_in_dim3A_343 = vector.broadcast %jit3A_341 : f32 to vector<16xf32>
      %select_n3A_344 = arith.select %eq3A_339, %broadcast_in_dim3A_342, %broadcast_in_dim3A_343 : vector<16xi1>, vector<16xf32>
      %add3A_345 = arith.addf %add3A_313, %select_n3A_344 : vector<16xf32>
      %eq3A_346 = arith.cmpf oeq, %convert_element_type3A_10, %gather3A_331 : vector<16xf32>
      %jit3A_347 = arith.constant 1.000000e+00 : f32
      %jit3A_348 = arith.constant 0.000000e+00 : f32
      %broadcast_in_dim3A_349 = vector.broadcast %jit3A_347 : f32 to vector<16xf32>
      %broadcast_in_dim3A_350 = vector.broadcast %jit3A_348 : f32 to vector<16xf32>
      %select_n3A_351 = arith.select %eq3A_346, %broadcast_in_dim3A_349, %broadcast_in_dim3A_350 : vector<16xi1>, vector<16xf32>
      %add3A_352 = arith.addf %add3A_320, %select_n3A_351 : vector<16xf32>
      %eq3A_353 = arith.cmpf oeq, %convert_element_type3A_14, %gather3A_331 : vector<16xf32>
      %jit3A_354 = arith.constant 1.000000e+00 : f32
      %jit3A_355 = arith.constant 0.000000e+00 : f32
      %broadcast_in_dim3A_356 = vector.broadcast %jit3A_354 : f32 to vector<16xf32>
      %broadcast_in_dim3A_357 = vector.broadcast %jit3A_355 : f32 to vector<16xf32>
      %select_n3A_358 = arith.select %eq3A_353, %broadcast_in_dim3A_356, %broadcast_in_dim3A_357 : vector<16xi1>, vector<16xf32>
      %add3A_359 = arith.addf %add3A_327, %select_n3A_358 : vector<16xf32>
      %broadcast_in_dim3A_360 = arith.constant 10 : i32
      %broadcast_in_dim3A_361 = vector.broadcast %broadcast_in_dim3A_360 : i32 to vector<16x1xi32>
      %gather3A_362 = vector.shape_cast %broadcast_in_dim3A_361 : vector<16x1xi32> to vector<16xi32>
      %gather3A_363 = tpu.dynamic_gather %get3A_42[%gather3A_362] in [0] : vector<16xf32>, vector<16xi32> -> vector<16xf32>
      %eq3A_364 = arith.cmpf oeq, %convert_element_type3A, %gather3A_363 : vector<16xf32>
      %jit3A_365 = arith.constant 1.000000e+00 : f32
      %jit3A_366 = arith.constant 0.000000e+00 : f32
      %broadcast_in_dim3A_367 = vector.broadcast %jit3A_365 : f32 to vector<16xf32>
      %broadcast_in_dim3A_368 = vector.broadcast %jit3A_366 : f32 to vector<16xf32>
      %select_n3A_369 = arith.select %eq3A_364, %broadcast_in_dim3A_367, %broadcast_in_dim3A_368 : vector<16xi1>, vector<16xf32>
      %add3A_370 = arith.addf %add3A_338, %select_n3A_369 : vector<16xf32>
      %eq3A_371 = arith.cmpf oeq, %convert_element_type3A_6, %gather3A_363 : vector<16xf32>
      %jit3A_372 = arith.constant 1.000000e+00 : f32
      %jit3A_373 = arith.constant 0.000000e+00 : f32
      %broadcast_in_dim3A_374 = vector.broadcast %jit3A_372 : f32 to vector<16xf32>
      %broadcast_in_dim3A_375 = vector.broadcast %jit3A_373 : f32 to vector<16xf32>
      %select_n3A_376 = arith.select %eq3A_371, %broadcast_in_dim3A_374, %broadcast_in_dim3A_375 : vector<16xi1>, vector<16xf32>
      %add3A_377 = arith.addf %add3A_345, %select_n3A_376 : vector<16xf32>
      %eq3A_378 = arith.cmpf oeq, %convert_element_type3A_10, %gather3A_363 : vector<16xf32>
      %jit3A_379 = arith.constant 1.000000e+00 : f32
      %jit3A_380 = arith.constant 0.000000e+00 : f32
      %broadcast_in_dim3A_381 = vector.broadcast %jit3A_379 : f32 to vector<16xf32>
      %broadcast_in_dim3A_382 = vector.broadcast %jit3A_380 : f32 to vector<16xf32>
      %select_n3A_383 = arith.select %eq3A_378, %broadcast_in_dim3A_381, %broadcast_in_dim3A_382 : vector<16xi1>, vector<16xf32>
      %add3A_384 = arith.addf %add3A_352, %select_n3A_383 : vector<16xf32>
      %eq3A_385 = arith.cmpf oeq, %convert_element_type3A_14, %gather3A_363 : vector<16xf32>
      %jit3A_386 = arith.constant 1.000000e+00 : f32
      %jit3A_387 = arith.constant 0.000000e+00 : f32
      %broadcast_in_dim3A_388 = vector.broadcast %jit3A_386 : f32 to vector<16xf32>
      %broadcast_in_dim3A_389 = vector.broadcast %jit3A_387 : f32 to vector<16xf32>
      %select_n3A_390 = arith.select %eq3A_385, %broadcast_in_dim3A_388, %broadcast_in_dim3A_389 : vector<16xi1>, vector<16xf32>
      %add3A_391 = arith.addf %add3A_359, %select_n3A_390 : vector<16xf32>
      %broadcast_in_dim3A_392 = arith.constant 11 : i32
      %broadcast_in_dim3A_393 = vector.broadcast %broadcast_in_dim3A_392 : i32 to vector<16x1xi32>
      %gather3A_394 = vector.shape_cast %broadcast_in_dim3A_393 : vector<16x1xi32> to vector<16xi32>
      %gather3A_395 = tpu.dynamic_gather %get3A_42[%gather3A_394] in [0] : vector<16xf32>, vector<16xi32> -> vector<16xf32>
      %eq3A_396 = arith.cmpf oeq, %convert_element_type3A, %gather3A_395 : vector<16xf32>
      %jit3A_397 = arith.constant 1.000000e+00 : f32
      %jit3A_398 = arith.constant 0.000000e+00 : f32
      %broadcast_in_dim3A_399 = vector.broadcast %jit3A_397 : f32 to vector<16xf32>
      %broadcast_in_dim3A_400 = vector.broadcast %jit3A_398 : f32 to vector<16xf32>
      %select_n3A_401 = arith.select %eq3A_396, %broadcast_in_dim3A_399, %broadcast_in_dim3A_400 : vector<16xi1>, vector<16xf32>
      %add3A_402 = arith.addf %add3A_370, %select_n3A_401 : vector<16xf32>
      %eq3A_403 = arith.cmpf oeq, %convert_element_type3A_6, %gather3A_395 : vector<16xf32>
      %jit3A_404 = arith.constant 1.000000e+00 : f32
      %jit3A_405 = arith.constant 0.000000e+00 : f32
      %broadcast_in_dim3A_406 = vector.broadcast %jit3A_404 : f32 to vector<16xf32>
      %broadcast_in_dim3A_407 = vector.broadcast %jit3A_405 : f32 to vector<16xf32>
      %select_n3A_408 = arith.select %eq3A_403, %broadcast_in_dim3A_406, %broadcast_in_dim3A_407 : vector<16xi1>, vector<16xf32>
      %add3A_409 = arith.addf %add3A_377, %select_n3A_408 : vector<16xf32>
      %eq3A_410 = arith.cmpf oeq, %convert_element_type3A_10, %gather3A_395 : vector<16xf32>
      %jit3A_411 = arith.constant 1.000000e+00 : f32
      %jit3A_412 = arith.constant 0.000000e+00 : f32
      %broadcast_in_dim3A_413 = vector.broadcast %jit3A_411 : f32 to vector<16xf32>
      %broadcast_in_dim3A_414 = vector.broadcast %jit3A_412 : f32 to vector<16xf32>
      %select_n3A_415 = arith.select %eq3A_410, %broadcast_in_dim3A_413, %broadcast_in_dim3A_414 : vector<16xi1>, vector<16xf32>
      %add3A_416 = arith.addf %add3A_384, %select_n3A_415 : vector<16xf32>
      %eq3A_417 = arith.cmpf oeq, %convert_element_type3A_14, %gather3A_395 : vector<16xf32>
      %jit3A_418 = arith.constant 1.000000e+00 : f32
      %jit3A_419 = arith.constant 0.000000e+00 : f32
      %broadcast_in_dim3A_420 = vector.broadcast %jit3A_418 : f32 to vector<16xf32>
      %broadcast_in_dim3A_421 = vector.broadcast %jit3A_419 : f32 to vector<16xf32>
      %select_n3A_422 = arith.select %eq3A_417, %broadcast_in_dim3A_420, %broadcast_in_dim3A_421 : vector<16xi1>, vector<16xf32>
      %add3A_423 = arith.addf %add3A_391, %select_n3A_422 : vector<16xf32>
      %broadcast_in_dim3A_424 = arith.constant 12 : i32
      %broadcast_in_dim3A_425 = vector.broadcast %broadcast_in_dim3A_424 : i32 to vector<16x1xi32>
      %gather3A_426 = vector.shape_cast %broadcast_in_dim3A_425 : vector<16x1xi32> to vector<16xi32>
      %gather3A_427 = tpu.dynamic_gather %get3A_42[%gather3A_426] in [0] : vector<16xf32>, vector<16xi32> -> vector<16xf32>
      %eq3A_428 = arith.cmpf oeq, %convert_element_type3A, %gather3A_427 : vector<16xf32>
      %jit3A_429 = arith.constant 1.000000e+00 : f32
      %jit3A_430 = arith.constant 0.000000e+00 : f32
      %broadcast_in_dim3A_431 = vector.broadcast %jit3A_429 : f32 to vector<16xf32>
      %broadcast_in_dim3A_432 = vector.broadcast %jit3A_430 : f32 to vector<16xf32>
      %select_n3A_433 = arith.select %eq3A_428, %broadcast_in_dim3A_431, %broadcast_in_dim3A_432 : vector<16xi1>, vector<16xf32>
      %add3A_434 = arith.addf %add3A_402, %select_n3A_433 : vector<16xf32>
      %eq3A_435 = arith.cmpf oeq, %convert_element_type3A_6, %gather3A_427 : vector<16xf32>
      %jit3A_436 = arith.constant 1.000000e+00 : f32
      %jit3A_437 = arith.constant 0.000000e+00 : f32
      %broadcast_in_dim3A_438 = vector.broadcast %jit3A_436 : f32 to vector<16xf32>
      %broadcast_in_dim3A_439 = vector.broadcast %jit3A_437 : f32 to vector<16xf32>
      %select_n3A_440 = arith.select %eq3A_435, %broadcast_in_dim3A_438, %broadcast_in_dim3A_439 : vector<16xi1>, vector<16xf32>
      %add3A_441 = arith.addf %add3A_409, %select_n3A_440 : vector<16xf32>
      %eq3A_442 = arith.cmpf oeq, %convert_element_type3A_10, %gather3A_427 : vector<16xf32>
      %jit3A_443 = arith.constant 1.000000e+00 : f32
      %jit3A_444 = arith.constant 0.000000e+00 : f32
      %broadcast_in_dim3A_445 = vector.broadcast %jit3A_443 : f32 to vector<16xf32>
      %broadcast_in_dim3A_446 = vector.broadcast %jit3A_444 : f32 to vector<16xf32>
      %select_n3A_447 = arith.select %eq3A_442, %broadcast_in_dim3A_445, %broadcast_in_dim3A_446 : vector<16xi1>, vector<16xf32>
      %add3A_448 = arith.addf %add3A_416, %select_n3A_447 : vector<16xf32>
      %eq3A_449 = arith.cmpf oeq, %convert_element_type3A_14, %gather3A_427 : vector<16xf32>
      %jit3A_450 = arith.constant 1.000000e+00 : f32
      %jit3A_451 = arith.constant 0.000000e+00 : f32
      %broadcast_in_dim3A_452 = vector.broadcast %jit3A_450 : f32 to vector<16xf32>
      %broadcast_in_dim3A_453 = vector.broadcast %jit3A_451 : f32 to vector<16xf32>
      %select_n3A_454 = arith.select %eq3A_449, %broadcast_in_dim3A_452, %broadcast_in_dim3A_453 : vector<16xi1>, vector<16xf32>
      %add3A_455 = arith.addf %add3A_423, %select_n3A_454 : vector<16xf32>
      %broadcast_in_dim3A_456 = arith.constant 13 : i32
      %broadcast_in_dim3A_457 = vector.broadcast %broadcast_in_dim3A_456 : i32 to vector<16x1xi32>
      %gather3A_458 = vector.shape_cast %broadcast_in_dim3A_457 : vector<16x1xi32> to vector<16xi32>
      %gather3A_459 = tpu.dynamic_gather %get3A_42[%gather3A_458] in [0] : vector<16xf32>, vector<16xi32> -> vector<16xf32>
      %eq3A_460 = arith.cmpf oeq, %convert_element_type3A, %gather3A_459 : vector<16xf32>
      %jit3A_461 = arith.constant 1.000000e+00 : f32
      %jit3A_462 = arith.constant 0.000000e+00 : f32
      %broadcast_in_dim3A_463 = vector.broadcast %jit3A_461 : f32 to vector<16xf32>
      %broadcast_in_dim3A_464 = vector.broadcast %jit3A_462 : f32 to vector<16xf32>
      %select_n3A_465 = arith.select %eq3A_460, %broadcast_in_dim3A_463, %broadcast_in_dim3A_464 : vector<16xi1>, vector<16xf32>
      %add3A_466 = arith.addf %add3A_434, %select_n3A_465 : vector<16xf32>
      %eq3A_467 = arith.cmpf oeq, %convert_element_type3A_6, %gather3A_459 : vector<16xf32>
      %jit3A_468 = arith.constant 1.000000e+00 : f32
      %jit3A_469 = arith.constant 0.000000e+00 : f32
      %broadcast_in_dim3A_470 = vector.broadcast %jit3A_468 : f32 to vector<16xf32>
      %broadcast_in_dim3A_471 = vector.broadcast %jit3A_469 : f32 to vector<16xf32>
      %select_n3A_472 = arith.select %eq3A_467, %broadcast_in_dim3A_470, %broadcast_in_dim3A_471 : vector<16xi1>, vector<16xf32>
      %add3A_473 = arith.addf %add3A_441, %select_n3A_472 : vector<16xf32>
      %eq3A_474 = arith.cmpf oeq, %convert_element_type3A_10, %gather3A_459 : vector<16xf32>
      %jit3A_475 = arith.constant 1.000000e+00 : f32
      %jit3A_476 = arith.constant 0.000000e+00 : f32
      %broadcast_in_dim3A_477 = vector.broadcast %jit3A_475 : f32 to vector<16xf32>
      %broadcast_in_dim3A_478 = vector.broadcast %jit3A_476 : f32 to vector<16xf32>
      %select_n3A_479 = arith.select %eq3A_474, %broadcast_in_dim3A_477, %broadcast_in_dim3A_478 : vector<16xi1>, vector<16xf32>
      %add3A_480 = arith.addf %add3A_448, %select_n3A_479 : vector<16xf32>
      %eq3A_481 = arith.cmpf oeq, %convert_element_type3A_14, %gather3A_459 : vector<16xf32>
      %jit3A_482 = arith.constant 1.000000e+00 : f32
      %jit3A_483 = arith.constant 0.000000e+00 : f32
      %broadcast_in_dim3A_484 = vector.broadcast %jit3A_482 : f32 to vector<16xf32>
      %broadcast_in_dim3A_485 = vector.broadcast %jit3A_483 : f32 to vector<16xf32>
      %select_n3A_486 = arith.select %eq3A_481, %broadcast_in_dim3A_484, %broadcast_in_dim3A_485 : vector<16xi1>, vector<16xf32>
      %add3A_487 = arith.addf %add3A_455, %select_n3A_486 : vector<16xf32>
      %broadcast_in_dim3A_488 = arith.constant 14 : i32
      %broadcast_in_dim3A_489 = vector.broadcast %broadcast_in_dim3A_488 : i32 to vector<16x1xi32>
      %gather3A_490 = vector.shape_cast %broadcast_in_dim3A_489 : vector<16x1xi32> to vector<16xi32>
      %gather3A_491 = tpu.dynamic_gather %get3A_42[%gather3A_490] in [0] : vector<16xf32>, vector<16xi32> -> vector<16xf32>
      %eq3A_492 = arith.cmpf oeq, %convert_element_type3A, %gather3A_491 : vector<16xf32>
      %jit3A_493 = arith.constant 1.000000e+00 : f32
      %jit3A_494 = arith.constant 0.000000e+00 : f32
      %broadcast_in_dim3A_495 = vector.broadcast %jit3A_493 : f32 to vector<16xf32>
      %broadcast_in_dim3A_496 = vector.broadcast %jit3A_494 : f32 to vector<16xf32>
      %select_n3A_497 = arith.select %eq3A_492, %broadcast_in_dim3A_495, %broadcast_in_dim3A_496 : vector<16xi1>, vector<16xf32>
      %add3A_498 = arith.addf %add3A_466, %select_n3A_497 : vector<16xf32>
      %eq3A_499 = arith.cmpf oeq, %convert_element_type3A_6, %gather3A_491 : vector<16xf32>
      %jit3A_500 = arith.constant 1.000000e+00 : f32
      %jit3A_501 = arith.constant 0.000000e+00 : f32
      %broadcast_in_dim3A_502 = vector.broadcast %jit3A_500 : f32 to vector<16xf32>
      %broadcast_in_dim3A_503 = vector.broadcast %jit3A_501 : f32 to vector<16xf32>
      %select_n3A_504 = arith.select %eq3A_499, %broadcast_in_dim3A_502, %broadcast_in_dim3A_503 : vector<16xi1>, vector<16xf32>
      %add3A_505 = arith.addf %add3A_473, %select_n3A_504 : vector<16xf32>
      %eq3A_506 = arith.cmpf oeq, %convert_element_type3A_10, %gather3A_491 : vector<16xf32>
      %jit3A_507 = arith.constant 1.000000e+00 : f32
      %jit3A_508 = arith.constant 0.000000e+00 : f32
      %broadcast_in_dim3A_509 = vector.broadcast %jit3A_507 : f32 to vector<16xf32>
      %broadcast_in_dim3A_510 = vector.broadcast %jit3A_508 : f32 to vector<16xf32>
      %select_n3A_511 = arith.select %eq3A_506, %broadcast_in_dim3A_509, %broadcast_in_dim3A_510 : vector<16xi1>, vector<16xf32>
      %add3A_512 = arith.addf %add3A_480, %select_n3A_511 : vector<16xf32>
      %eq3A_513 = arith.cmpf oeq, %convert_element_type3A_14, %gather3A_491 : vector<16xf32>
      %jit3A_514 = arith.constant 1.000000e+00 : f32
      %jit3A_515 = arith.constant 0.000000e+00 : f32
      %broadcast_in_dim3A_516 = vector.broadcast %jit3A_514 : f32 to vector<16xf32>
      %broadcast_in_dim3A_517 = vector.broadcast %jit3A_515 : f32 to vector<16xf32>
      %select_n3A_518 = arith.select %eq3A_513, %broadcast_in_dim3A_516, %broadcast_in_dim3A_517 : vector<16xi1>, vector<16xf32>
      %add3A_519 = arith.addf %add3A_487, %select_n3A_518 : vector<16xf32>
      %broadcast_in_dim3A_520 = arith.constant 15 : i32
      %broadcast_in_dim3A_521 = vector.broadcast %broadcast_in_dim3A_520 : i32 to vector<16x1xi32>
      %gather3A_522 = vector.shape_cast %broadcast_in_dim3A_521 : vector<16x1xi32> to vector<16xi32>
      %gather3A_523 = tpu.dynamic_gather %get3A_42[%gather3A_522] in [0] : vector<16xf32>, vector<16xi32> -> vector<16xf32>
      %eq3A_524 = arith.cmpf oeq, %convert_element_type3A, %gather3A_523 : vector<16xf32>
      %jit3A_525 = arith.constant 1.000000e+00 : f32
      %jit3A_526 = arith.constant 0.000000e+00 : f32
      %broadcast_in_dim3A_527 = vector.broadcast %jit3A_525 : f32 to vector<16xf32>
      %broadcast_in_dim3A_528 = vector.broadcast %jit3A_526 : f32 to vector<16xf32>
      %select_n3A_529 = arith.select %eq3A_524, %broadcast_in_dim3A_527, %broadcast_in_dim3A_528 : vector<16xi1>, vector<16xf32>
      %add3A_530 = arith.addf %add3A_498, %select_n3A_529 : vector<16xf32>
      %eq3A_531 = arith.cmpf oeq, %convert_element_type3A_6, %gather3A_523 : vector<16xf32>
      %jit3A_532 = arith.constant 1.000000e+00 : f32
      %jit3A_533 = arith.constant 0.000000e+00 : f32
      %broadcast_in_dim3A_534 = vector.broadcast %jit3A_532 : f32 to vector<16xf32>
      %broadcast_in_dim3A_535 = vector.broadcast %jit3A_533 : f32 to vector<16xf32>
      %select_n3A_536 = arith.select %eq3A_531, %broadcast_in_dim3A_534, %broadcast_in_dim3A_535 : vector<16xi1>, vector<16xf32>
      %add3A_537 = arith.addf %add3A_505, %select_n3A_536 : vector<16xf32>
      %eq3A_538 = arith.cmpf oeq, %convert_element_type3A_10, %gather3A_523 : vector<16xf32>
      %jit3A_539 = arith.constant 1.000000e+00 : f32
      %jit3A_540 = arith.constant 0.000000e+00 : f32
      %broadcast_in_dim3A_541 = vector.broadcast %jit3A_539 : f32 to vector<16xf32>
      %broadcast_in_dim3A_542 = vector.broadcast %jit3A_540 : f32 to vector<16xf32>
      %select_n3A_543 = arith.select %eq3A_538, %broadcast_in_dim3A_541, %broadcast_in_dim3A_542 : vector<16xi1>, vector<16xf32>
      %add3A_544 = arith.addf %add3A_512, %select_n3A_543 : vector<16xf32>
      %eq3A_545 = arith.cmpf oeq, %convert_element_type3A_14, %gather3A_523 : vector<16xf32>
      %jit3A_546 = arith.constant 1.000000e+00 : f32
      %jit3A_547 = arith.constant 0.000000e+00 : f32
      %broadcast_in_dim3A_548 = vector.broadcast %jit3A_546 : f32 to vector<16xf32>
      %broadcast_in_dim3A_549 = vector.broadcast %jit3A_547 : f32 to vector<16xf32>
      %select_n3A_550 = arith.select %eq3A_545, %broadcast_in_dim3A_548, %broadcast_in_dim3A_549 : vector<16xi1>, vector<16xf32>
      %add3A_551 = arith.addf %add3A_519, %select_n3A_550 : vector<16xf32>
      scf.yield %add3A_530, %add3A_537, %add3A_544, %add3A_551 : vector<16xf32>, vector<16xf32>, vector<16xf32>, vector<16xf32>
    }
    %scan3A_20 = arith.constant 20 : i32
    %swap3A = arith.constant 0 : index
    %swap3A_21 = tpu.vector_load %arg6[%swap3A] {strides = array<i32>} : memref<64xf32, #tpu.memory_space<vmem>>, vector<16xf32>,
    tpu.vector_store %arg6[%swap3A], %scan3A_19#0 {strides = array<i32>} : memref<64xf32, #tpu.memory_space<vmem>>, vector<16xf32>,
    %swap3A_22 = arith.constant 16 : index
    %swap3A_23 = tpu.vector_load %arg6[%swap3A_22] {strides = array<i32>} : memref<64xf32, #tpu.memory_space<vmem>>, vector<16xf32>,
    tpu.vector_store %arg6[%swap3A_22], %scan3A_19#1 {strides = array<i32>} : memref<64xf32, #tpu.memory_space<vmem>>, vector<16xf32>,
    %swap3A_24 = arith.constant 32 : index
    %swap3A_25 = tpu.vector_load %arg6[%swap3A_24] {strides = array<i32>} : memref<64xf32, #tpu.memory_space<vmem>>, vector<16xf32>,
    tpu.vector_store %arg6[%swap3A_24], %scan3A_19#2 {strides = array<i32>} : memref<64xf32, #tpu.memory_space<vmem>>, vector<16xf32>,
    %swap3A_26 = arith.constant 48 : index
    %swap3A_27 = tpu.vector_load %arg6[%swap3A_26] {strides = array<i32>} : memref<64xf32, #tpu.memory_space<vmem>>, vector<16xf32>,
    tpu.vector_store %arg6[%swap3A_26], %scan3A_19#3 {strides = array<i32>} : memref<64xf32, #tpu.memory_space<vmem>>, vector<16xf32>,
    %mul3A_28 = arith.constant 64 : i32
    %mul3A_29 = arith.muli %arg1, %mul3A_28 : i32
    "tpu.region"() ({
      %run_scoped3A = tpu.sem_alloc : memref<!tpu.dma_semaphore, #tpu.memory_space<semaphore_mem>>
      %dma_start3A = tpu.memref_slice %arg10[%mul3A_29] : memref<1024xf32, #tpu.memory_space<vmem_shared>> -> memref<64xf32, #tpu.memory_space<vmem_shared>>
      %dma_start3A_35 = tpu.memref_slice %arg10[%mul3A_29] : memref<1024xf32, #tpu.memory_space<vmem_shared>> -> memref<64xf32, #tpu.memory_space<vmem_shared>>
      tpu.enqueue_dma source(%arg6 : memref<64xf32, #tpu.memory_space<vmem>>) target(%dma_start3A_35 : memref<64xf32, #tpu.memory_space<vmem_shared>>) target_semaphore(%run_scoped3A : memref<!tpu.dma_semaphore, #tpu.memory_space<semaphore_mem>>)
      %dma_wait3A = tpu.memref_slice %arg10[%mul3A_29] : memref<1024xf32, #tpu.memory_space<vmem_shared>> -> memref<64xf32, #tpu.memory_space<vmem_shared>>
      %dma_wait3A_36 = tpu.memref_slice %arg10[%mul3A_29] : memref<1024xf32, #tpu.memory_space<vmem_shared>> -> memref<64xf32, #tpu.memory_space<vmem_shared>>
      tpu.wait_dma2 semaphore(%run_scoped3A : memref<!tpu.dma_semaphore, #tpu.memory_space<semaphore_mem>>) src(%arg6 : memref<64xf32, #tpu.memory_space<vmem>>) dst(%dma_wait3A_36 : memref<64xf32, #tpu.memory_space<vmem_shared>>)
      tpu.yield
    }) : () -> ()
    %barrier3A = arith.constant 0 : index
    tpu.barrier barrier_id(%barrier3A)
    %eq3A = arith.constant 0 : i32
    %eq3A_30 = arith.cmpi eq, %arg1, %eq3A : i32
    %eq3A_31 = arith.constant 0 : i32
    %eq3A_32 = arith.cmpi eq, %arg0, %eq3A_31 : i32
    %and3A = arith.andi %eq3A_30, %eq3A_32 : i1
    %convert_element_type3A_33 = arith.extui %and3A : i1 to i32
    %cond3A = arith.constant 0 : i32
    %cond3A_34 = arith.cmpi ne, %convert_element_type3A_33, %cond3A : i32
    scf.if %cond3A_34 {
      "tpu.region"() ({
        %run_scoped3A = tpu.sem_alloc : memref<!tpu.dma_semaphore, #tpu.memory_space<semaphore_mem>>
        tpu.enqueue_dma source(%arg10 : memref<1024xf32, #tpu.memory_space<vmem_shared>>) target(%arg8 : memref<1024xf32, #tpu.memory_space<vmem>>) target_semaphore(%run_scoped3A : memref<!tpu.dma_semaphore, #tpu.memory_space<semaphore_mem>>)
        tpu.wait_dma2 semaphore(%run_scoped3A : memref<!tpu.dma_semaphore, #tpu.memory_space<semaphore_mem>>) src(%arg10 : memref<1024xf32, #tpu.memory_space<vmem_shared>>) dst(%arg8 : memref<1024xf32, #tpu.memory_space<vmem>>)
        tpu.yield
      }) : () -> ()
      %get3A = arith.constant 0 : index
      %get3A_35 = tpu.vector_load %arg8[%get3A] {strides = array<i32>} : memref<1024xf32, #tpu.memory_space<vmem>>, vector<16xf32>,
      %add3A_36 = arith.addf %broadcast_in_dim3A_15, %get3A_35 : vector<16xf32>
      %get3A_37 = arith.constant 16 : index
      %get3A_38 = tpu.vector_load %arg8[%get3A_37] {strides = array<i32>} : memref<1024xf32, #tpu.memory_space<vmem>>, vector<16xf32>,
      %add3A_39 = arith.addf %broadcast_in_dim3A_15, %get3A_38 : vector<16xf32>
      %get3A_40 = arith.constant 32 : index
      %get3A_41 = tpu.vector_load %arg8[%get3A_40] {strides = array<i32>} : memref<1024xf32, #tpu.memory_space<vmem>>, vector<16xf32>,
      %add3A_42 = arith.addf %broadcast_in_dim3A_15, %get3A_41 : vector<16xf32>
      %get3A_43 = arith.constant 48 : index
      %get3A_44 = tpu.vector_load %arg8[%get3A_43] {strides = array<i32>} : memref<1024xf32, #tpu.memory_space<vmem>>, vector<16xf32>,
      %add3A_45 = arith.addf %broadcast_in_dim3A_15, %get3A_44 : vector<16xf32>
      %get3A_46 = arith.constant 64 : index
      %get3A_47 = tpu.vector_load %arg8[%get3A_46] {strides = array<i32>} : memref<1024xf32, #tpu.memory_space<vmem>>, vector<16xf32>,
      %add3A_48 = arith.addf %add3A_36, %get3A_47 : vector<16xf32>
      %get3A_49 = arith.constant 80 : index
      %get3A_50 = tpu.vector_load %arg8[%get3A_49] {strides = array<i32>} : memref<1024xf32, #tpu.memory_space<vmem>>, vector<16xf32>,
      %add3A_51 = arith.addf %add3A_39, %get3A_50 : vector<16xf32>
      %get3A_52 = arith.constant 96 : index
      %get3A_53 = tpu.vector_load %arg8[%get3A_52] {strides = array<i32>} : memref<1024xf32, #tpu.memory_space<vmem>>, vector<16xf32>,
      %add3A_54 = arith.addf %add3A_42, %get3A_53 : vector<16xf32>
      %get3A_55 = arith.constant 112 : index
      %get3A_56 = tpu.vector_load %arg8[%get3A_55] {strides = array<i32>} : memref<1024xf32, #tpu.memory_space<vmem>>, vector<16xf32>,
      %add3A_57 = arith.addf %add3A_45, %get3A_56 : vector<16xf32>
      %get3A_58 = arith.constant 128 : index
      %get3A_59 = tpu.vector_load %arg8[%get3A_58] {strides = array<i32>} : memref<1024xf32, #tpu.memory_space<vmem>>, vector<16xf32>,
      %add3A_60 = arith.addf %add3A_48, %get3A_59 : vector<16xf32>
      %get3A_61 = arith.constant 144 : index
      %get3A_62 = tpu.vector_load %arg8[%get3A_61] {strides = array<i32>} : memref<1024xf32, #tpu.memory_space<vmem>>, vector<16xf32>,
      %add3A_63 = arith.addf %add3A_51, %get3A_62 : vector<16xf32>
      %get3A_64 = arith.constant 160 : index
      %get3A_65 = tpu.vector_load %arg8[%get3A_64] {strides = array<i32>} : memref<1024xf32, #tpu.memory_space<vmem>>, vector<16xf32>,
      %add3A_66 = arith.addf %add3A_54, %get3A_65 : vector<16xf32>
      %get3A_67 = arith.constant 176 : index
      %get3A_68 = tpu.vector_load %arg8[%get3A_67] {strides = array<i32>} : memref<1024xf32, #tpu.memory_space<vmem>>, vector<16xf32>,
      %add3A_69 = arith.addf %add3A_57, %get3A_68 : vector<16xf32>
      %get3A_70 = arith.constant 192 : index
      %get3A_71 = tpu.vector_load %arg8[%get3A_70] {strides = array<i32>} : memref<1024xf32, #tpu.memory_space<vmem>>, vector<16xf32>,
      %add3A_72 = arith.addf %add3A_60, %get3A_71 : vector<16xf32>
      %get3A_73 = arith.constant 208 : index
      %get3A_74 = tpu.vector_load %arg8[%get3A_73] {strides = array<i32>} : memref<1024xf32, #tpu.memory_space<vmem>>, vector<16xf32>,
      %add3A_75 = arith.addf %add3A_63, %get3A_74 : vector<16xf32>
      %get3A_76 = arith.constant 224 : index
      %get3A_77 = tpu.vector_load %arg8[%get3A_76] {strides = array<i32>} : memref<1024xf32, #tpu.memory_space<vmem>>, vector<16xf32>,
      %add3A_78 = arith.addf %add3A_66, %get3A_77 : vector<16xf32>
      %get3A_79 = arith.constant 240 : index
      %get3A_80 = tpu.vector_load %arg8[%get3A_79] {strides = array<i32>} : memref<1024xf32, #tpu.memory_space<vmem>>, vector<16xf32>,
      %add3A_81 = arith.addf %add3A_69, %get3A_80 : vector<16xf32>
      %get3A_82 = arith.constant 256 : index
      %get3A_83 = tpu.vector_load %arg8[%get3A_82] {strides = array<i32>} : memref<1024xf32, #tpu.memory_space<vmem>>, vector<16xf32>,
      %add3A_84 = arith.addf %add3A_72, %get3A_83 : vector<16xf32>
      %get3A_85 = arith.constant 272 : index
      %get3A_86 = tpu.vector_load %arg8[%get3A_85] {strides = array<i32>} : memref<1024xf32, #tpu.memory_space<vmem>>, vector<16xf32>,
      %add3A_87 = arith.addf %add3A_75, %get3A_86 : vector<16xf32>
      %get3A_88 = arith.constant 288 : index
      %get3A_89 = tpu.vector_load %arg8[%get3A_88] {strides = array<i32>} : memref<1024xf32, #tpu.memory_space<vmem>>, vector<16xf32>,
      %add3A_90 = arith.addf %add3A_78, %get3A_89 : vector<16xf32>
      %get3A_91 = arith.constant 304 : index
      %get3A_92 = tpu.vector_load %arg8[%get3A_91] {strides = array<i32>} : memref<1024xf32, #tpu.memory_space<vmem>>, vector<16xf32>,
      %add3A_93 = arith.addf %add3A_81, %get3A_92 : vector<16xf32>
      %get3A_94 = arith.constant 320 : index
      %get3A_95 = tpu.vector_load %arg8[%get3A_94] {strides = array<i32>} : memref<1024xf32, #tpu.memory_space<vmem>>, vector<16xf32>,
      %add3A_96 = arith.addf %add3A_84, %get3A_95 : vector<16xf32>
      %get3A_97 = arith.constant 336 : index
      %get3A_98 = tpu.vector_load %arg8[%get3A_97] {strides = array<i32>} : memref<1024xf32, #tpu.memory_space<vmem>>, vector<16xf32>,
      %add3A_99 = arith.addf %add3A_87, %get3A_98 : vector<16xf32>
      %get3A_100 = arith.constant 352 : index
      %get3A_101 = tpu.vector_load %arg8[%get3A_100] {strides = array<i32>} : memref<1024xf32, #tpu.memory_space<vmem>>, vector<16xf32>,
      %add3A_102 = arith.addf %add3A_90, %get3A_101 : vector<16xf32>
      %get3A_103 = arith.constant 368 : index
      %get3A_104 = tpu.vector_load %arg8[%get3A_103] {strides = array<i32>} : memref<1024xf32, #tpu.memory_space<vmem>>, vector<16xf32>,
      %add3A_105 = arith.addf %add3A_93, %get3A_104 : vector<16xf32>
      %get3A_106 = arith.constant 384 : index
      %get3A_107 = tpu.vector_load %arg8[%get3A_106] {strides = array<i32>} : memref<1024xf32, #tpu.memory_space<vmem>>, vector<16xf32>,
      %add3A_108 = arith.addf %add3A_96, %get3A_107 : vector<16xf32>
      %get3A_109 = arith.constant 400 : index
      %get3A_110 = tpu.vector_load %arg8[%get3A_109] {strides = array<i32>} : memref<1024xf32, #tpu.memory_space<vmem>>, vector<16xf32>,
      %add3A_111 = arith.addf %add3A_99, %get3A_110 : vector<16xf32>
      %get3A_112 = arith.constant 416 : index
      %get3A_113 = tpu.vector_load %arg8[%get3A_112] {strides = array<i32>} : memref<1024xf32, #tpu.memory_space<vmem>>, vector<16xf32>,
      %add3A_114 = arith.addf %add3A_102, %get3A_113 : vector<16xf32>
      %get3A_115 = arith.constant 432 : index
      %get3A_116 = tpu.vector_load %arg8[%get3A_115] {strides = array<i32>} : memref<1024xf32, #tpu.memory_space<vmem>>, vector<16xf32>,
      %add3A_117 = arith.addf %add3A_105, %get3A_116 : vector<16xf32>
      %get3A_118 = arith.constant 448 : index
      %get3A_119 = tpu.vector_load %arg8[%get3A_118] {strides = array<i32>} : memref<1024xf32, #tpu.memory_space<vmem>>, vector<16xf32>,
      %add3A_120 = arith.addf %add3A_108, %get3A_119 : vector<16xf32>
      %get3A_121 = arith.constant 464 : index
      %get3A_122 = tpu.vector_load %arg8[%get3A_121] {strides = array<i32>} : memref<1024xf32, #tpu.memory_space<vmem>>, vector<16xf32>,
      %add3A_123 = arith.addf %add3A_111, %get3A_122 : vector<16xf32>
      %get3A_124 = arith.constant 480 : index
      %get3A_125 = tpu.vector_load %arg8[%get3A_124] {strides = array<i32>} : memref<1024xf32, #tpu.memory_space<vmem>>, vector<16xf32>,
      %add3A_126 = arith.addf %add3A_114, %get3A_125 : vector<16xf32>
      %get3A_127 = arith.constant 496 : index
      %get3A_128 = tpu.vector_load %arg8[%get3A_127] {strides = array<i32>} : memref<1024xf32, #tpu.memory_space<vmem>>, vector<16xf32>,
      %add3A_129 = arith.addf %add3A_117, %get3A_128 : vector<16xf32>
      %get3A_130 = arith.constant 512 : index
      %get3A_131 = tpu.vector_load %arg8[%get3A_130] {strides = array<i32>} : memref<1024xf32, #tpu.memory_space<vmem>>, vector<16xf32>,
      %add3A_132 = arith.addf %add3A_120, %get3A_131 : vector<16xf32>
      %get3A_133 = arith.constant 528 : index
      %get3A_134 = tpu.vector_load %arg8[%get3A_133] {strides = array<i32>} : memref<1024xf32, #tpu.memory_space<vmem>>, vector<16xf32>,
      %add3A_135 = arith.addf %add3A_123, %get3A_134 : vector<16xf32>
      %get3A_136 = arith.constant 544 : index
      %get3A_137 = tpu.vector_load %arg8[%get3A_136] {strides = array<i32>} : memref<1024xf32, #tpu.memory_space<vmem>>, vector<16xf32>,
      %add3A_138 = arith.addf %add3A_126, %get3A_137 : vector<16xf32>
      %get3A_139 = arith.constant 560 : index
      %get3A_140 = tpu.vector_load %arg8[%get3A_139] {strides = array<i32>} : memref<1024xf32, #tpu.memory_space<vmem>>, vector<16xf32>,
      %add3A_141 = arith.addf %add3A_129, %get3A_140 : vector<16xf32>
      %get3A_142 = arith.constant 576 : index
      %get3A_143 = tpu.vector_load %arg8[%get3A_142] {strides = array<i32>} : memref<1024xf32, #tpu.memory_space<vmem>>, vector<16xf32>,
      %add3A_144 = arith.addf %add3A_132, %get3A_143 : vector<16xf32>
      %get3A_145 = arith.constant 592 : index
      %get3A_146 = tpu.vector_load %arg8[%get3A_145] {strides = array<i32>} : memref<1024xf32, #tpu.memory_space<vmem>>, vector<16xf32>,
      %add3A_147 = arith.addf %add3A_135, %get3A_146 : vector<16xf32>
      %get3A_148 = arith.constant 608 : index
      %get3A_149 = tpu.vector_load %arg8[%get3A_148] {strides = array<i32>} : memref<1024xf32, #tpu.memory_space<vmem>>, vector<16xf32>,
      %add3A_150 = arith.addf %add3A_138, %get3A_149 : vector<16xf32>
      %get3A_151 = arith.constant 624 : index
      %get3A_152 = tpu.vector_load %arg8[%get3A_151] {strides = array<i32>} : memref<1024xf32, #tpu.memory_space<vmem>>, vector<16xf32>,
      %add3A_153 = arith.addf %add3A_141, %get3A_152 : vector<16xf32>
      %get3A_154 = arith.constant 640 : index
      %get3A_155 = tpu.vector_load %arg8[%get3A_154] {strides = array<i32>} : memref<1024xf32, #tpu.memory_space<vmem>>, vector<16xf32>,
      %add3A_156 = arith.addf %add3A_144, %get3A_155 : vector<16xf32>
      %get3A_157 = arith.constant 656 : index
      %get3A_158 = tpu.vector_load %arg8[%get3A_157] {strides = array<i32>} : memref<1024xf32, #tpu.memory_space<vmem>>, vector<16xf32>,
      %add3A_159 = arith.addf %add3A_147, %get3A_158 : vector<16xf32>
      %get3A_160 = arith.constant 672 : index
      %get3A_161 = tpu.vector_load %arg8[%get3A_160] {strides = array<i32>} : memref<1024xf32, #tpu.memory_space<vmem>>, vector<16xf32>,
      %add3A_162 = arith.addf %add3A_150, %get3A_161 : vector<16xf32>
      %get3A_163 = arith.constant 688 : index
      %get3A_164 = tpu.vector_load %arg8[%get3A_163] {strides = array<i32>} : memref<1024xf32, #tpu.memory_space<vmem>>, vector<16xf32>,
      %add3A_165 = arith.addf %add3A_153, %get3A_164 : vector<16xf32>
      %get3A_166 = arith.constant 704 : index
      %get3A_167 = tpu.vector_load %arg8[%get3A_166] {strides = array<i32>} : memref<1024xf32, #tpu.memory_space<vmem>>, vector<16xf32>,
      %add3A_168 = arith.addf %add3A_156, %get3A_167 : vector<16xf32>
      %get3A_169 = arith.constant 720 : index
      %get3A_170 = tpu.vector_load %arg8[%get3A_169] {strides = array<i32>} : memref<1024xf32, #tpu.memory_space<vmem>>, vector<16xf32>,
      %add3A_171 = arith.addf %add3A_159, %get3A_170 : vector<16xf32>
      %get3A_172 = arith.constant 736 : index
      %get3A_173 = tpu.vector_load %arg8[%get3A_172] {strides = array<i32>} : memref<1024xf32, #tpu.memory_space<vmem>>, vector<16xf32>,
      %add3A_174 = arith.addf %add3A_162, %get3A_173 : vector<16xf32>
      %get3A_175 = arith.constant 752 : index
      %get3A_176 = tpu.vector_load %arg8[%get3A_175] {strides = array<i32>} : memref<1024xf32, #tpu.memory_space<vmem>>, vector<16xf32>,
      %add3A_177 = arith.addf %add3A_165, %get3A_176 : vector<16xf32>
      %get3A_178 = arith.constant 768 : index
      %get3A_179 = tpu.vector_load %arg8[%get3A_178] {strides = array<i32>} : memref<1024xf32, #tpu.memory_space<vmem>>, vector<16xf32>,
      %add3A_180 = arith.addf %add3A_168, %get3A_179 : vector<16xf32>
      %get3A_181 = arith.constant 784 : index
      %get3A_182 = tpu.vector_load %arg8[%get3A_181] {strides = array<i32>} : memref<1024xf32, #tpu.memory_space<vmem>>, vector<16xf32>,
      %add3A_183 = arith.addf %add3A_171, %get3A_182 : vector<16xf32>
      %get3A_184 = arith.constant 800 : index
      %get3A_185 = tpu.vector_load %arg8[%get3A_184] {strides = array<i32>} : memref<1024xf32, #tpu.memory_space<vmem>>, vector<16xf32>,
      %add3A_186 = arith.addf %add3A_174, %get3A_185 : vector<16xf32>
      %get3A_187 = arith.constant 816 : index
      %get3A_188 = tpu.vector_load %arg8[%get3A_187] {strides = array<i32>} : memref<1024xf32, #tpu.memory_space<vmem>>, vector<16xf32>,
      %add3A_189 = arith.addf %add3A_177, %get3A_188 : vector<16xf32>
      %get3A_190 = arith.constant 832 : index
      %get3A_191 = tpu.vector_load %arg8[%get3A_190] {strides = array<i32>} : memref<1024xf32, #tpu.memory_space<vmem>>, vector<16xf32>,
      %add3A_192 = arith.addf %add3A_180, %get3A_191 : vector<16xf32>
      %get3A_193 = arith.constant 848 : index
      %get3A_194 = tpu.vector_load %arg8[%get3A_193] {strides = array<i32>} : memref<1024xf32, #tpu.memory_space<vmem>>, vector<16xf32>,
      %add3A_195 = arith.addf %add3A_183, %get3A_194 : vector<16xf32>
      %get3A_196 = arith.constant 864 : index
      %get3A_197 = tpu.vector_load %arg8[%get3A_196] {strides = array<i32>} : memref<1024xf32, #tpu.memory_space<vmem>>, vector<16xf32>,
      %add3A_198 = arith.addf %add3A_186, %get3A_197 : vector<16xf32>
      %get3A_199 = arith.constant 880 : index
      %get3A_200 = tpu.vector_load %arg8[%get3A_199] {strides = array<i32>} : memref<1024xf32, #tpu.memory_space<vmem>>, vector<16xf32>,
      %add3A_201 = arith.addf %add3A_189, %get3A_200 : vector<16xf32>
      %get3A_202 = arith.constant 896 : index
      %get3A_203 = tpu.vector_load %arg8[%get3A_202] {strides = array<i32>} : memref<1024xf32, #tpu.memory_space<vmem>>, vector<16xf32>,
      %add3A_204 = arith.addf %add3A_192, %get3A_203 : vector<16xf32>
      %get3A_205 = arith.constant 912 : index
      %get3A_206 = tpu.vector_load %arg8[%get3A_205] {strides = array<i32>} : memref<1024xf32, #tpu.memory_space<vmem>>, vector<16xf32>,
      %add3A_207 = arith.addf %add3A_195, %get3A_206 : vector<16xf32>
      %get3A_208 = arith.constant 928 : index
      %get3A_209 = tpu.vector_load %arg8[%get3A_208] {strides = array<i32>} : memref<1024xf32, #tpu.memory_space<vmem>>, vector<16xf32>,
      %add3A_210 = arith.addf %add3A_198, %get3A_209 : vector<16xf32>
      %get3A_211 = arith.constant 944 : index
      %get3A_212 = tpu.vector_load %arg8[%get3A_211] {strides = array<i32>} : memref<1024xf32, #tpu.memory_space<vmem>>, vector<16xf32>,
      %add3A_213 = arith.addf %add3A_201, %get3A_212 : vector<16xf32>
      %get3A_214 = arith.constant 960 : index
      %get3A_215 = tpu.vector_load %arg8[%get3A_214] {strides = array<i32>} : memref<1024xf32, #tpu.memory_space<vmem>>, vector<16xf32>,
      %add3A_216 = arith.addf %add3A_204, %get3A_215 : vector<16xf32>
      %get3A_217 = arith.constant 976 : index
      %get3A_218 = tpu.vector_load %arg8[%get3A_217] {strides = array<i32>} : memref<1024xf32, #tpu.memory_space<vmem>>, vector<16xf32>,
      %add3A_219 = arith.addf %add3A_207, %get3A_218 : vector<16xf32>
      %get3A_220 = arith.constant 992 : index
      %get3A_221 = tpu.vector_load %arg8[%get3A_220] {strides = array<i32>} : memref<1024xf32, #tpu.memory_space<vmem>>, vector<16xf32>,
      %add3A_222 = arith.addf %add3A_210, %get3A_221 : vector<16xf32>
      %get3A_223 = arith.constant 1008 : index
      %get3A_224 = tpu.vector_load %arg8[%get3A_223] {strides = array<i32>} : memref<1024xf32, #tpu.memory_space<vmem>>, vector<16xf32>,
      %add3A_225 = arith.addf %add3A_213, %get3A_224 : vector<16xf32>
      %get3A_226 = arith.constant 0 : index
      %get3A_227 = tpu.vector_load %arg7[%get3A_226] {strides = array<i32>} : memref<16xf32, #tpu.memory_space<vmem>>, vector<16xf32>,
      %broadcast_in_dim3A_228 = arith.constant 1 : i32
      %broadcast_in_dim3A_229 = vector.broadcast %broadcast_in_dim3A_228 : i32 to vector<16x1xi32>
      %gather3A = vector.shape_cast %broadcast_in_dim3A_229 : vector<16x1xi32> to vector<16xi32>
      %gather3A_230 = tpu.dynamic_gather %get3A_227[%gather3A] in [0] : vector<16xf32>, vector<16xi32> -> vector<16xf32>
      %broadcast_in_dim3A_231 = arith.constant 2 : i32
      %broadcast_in_dim3A_232 = vector.broadcast %broadcast_in_dim3A_231 : i32 to vector<16x1xi32>
      %gather3A_233 = vector.shape_cast %broadcast_in_dim3A_232 : vector<16x1xi32> to vector<16xi32>
      %gather3A_234 = tpu.dynamic_gather %get3A_227[%gather3A_233] in [0] : vector<16xf32>, vector<16xi32> -> vector<16xf32>
      %gt3A = arith.constant 0.000000e+00 : f32
      %gt3A_235 = vector.broadcast %gt3A : f32 to vector<16xf32>
      %gt3A_236 = arith.cmpf ogt, %add3A_216, %gt3A_235 : vector<16xf32>
      %jit3A = arith.constant 0.000000e+00 : f32
      %broadcast_in_dim3A_237 = vector.broadcast %jit3A : f32 to vector<16xf32>
      %select_n3A = arith.select %gt3A_236, %convert_element_type3A, %broadcast_in_dim3A_237 : vector<16xi1>, vector<16xf32>
      %gt3A_238 = arith.constant 0.000000e+00 : f32
      %gt3A_239 = vector.broadcast %gt3A_238 : f32 to vector<16xf32>
      %gt3A_240 = arith.cmpf ogt, %add3A_219, %gt3A_239 : vector<16xf32>
      %jit3A_241 = arith.constant 0.000000e+00 : f32
      %broadcast_in_dim3A_242 = vector.broadcast %jit3A_241 : f32 to vector<16xf32>
      %select_n3A_243 = arith.select %gt3A_240, %convert_element_type3A_6, %broadcast_in_dim3A_242 : vector<16xi1>, vector<16xf32>
      %gt3A_244 = arith.constant 0.000000e+00 : f32
      %gt3A_245 = vector.broadcast %gt3A_244 : f32 to vector<16xf32>
      %gt3A_246 = arith.cmpf ogt, %add3A_222, %gt3A_245 : vector<16xf32>
      %jit3A_247 = arith.constant 0.000000e+00 : f32
      %broadcast_in_dim3A_248 = vector.broadcast %jit3A_247 : f32 to vector<16xf32>
      %select_n3A_249 = arith.select %gt3A_246, %convert_element_type3A_10, %broadcast_in_dim3A_248 : vector<16xi1>, vector<16xf32>
      %gt3A_250 = arith.constant 0.000000e+00 : f32
      %gt3A_251 = vector.broadcast %gt3A_250 : f32 to vector<16xf32>
      %gt3A_252 = arith.cmpf ogt, %add3A_225, %gt3A_251 : vector<16xf32>
      %jit3A_253 = arith.constant 0.000000e+00 : f32
      %broadcast_in_dim3A_254 = vector.broadcast %jit3A_253 : f32 to vector<16xf32>
      %select_n3A_255 = arith.select %gt3A_252, %convert_element_type3A_14, %broadcast_in_dim3A_254 : vector<16xi1>, vector<16xf32>
      %max3A = arith.maximumf %select_n3A, %select_n3A_243 : vector<16xf32>
      %max3A_256 = arith.maximumf %select_n3A_249, %select_n3A_255 : vector<16xf32>
      %max3A_257 = arith.maximumf %max3A, %max3A_256 : vector<16xf32>
      %broadcast_in_dim3A_258 = arith.constant 0 : i32
      %broadcast_in_dim3A_259 = vector.broadcast %broadcast_in_dim3A_258 : i32 to vector<16x1xi32>
      %gather3A_260 = vector.shape_cast %broadcast_in_dim3A_259 : vector<16x1xi32> to vector<16xi32>
      %gather3A_261 = tpu.dynamic_gather %max3A_257[%gather3A_260] in [0] : vector<16xf32>, vector<16xi32> -> vector<16xf32>
      %broadcast_in_dim3A_262 = arith.constant 1 : i32
      %broadcast_in_dim3A_263 = vector.broadcast %broadcast_in_dim3A_262 : i32 to vector<16x1xi32>
      %gather3A_264 = vector.shape_cast %broadcast_in_dim3A_263 : vector<16x1xi32> to vector<16xi32>
      %gather3A_265 = tpu.dynamic_gather %max3A_257[%gather3A_264] in [0] : vector<16xf32>, vector<16xi32> -> vector<16xf32>
      %max3A_266 = arith.maximumf %gather3A_261, %gather3A_265 : vector<16xf32>
      %broadcast_in_dim3A_267 = arith.constant 2 : i32
      %broadcast_in_dim3A_268 = vector.broadcast %broadcast_in_dim3A_267 : i32 to vector<16x1xi32>
      %gather3A_269 = vector.shape_cast %broadcast_in_dim3A_268 : vector<16x1xi32> to vector<16xi32>
      %gather3A_270 = tpu.dynamic_gather %max3A_257[%gather3A_269] in [0] : vector<16xf32>, vector<16xi32> -> vector<16xf32>
      %max3A_271 = arith.maximumf %max3A_266, %gather3A_270 : vector<16xf32>
      %broadcast_in_dim3A_272 = arith.constant 3 : i32
      %broadcast_in_dim3A_273 = vector.broadcast %broadcast_in_dim3A_272 : i32 to vector<16x1xi32>
      %gather3A_274 = vector.shape_cast %broadcast_in_dim3A_273 : vector<16x1xi32> to vector<16xi32>
      %gather3A_275 = tpu.dynamic_gather %max3A_257[%gather3A_274] in [0] : vector<16xf32>, vector<16xi32> -> vector<16xf32>
      %max3A_276 = arith.maximumf %max3A_271, %gather3A_275 : vector<16xf32>
      %broadcast_in_dim3A_277 = arith.constant 4 : i32
      %broadcast_in_dim3A_278 = vector.broadcast %broadcast_in_dim3A_277 : i32 to vector<16x1xi32>
      %gather3A_279 = vector.shape_cast %broadcast_in_dim3A_278 : vector<16x1xi32> to vector<16xi32>
      %gather3A_280 = tpu.dynamic_gather %max3A_257[%gather3A_279] in [0] : vector<16xf32>, vector<16xi32> -> vector<16xf32>
      %max3A_281 = arith.maximumf %max3A_276, %gather3A_280 : vector<16xf32>
      %broadcast_in_dim3A_282 = arith.constant 5 : i32
      %broadcast_in_dim3A_283 = vector.broadcast %broadcast_in_dim3A_282 : i32 to vector<16x1xi32>
      %gather3A_284 = vector.shape_cast %broadcast_in_dim3A_283 : vector<16x1xi32> to vector<16xi32>
      %gather3A_285 = tpu.dynamic_gather %max3A_257[%gather3A_284] in [0] : vector<16xf32>, vector<16xi32> -> vector<16xf32>
      %max3A_286 = arith.maximumf %max3A_281, %gather3A_285 : vector<16xf32>
      %broadcast_in_dim3A_287 = arith.constant 6 : i32
      %broadcast_in_dim3A_288 = vector.broadcast %broadcast_in_dim3A_287 : i32 to vector<16x1xi32>
      %gather3A_289 = vector.shape_cast %broadcast_in_dim3A_288 : vector<16x1xi32> to vector<16xi32>
      %gather3A_290 = tpu.dynamic_gather %max3A_257[%gather3A_289] in [0] : vector<16xf32>, vector<16xi32> -> vector<16xf32>
      %max3A_291 = arith.maximumf %max3A_286, %gather3A_290 : vector<16xf32>
      %broadcast_in_dim3A_292 = arith.constant 7 : i32
      %broadcast_in_dim3A_293 = vector.broadcast %broadcast_in_dim3A_292 : i32 to vector<16x1xi32>
      %gather3A_294 = vector.shape_cast %broadcast_in_dim3A_293 : vector<16x1xi32> to vector<16xi32>
      %gather3A_295 = tpu.dynamic_gather %max3A_257[%gather3A_294] in [0] : vector<16xf32>, vector<16xi32> -> vector<16xf32>
      %max3A_296 = arith.maximumf %max3A_291, %gather3A_295 : vector<16xf32>
      %broadcast_in_dim3A_297 = arith.constant 8 : i32
      %broadcast_in_dim3A_298 = vector.broadcast %broadcast_in_dim3A_297 : i32 to vector<16x1xi32>
      %gather3A_299 = vector.shape_cast %broadcast_in_dim3A_298 : vector<16x1xi32> to vector<16xi32>
      %gather3A_300 = tpu.dynamic_gather %max3A_257[%gather3A_299] in [0] : vector<16xf32>, vector<16xi32> -> vector<16xf32>
      %max3A_301 = arith.maximumf %max3A_296, %gather3A_300 : vector<16xf32>
      %broadcast_in_dim3A_302 = arith.constant 9 : i32
      %broadcast_in_dim3A_303 = vector.broadcast %broadcast_in_dim3A_302 : i32 to vector<16x1xi32>
      %gather3A_304 = vector.shape_cast %broadcast_in_dim3A_303 : vector<16x1xi32> to vector<16xi32>
      %gather3A_305 = tpu.dynamic_gather %max3A_257[%gather3A_304] in [0] : vector<16xf32>, vector<16xi32> -> vector<16xf32>
      %max3A_306 = arith.maximumf %max3A_301, %gather3A_305 : vector<16xf32>
      %broadcast_in_dim3A_307 = arith.constant 10 : i32
      %broadcast_in_dim3A_308 = vector.broadcast %broadcast_in_dim3A_307 : i32 to vector<16x1xi32>
      %gather3A_309 = vector.shape_cast %broadcast_in_dim3A_308 : vector<16x1xi32> to vector<16xi32>
      %gather3A_310 = tpu.dynamic_gather %max3A_257[%gather3A_309] in [0] : vector<16xf32>, vector<16xi32> -> vector<16xf32>
      %max3A_311 = arith.maximumf %max3A_306, %gather3A_310 : vector<16xf32>
      %broadcast_in_dim3A_312 = arith.constant 11 : i32
      %broadcast_in_dim3A_313 = vector.broadcast %broadcast_in_dim3A_312 : i32 to vector<16x1xi32>
      %gather3A_314 = vector.shape_cast %broadcast_in_dim3A_313 : vector<16x1xi32> to vector<16xi32>
      %gather3A_315 = tpu.dynamic_gather %max3A_257[%gather3A_314] in [0] : vector<16xf32>, vector<16xi32> -> vector<16xf32>
      %max3A_316 = arith.maximumf %max3A_311, %gather3A_315 : vector<16xf32>
      %broadcast_in_dim3A_317 = arith.constant 12 : i32
      %broadcast_in_dim3A_318 = vector.broadcast %broadcast_in_dim3A_317 : i32 to vector<16x1xi32>
      %gather3A_319 = vector.shape_cast %broadcast_in_dim3A_318 : vector<16x1xi32> to vector<16xi32>
      %gather3A_320 = tpu.dynamic_gather %max3A_257[%gather3A_319] in [0] : vector<16xf32>, vector<16xi32> -> vector<16xf32>
      %max3A_321 = arith.maximumf %max3A_316, %gather3A_320 : vector<16xf32>
      %broadcast_in_dim3A_322 = arith.constant 13 : i32
      %broadcast_in_dim3A_323 = vector.broadcast %broadcast_in_dim3A_322 : i32 to vector<16x1xi32>
      %gather3A_324 = vector.shape_cast %broadcast_in_dim3A_323 : vector<16x1xi32> to vector<16xi32>
      %gather3A_325 = tpu.dynamic_gather %max3A_257[%gather3A_324] in [0] : vector<16xf32>, vector<16xi32> -> vector<16xf32>
      %max3A_326 = arith.maximumf %max3A_321, %gather3A_325 : vector<16xf32>
      %broadcast_in_dim3A_327 = arith.constant 14 : i32
      %broadcast_in_dim3A_328 = vector.broadcast %broadcast_in_dim3A_327 : i32 to vector<16x1xi32>
      %gather3A_329 = vector.shape_cast %broadcast_in_dim3A_328 : vector<16x1xi32> to vector<16xi32>
      %gather3A_330 = tpu.dynamic_gather %max3A_257[%gather3A_329] in [0] : vector<16xf32>, vector<16xi32> -> vector<16xf32>
      %max3A_331 = arith.maximumf %max3A_326, %gather3A_330 : vector<16xf32>
      %broadcast_in_dim3A_332 = arith.constant 15 : i32
      %broadcast_in_dim3A_333 = vector.broadcast %broadcast_in_dim3A_332 : i32 to vector<16x1xi32>
      %gather3A_334 = vector.shape_cast %broadcast_in_dim3A_333 : vector<16x1xi32> to vector<16xi32>
      %gather3A_335 = tpu.dynamic_gather %max3A_257[%gather3A_334] in [0] : vector<16xf32>, vector<16xi32> -> vector<16xf32>
      %max3A_336 = arith.maximumf %max3A_331, %gather3A_335 : vector<16xf32>
      %broadcast_in_dim3A_337 = arith.constant 0 : i32
      %broadcast_in_dim3A_338 = vector.broadcast %broadcast_in_dim3A_337 : i32 to vector<16x1xi32>
      %gather3A_339 = vector.shape_cast %broadcast_in_dim3A_338 : vector<16x1xi32> to vector<16xi32>
      %gather3A_340 = tpu.dynamic_gather %add3A_216[%gather3A_339] in [0] : vector<16xf32>, vector<16xi32> -> vector<16xf32>
      %gt3A_341 = arith.constant 0.000000e+00 : f32
      %gt3A_342 = vector.broadcast %gt3A_341 : f32 to vector<16xf32>
      %gt3A_343 = arith.cmpf ogt, %add3A_216, %gt3A_342 : vector<16xf32>
      %jit3A_344 = arith.constant 1.000000e+00 : f32
      %jit3A_345 = arith.constant 0.000000e+00 : f32
      %broadcast_in_dim3A_346 = vector.broadcast %jit3A_344 : f32 to vector<16xf32>
      %broadcast_in_dim3A_347 = vector.broadcast %jit3A_345 : f32 to vector<16xf32>
      %select_n3A_348 = arith.select %gt3A_343, %broadcast_in_dim3A_346, %broadcast_in_dim3A_347 : vector<16xi1>, vector<16xf32>
      %gt3A_349 = arith.constant 0.000000e+00 : f32
      %gt3A_350 = vector.broadcast %gt3A_349 : f32 to vector<16xf32>
      %gt3A_351 = arith.cmpf ogt, %add3A_219, %gt3A_350 : vector<16xf32>
      %jit3A_352 = arith.constant 1.000000e+00 : f32
      %jit3A_353 = arith.constant 0.000000e+00 : f32
      %broadcast_in_dim3A_354 = vector.broadcast %jit3A_352 : f32 to vector<16xf32>
      %broadcast_in_dim3A_355 = vector.broadcast %jit3A_353 : f32 to vector<16xf32>
      %select_n3A_356 = arith.select %gt3A_351, %broadcast_in_dim3A_354, %broadcast_in_dim3A_355 : vector<16xi1>, vector<16xf32>
      %gt3A_357 = arith.constant 0.000000e+00 : f32
      %gt3A_358 = vector.broadcast %gt3A_357 : f32 to vector<16xf32>
      %gt3A_359 = arith.cmpf ogt, %add3A_222, %gt3A_358 : vector<16xf32>
      %jit3A_360 = arith.constant 1.000000e+00 : f32
      %jit3A_361 = arith.constant 0.000000e+00 : f32
      %broadcast_in_dim3A_362 = vector.broadcast %jit3A_360 : f32 to vector<16xf32>
      %broadcast_in_dim3A_363 = vector.broadcast %jit3A_361 : f32 to vector<16xf32>
      %select_n3A_364 = arith.select %gt3A_359, %broadcast_in_dim3A_362, %broadcast_in_dim3A_363 : vector<16xi1>, vector<16xf32>
      %gt3A_365 = arith.constant 0.000000e+00 : f32
      %gt3A_366 = vector.broadcast %gt3A_365 : f32 to vector<16xf32>
      %gt3A_367 = arith.cmpf ogt, %add3A_225, %gt3A_366 : vector<16xf32>
      %jit3A_368 = arith.constant 1.000000e+00 : f32
      %jit3A_369 = arith.constant 0.000000e+00 : f32
      %broadcast_in_dim3A_370 = vector.broadcast %jit3A_368 : f32 to vector<16xf32>
      %broadcast_in_dim3A_371 = vector.broadcast %jit3A_369 : f32 to vector<16xf32>
      %select_n3A_372 = arith.select %gt3A_367, %broadcast_in_dim3A_370, %broadcast_in_dim3A_371 : vector<16xi1>, vector<16xf32>
      %ge3A = arith.constant 0 : i32
      %ge3A_373 = vector.broadcast %ge3A : i32 to vector<16xi32>
      %ge3A_374 = arith.cmpi sge, %iota3A, %ge3A_373 : vector<16xi32>
      %broadcast_in_dim3A_375 = arith.constant 0 : i32
      %broadcast_in_dim3A_376 = vector.broadcast %broadcast_in_dim3A_375 : i32 to vector<16x1xi32>
      %gather3A_377 = vector.shape_cast %broadcast_in_dim3A_376 : vector<16x1xi32> to vector<16xi32>
      %gather3A_378 = tpu.dynamic_gather %select_n3A_348[%gather3A_377] in [0] : vector<16xf32>, vector<16xi32> -> vector<16xf32>
      %jit3A_379 = arith.constant 0.000000e+00 : f32
      %broadcast_in_dim3A_380 = vector.broadcast %jit3A_379 : f32 to vector<16xf32>
      %select_n3A_381 = arith.select %ge3A_374, %gather3A_378, %broadcast_in_dim3A_380 : vector<16xi1>, vector<16xf32>
      %add3A_382 = arith.addf %broadcast_in_dim3A_15, %select_n3A_381 : vector<16xf32>
      %ge3A_383 = arith.constant 1 : i32
      %ge3A_384 = vector.broadcast %ge3A_383 : i32 to vector<16xi32>
      %ge3A_385 = arith.cmpi sge, %iota3A, %ge3A_384 : vector<16xi32>
      %broadcast_in_dim3A_386 = arith.constant 1 : i32
      %broadcast_in_dim3A_387 = vector.broadcast %broadcast_in_dim3A_386 : i32 to vector<16x1xi32>
      %gather3A_388 = vector.shape_cast %broadcast_in_dim3A_387 : vector<16x1xi32> to vector<16xi32>
      %gather3A_389 = tpu.dynamic_gather %select_n3A_348[%gather3A_388] in [0] : vector<16xf32>, vector<16xi32> -> vector<16xf32>
      %jit3A_390 = arith.constant 0.000000e+00 : f32
      %broadcast_in_dim3A_391 = vector.broadcast %jit3A_390 : f32 to vector<16xf32>
      %select_n3A_392 = arith.select %ge3A_385, %gather3A_389, %broadcast_in_dim3A_391 : vector<16xi1>, vector<16xf32>
      %add3A_393 = arith.addf %add3A_382, %select_n3A_392 : vector<16xf32>
      %ge3A_394 = arith.constant 2 : i32
      %ge3A_395 = vector.broadcast %ge3A_394 : i32 to vector<16xi32>
      %ge3A_396 = arith.cmpi sge, %iota3A, %ge3A_395 : vector<16xi32>
      %broadcast_in_dim3A_397 = arith.constant 2 : i32
      %broadcast_in_dim3A_398 = vector.broadcast %broadcast_in_dim3A_397 : i32 to vector<16x1xi32>
      %gather3A_399 = vector.shape_cast %broadcast_in_dim3A_398 : vector<16x1xi32> to vector<16xi32>
      %gather3A_400 = tpu.dynamic_gather %select_n3A_348[%gather3A_399] in [0] : vector<16xf32>, vector<16xi32> -> vector<16xf32>
      %jit3A_401 = arith.constant 0.000000e+00 : f32
      %broadcast_in_dim3A_402 = vector.broadcast %jit3A_401 : f32 to vector<16xf32>
      %select_n3A_403 = arith.select %ge3A_396, %gather3A_400, %broadcast_in_dim3A_402 : vector<16xi1>, vector<16xf32>
      %add3A_404 = arith.addf %add3A_393, %select_n3A_403 : vector<16xf32>
      %ge3A_405 = arith.constant 3 : i32
      %ge3A_406 = vector.broadcast %ge3A_405 : i32 to vector<16xi32>
      %ge3A_407 = arith.cmpi sge, %iota3A, %ge3A_406 : vector<16xi32>
      %broadcast_in_dim3A_408 = arith.constant 3 : i32
      %broadcast_in_dim3A_409 = vector.broadcast %broadcast_in_dim3A_408 : i32 to vector<16x1xi32>
      %gather3A_410 = vector.shape_cast %broadcast_in_dim3A_409 : vector<16x1xi32> to vector<16xi32>
      %gather3A_411 = tpu.dynamic_gather %select_n3A_348[%gather3A_410] in [0] : vector<16xf32>, vector<16xi32> -> vector<16xf32>
      %jit3A_412 = arith.constant 0.000000e+00 : f32
      %broadcast_in_dim3A_413 = vector.broadcast %jit3A_412 : f32 to vector<16xf32>
      %select_n3A_414 = arith.select %ge3A_407, %gather3A_411, %broadcast_in_dim3A_413 : vector<16xi1>, vector<16xf32>
      %add3A_415 = arith.addf %add3A_404, %select_n3A_414 : vector<16xf32>
      %ge3A_416 = arith.constant 4 : i32
      %ge3A_417 = vector.broadcast %ge3A_416 : i32 to vector<16xi32>
      %ge3A_418 = arith.cmpi sge, %iota3A, %ge3A_417 : vector<16xi32>
      %broadcast_in_dim3A_419 = arith.constant 4 : i32
      %broadcast_in_dim3A_420 = vector.broadcast %broadcast_in_dim3A_419 : i32 to vector<16x1xi32>
      %gather3A_421 = vector.shape_cast %broadcast_in_dim3A_420 : vector<16x1xi32> to vector<16xi32>
      %gather3A_422 = tpu.dynamic_gather %select_n3A_348[%gather3A_421] in [0] : vector<16xf32>, vector<16xi32> -> vector<16xf32>
      %jit3A_423 = arith.constant 0.000000e+00 : f32
      %broadcast_in_dim3A_424 = vector.broadcast %jit3A_423 : f32 to vector<16xf32>
      %select_n3A_425 = arith.select %ge3A_418, %gather3A_422, %broadcast_in_dim3A_424 : vector<16xi1>, vector<16xf32>
      %add3A_426 = arith.addf %add3A_415, %select_n3A_425 : vector<16xf32>
      %ge3A_427 = arith.constant 5 : i32
      %ge3A_428 = vector.broadcast %ge3A_427 : i32 to vector<16xi32>
      %ge3A_429 = arith.cmpi sge, %iota3A, %ge3A_428 : vector<16xi32>
      %broadcast_in_dim3A_430 = arith.constant 5 : i32
      %broadcast_in_dim3A_431 = vector.broadcast %broadcast_in_dim3A_430 : i32 to vector<16x1xi32>
      %gather3A_432 = vector.shape_cast %broadcast_in_dim3A_431 : vector<16x1xi32> to vector<16xi32>
      %gather3A_433 = tpu.dynamic_gather %select_n3A_348[%gather3A_432] in [0] : vector<16xf32>, vector<16xi32> -> vector<16xf32>
      %jit3A_434 = arith.constant 0.000000e+00 : f32
      %broadcast_in_dim3A_435 = vector.broadcast %jit3A_434 : f32 to vector<16xf32>
      %select_n3A_436 = arith.select %ge3A_429, %gather3A_433, %broadcast_in_dim3A_435 : vector<16xi1>, vector<16xf32>
      %add3A_437 = arith.addf %add3A_426, %select_n3A_436 : vector<16xf32>
      %ge3A_438 = arith.constant 6 : i32
      %ge3A_439 = vector.broadcast %ge3A_438 : i32 to vector<16xi32>
      %ge3A_440 = arith.cmpi sge, %iota3A, %ge3A_439 : vector<16xi32>
      %broadcast_in_dim3A_441 = arith.constant 6 : i32
      %broadcast_in_dim3A_442 = vector.broadcast %broadcast_in_dim3A_441 : i32 to vector<16x1xi32>
      %gather3A_443 = vector.shape_cast %broadcast_in_dim3A_442 : vector<16x1xi32> to vector<16xi32>
      %gather3A_444 = tpu.dynamic_gather %select_n3A_348[%gather3A_443] in [0] : vector<16xf32>, vector<16xi32> -> vector<16xf32>
      %jit3A_445 = arith.constant 0.000000e+00 : f32
      %broadcast_in_dim3A_446 = vector.broadcast %jit3A_445 : f32 to vector<16xf32>
      %select_n3A_447 = arith.select %ge3A_440, %gather3A_444, %broadcast_in_dim3A_446 : vector<16xi1>, vector<16xf32>
      %add3A_448 = arith.addf %add3A_437, %select_n3A_447 : vector<16xf32>
      %ge3A_449 = arith.constant 7 : i32
      %ge3A_450 = vector.broadcast %ge3A_449 : i32 to vector<16xi32>
      %ge3A_451 = arith.cmpi sge, %iota3A, %ge3A_450 : vector<16xi32>
      %broadcast_in_dim3A_452 = arith.constant 7 : i32
      %broadcast_in_dim3A_453 = vector.broadcast %broadcast_in_dim3A_452 : i32 to vector<16x1xi32>
      %gather3A_454 = vector.shape_cast %broadcast_in_dim3A_453 : vector<16x1xi32> to vector<16xi32>
      %gather3A_455 = tpu.dynamic_gather %select_n3A_348[%gather3A_454] in [0] : vector<16xf32>, vector<16xi32> -> vector<16xf32>
      %jit3A_456 = arith.constant 0.000000e+00 : f32
      %broadcast_in_dim3A_457 = vector.broadcast %jit3A_456 : f32 to vector<16xf32>
      %select_n3A_458 = arith.select %ge3A_451, %gather3A_455, %broadcast_in_dim3A_457 : vector<16xi1>, vector<16xf32>
      %add3A_459 = arith.addf %add3A_448, %select_n3A_458 : vector<16xf32>
      %ge3A_460 = arith.constant 8 : i32
      %ge3A_461 = vector.broadcast %ge3A_460 : i32 to vector<16xi32>
      %ge3A_462 = arith.cmpi sge, %iota3A, %ge3A_461 : vector<16xi32>
      %broadcast_in_dim3A_463 = arith.constant 8 : i32
      %broadcast_in_dim3A_464 = vector.broadcast %broadcast_in_dim3A_463 : i32 to vector<16x1xi32>
      %gather3A_465 = vector.shape_cast %broadcast_in_dim3A_464 : vector<16x1xi32> to vector<16xi32>
      %gather3A_466 = tpu.dynamic_gather %select_n3A_348[%gather3A_465] in [0] : vector<16xf32>, vector<16xi32> -> vector<16xf32>
      %jit3A_467 = arith.constant 0.000000e+00 : f32
      %broadcast_in_dim3A_468 = vector.broadcast %jit3A_467 : f32 to vector<16xf32>
      %select_n3A_469 = arith.select %ge3A_462, %gather3A_466, %broadcast_in_dim3A_468 : vector<16xi1>, vector<16xf32>
      %add3A_470 = arith.addf %add3A_459, %select_n3A_469 : vector<16xf32>
      %ge3A_471 = arith.constant 9 : i32
      %ge3A_472 = vector.broadcast %ge3A_471 : i32 to vector<16xi32>
      %ge3A_473 = arith.cmpi sge, %iota3A, %ge3A_472 : vector<16xi32>
      %broadcast_in_dim3A_474 = arith.constant 9 : i32
      %broadcast_in_dim3A_475 = vector.broadcast %broadcast_in_dim3A_474 : i32 to vector<16x1xi32>
      %gather3A_476 = vector.shape_cast %broadcast_in_dim3A_475 : vector<16x1xi32> to vector<16xi32>
      %gather3A_477 = tpu.dynamic_gather %select_n3A_348[%gather3A_476] in [0] : vector<16xf32>, vector<16xi32> -> vector<16xf32>
      %jit3A_478 = arith.constant 0.000000e+00 : f32
      %broadcast_in_dim3A_479 = vector.broadcast %jit3A_478 : f32 to vector<16xf32>
      %select_n3A_480 = arith.select %ge3A_473, %gather3A_477, %broadcast_in_dim3A_479 : vector<16xi1>, vector<16xf32>
      %add3A_481 = arith.addf %add3A_470, %select_n3A_480 : vector<16xf32>
      %ge3A_482 = arith.constant 10 : i32
      %ge3A_483 = vector.broadcast %ge3A_482 : i32 to vector<16xi32>
      %ge3A_484 = arith.cmpi sge, %iota3A, %ge3A_483 : vector<16xi32>
      %broadcast_in_dim3A_485 = arith.constant 10 : i32
      %broadcast_in_dim3A_486 = vector.broadcast %broadcast_in_dim3A_485 : i32 to vector<16x1xi32>
      %gather3A_487 = vector.shape_cast %broadcast_in_dim3A_486 : vector<16x1xi32> to vector<16xi32>
      %gather3A_488 = tpu.dynamic_gather %select_n3A_348[%gather3A_487] in [0] : vector<16xf32>, vector<16xi32> -> vector<16xf32>
      %jit3A_489 = arith.constant 0.000000e+00 : f32
      %broadcast_in_dim3A_490 = vector.broadcast %jit3A_489 : f32 to vector<16xf32>
      %select_n3A_491 = arith.select %ge3A_484, %gather3A_488, %broadcast_in_dim3A_490 : vector<16xi1>, vector<16xf32>
      %add3A_492 = arith.addf %add3A_481, %select_n3A_491 : vector<16xf32>
      %ge3A_493 = arith.constant 11 : i32
      %ge3A_494 = vector.broadcast %ge3A_493 : i32 to vector<16xi32>
      %ge3A_495 = arith.cmpi sge, %iota3A, %ge3A_494 : vector<16xi32>
      %broadcast_in_dim3A_496 = arith.constant 11 : i32
      %broadcast_in_dim3A_497 = vector.broadcast %broadcast_in_dim3A_496 : i32 to vector<16x1xi32>
      %gather3A_498 = vector.shape_cast %broadcast_in_dim3A_497 : vector<16x1xi32> to vector<16xi32>
      %gather3A_499 = tpu.dynamic_gather %select_n3A_348[%gather3A_498] in [0] : vector<16xf32>, vector<16xi32> -> vector<16xf32>
      %jit3A_500 = arith.constant 0.000000e+00 : f32
      %broadcast_in_dim3A_501 = vector.broadcast %jit3A_500 : f32 to vector<16xf32>
      %select_n3A_502 = arith.select %ge3A_495, %gather3A_499, %broadcast_in_dim3A_501 : vector<16xi1>, vector<16xf32>
      %add3A_503 = arith.addf %add3A_492, %select_n3A_502 : vector<16xf32>
      %ge3A_504 = arith.constant 12 : i32
      %ge3A_505 = vector.broadcast %ge3A_504 : i32 to vector<16xi32>
      %ge3A_506 = arith.cmpi sge, %iota3A, %ge3A_505 : vector<16xi32>
      %broadcast_in_dim3A_507 = arith.constant 12 : i32
      %broadcast_in_dim3A_508 = vector.broadcast %broadcast_in_dim3A_507 : i32 to vector<16x1xi32>
      %gather3A_509 = vector.shape_cast %broadcast_in_dim3A_508 : vector<16x1xi32> to vector<16xi32>
      %gather3A_510 = tpu.dynamic_gather %select_n3A_348[%gather3A_509] in [0] : vector<16xf32>, vector<16xi32> -> vector<16xf32>
      %jit3A_511 = arith.constant 0.000000e+00 : f32
      %broadcast_in_dim3A_512 = vector.broadcast %jit3A_511 : f32 to vector<16xf32>
      %select_n3A_513 = arith.select %ge3A_506, %gather3A_510, %broadcast_in_dim3A_512 : vector<16xi1>, vector<16xf32>
      %add3A_514 = arith.addf %add3A_503, %select_n3A_513 : vector<16xf32>
      %ge3A_515 = arith.constant 13 : i32
      %ge3A_516 = vector.broadcast %ge3A_515 : i32 to vector<16xi32>
      %ge3A_517 = arith.cmpi sge, %iota3A, %ge3A_516 : vector<16xi32>
      %broadcast_in_dim3A_518 = arith.constant 13 : i32
      %broadcast_in_dim3A_519 = vector.broadcast %broadcast_in_dim3A_518 : i32 to vector<16x1xi32>
      %gather3A_520 = vector.shape_cast %broadcast_in_dim3A_519 : vector<16x1xi32> to vector<16xi32>
      %gather3A_521 = tpu.dynamic_gather %select_n3A_348[%gather3A_520] in [0] : vector<16xf32>, vector<16xi32> -> vector<16xf32>
      %jit3A_522 = arith.constant 0.000000e+00 : f32
      %broadcast_in_dim3A_523 = vector.broadcast %jit3A_522 : f32 to vector<16xf32>
      %select_n3A_524 = arith.select %ge3A_517, %gather3A_521, %broadcast_in_dim3A_523 : vector<16xi1>, vector<16xf32>
      %add3A_525 = arith.addf %add3A_514, %select_n3A_524 : vector<16xf32>
      %ge3A_526 = arith.constant 14 : i32
      %ge3A_527 = vector.broadcast %ge3A_526 : i32 to vector<16xi32>
      %ge3A_528 = arith.cmpi sge, %iota3A, %ge3A_527 : vector<16xi32>
      %broadcast_in_dim3A_529 = arith.constant 14 : i32
      %broadcast_in_dim3A_530 = vector.broadcast %broadcast_in_dim3A_529 : i32 to vector<16x1xi32>
      %gather3A_531 = vector.shape_cast %broadcast_in_dim3A_530 : vector<16x1xi32> to vector<16xi32>
      %gather3A_532 = tpu.dynamic_gather %select_n3A_348[%gather3A_531] in [0] : vector<16xf32>, vector<16xi32> -> vector<16xf32>
      %jit3A_533 = arith.constant 0.000000e+00 : f32
      %broadcast_in_dim3A_534 = vector.broadcast %jit3A_533 : f32 to vector<16xf32>
      %select_n3A_535 = arith.select %ge3A_528, %gather3A_532, %broadcast_in_dim3A_534 : vector<16xi1>, vector<16xf32>
      %add3A_536 = arith.addf %add3A_525, %select_n3A_535 : vector<16xf32>
      %ge3A_537 = arith.constant 15 : i32
      %ge3A_538 = vector.broadcast %ge3A_537 : i32 to vector<16xi32>
      %ge3A_539 = arith.cmpi sge, %iota3A, %ge3A_538 : vector<16xi32>
      %broadcast_in_dim3A_540 = arith.constant 15 : i32
      %broadcast_in_dim3A_541 = vector.broadcast %broadcast_in_dim3A_540 : i32 to vector<16x1xi32>
      %gather3A_542 = vector.shape_cast %broadcast_in_dim3A_541 : vector<16x1xi32> to vector<16xi32>
      %gather3A_543 = tpu.dynamic_gather %select_n3A_348[%gather3A_542] in [0] : vector<16xf32>, vector<16xi32> -> vector<16xf32>
      %jit3A_544 = arith.constant 0.000000e+00 : f32
      %broadcast_in_dim3A_545 = vector.broadcast %jit3A_544 : f32 to vector<16xf32>
      %select_n3A_546 = arith.select %ge3A_539, %gather3A_543, %broadcast_in_dim3A_545 : vector<16xi1>, vector<16xf32>
      %add3A_547 = arith.addf %add3A_536, %select_n3A_546 : vector<16xf32>
      %sub3A = arith.subf %add3A_547, %select_n3A_348 : vector<16xf32>
      %broadcast_in_dim3A_548 = arith.constant 15 : i32
      %broadcast_in_dim3A_549 = vector.broadcast %broadcast_in_dim3A_548 : i32 to vector<16x1xi32>
      %gather3A_550 = vector.shape_cast %broadcast_in_dim3A_549 : vector<16x1xi32> to vector<16xi32>
      %gather3A_551 = tpu.dynamic_gather %add3A_547[%gather3A_550] in [0] : vector<16xf32>, vector<16xi32> -> vector<16xf32>
      %ge3A_552 = arith.constant 0 : i32
      %ge3A_553 = vector.broadcast %ge3A_552 : i32 to vector<16xi32>
      %ge3A_554 = arith.cmpi sge, %iota3A, %ge3A_553 : vector<16xi32>
      %broadcast_in_dim3A_555 = arith.constant 0 : i32
      %broadcast_in_dim3A_556 = vector.broadcast %broadcast_in_dim3A_555 : i32 to vector<16x1xi32>
      %gather3A_557 = vector.shape_cast %broadcast_in_dim3A_556 : vector<16x1xi32> to vector<16xi32>
      %gather3A_558 = tpu.dynamic_gather %select_n3A_356[%gather3A_557] in [0] : vector<16xf32>, vector<16xi32> -> vector<16xf32>
      %jit3A_559 = arith.constant 0.000000e+00 : f32
      %broadcast_in_dim3A_560 = vector.broadcast %jit3A_559 : f32 to vector<16xf32>
      %select_n3A_561 = arith.select %ge3A_554, %gather3A_558, %broadcast_in_dim3A_560 : vector<16xi1>, vector<16xf32>
      %add3A_562 = arith.addf %gather3A_551, %select_n3A_561 : vector<16xf32>
      %ge3A_563 = arith.constant 1 : i32
      %ge3A_564 = vector.broadcast %ge3A_563 : i32 to vector<16xi32>
      %ge3A_565 = arith.cmpi sge, %iota3A, %ge3A_564 : vector<16xi32>
      %broadcast_in_dim3A_566 = arith.constant 1 : i32
      %broadcast_in_dim3A_567 = vector.broadcast %broadcast_in_dim3A_566 : i32 to vector<16x1xi32>
      %gather3A_568 = vector.shape_cast %broadcast_in_dim3A_567 : vector<16x1xi32> to vector<16xi32>
      %gather3A_569 = tpu.dynamic_gather %select_n3A_356[%gather3A_568] in [0] : vector<16xf32>, vector<16xi32> -> vector<16xf32>
      %jit3A_570 = arith.constant 0.000000e+00 : f32
      %broadcast_in_dim3A_571 = vector.broadcast %jit3A_570 : f32 to vector<16xf32>
      %select_n3A_572 = arith.select %ge3A_565, %gather3A_569, %broadcast_in_dim3A_571 : vector<16xi1>, vector<16xf32>
      %add3A_573 = arith.addf %add3A_562, %select_n3A_572 : vector<16xf32>
      %ge3A_574 = arith.constant 2 : i32
      %ge3A_575 = vector.broadcast %ge3A_574 : i32 to vector<16xi32>
      %ge3A_576 = arith.cmpi sge, %iota3A, %ge3A_575 : vector<16xi32>
      %broadcast_in_dim3A_577 = arith.constant 2 : i32
      %broadcast_in_dim3A_578 = vector.broadcast %broadcast_in_dim3A_577 : i32 to vector<16x1xi32>
      %gather3A_579 = vector.shape_cast %broadcast_in_dim3A_578 : vector<16x1xi32> to vector<16xi32>
      %gather3A_580 = tpu.dynamic_gather %select_n3A_356[%gather3A_579] in [0] : vector<16xf32>, vector<16xi32> -> vector<16xf32>
      %jit3A_581 = arith.constant 0.000000e+00 : f32
      %broadcast_in_dim3A_582 = vector.broadcast %jit3A_581 : f32 to vector<16xf32>
      %select_n3A_583 = arith.select %ge3A_576, %gather3A_580, %broadcast_in_dim3A_582 : vector<16xi1>, vector<16xf32>
      %add3A_584 = arith.addf %add3A_573, %select_n3A_583 : vector<16xf32>
      %ge3A_585 = arith.constant 3 : i32
      %ge3A_586 = vector.broadcast %ge3A_585 : i32 to vector<16xi32>
      %ge3A_587 = arith.cmpi sge, %iota3A, %ge3A_586 : vector<16xi32>
      %broadcast_in_dim3A_588 = arith.constant 3 : i32
      %broadcast_in_dim3A_589 = vector.broadcast %broadcast_in_dim3A_588 : i32 to vector<16x1xi32>
      %gather3A_590 = vector.shape_cast %broadcast_in_dim3A_589 : vector<16x1xi32> to vector<16xi32>
      %gather3A_591 = tpu.dynamic_gather %select_n3A_356[%gather3A_590] in [0] : vector<16xf32>, vector<16xi32> -> vector<16xf32>
      %jit3A_592 = arith.constant 0.000000e+00 : f32
      %broadcast_in_dim3A_593 = vector.broadcast %jit3A_592 : f32 to vector<16xf32>
      %select_n3A_594 = arith.select %ge3A_587, %gather3A_591, %broadcast_in_dim3A_593 : vector<16xi1>, vector<16xf32>
      %add3A_595 = arith.addf %add3A_584, %select_n3A_594 : vector<16xf32>
      %ge3A_596 = arith.constant 4 : i32
      %ge3A_597 = vector.broadcast %ge3A_596 : i32 to vector<16xi32>
      %ge3A_598 = arith.cmpi sge, %iota3A, %ge3A_597 : vector<16xi32>
      %broadcast_in_dim3A_599 = arith.constant 4 : i32
      %broadcast_in_dim3A_600 = vector.broadcast %broadcast_in_dim3A_599 : i32 to vector<16x1xi32>
      %gather3A_601 = vector.shape_cast %broadcast_in_dim3A_600 : vector<16x1xi32> to vector<16xi32>
      %gather3A_602 = tpu.dynamic_gather %select_n3A_356[%gather3A_601] in [0] : vector<16xf32>, vector<16xi32> -> vector<16xf32>
      %jit3A_603 = arith.constant 0.000000e+00 : f32
      %broadcast_in_dim3A_604 = vector.broadcast %jit3A_603 : f32 to vector<16xf32>
      %select_n3A_605 = arith.select %ge3A_598, %gather3A_602, %broadcast_in_dim3A_604 : vector<16xi1>, vector<16xf32>
      %add3A_606 = arith.addf %add3A_595, %select_n3A_605 : vector<16xf32>
      %ge3A_607 = arith.constant 5 : i32
      %ge3A_608 = vector.broadcast %ge3A_607 : i32 to vector<16xi32>
      %ge3A_609 = arith.cmpi sge, %iota3A, %ge3A_608 : vector<16xi32>
      %broadcast_in_dim3A_610 = arith.constant 5 : i32
      %broadcast_in_dim3A_611 = vector.broadcast %broadcast_in_dim3A_610 : i32 to vector<16x1xi32>
      %gather3A_612 = vector.shape_cast %broadcast_in_dim3A_611 : vector<16x1xi32> to vector<16xi32>
      %gather3A_613 = tpu.dynamic_gather %select_n3A_356[%gather3A_612] in [0] : vector<16xf32>, vector<16xi32> -> vector<16xf32>
      %jit3A_614 = arith.constant 0.000000e+00 : f32
      %broadcast_in_dim3A_615 = vector.broadcast %jit3A_614 : f32 to vector<16xf32>
      %select_n3A_616 = arith.select %ge3A_609, %gather3A_613, %broadcast_in_dim3A_615 : vector<16xi1>, vector<16xf32>
      %add3A_617 = arith.addf %add3A_606, %select_n3A_616 : vector<16xf32>
      %ge3A_618 = arith.constant 6 : i32
      %ge3A_619 = vector.broadcast %ge3A_618 : i32 to vector<16xi32>
      %ge3A_620 = arith.cmpi sge, %iota3A, %ge3A_619 : vector<16xi32>
      %broadcast_in_dim3A_621 = arith.constant 6 : i32
      %broadcast_in_dim3A_622 = vector.broadcast %broadcast_in_dim3A_621 : i32 to vector<16x1xi32>
      %gather3A_623 = vector.shape_cast %broadcast_in_dim3A_622 : vector<16x1xi32> to vector<16xi32>
      %gather3A_624 = tpu.dynamic_gather %select_n3A_356[%gather3A_623] in [0] : vector<16xf32>, vector<16xi32> -> vector<16xf32>
      %jit3A_625 = arith.constant 0.000000e+00 : f32
      %broadcast_in_dim3A_626 = vector.broadcast %jit3A_625 : f32 to vector<16xf32>
      %select_n3A_627 = arith.select %ge3A_620, %gather3A_624, %broadcast_in_dim3A_626 : vector<16xi1>, vector<16xf32>
      %add3A_628 = arith.addf %add3A_617, %select_n3A_627 : vector<16xf32>
      %ge3A_629 = arith.constant 7 : i32
      %ge3A_630 = vector.broadcast %ge3A_629 : i32 to vector<16xi32>
      %ge3A_631 = arith.cmpi sge, %iota3A, %ge3A_630 : vector<16xi32>
      %broadcast_in_dim3A_632 = arith.constant 7 : i32
      %broadcast_in_dim3A_633 = vector.broadcast %broadcast_in_dim3A_632 : i32 to vector<16x1xi32>
      %gather3A_634 = vector.shape_cast %broadcast_in_dim3A_633 : vector<16x1xi32> to vector<16xi32>
      %gather3A_635 = tpu.dynamic_gather %select_n3A_356[%gather3A_634] in [0] : vector<16xf32>, vector<16xi32> -> vector<16xf32>
      %jit3A_636 = arith.constant 0.000000e+00 : f32
      %broadcast_in_dim3A_637 = vector.broadcast %jit3A_636 : f32 to vector<16xf32>
      %select_n3A_638 = arith.select %ge3A_631, %gather3A_635, %broadcast_in_dim3A_637 : vector<16xi1>, vector<16xf32>
      %add3A_639 = arith.addf %add3A_628, %select_n3A_638 : vector<16xf32>
      %ge3A_640 = arith.constant 8 : i32
      %ge3A_641 = vector.broadcast %ge3A_640 : i32 to vector<16xi32>
      %ge3A_642 = arith.cmpi sge, %iota3A, %ge3A_641 : vector<16xi32>
      %broadcast_in_dim3A_643 = arith.constant 8 : i32
      %broadcast_in_dim3A_644 = vector.broadcast %broadcast_in_dim3A_643 : i32 to vector<16x1xi32>
      %gather3A_645 = vector.shape_cast %broadcast_in_dim3A_644 : vector<16x1xi32> to vector<16xi32>
      %gather3A_646 = tpu.dynamic_gather %select_n3A_356[%gather3A_645] in [0] : vector<16xf32>, vector<16xi32> -> vector<16xf32>
      %jit3A_647 = arith.constant 0.000000e+00 : f32
      %broadcast_in_dim3A_648 = vector.broadcast %jit3A_647 : f32 to vector<16xf32>
      %select_n3A_649 = arith.select %ge3A_642, %gather3A_646, %broadcast_in_dim3A_648 : vector<16xi1>, vector<16xf32>
      %add3A_650 = arith.addf %add3A_639, %select_n3A_649 : vector<16xf32>
      %ge3A_651 = arith.constant 9 : i32
      %ge3A_652 = vector.broadcast %ge3A_651 : i32 to vector<16xi32>
      %ge3A_653 = arith.cmpi sge, %iota3A, %ge3A_652 : vector<16xi32>
      %broadcast_in_dim3A_654 = arith.constant 9 : i32
      %broadcast_in_dim3A_655 = vector.broadcast %broadcast_in_dim3A_654 : i32 to vector<16x1xi32>
      %gather3A_656 = vector.shape_cast %broadcast_in_dim3A_655 : vector<16x1xi32> to vector<16xi32>
      %gather3A_657 = tpu.dynamic_gather %select_n3A_356[%gather3A_656] in [0] : vector<16xf32>, vector<16xi32> -> vector<16xf32>
      %jit3A_658 = arith.constant 0.000000e+00 : f32
      %broadcast_in_dim3A_659 = vector.broadcast %jit3A_658 : f32 to vector<16xf32>
      %select_n3A_660 = arith.select %ge3A_653, %gather3A_657, %broadcast_in_dim3A_659 : vector<16xi1>, vector<16xf32>
      %add3A_661 = arith.addf %add3A_650, %select_n3A_660 : vector<16xf32>
      %ge3A_662 = arith.constant 10 : i32
      %ge3A_663 = vector.broadcast %ge3A_662 : i32 to vector<16xi32>
      %ge3A_664 = arith.cmpi sge, %iota3A, %ge3A_663 : vector<16xi32>
      %broadcast_in_dim3A_665 = arith.constant 10 : i32
      %broadcast_in_dim3A_666 = vector.broadcast %broadcast_in_dim3A_665 : i32 to vector<16x1xi32>
      %gather3A_667 = vector.shape_cast %broadcast_in_dim3A_666 : vector<16x1xi32> to vector<16xi32>
      %gather3A_668 = tpu.dynamic_gather %select_n3A_356[%gather3A_667] in [0] : vector<16xf32>, vector<16xi32> -> vector<16xf32>
      %jit3A_669 = arith.constant 0.000000e+00 : f32
      %broadcast_in_dim3A_670 = vector.broadcast %jit3A_669 : f32 to vector<16xf32>
      %select_n3A_671 = arith.select %ge3A_664, %gather3A_668, %broadcast_in_dim3A_670 : vector<16xi1>, vector<16xf32>
      %add3A_672 = arith.addf %add3A_661, %select_n3A_671 : vector<16xf32>
      %ge3A_673 = arith.constant 11 : i32
      %ge3A_674 = vector.broadcast %ge3A_673 : i32 to vector<16xi32>
      %ge3A_675 = arith.cmpi sge, %iota3A, %ge3A_674 : vector<16xi32>
      %broadcast_in_dim3A_676 = arith.constant 11 : i32
      %broadcast_in_dim3A_677 = vector.broadcast %broadcast_in_dim3A_676 : i32 to vector<16x1xi32>
      %gather3A_678 = vector.shape_cast %broadcast_in_dim3A_677 : vector<16x1xi32> to vector<16xi32>
      %gather3A_679 = tpu.dynamic_gather %select_n3A_356[%gather3A_678] in [0] : vector<16xf32>, vector<16xi32> -> vector<16xf32>
      %jit3A_680 = arith.constant 0.000000e+00 : f32
      %broadcast_in_dim3A_681 = vector.broadcast %jit3A_680 : f32 to vector<16xf32>
      %select_n3A_682 = arith.select %ge3A_675, %gather3A_679, %broadcast_in_dim3A_681 : vector<16xi1>, vector<16xf32>
      %add3A_683 = arith.addf %add3A_672, %select_n3A_682 : vector<16xf32>
      %ge3A_684 = arith.constant 12 : i32
      %ge3A_685 = vector.broadcast %ge3A_684 : i32 to vector<16xi32>
      %ge3A_686 = arith.cmpi sge, %iota3A, %ge3A_685 : vector<16xi32>
      %broadcast_in_dim3A_687 = arith.constant 12 : i32
      %broadcast_in_dim3A_688 = vector.broadcast %broadcast_in_dim3A_687 : i32 to vector<16x1xi32>
      %gather3A_689 = vector.shape_cast %broadcast_in_dim3A_688 : vector<16x1xi32> to vector<16xi32>
      %gather3A_690 = tpu.dynamic_gather %select_n3A_356[%gather3A_689] in [0] : vector<16xf32>, vector<16xi32> -> vector<16xf32>
      %jit3A_691 = arith.constant 0.000000e+00 : f32
      %broadcast_in_dim3A_692 = vector.broadcast %jit3A_691 : f32 to vector<16xf32>
      %select_n3A_693 = arith.select %ge3A_686, %gather3A_690, %broadcast_in_dim3A_692 : vector<16xi1>, vector<16xf32>
      %add3A_694 = arith.addf %add3A_683, %select_n3A_693 : vector<16xf32>
      %ge3A_695 = arith.constant 13 : i32
      %ge3A_696 = vector.broadcast %ge3A_695 : i32 to vector<16xi32>
      %ge3A_697 = arith.cmpi sge, %iota3A, %ge3A_696 : vector<16xi32>
      %broadcast_in_dim3A_698 = arith.constant 13 : i32
      %broadcast_in_dim3A_699 = vector.broadcast %broadcast_in_dim3A_698 : i32 to vector<16x1xi32>
      %gather3A_700 = vector.shape_cast %broadcast_in_dim3A_699 : vector<16x1xi32> to vector<16xi32>
      %gather3A_701 = tpu.dynamic_gather %select_n3A_356[%gather3A_700] in [0] : vector<16xf32>, vector<16xi32> -> vector<16xf32>
      %jit3A_702 = arith.constant 0.000000e+00 : f32
      %broadcast_in_dim3A_703 = vector.broadcast %jit3A_702 : f32 to vector<16xf32>
      %select_n3A_704 = arith.select %ge3A_697, %gather3A_701, %broadcast_in_dim3A_703 : vector<16xi1>, vector<16xf32>
      %add3A_705 = arith.addf %add3A_694, %select_n3A_704 : vector<16xf32>
      %ge3A_706 = arith.constant 14 : i32
      %ge3A_707 = vector.broadcast %ge3A_706 : i32 to vector<16xi32>
      %ge3A_708 = arith.cmpi sge, %iota3A, %ge3A_707 : vector<16xi32>
      %broadcast_in_dim3A_709 = arith.constant 14 : i32
      %broadcast_in_dim3A_710 = vector.broadcast %broadcast_in_dim3A_709 : i32 to vector<16x1xi32>
      %gather3A_711 = vector.shape_cast %broadcast_in_dim3A_710 : vector<16x1xi32> to vector<16xi32>
      %gather3A_712 = tpu.dynamic_gather %select_n3A_356[%gather3A_711] in [0] : vector<16xf32>, vector<16xi32> -> vector<16xf32>
      %jit3A_713 = arith.constant 0.000000e+00 : f32
      %broadcast_in_dim3A_714 = vector.broadcast %jit3A_713 : f32 to vector<16xf32>
      %select_n3A_715 = arith.select %ge3A_708, %gather3A_712, %broadcast_in_dim3A_714 : vector<16xi1>, vector<16xf32>
      %add3A_716 = arith.addf %add3A_705, %select_n3A_715 : vector<16xf32>
      %ge3A_717 = arith.constant 15 : i32
      %ge3A_718 = vector.broadcast %ge3A_717 : i32 to vector<16xi32>
      %ge3A_719 = arith.cmpi sge, %iota3A, %ge3A_718 : vector<16xi32>
      %broadcast_in_dim3A_720 = arith.constant 15 : i32
      %broadcast_in_dim3A_721 = vector.broadcast %broadcast_in_dim3A_720 : i32 to vector<16x1xi32>
      %gather3A_722 = vector.shape_cast %broadcast_in_dim3A_721 : vector<16x1xi32> to vector<16xi32>
      %gather3A_723 = tpu.dynamic_gather %select_n3A_356[%gather3A_722] in [0] : vector<16xf32>, vector<16xi32> -> vector<16xf32>
      %jit3A_724 = arith.constant 0.000000e+00 : f32
      %broadcast_in_dim3A_725 = vector.broadcast %jit3A_724 : f32 to vector<16xf32>
      %select_n3A_726 = arith.select %ge3A_719, %gather3A_723, %broadcast_in_dim3A_725 : vector<16xi1>, vector<16xf32>
      %add3A_727 = arith.addf %add3A_716, %select_n3A_726 : vector<16xf32>
      %sub3A_728 = arith.subf %add3A_727, %select_n3A_356 : vector<16xf32>
      %broadcast_in_dim3A_729 = arith.constant 15 : i32
      %broadcast_in_dim3A_730 = vector.broadcast %broadcast_in_dim3A_729 : i32 to vector<16x1xi32>
      %gather3A_731 = vector.shape_cast %broadcast_in_dim3A_730 : vector<16x1xi32> to vector<16xi32>
      %gather3A_732 = tpu.dynamic_gather %add3A_727[%gather3A_731] in [0] : vector<16xf32>, vector<16xi32> -> vector<16xf32>
      %ge3A_733 = arith.constant 0 : i32
      %ge3A_734 = vector.broadcast %ge3A_733 : i32 to vector<16xi32>
      %ge3A_735 = arith.cmpi sge, %iota3A, %ge3A_734 : vector<16xi32>
      %broadcast_in_dim3A_736 = arith.constant 0 : i32
      %broadcast_in_dim3A_737 = vector.broadcast %broadcast_in_dim3A_736 : i32 to vector<16x1xi32>
      %gather3A_738 = vector.shape_cast %broadcast_in_dim3A_737 : vector<16x1xi32> to vector<16xi32>
      %gather3A_739 = tpu.dynamic_gather %select_n3A_364[%gather3A_738] in [0] : vector<16xf32>, vector<16xi32> -> vector<16xf32>
      %jit3A_740 = arith.constant 0.000000e+00 : f32
      %broadcast_in_dim3A_741 = vector.broadcast %jit3A_740 : f32 to vector<16xf32>
      %select_n3A_742 = arith.select %ge3A_735, %gather3A_739, %broadcast_in_dim3A_741 : vector<16xi1>, vector<16xf32>
      %add3A_743 = arith.addf %gather3A_732, %select_n3A_742 : vector<16xf32>
      %ge3A_744 = arith.constant 1 : i32
      %ge3A_745 = vector.broadcast %ge3A_744 : i32 to vector<16xi32>
      %ge3A_746 = arith.cmpi sge, %iota3A, %ge3A_745 : vector<16xi32>
      %broadcast_in_dim3A_747 = arith.constant 1 : i32
      %broadcast_in_dim3A_748 = vector.broadcast %broadcast_in_dim3A_747 : i32 to vector<16x1xi32>
      %gather3A_749 = vector.shape_cast %broadcast_in_dim3A_748 : vector<16x1xi32> to vector<16xi32>
      %gather3A_750 = tpu.dynamic_gather %select_n3A_364[%gather3A_749] in [0] : vector<16xf32>, vector<16xi32> -> vector<16xf32>
      %jit3A_751 = arith.constant 0.000000e+00 : f32
      %broadcast_in_dim3A_752 = vector.broadcast %jit3A_751 : f32 to vector<16xf32>
      %select_n3A_753 = arith.select %ge3A_746, %gather3A_750, %broadcast_in_dim3A_752 : vector<16xi1>, vector<16xf32>
      %add3A_754 = arith.addf %add3A_743, %select_n3A_753 : vector<16xf32>
      %ge3A_755 = arith.constant 2 : i32
      %ge3A_756 = vector.broadcast %ge3A_755 : i32 to vector<16xi32>
      %ge3A_757 = arith.cmpi sge, %iota3A, %ge3A_756 : vector<16xi32>
      %broadcast_in_dim3A_758 = arith.constant 2 : i32
      %broadcast_in_dim3A_759 = vector.broadcast %broadcast_in_dim3A_758 : i32 to vector<16x1xi32>
      %gather3A_760 = vector.shape_cast %broadcast_in_dim3A_759 : vector<16x1xi32> to vector<16xi32>
      %gather3A_761 = tpu.dynamic_gather %select_n3A_364[%gather3A_760] in [0] : vector<16xf32>, vector<16xi32> -> vector<16xf32>
      %jit3A_762 = arith.constant 0.000000e+00 : f32
      %broadcast_in_dim3A_763 = vector.broadcast %jit3A_762 : f32 to vector<16xf32>
      %select_n3A_764 = arith.select %ge3A_757, %gather3A_761, %broadcast_in_dim3A_763 : vector<16xi1>, vector<16xf32>
      %add3A_765 = arith.addf %add3A_754, %select_n3A_764 : vector<16xf32>
      %ge3A_766 = arith.constant 3 : i32
      %ge3A_767 = vector.broadcast %ge3A_766 : i32 to vector<16xi32>
      %ge3A_768 = arith.cmpi sge, %iota3A, %ge3A_767 : vector<16xi32>
      %broadcast_in_dim3A_769 = arith.constant 3 : i32
      %broadcast_in_dim3A_770 = vector.broadcast %broadcast_in_dim3A_769 : i32 to vector<16x1xi32>
      %gather3A_771 = vector.shape_cast %broadcast_in_dim3A_770 : vector<16x1xi32> to vector<16xi32>
      %gather3A_772 = tpu.dynamic_gather %select_n3A_364[%gather3A_771] in [0] : vector<16xf32>, vector<16xi32> -> vector<16xf32>
      %jit3A_773 = arith.constant 0.000000e+00 : f32
      %broadcast_in_dim3A_774 = vector.broadcast %jit3A_773 : f32 to vector<16xf32>
      %select_n3A_775 = arith.select %ge3A_768, %gather3A_772, %broadcast_in_dim3A_774 : vector<16xi1>, vector<16xf32>
      %add3A_776 = arith.addf %add3A_765, %select_n3A_775 : vector<16xf32>
      %ge3A_777 = arith.constant 4 : i32
      %ge3A_778 = vector.broadcast %ge3A_777 : i32 to vector<16xi32>
      %ge3A_779 = arith.cmpi sge, %iota3A, %ge3A_778 : vector<16xi32>
      %broadcast_in_dim3A_780 = arith.constant 4 : i32
      %broadcast_in_dim3A_781 = vector.broadcast %broadcast_in_dim3A_780 : i32 to vector<16x1xi32>
      %gather3A_782 = vector.shape_cast %broadcast_in_dim3A_781 : vector<16x1xi32> to vector<16xi32>
      %gather3A_783 = tpu.dynamic_gather %select_n3A_364[%gather3A_782] in [0] : vector<16xf32>, vector<16xi32> -> vector<16xf32>
      %jit3A_784 = arith.constant 0.000000e+00 : f32
      %broadcast_in_dim3A_785 = vector.broadcast %jit3A_784 : f32 to vector<16xf32>
      %select_n3A_786 = arith.select %ge3A_779, %gather3A_783, %broadcast_in_dim3A_785 : vector<16xi1>, vector<16xf32>
      %add3A_787 = arith.addf %add3A_776, %select_n3A_786 : vector<16xf32>
      %ge3A_788 = arith.constant 5 : i32
      %ge3A_789 = vector.broadcast %ge3A_788 : i32 to vector<16xi32>
      %ge3A_790 = arith.cmpi sge, %iota3A, %ge3A_789 : vector<16xi32>
      %broadcast_in_dim3A_791 = arith.constant 5 : i32
      %broadcast_in_dim3A_792 = vector.broadcast %broadcast_in_dim3A_791 : i32 to vector<16x1xi32>
      %gather3A_793 = vector.shape_cast %broadcast_in_dim3A_792 : vector<16x1xi32> to vector<16xi32>
      %gather3A_794 = tpu.dynamic_gather %select_n3A_364[%gather3A_793] in [0] : vector<16xf32>, vector<16xi32> -> vector<16xf32>
      %jit3A_795 = arith.constant 0.000000e+00 : f32
      %broadcast_in_dim3A_796 = vector.broadcast %jit3A_795 : f32 to vector<16xf32>
      %select_n3A_797 = arith.select %ge3A_790, %gather3A_794, %broadcast_in_dim3A_796 : vector<16xi1>, vector<16xf32>
      %add3A_798 = arith.addf %add3A_787, %select_n3A_797 : vector<16xf32>
      %ge3A_799 = arith.constant 6 : i32
      %ge3A_800 = vector.broadcast %ge3A_799 : i32 to vector<16xi32>
      %ge3A_801 = arith.cmpi sge, %iota3A, %ge3A_800 : vector<16xi32>
      %broadcast_in_dim3A_802 = arith.constant 6 : i32
      %broadcast_in_dim3A_803 = vector.broadcast %broadcast_in_dim3A_802 : i32 to vector<16x1xi32>
      %gather3A_804 = vector.shape_cast %broadcast_in_dim3A_803 : vector<16x1xi32> to vector<16xi32>
      %gather3A_805 = tpu.dynamic_gather %select_n3A_364[%gather3A_804] in [0] : vector<16xf32>, vector<16xi32> -> vector<16xf32>
      %jit3A_806 = arith.constant 0.000000e+00 : f32
      %broadcast_in_dim3A_807 = vector.broadcast %jit3A_806 : f32 to vector<16xf32>
      %select_n3A_808 = arith.select %ge3A_801, %gather3A_805, %broadcast_in_dim3A_807 : vector<16xi1>, vector<16xf32>
      %add3A_809 = arith.addf %add3A_798, %select_n3A_808 : vector<16xf32>
      %ge3A_810 = arith.constant 7 : i32
      %ge3A_811 = vector.broadcast %ge3A_810 : i32 to vector<16xi32>
      %ge3A_812 = arith.cmpi sge, %iota3A, %ge3A_811 : vector<16xi32>
      %broadcast_in_dim3A_813 = arith.constant 7 : i32
      %broadcast_in_dim3A_814 = vector.broadcast %broadcast_in_dim3A_813 : i32 to vector<16x1xi32>
      %gather3A_815 = vector.shape_cast %broadcast_in_dim3A_814 : vector<16x1xi32> to vector<16xi32>
      %gather3A_816 = tpu.dynamic_gather %select_n3A_364[%gather3A_815] in [0] : vector<16xf32>, vector<16xi32> -> vector<16xf32>
      %jit3A_817 = arith.constant 0.000000e+00 : f32
      %broadcast_in_dim3A_818 = vector.broadcast %jit3A_817 : f32 to vector<16xf32>
      %select_n3A_819 = arith.select %ge3A_812, %gather3A_816, %broadcast_in_dim3A_818 : vector<16xi1>, vector<16xf32>
      %add3A_820 = arith.addf %add3A_809, %select_n3A_819 : vector<16xf32>
      %ge3A_821 = arith.constant 8 : i32
      %ge3A_822 = vector.broadcast %ge3A_821 : i32 to vector<16xi32>
      %ge3A_823 = arith.cmpi sge, %iota3A, %ge3A_822 : vector<16xi32>
      %broadcast_in_dim3A_824 = arith.constant 8 : i32
      %broadcast_in_dim3A_825 = vector.broadcast %broadcast_in_dim3A_824 : i32 to vector<16x1xi32>
      %gather3A_826 = vector.shape_cast %broadcast_in_dim3A_825 : vector<16x1xi32> to vector<16xi32>
      %gather3A_827 = tpu.dynamic_gather %select_n3A_364[%gather3A_826] in [0] : vector<16xf32>, vector<16xi32> -> vector<16xf32>
      %jit3A_828 = arith.constant 0.000000e+00 : f32
      %broadcast_in_dim3A_829 = vector.broadcast %jit3A_828 : f32 to vector<16xf32>
      %select_n3A_830 = arith.select %ge3A_823, %gather3A_827, %broadcast_in_dim3A_829 : vector<16xi1>, vector<16xf32>
      %add3A_831 = arith.addf %add3A_820, %select_n3A_830 : vector<16xf32>
      %ge3A_832 = arith.constant 9 : i32
      %ge3A_833 = vector.broadcast %ge3A_832 : i32 to vector<16xi32>
      %ge3A_834 = arith.cmpi sge, %iota3A, %ge3A_833 : vector<16xi32>
      %broadcast_in_dim3A_835 = arith.constant 9 : i32
      %broadcast_in_dim3A_836 = vector.broadcast %broadcast_in_dim3A_835 : i32 to vector<16x1xi32>
      %gather3A_837 = vector.shape_cast %broadcast_in_dim3A_836 : vector<16x1xi32> to vector<16xi32>
      %gather3A_838 = tpu.dynamic_gather %select_n3A_364[%gather3A_837] in [0] : vector<16xf32>, vector<16xi32> -> vector<16xf32>
      %jit3A_839 = arith.constant 0.000000e+00 : f32
      %broadcast_in_dim3A_840 = vector.broadcast %jit3A_839 : f32 to vector<16xf32>
      %select_n3A_841 = arith.select %ge3A_834, %gather3A_838, %broadcast_in_dim3A_840 : vector<16xi1>, vector<16xf32>
      %add3A_842 = arith.addf %add3A_831, %select_n3A_841 : vector<16xf32>
      %ge3A_843 = arith.constant 10 : i32
      %ge3A_844 = vector.broadcast %ge3A_843 : i32 to vector<16xi32>
      %ge3A_845 = arith.cmpi sge, %iota3A, %ge3A_844 : vector<16xi32>
      %broadcast_in_dim3A_846 = arith.constant 10 : i32
      %broadcast_in_dim3A_847 = vector.broadcast %broadcast_in_dim3A_846 : i32 to vector<16x1xi32>
      %gather3A_848 = vector.shape_cast %broadcast_in_dim3A_847 : vector<16x1xi32> to vector<16xi32>
      %gather3A_849 = tpu.dynamic_gather %select_n3A_364[%gather3A_848] in [0] : vector<16xf32>, vector<16xi32> -> vector<16xf32>
      %jit3A_850 = arith.constant 0.000000e+00 : f32
      %broadcast_in_dim3A_851 = vector.broadcast %jit3A_850 : f32 to vector<16xf32>
      %select_n3A_852 = arith.select %ge3A_845, %gather3A_849, %broadcast_in_dim3A_851 : vector<16xi1>, vector<16xf32>
      %add3A_853 = arith.addf %add3A_842, %select_n3A_852 : vector<16xf32>
      %ge3A_854 = arith.constant 11 : i32
      %ge3A_855 = vector.broadcast %ge3A_854 : i32 to vector<16xi32>
      %ge3A_856 = arith.cmpi sge, %iota3A, %ge3A_855 : vector<16xi32>
      %broadcast_in_dim3A_857 = arith.constant 11 : i32
      %broadcast_in_dim3A_858 = vector.broadcast %broadcast_in_dim3A_857 : i32 to vector<16x1xi32>
      %gather3A_859 = vector.shape_cast %broadcast_in_dim3A_858 : vector<16x1xi32> to vector<16xi32>
      %gather3A_860 = tpu.dynamic_gather %select_n3A_364[%gather3A_859] in [0] : vector<16xf32>, vector<16xi32> -> vector<16xf32>
      %jit3A_861 = arith.constant 0.000000e+00 : f32
      %broadcast_in_dim3A_862 = vector.broadcast %jit3A_861 : f32 to vector<16xf32>
      %select_n3A_863 = arith.select %ge3A_856, %gather3A_860, %broadcast_in_dim3A_862 : vector<16xi1>, vector<16xf32>
      %add3A_864 = arith.addf %add3A_853, %select_n3A_863 : vector<16xf32>
      %ge3A_865 = arith.constant 12 : i32
      %ge3A_866 = vector.broadcast %ge3A_865 : i32 to vector<16xi32>
      %ge3A_867 = arith.cmpi sge, %iota3A, %ge3A_866 : vector<16xi32>
      %broadcast_in_dim3A_868 = arith.constant 12 : i32
      %broadcast_in_dim3A_869 = vector.broadcast %broadcast_in_dim3A_868 : i32 to vector<16x1xi32>
      %gather3A_870 = vector.shape_cast %broadcast_in_dim3A_869 : vector<16x1xi32> to vector<16xi32>
      %gather3A_871 = tpu.dynamic_gather %select_n3A_364[%gather3A_870] in [0] : vector<16xf32>, vector<16xi32> -> vector<16xf32>
      %jit3A_872 = arith.constant 0.000000e+00 : f32
      %broadcast_in_dim3A_873 = vector.broadcast %jit3A_872 : f32 to vector<16xf32>
      %select_n3A_874 = arith.select %ge3A_867, %gather3A_871, %broadcast_in_dim3A_873 : vector<16xi1>, vector<16xf32>
      %add3A_875 = arith.addf %add3A_864, %select_n3A_874 : vector<16xf32>
      %ge3A_876 = arith.constant 13 : i32
      %ge3A_877 = vector.broadcast %ge3A_876 : i32 to vector<16xi32>
      %ge3A_878 = arith.cmpi sge, %iota3A, %ge3A_877 : vector<16xi32>
      %broadcast_in_dim3A_879 = arith.constant 13 : i32
      %broadcast_in_dim3A_880 = vector.broadcast %broadcast_in_dim3A_879 : i32 to vector<16x1xi32>
      %gather3A_881 = vector.shape_cast %broadcast_in_dim3A_880 : vector<16x1xi32> to vector<16xi32>
      %gather3A_882 = tpu.dynamic_gather %select_n3A_364[%gather3A_881] in [0] : vector<16xf32>, vector<16xi32> -> vector<16xf32>
      %jit3A_883 = arith.constant 0.000000e+00 : f32
      %broadcast_in_dim3A_884 = vector.broadcast %jit3A_883 : f32 to vector<16xf32>
      %select_n3A_885 = arith.select %ge3A_878, %gather3A_882, %broadcast_in_dim3A_884 : vector<16xi1>, vector<16xf32>
      %add3A_886 = arith.addf %add3A_875, %select_n3A_885 : vector<16xf32>
      %ge3A_887 = arith.constant 14 : i32
      %ge3A_888 = vector.broadcast %ge3A_887 : i32 to vector<16xi32>
      %ge3A_889 = arith.cmpi sge, %iota3A, %ge3A_888 : vector<16xi32>
      %broadcast_in_dim3A_890 = arith.constant 14 : i32
      %broadcast_in_dim3A_891 = vector.broadcast %broadcast_in_dim3A_890 : i32 to vector<16x1xi32>
      %gather3A_892 = vector.shape_cast %broadcast_in_dim3A_891 : vector<16x1xi32> to vector<16xi32>
      %gather3A_893 = tpu.dynamic_gather %select_n3A_364[%gather3A_892] in [0] : vector<16xf32>, vector<16xi32> -> vector<16xf32>
      %jit3A_894 = arith.constant 0.000000e+00 : f32
      %broadcast_in_dim3A_895 = vector.broadcast %jit3A_894 : f32 to vector<16xf32>
      %select_n3A_896 = arith.select %ge3A_889, %gather3A_893, %broadcast_in_dim3A_895 : vector<16xi1>, vector<16xf32>
      %add3A_897 = arith.addf %add3A_886, %select_n3A_896 : vector<16xf32>
      %ge3A_898 = arith.constant 15 : i32
      %ge3A_899 = vector.broadcast %ge3A_898 : i32 to vector<16xi32>
      %ge3A_900 = arith.cmpi sge, %iota3A, %ge3A_899 : vector<16xi32>
      %broadcast_in_dim3A_901 = arith.constant 15 : i32
      %broadcast_in_dim3A_902 = vector.broadcast %broadcast_in_dim3A_901 : i32 to vector<16x1xi32>
      %gather3A_903 = vector.shape_cast %broadcast_in_dim3A_902 : vector<16x1xi32> to vector<16xi32>
      %gather3A_904 = tpu.dynamic_gather %select_n3A_364[%gather3A_903] in [0] : vector<16xf32>, vector<16xi32> -> vector<16xf32>
      %jit3A_905 = arith.constant 0.000000e+00 : f32
      %broadcast_in_dim3A_906 = vector.broadcast %jit3A_905 : f32 to vector<16xf32>
      %select_n3A_907 = arith.select %ge3A_900, %gather3A_904, %broadcast_in_dim3A_906 : vector<16xi1>, vector<16xf32>
      %add3A_908 = arith.addf %add3A_897, %select_n3A_907 : vector<16xf32>
      %sub3A_909 = arith.subf %add3A_908, %select_n3A_364 : vector<16xf32>
      %broadcast_in_dim3A_910 = arith.constant 15 : i32
      %broadcast_in_dim3A_911 = vector.broadcast %broadcast_in_dim3A_910 : i32 to vector<16x1xi32>
      %gather3A_912 = vector.shape_cast %broadcast_in_dim3A_911 : vector<16x1xi32> to vector<16xi32>
      %gather3A_913 = tpu.dynamic_gather %add3A_908[%gather3A_912] in [0] : vector<16xf32>, vector<16xi32> -> vector<16xf32>
      %ge3A_914 = arith.constant 0 : i32
      %ge3A_915 = vector.broadcast %ge3A_914 : i32 to vector<16xi32>
      %ge3A_916 = arith.cmpi sge, %iota3A, %ge3A_915 : vector<16xi32>
      %broadcast_in_dim3A_917 = arith.constant 0 : i32
      %broadcast_in_dim3A_918 = vector.broadcast %broadcast_in_dim3A_917 : i32 to vector<16x1xi32>
      %gather3A_919 = vector.shape_cast %broadcast_in_dim3A_918 : vector<16x1xi32> to vector<16xi32>
      %gather3A_920 = tpu.dynamic_gather %select_n3A_372[%gather3A_919] in [0] : vector<16xf32>, vector<16xi32> -> vector<16xf32>
      %jit3A_921 = arith.constant 0.000000e+00 : f32
      %broadcast_in_dim3A_922 = vector.broadcast %jit3A_921 : f32 to vector<16xf32>
      %select_n3A_923 = arith.select %ge3A_916, %gather3A_920, %broadcast_in_dim3A_922 : vector<16xi1>, vector<16xf32>
      %add3A_924 = arith.addf %gather3A_913, %select_n3A_923 : vector<16xf32>
      %ge3A_925 = arith.constant 1 : i32
      %ge3A_926 = vector.broadcast %ge3A_925 : i32 to vector<16xi32>
      %ge3A_927 = arith.cmpi sge, %iota3A, %ge3A_926 : vector<16xi32>
      %broadcast_in_dim3A_928 = arith.constant 1 : i32
      %broadcast_in_dim3A_929 = vector.broadcast %broadcast_in_dim3A_928 : i32 to vector<16x1xi32>
      %gather3A_930 = vector.shape_cast %broadcast_in_dim3A_929 : vector<16x1xi32> to vector<16xi32>
      %gather3A_931 = tpu.dynamic_gather %select_n3A_372[%gather3A_930] in [0] : vector<16xf32>, vector<16xi32> -> vector<16xf32>
      %jit3A_932 = arith.constant 0.000000e+00 : f32
      %broadcast_in_dim3A_933 = vector.broadcast %jit3A_932 : f32 to vector<16xf32>
      %select_n3A_934 = arith.select %ge3A_927, %gather3A_931, %broadcast_in_dim3A_933 : vector<16xi1>, vector<16xf32>
      %add3A_935 = arith.addf %add3A_924, %select_n3A_934 : vector<16xf32>
      %ge3A_936 = arith.constant 2 : i32
      %ge3A_937 = vector.broadcast %ge3A_936 : i32 to vector<16xi32>
      %ge3A_938 = arith.cmpi sge, %iota3A, %ge3A_937 : vector<16xi32>
      %broadcast_in_dim3A_939 = arith.constant 2 : i32
      %broadcast_in_dim3A_940 = vector.broadcast %broadcast_in_dim3A_939 : i32 to vector<16x1xi32>
      %gather3A_941 = vector.shape_cast %broadcast_in_dim3A_940 : vector<16x1xi32> to vector<16xi32>
      %gather3A_942 = tpu.dynamic_gather %select_n3A_372[%gather3A_941] in [0] : vector<16xf32>, vector<16xi32> -> vector<16xf32>
      %jit3A_943 = arith.constant 0.000000e+00 : f32
      %broadcast_in_dim3A_944 = vector.broadcast %jit3A_943 : f32 to vector<16xf32>
      %select_n3A_945 = arith.select %ge3A_938, %gather3A_942, %broadcast_in_dim3A_944 : vector<16xi1>, vector<16xf32>
      %add3A_946 = arith.addf %add3A_935, %select_n3A_945 : vector<16xf32>
      %ge3A_947 = arith.constant 3 : i32
      %ge3A_948 = vector.broadcast %ge3A_947 : i32 to vector<16xi32>
      %ge3A_949 = arith.cmpi sge, %iota3A, %ge3A_948 : vector<16xi32>
      %broadcast_in_dim3A_950 = arith.constant 3 : i32
      %broadcast_in_dim3A_951 = vector.broadcast %broadcast_in_dim3A_950 : i32 to vector<16x1xi32>
      %gather3A_952 = vector.shape_cast %broadcast_in_dim3A_951 : vector<16x1xi32> to vector<16xi32>
      %gather3A_953 = tpu.dynamic_gather %select_n3A_372[%gather3A_952] in [0] : vector<16xf32>, vector<16xi32> -> vector<16xf32>
      %jit3A_954 = arith.constant 0.000000e+00 : f32
      %broadcast_in_dim3A_955 = vector.broadcast %jit3A_954 : f32 to vector<16xf32>
      %select_n3A_956 = arith.select %ge3A_949, %gather3A_953, %broadcast_in_dim3A_955 : vector<16xi1>, vector<16xf32>
      %add3A_957 = arith.addf %add3A_946, %select_n3A_956 : vector<16xf32>
      %ge3A_958 = arith.constant 4 : i32
      %ge3A_959 = vector.broadcast %ge3A_958 : i32 to vector<16xi32>
      %ge3A_960 = arith.cmpi sge, %iota3A, %ge3A_959 : vector<16xi32>
      %broadcast_in_dim3A_961 = arith.constant 4 : i32
      %broadcast_in_dim3A_962 = vector.broadcast %broadcast_in_dim3A_961 : i32 to vector<16x1xi32>
      %gather3A_963 = vector.shape_cast %broadcast_in_dim3A_962 : vector<16x1xi32> to vector<16xi32>
      %gather3A_964 = tpu.dynamic_gather %select_n3A_372[%gather3A_963] in [0] : vector<16xf32>, vector<16xi32> -> vector<16xf32>
      %jit3A_965 = arith.constant 0.000000e+00 : f32
      %broadcast_in_dim3A_966 = vector.broadcast %jit3A_965 : f32 to vector<16xf32>
      %select_n3A_967 = arith.select %ge3A_960, %gather3A_964, %broadcast_in_dim3A_966 : vector<16xi1>, vector<16xf32>
      %add3A_968 = arith.addf %add3A_957, %select_n3A_967 : vector<16xf32>
      %ge3A_969 = arith.constant 5 : i32
      %ge3A_970 = vector.broadcast %ge3A_969 : i32 to vector<16xi32>
      %ge3A_971 = arith.cmpi sge, %iota3A, %ge3A_970 : vector<16xi32>
      %broadcast_in_dim3A_972 = arith.constant 5 : i32
      %broadcast_in_dim3A_973 = vector.broadcast %broadcast_in_dim3A_972 : i32 to vector<16x1xi32>
      %gather3A_974 = vector.shape_cast %broadcast_in_dim3A_973 : vector<16x1xi32> to vector<16xi32>
      %gather3A_975 = tpu.dynamic_gather %select_n3A_372[%gather3A_974] in [0] : vector<16xf32>, vector<16xi32> -> vector<16xf32>
      %jit3A_976 = arith.constant 0.000000e+00 : f32
      %broadcast_in_dim3A_977 = vector.broadcast %jit3A_976 : f32 to vector<16xf32>
      %select_n3A_978 = arith.select %ge3A_971, %gather3A_975, %broadcast_in_dim3A_977 : vector<16xi1>, vector<16xf32>
      %add3A_979 = arith.addf %add3A_968, %select_n3A_978 : vector<16xf32>
      %ge3A_980 = arith.constant 6 : i32
      %ge3A_981 = vector.broadcast %ge3A_980 : i32 to vector<16xi32>
      %ge3A_982 = arith.cmpi sge, %iota3A, %ge3A_981 : vector<16xi32>
      %broadcast_in_dim3A_983 = arith.constant 6 : i32
      %broadcast_in_dim3A_984 = vector.broadcast %broadcast_in_dim3A_983 : i32 to vector<16x1xi32>
      %gather3A_985 = vector.shape_cast %broadcast_in_dim3A_984 : vector<16x1xi32> to vector<16xi32>
      %gather3A_986 = tpu.dynamic_gather %select_n3A_372[%gather3A_985] in [0] : vector<16xf32>, vector<16xi32> -> vector<16xf32>
      %jit3A_987 = arith.constant 0.000000e+00 : f32
      %broadcast_in_dim3A_988 = vector.broadcast %jit3A_987 : f32 to vector<16xf32>
      %select_n3A_989 = arith.select %ge3A_982, %gather3A_986, %broadcast_in_dim3A_988 : vector<16xi1>, vector<16xf32>
      %add3A_990 = arith.addf %add3A_979, %select_n3A_989 : vector<16xf32>
      %ge3A_991 = arith.constant 7 : i32
      %ge3A_992 = vector.broadcast %ge3A_991 : i32 to vector<16xi32>
      %ge3A_993 = arith.cmpi sge, %iota3A, %ge3A_992 : vector<16xi32>
      %broadcast_in_dim3A_994 = arith.constant 7 : i32
      %broadcast_in_dim3A_995 = vector.broadcast %broadcast_in_dim3A_994 : i32 to vector<16x1xi32>
      %gather3A_996 = vector.shape_cast %broadcast_in_dim3A_995 : vector<16x1xi32> to vector<16xi32>
      %gather3A_997 = tpu.dynamic_gather %select_n3A_372[%gather3A_996] in [0] : vector<16xf32>, vector<16xi32> -> vector<16xf32>
      %jit3A_998 = arith.constant 0.000000e+00 : f32
      %broadcast_in_dim3A_999 = vector.broadcast %jit3A_998 : f32 to vector<16xf32>
      %select_n3A_1000 = arith.select %ge3A_993, %gather3A_997, %broadcast_in_dim3A_999 : vector<16xi1>, vector<16xf32>
      %add3A_1001 = arith.addf %add3A_990, %select_n3A_1000 : vector<16xf32>
      %ge3A_1002 = arith.constant 8 : i32
      %ge3A_1003 = vector.broadcast %ge3A_1002 : i32 to vector<16xi32>
      %ge3A_1004 = arith.cmpi sge, %iota3A, %ge3A_1003 : vector<16xi32>
      %broadcast_in_dim3A_1005 = arith.constant 8 : i32
      %broadcast_in_dim3A_1006 = vector.broadcast %broadcast_in_dim3A_1005 : i32 to vector<16x1xi32>
      %gather3A_1007 = vector.shape_cast %broadcast_in_dim3A_1006 : vector<16x1xi32> to vector<16xi32>
      %gather3A_1008 = tpu.dynamic_gather %select_n3A_372[%gather3A_1007] in [0] : vector<16xf32>, vector<16xi32> -> vector<16xf32>
      %jit3A_1009 = arith.constant 0.000000e+00 : f32
      %broadcast_in_dim3A_1010 = vector.broadcast %jit3A_1009 : f32 to vector<16xf32>
      %select_n3A_1011 = arith.select %ge3A_1004, %gather3A_1008, %broadcast_in_dim3A_1010 : vector<16xi1>, vector<16xf32>
      %add3A_1012 = arith.addf %add3A_1001, %select_n3A_1011 : vector<16xf32>
      %ge3A_1013 = arith.constant 9 : i32
      %ge3A_1014 = vector.broadcast %ge3A_1013 : i32 to vector<16xi32>
      %ge3A_1015 = arith.cmpi sge, %iota3A, %ge3A_1014 : vector<16xi32>
      %broadcast_in_dim3A_1016 = arith.constant 9 : i32
      %broadcast_in_dim3A_1017 = vector.broadcast %broadcast_in_dim3A_1016 : i32 to vector<16x1xi32>
      %gather3A_1018 = vector.shape_cast %broadcast_in_dim3A_1017 : vector<16x1xi32> to vector<16xi32>
      %gather3A_1019 = tpu.dynamic_gather %select_n3A_372[%gather3A_1018] in [0] : vector<16xf32>, vector<16xi32> -> vector<16xf32>
      %jit3A_1020 = arith.constant 0.000000e+00 : f32
      %broadcast_in_dim3A_1021 = vector.broadcast %jit3A_1020 : f32 to vector<16xf32>
      %select_n3A_1022 = arith.select %ge3A_1015, %gather3A_1019, %broadcast_in_dim3A_1021 : vector<16xi1>, vector<16xf32>
      %add3A_1023 = arith.addf %add3A_1012, %select_n3A_1022 : vector<16xf32>
      %ge3A_1024 = arith.constant 10 : i32
      %ge3A_1025 = vector.broadcast %ge3A_1024 : i32 to vector<16xi32>
      %ge3A_1026 = arith.cmpi sge, %iota3A, %ge3A_1025 : vector<16xi32>
      %broadcast_in_dim3A_1027 = arith.constant 10 : i32
      %broadcast_in_dim3A_1028 = vector.broadcast %broadcast_in_dim3A_1027 : i32 to vector<16x1xi32>
      %gather3A_1029 = vector.shape_cast %broadcast_in_dim3A_1028 : vector<16x1xi32> to vector<16xi32>
      %gather3A_1030 = tpu.dynamic_gather %select_n3A_372[%gather3A_1029] in [0] : vector<16xf32>, vector<16xi32> -> vector<16xf32>
      %jit3A_1031 = arith.constant 0.000000e+00 : f32
      %broadcast_in_dim3A_1032 = vector.broadcast %jit3A_1031 : f32 to vector<16xf32>
      %select_n3A_1033 = arith.select %ge3A_1026, %gather3A_1030, %broadcast_in_dim3A_1032 : vector<16xi1>, vector<16xf32>
      %add3A_1034 = arith.addf %add3A_1023, %select_n3A_1033 : vector<16xf32>
      %ge3A_1035 = arith.constant 11 : i32
      %ge3A_1036 = vector.broadcast %ge3A_1035 : i32 to vector<16xi32>
      %ge3A_1037 = arith.cmpi sge, %iota3A, %ge3A_1036 : vector<16xi32>
      %broadcast_in_dim3A_1038 = arith.constant 11 : i32
      %broadcast_in_dim3A_1039 = vector.broadcast %broadcast_in_dim3A_1038 : i32 to vector<16x1xi32>
      %gather3A_1040 = vector.shape_cast %broadcast_in_dim3A_1039 : vector<16x1xi32> to vector<16xi32>
      %gather3A_1041 = tpu.dynamic_gather %select_n3A_372[%gather3A_1040] in [0] : vector<16xf32>, vector<16xi32> -> vector<16xf32>
      %jit3A_1042 = arith.constant 0.000000e+00 : f32
      %broadcast_in_dim3A_1043 = vector.broadcast %jit3A_1042 : f32 to vector<16xf32>
      %select_n3A_1044 = arith.select %ge3A_1037, %gather3A_1041, %broadcast_in_dim3A_1043 : vector<16xi1>, vector<16xf32>
      %add3A_1045 = arith.addf %add3A_1034, %select_n3A_1044 : vector<16xf32>
      %ge3A_1046 = arith.constant 12 : i32
      %ge3A_1047 = vector.broadcast %ge3A_1046 : i32 to vector<16xi32>
      %ge3A_1048 = arith.cmpi sge, %iota3A, %ge3A_1047 : vector<16xi32>
      %broadcast_in_dim3A_1049 = arith.constant 12 : i32
      %broadcast_in_dim3A_1050 = vector.broadcast %broadcast_in_dim3A_1049 : i32 to vector<16x1xi32>
      %gather3A_1051 = vector.shape_cast %broadcast_in_dim3A_1050 : vector<16x1xi32> to vector<16xi32>
      %gather3A_1052 = tpu.dynamic_gather %select_n3A_372[%gather3A_1051] in [0] : vector<16xf32>, vector<16xi32> -> vector<16xf32>
      %jit3A_1053 = arith.constant 0.000000e+00 : f32
      %broadcast_in_dim3A_1054 = vector.broadcast %jit3A_1053 : f32 to vector<16xf32>
      %select_n3A_1055 = arith.select %ge3A_1048, %gather3A_1052, %broadcast_in_dim3A_1054 : vector<16xi1>, vector<16xf32>
      %add3A_1056 = arith.addf %add3A_1045, %select_n3A_1055 : vector<16xf32>
      %ge3A_1057 = arith.constant 13 : i32
      %ge3A_1058 = vector.broadcast %ge3A_1057 : i32 to vector<16xi32>
      %ge3A_1059 = arith.cmpi sge, %iota3A, %ge3A_1058 : vector<16xi32>
      %broadcast_in_dim3A_1060 = arith.constant 13 : i32
      %broadcast_in_dim3A_1061 = vector.broadcast %broadcast_in_dim3A_1060 : i32 to vector<16x1xi32>
      %gather3A_1062 = vector.shape_cast %broadcast_in_dim3A_1061 : vector<16x1xi32> to vector<16xi32>
      %gather3A_1063 = tpu.dynamic_gather %select_n3A_372[%gather3A_1062] in [0] : vector<16xf32>, vector<16xi32> -> vector<16xf32>
      %jit3A_1064 = arith.constant 0.000000e+00 : f32
      %broadcast_in_dim3A_1065 = vector.broadcast %jit3A_1064 : f32 to vector<16xf32>
      %select_n3A_1066 = arith.select %ge3A_1059, %gather3A_1063, %broadcast_in_dim3A_1065 : vector<16xi1>, vector<16xf32>
      %add3A_1067 = arith.addf %add3A_1056, %select_n3A_1066 : vector<16xf32>
      %ge3A_1068 = arith.constant 14 : i32
      %ge3A_1069 = vector.broadcast %ge3A_1068 : i32 to vector<16xi32>
      %ge3A_1070 = arith.cmpi sge, %iota3A, %ge3A_1069 : vector<16xi32>
      %broadcast_in_dim3A_1071 = arith.constant 14 : i32
      %broadcast_in_dim3A_1072 = vector.broadcast %broadcast_in_dim3A_1071 : i32 to vector<16x1xi32>
      %gather3A_1073 = vector.shape_cast %broadcast_in_dim3A_1072 : vector<16x1xi32> to vector<16xi32>
      %gather3A_1074 = tpu.dynamic_gather %select_n3A_372[%gather3A_1073] in [0] : vector<16xf32>, vector<16xi32> -> vector<16xf32>
      %jit3A_1075 = arith.constant 0.000000e+00 : f32
      %broadcast_in_dim3A_1076 = vector.broadcast %jit3A_1075 : f32 to vector<16xf32>
      %select_n3A_1077 = arith.select %ge3A_1070, %gather3A_1074, %broadcast_in_dim3A_1076 : vector<16xi1>, vector<16xf32>
      %add3A_1078 = arith.addf %add3A_1067, %select_n3A_1077 : vector<16xf32>
      %ge3A_1079 = arith.constant 15 : i32
      %ge3A_1080 = vector.broadcast %ge3A_1079 : i32 to vector<16xi32>
      %ge3A_1081 = arith.cmpi sge, %iota3A, %ge3A_1080 : vector<16xi32>
      %broadcast_in_dim3A_1082 = arith.constant 15 : i32
      %broadcast_in_dim3A_1083 = vector.broadcast %broadcast_in_dim3A_1082 : i32 to vector<16x1xi32>
      %gather3A_1084 = vector.shape_cast %broadcast_in_dim3A_1083 : vector<16x1xi32> to vector<16xi32>
      %gather3A_1085 = tpu.dynamic_gather %select_n3A_372[%gather3A_1084] in [0] : vector<16xf32>, vector<16xi32> -> vector<16xf32>
      %jit3A_1086 = arith.constant 0.000000e+00 : f32
      %broadcast_in_dim3A_1087 = vector.broadcast %jit3A_1086 : f32 to vector<16xf32>
      %select_n3A_1088 = arith.select %ge3A_1081, %gather3A_1085, %broadcast_in_dim3A_1087 : vector<16xi1>, vector<16xf32>
      %add3A_1089 = arith.addf %add3A_1078, %select_n3A_1088 : vector<16xf32>
      %sub3A_1090 = arith.subf %add3A_1089, %select_n3A_372 : vector<16xf32>
      %broadcast_in_dim3A_1091 = arith.constant 15 : i32
      %broadcast_in_dim3A_1092 = vector.broadcast %broadcast_in_dim3A_1091 : i32 to vector<16x1xi32>
      %gather3A_1093 = vector.shape_cast %broadcast_in_dim3A_1092 : vector<16x1xi32> to vector<16xi32>
      %gather3A_1094 = tpu.dynamic_gather %add3A_1089[%gather3A_1093] in [0] : vector<16xf32>, vector<16xi32> -> vector<16xf32>
      %broadcast_in_dim3A_1095 = arith.constant 0 : i32
      %broadcast_in_dim3A_1096 = vector.broadcast %broadcast_in_dim3A_1095 : i32 to vector<16x1xi32>
      %gather3A_1097 = vector.shape_cast %broadcast_in_dim3A_1096 : vector<16x1xi32> to vector<16xi32>
      %gather3A_1098 = tpu.dynamic_gather %add3A_547[%gather3A_1097] in [0] : vector<16xf32>, vector<16xi32> -> vector<16xf32>
      %sub3A_1099 = arith.subf %sub3A, %gather3A_1098 : vector<16xf32>
      %mul3A_1100 = arith.mulf %gather3A_234, %sub3A_1099 : vector<16xf32>
      %exp3A = math.exp %mul3A_1100 : vector<16xf32>
      %mul3A_1101 = arith.mulf %add3A_216, %exp3A : vector<16xf32>
      %le3A = arith.constant 0 : i32
      %le3A_1102 = vector.broadcast %le3A : i32 to vector<16xi32>
      %le3A_1103 = arith.cmpi sle, %iota3A, %le3A_1102 : vector<16xi32>
      %jit3A_1104 = arith.constant 0.000000e+00 : f32
      %broadcast_in_dim3A_1105 = vector.broadcast %jit3A_1104 : f32 to vector<16xf32>
      %select_n3A_1106 = arith.select %le3A_1103, %mul3A_1101, %broadcast_in_dim3A_1105 : vector<16xi1>, vector<16xf32>
      %add3A_1107 = arith.addf %broadcast_in_dim3A_15, %select_n3A_1106 : vector<16xf32>
      %le3A_1108 = arith.constant 2.000000e+00 : f32
      %le3A_1109 = vector.broadcast %le3A_1108 : f32 to vector<16xf32>
      %le3A_1110 = arith.cmpf ole, %le3A_1109, %max3A_336 : vector<16xf32>
      %jit3A_1111 = arith.constant 0.000000e+00 : f32
      %broadcast_in_dim3A_1112 = vector.broadcast %jit3A_1111 : f32 to vector<16xf32>
      %select_n3A_1113 = arith.select %le3A_1110, %add3A_1107, %broadcast_in_dim3A_1112 : vector<16xi1>, vector<16xf32>
      %add3A_1114 = arith.addf %broadcast_in_dim3A_15, %select_n3A_1113 : vector<16xf32>
      %broadcast_in_dim3A_1115 = arith.constant 1 : i32
      %broadcast_in_dim3A_1116 = vector.broadcast %broadcast_in_dim3A_1115 : i32 to vector<16x1xi32>
      %gather3A_1117 = vector.shape_cast %broadcast_in_dim3A_1116 : vector<16x1xi32> to vector<16xi32>
      %gather3A_1118 = tpu.dynamic_gather %add3A_547[%gather3A_1117] in [0] : vector<16xf32>, vector<16xi32> -> vector<16xf32>
      %sub3A_1119 = arith.subf %sub3A, %gather3A_1118 : vector<16xf32>
      %mul3A_1120 = arith.mulf %gather3A_234, %sub3A_1119 : vector<16xf32>
      %exp3A_1121 = math.exp %mul3A_1120 : vector<16xf32>
      %mul3A_1122 = arith.mulf %add3A_216, %exp3A_1121 : vector<16xf32>
      %le3A_1123 = arith.constant 1 : i32
      %le3A_1124 = vector.broadcast %le3A_1123 : i32 to vector<16xi32>
      %le3A_1125 = arith.cmpi sle, %iota3A, %le3A_1124 : vector<16xi32>
      %jit3A_1126 = arith.constant 0.000000e+00 : f32
      %broadcast_in_dim3A_1127 = vector.broadcast %jit3A_1126 : f32 to vector<16xf32>
      %select_n3A_1128 = arith.select %le3A_1125, %mul3A_1122, %broadcast_in_dim3A_1127 : vector<16xi1>, vector<16xf32>
      %add3A_1129 = arith.addf %broadcast_in_dim3A_15, %select_n3A_1128 : vector<16xf32>
      %le3A_1130 = arith.constant 3.000000e+00 : f32
      %le3A_1131 = vector.broadcast %le3A_1130 : f32 to vector<16xf32>
      %le3A_1132 = arith.cmpf ole, %le3A_1131, %max3A_336 : vector<16xf32>
      %jit3A_1133 = arith.constant 0.000000e+00 : f32
      %broadcast_in_dim3A_1134 = vector.broadcast %jit3A_1133 : f32 to vector<16xf32>
      %select_n3A_1135 = arith.select %le3A_1132, %add3A_1129, %broadcast_in_dim3A_1134 : vector<16xi1>, vector<16xf32>
      %add3A_1136 = arith.addf %add3A_1114, %select_n3A_1135 : vector<16xf32>
      %broadcast_in_dim3A_1137 = arith.constant 2 : i32
      %broadcast_in_dim3A_1138 = vector.broadcast %broadcast_in_dim3A_1137 : i32 to vector<16x1xi32>
      %gather3A_1139 = vector.shape_cast %broadcast_in_dim3A_1138 : vector<16x1xi32> to vector<16xi32>
      %gather3A_1140 = tpu.dynamic_gather %add3A_547[%gather3A_1139] in [0] : vector<16xf32>, vector<16xi32> -> vector<16xf32>
      %sub3A_1141 = arith.subf %sub3A, %gather3A_1140 : vector<16xf32>
      %mul3A_1142 = arith.mulf %gather3A_234, %sub3A_1141 : vector<16xf32>
      %exp3A_1143 = math.exp %mul3A_1142 : vector<16xf32>
      %mul3A_1144 = arith.mulf %add3A_216, %exp3A_1143 : vector<16xf32>
      %le3A_1145 = arith.constant 2 : i32
      %le3A_1146 = vector.broadcast %le3A_1145 : i32 to vector<16xi32>
      %le3A_1147 = arith.cmpi sle, %iota3A, %le3A_1146 : vector<16xi32>
      %jit3A_1148 = arith.constant 0.000000e+00 : f32
      %broadcast_in_dim3A_1149 = vector.broadcast %jit3A_1148 : f32 to vector<16xf32>
      %select_n3A_1150 = arith.select %le3A_1147, %mul3A_1144, %broadcast_in_dim3A_1149 : vector<16xi1>, vector<16xf32>
      %add3A_1151 = arith.addf %broadcast_in_dim3A_15, %select_n3A_1150 : vector<16xf32>
      %le3A_1152 = arith.constant 4.000000e+00 : f32
      %le3A_1153 = vector.broadcast %le3A_1152 : f32 to vector<16xf32>
      %le3A_1154 = arith.cmpf ole, %le3A_1153, %max3A_336 : vector<16xf32>
      %jit3A_1155 = arith.constant 0.000000e+00 : f32
      %broadcast_in_dim3A_1156 = vector.broadcast %jit3A_1155 : f32 to vector<16xf32>
      %select_n3A_1157 = arith.select %le3A_1154, %add3A_1151, %broadcast_in_dim3A_1156 : vector<16xi1>, vector<16xf32>
      %add3A_1158 = arith.addf %add3A_1136, %select_n3A_1157 : vector<16xf32>
      %broadcast_in_dim3A_1159 = arith.constant 3 : i32
      %broadcast_in_dim3A_1160 = vector.broadcast %broadcast_in_dim3A_1159 : i32 to vector<16x1xi32>
      %gather3A_1161 = vector.shape_cast %broadcast_in_dim3A_1160 : vector<16x1xi32> to vector<16xi32>
      %gather3A_1162 = tpu.dynamic_gather %add3A_547[%gather3A_1161] in [0] : vector<16xf32>, vector<16xi32> -> vector<16xf32>
      %sub3A_1163 = arith.subf %sub3A, %gather3A_1162 : vector<16xf32>
      %mul3A_1164 = arith.mulf %gather3A_234, %sub3A_1163 : vector<16xf32>
      %exp3A_1165 = math.exp %mul3A_1164 : vector<16xf32>
      %mul3A_1166 = arith.mulf %add3A_216, %exp3A_1165 : vector<16xf32>
      %le3A_1167 = arith.constant 3 : i32
      %le3A_1168 = vector.broadcast %le3A_1167 : i32 to vector<16xi32>
      %le3A_1169 = arith.cmpi sle, %iota3A, %le3A_1168 : vector<16xi32>
      %jit3A_1170 = arith.constant 0.000000e+00 : f32
      %broadcast_in_dim3A_1171 = vector.broadcast %jit3A_1170 : f32 to vector<16xf32>
      %select_n3A_1172 = arith.select %le3A_1169, %mul3A_1166, %broadcast_in_dim3A_1171 : vector<16xi1>, vector<16xf32>
      %add3A_1173 = arith.addf %broadcast_in_dim3A_15, %select_n3A_1172 : vector<16xf32>
      %le3A_1174 = arith.constant 5.000000e+00 : f32
      %le3A_1175 = vector.broadcast %le3A_1174 : f32 to vector<16xf32>
      %le3A_1176 = arith.cmpf ole, %le3A_1175, %max3A_336 : vector<16xf32>
      %jit3A_1177 = arith.constant 0.000000e+00 : f32
      %broadcast_in_dim3A_1178 = vector.broadcast %jit3A_1177 : f32 to vector<16xf32>
      %select_n3A_1179 = arith.select %le3A_1176, %add3A_1173, %broadcast_in_dim3A_1178 : vector<16xi1>, vector<16xf32>
      %add3A_1180 = arith.addf %add3A_1158, %select_n3A_1179 : vector<16xf32>
      %broadcast_in_dim3A_1181 = arith.constant 4 : i32
      %broadcast_in_dim3A_1182 = vector.broadcast %broadcast_in_dim3A_1181 : i32 to vector<16x1xi32>
      %gather3A_1183 = vector.shape_cast %broadcast_in_dim3A_1182 : vector<16x1xi32> to vector<16xi32>
      %gather3A_1184 = tpu.dynamic_gather %add3A_547[%gather3A_1183] in [0] : vector<16xf32>, vector<16xi32> -> vector<16xf32>
      %sub3A_1185 = arith.subf %sub3A, %gather3A_1184 : vector<16xf32>
      %mul3A_1186 = arith.mulf %gather3A_234, %sub3A_1185 : vector<16xf32>
      %exp3A_1187 = math.exp %mul3A_1186 : vector<16xf32>
      %mul3A_1188 = arith.mulf %add3A_216, %exp3A_1187 : vector<16xf32>
      %le3A_1189 = arith.constant 4 : i32
      %le3A_1190 = vector.broadcast %le3A_1189 : i32 to vector<16xi32>
      %le3A_1191 = arith.cmpi sle, %iota3A, %le3A_1190 : vector<16xi32>
      %jit3A_1192 = arith.constant 0.000000e+00 : f32
      %broadcast_in_dim3A_1193 = vector.broadcast %jit3A_1192 : f32 to vector<16xf32>
      %select_n3A_1194 = arith.select %le3A_1191, %mul3A_1188, %broadcast_in_dim3A_1193 : vector<16xi1>, vector<16xf32>
      %add3A_1195 = arith.addf %broadcast_in_dim3A_15, %select_n3A_1194 : vector<16xf32>
      %le3A_1196 = arith.constant 6.000000e+00 : f32
      %le3A_1197 = vector.broadcast %le3A_1196 : f32 to vector<16xf32>
      %le3A_1198 = arith.cmpf ole, %le3A_1197, %max3A_336 : vector<16xf32>
      %jit3A_1199 = arith.constant 0.000000e+00 : f32
      %broadcast_in_dim3A_1200 = vector.broadcast %jit3A_1199 : f32 to vector<16xf32>
      %select_n3A_1201 = arith.select %le3A_1198, %add3A_1195, %broadcast_in_dim3A_1200 : vector<16xi1>, vector<16xf32>
      %add3A_1202 = arith.addf %add3A_1180, %select_n3A_1201 : vector<16xf32>
      %broadcast_in_dim3A_1203 = arith.constant 5 : i32
      %broadcast_in_dim3A_1204 = vector.broadcast %broadcast_in_dim3A_1203 : i32 to vector<16x1xi32>
      %gather3A_1205 = vector.shape_cast %broadcast_in_dim3A_1204 : vector<16x1xi32> to vector<16xi32>
      %gather3A_1206 = tpu.dynamic_gather %add3A_547[%gather3A_1205] in [0] : vector<16xf32>, vector<16xi32> -> vector<16xf32>
      %sub3A_1207 = arith.subf %sub3A, %gather3A_1206 : vector<16xf32>
      %mul3A_1208 = arith.mulf %gather3A_234, %sub3A_1207 : vector<16xf32>
      %exp3A_1209 = math.exp %mul3A_1208 : vector<16xf32>
      %mul3A_1210 = arith.mulf %add3A_216, %exp3A_1209 : vector<16xf32>
      %le3A_1211 = arith.constant 5 : i32
      %le3A_1212 = vector.broadcast %le3A_1211 : i32 to vector<16xi32>
      %le3A_1213 = arith.cmpi sle, %iota3A, %le3A_1212 : vector<16xi32>
      %jit3A_1214 = arith.constant 0.000000e+00 : f32
      %broadcast_in_dim3A_1215 = vector.broadcast %jit3A_1214 : f32 to vector<16xf32>
      %select_n3A_1216 = arith.select %le3A_1213, %mul3A_1210, %broadcast_in_dim3A_1215 : vector<16xi1>, vector<16xf32>
      %add3A_1217 = arith.addf %broadcast_in_dim3A_15, %select_n3A_1216 : vector<16xf32>
      %le3A_1218 = arith.constant 7.000000e+00 : f32
      %le3A_1219 = vector.broadcast %le3A_1218 : f32 to vector<16xf32>
      %le3A_1220 = arith.cmpf ole, %le3A_1219, %max3A_336 : vector<16xf32>
      %jit3A_1221 = arith.constant 0.000000e+00 : f32
      %broadcast_in_dim3A_1222 = vector.broadcast %jit3A_1221 : f32 to vector<16xf32>
      %select_n3A_1223 = arith.select %le3A_1220, %add3A_1217, %broadcast_in_dim3A_1222 : vector<16xi1>, vector<16xf32>
      %add3A_1224 = arith.addf %add3A_1202, %select_n3A_1223 : vector<16xf32>
      %broadcast_in_dim3A_1225 = arith.constant 6 : i32
      %broadcast_in_dim3A_1226 = vector.broadcast %broadcast_in_dim3A_1225 : i32 to vector<16x1xi32>
      %gather3A_1227 = vector.shape_cast %broadcast_in_dim3A_1226 : vector<16x1xi32> to vector<16xi32>
      %gather3A_1228 = tpu.dynamic_gather %add3A_547[%gather3A_1227] in [0] : vector<16xf32>, vector<16xi32> -> vector<16xf32>
      %sub3A_1229 = arith.subf %sub3A, %gather3A_1228 : vector<16xf32>
      %mul3A_1230 = arith.mulf %gather3A_234, %sub3A_1229 : vector<16xf32>
      %exp3A_1231 = math.exp %mul3A_1230 : vector<16xf32>
      %mul3A_1232 = arith.mulf %add3A_216, %exp3A_1231 : vector<16xf32>
      %le3A_1233 = arith.constant 6 : i32
      %le3A_1234 = vector.broadcast %le3A_1233 : i32 to vector<16xi32>
      %le3A_1235 = arith.cmpi sle, %iota3A, %le3A_1234 : vector<16xi32>
      %jit3A_1236 = arith.constant 0.000000e+00 : f32
      %broadcast_in_dim3A_1237 = vector.broadcast %jit3A_1236 : f32 to vector<16xf32>
      %select_n3A_1238 = arith.select %le3A_1235, %mul3A_1232, %broadcast_in_dim3A_1237 : vector<16xi1>, vector<16xf32>
      %add3A_1239 = arith.addf %broadcast_in_dim3A_15, %select_n3A_1238 : vector<16xf32>
      %le3A_1240 = arith.constant 8.000000e+00 : f32
      %le3A_1241 = vector.broadcast %le3A_1240 : f32 to vector<16xf32>
      %le3A_1242 = arith.cmpf ole, %le3A_1241, %max3A_336 : vector<16xf32>
      %jit3A_1243 = arith.constant 0.000000e+00 : f32
      %broadcast_in_dim3A_1244 = vector.broadcast %jit3A_1243 : f32 to vector<16xf32>
      %select_n3A_1245 = arith.select %le3A_1242, %add3A_1239, %broadcast_in_dim3A_1244 : vector<16xi1>, vector<16xf32>
      %add3A_1246 = arith.addf %add3A_1224, %select_n3A_1245 : vector<16xf32>
      %broadcast_in_dim3A_1247 = arith.constant 7 : i32
      %broadcast_in_dim3A_1248 = vector.broadcast %broadcast_in_dim3A_1247 : i32 to vector<16x1xi32>
      %gather3A_1249 = vector.shape_cast %broadcast_in_dim3A_1248 : vector<16x1xi32> to vector<16xi32>
      %gather3A_1250 = tpu.dynamic_gather %add3A_547[%gather3A_1249] in [0] : vector<16xf32>, vector<16xi32> -> vector<16xf32>
      %sub3A_1251 = arith.subf %sub3A, %gather3A_1250 : vector<16xf32>
      %mul3A_1252 = arith.mulf %gather3A_234, %sub3A_1251 : vector<16xf32>
      %exp3A_1253 = math.exp %mul3A_1252 : vector<16xf32>
      %mul3A_1254 = arith.mulf %add3A_216, %exp3A_1253 : vector<16xf32>
      %le3A_1255 = arith.constant 7 : i32
      %le3A_1256 = vector.broadcast %le3A_1255 : i32 to vector<16xi32>
      %le3A_1257 = arith.cmpi sle, %iota3A, %le3A_1256 : vector<16xi32>
      %jit3A_1258 = arith.constant 0.000000e+00 : f32
      %broadcast_in_dim3A_1259 = vector.broadcast %jit3A_1258 : f32 to vector<16xf32>
      %select_n3A_1260 = arith.select %le3A_1257, %mul3A_1254, %broadcast_in_dim3A_1259 : vector<16xi1>, vector<16xf32>
      %add3A_1261 = arith.addf %broadcast_in_dim3A_15, %select_n3A_1260 : vector<16xf32>
      %le3A_1262 = arith.constant 9.000000e+00 : f32
      %le3A_1263 = vector.broadcast %le3A_1262 : f32 to vector<16xf32>
      %le3A_1264 = arith.cmpf ole, %le3A_1263, %max3A_336 : vector<16xf32>
      %jit3A_1265 = arith.constant 0.000000e+00 : f32
      %broadcast_in_dim3A_1266 = vector.broadcast %jit3A_1265 : f32 to vector<16xf32>
      %select_n3A_1267 = arith.select %le3A_1264, %add3A_1261, %broadcast_in_dim3A_1266 : vector<16xi1>, vector<16xf32>
      %add3A_1268 = arith.addf %add3A_1246, %select_n3A_1267 : vector<16xf32>
      %broadcast_in_dim3A_1269 = arith.constant 8 : i32
      %broadcast_in_dim3A_1270 = vector.broadcast %broadcast_in_dim3A_1269 : i32 to vector<16x1xi32>
      %gather3A_1271 = vector.shape_cast %broadcast_in_dim3A_1270 : vector<16x1xi32> to vector<16xi32>
      %gather3A_1272 = tpu.dynamic_gather %add3A_547[%gather3A_1271] in [0] : vector<16xf32>, vector<16xi32> -> vector<16xf32>
      %sub3A_1273 = arith.subf %sub3A, %gather3A_1272 : vector<16xf32>
      %mul3A_1274 = arith.mulf %gather3A_234, %sub3A_1273 : vector<16xf32>
      %exp3A_1275 = math.exp %mul3A_1274 : vector<16xf32>
      %mul3A_1276 = arith.mulf %add3A_216, %exp3A_1275 : vector<16xf32>
      %le3A_1277 = arith.constant 8 : i32
      %le3A_1278 = vector.broadcast %le3A_1277 : i32 to vector<16xi32>
      %le3A_1279 = arith.cmpi sle, %iota3A, %le3A_1278 : vector<16xi32>
      %jit3A_1280 = arith.constant 0.000000e+00 : f32
      %broadcast_in_dim3A_1281 = vector.broadcast %jit3A_1280 : f32 to vector<16xf32>
      %select_n3A_1282 = arith.select %le3A_1279, %mul3A_1276, %broadcast_in_dim3A_1281 : vector<16xi1>, vector<16xf32>
      %add3A_1283 = arith.addf %broadcast_in_dim3A_15, %select_n3A_1282 : vector<16xf32>
      %le3A_1284 = arith.constant 1.000000e+01 : f32
      %le3A_1285 = vector.broadcast %le3A_1284 : f32 to vector<16xf32>
      %le3A_1286 = arith.cmpf ole, %le3A_1285, %max3A_336 : vector<16xf32>
      %jit3A_1287 = arith.constant 0.000000e+00 : f32
      %broadcast_in_dim3A_1288 = vector.broadcast %jit3A_1287 : f32 to vector<16xf32>
      %select_n3A_1289 = arith.select %le3A_1286, %add3A_1283, %broadcast_in_dim3A_1288 : vector<16xi1>, vector<16xf32>
      %add3A_1290 = arith.addf %add3A_1268, %select_n3A_1289 : vector<16xf32>
      %broadcast_in_dim3A_1291 = arith.constant 9 : i32
      %broadcast_in_dim3A_1292 = vector.broadcast %broadcast_in_dim3A_1291 : i32 to vector<16x1xi32>
      %gather3A_1293 = vector.shape_cast %broadcast_in_dim3A_1292 : vector<16x1xi32> to vector<16xi32>
      %gather3A_1294 = tpu.dynamic_gather %add3A_547[%gather3A_1293] in [0] : vector<16xf32>, vector<16xi32> -> vector<16xf32>
      %sub3A_1295 = arith.subf %sub3A, %gather3A_1294 : vector<16xf32>
      %mul3A_1296 = arith.mulf %gather3A_234, %sub3A_1295 : vector<16xf32>
      %exp3A_1297 = math.exp %mul3A_1296 : vector<16xf32>
      %mul3A_1298 = arith.mulf %add3A_216, %exp3A_1297 : vector<16xf32>
      %le3A_1299 = arith.constant 9 : i32
      %le3A_1300 = vector.broadcast %le3A_1299 : i32 to vector<16xi32>
      %le3A_1301 = arith.cmpi sle, %iota3A, %le3A_1300 : vector<16xi32>
      %jit3A_1302 = arith.constant 0.000000e+00 : f32
      %broadcast_in_dim3A_1303 = vector.broadcast %jit3A_1302 : f32 to vector<16xf32>
      %select_n3A_1304 = arith.select %le3A_1301, %mul3A_1298, %broadcast_in_dim3A_1303 : vector<16xi1>, vector<16xf32>
      %add3A_1305 = arith.addf %broadcast_in_dim3A_15, %select_n3A_1304 : vector<16xf32>
      %le3A_1306 = arith.constant 1.100000e+01 : f32
      %le3A_1307 = vector.broadcast %le3A_1306 : f32 to vector<16xf32>
      %le3A_1308 = arith.cmpf ole, %le3A_1307, %max3A_336 : vector<16xf32>
      %jit3A_1309 = arith.constant 0.000000e+00 : f32
      %broadcast_in_dim3A_1310 = vector.broadcast %jit3A_1309 : f32 to vector<16xf32>
      %select_n3A_1311 = arith.select %le3A_1308, %add3A_1305, %broadcast_in_dim3A_1310 : vector<16xi1>, vector<16xf32>
      %add3A_1312 = arith.addf %add3A_1290, %select_n3A_1311 : vector<16xf32>
      %broadcast_in_dim3A_1313 = arith.constant 10 : i32
      %broadcast_in_dim3A_1314 = vector.broadcast %broadcast_in_dim3A_1313 : i32 to vector<16x1xi32>
      %gather3A_1315 = vector.shape_cast %broadcast_in_dim3A_1314 : vector<16x1xi32> to vector<16xi32>
      %gather3A_1316 = tpu.dynamic_gather %add3A_547[%gather3A_1315] in [0] : vector<16xf32>, vector<16xi32> -> vector<16xf32>
      %sub3A_1317 = arith.subf %sub3A, %gather3A_1316 : vector<16xf32>
      %mul3A_1318 = arith.mulf %gather3A_234, %sub3A_1317 : vector<16xf32>
      %exp3A_1319 = math.exp %mul3A_1318 : vector<16xf32>
      %mul3A_1320 = arith.mulf %add3A_216, %exp3A_1319 : vector<16xf32>
      %le3A_1321 = arith.constant 10 : i32
      %le3A_1322 = vector.broadcast %le3A_1321 : i32 to vector<16xi32>
      %le3A_1323 = arith.cmpi sle, %iota3A, %le3A_1322 : vector<16xi32>
      %jit3A_1324 = arith.constant 0.000000e+00 : f32
      %broadcast_in_dim3A_1325 = vector.broadcast %jit3A_1324 : f32 to vector<16xf32>
      %select_n3A_1326 = arith.select %le3A_1323, %mul3A_1320, %broadcast_in_dim3A_1325 : vector<16xi1>, vector<16xf32>
      %add3A_1327 = arith.addf %broadcast_in_dim3A_15, %select_n3A_1326 : vector<16xf32>
      %le3A_1328 = arith.constant 1.200000e+01 : f32
      %le3A_1329 = vector.broadcast %le3A_1328 : f32 to vector<16xf32>
      %le3A_1330 = arith.cmpf ole, %le3A_1329, %max3A_336 : vector<16xf32>
      %jit3A_1331 = arith.constant 0.000000e+00 : f32
      %broadcast_in_dim3A_1332 = vector.broadcast %jit3A_1331 : f32 to vector<16xf32>
      %select_n3A_1333 = arith.select %le3A_1330, %add3A_1327, %broadcast_in_dim3A_1332 : vector<16xi1>, vector<16xf32>
      %add3A_1334 = arith.addf %add3A_1312, %select_n3A_1333 : vector<16xf32>
      %broadcast_in_dim3A_1335 = arith.constant 11 : i32
      %broadcast_in_dim3A_1336 = vector.broadcast %broadcast_in_dim3A_1335 : i32 to vector<16x1xi32>
      %gather3A_1337 = vector.shape_cast %broadcast_in_dim3A_1336 : vector<16x1xi32> to vector<16xi32>
      %gather3A_1338 = tpu.dynamic_gather %add3A_547[%gather3A_1337] in [0] : vector<16xf32>, vector<16xi32> -> vector<16xf32>
      %sub3A_1339 = arith.subf %sub3A, %gather3A_1338 : vector<16xf32>
      %mul3A_1340 = arith.mulf %gather3A_234, %sub3A_1339 : vector<16xf32>
      %exp3A_1341 = math.exp %mul3A_1340 : vector<16xf32>
      %mul3A_1342 = arith.mulf %add3A_216, %exp3A_1341 : vector<16xf32>
      %le3A_1343 = arith.constant 11 : i32
      %le3A_1344 = vector.broadcast %le3A_1343 : i32 to vector<16xi32>
      %le3A_1345 = arith.cmpi sle, %iota3A, %le3A_1344 : vector<16xi32>
      %jit3A_1346 = arith.constant 0.000000e+00 : f32
      %broadcast_in_dim3A_1347 = vector.broadcast %jit3A_1346 : f32 to vector<16xf32>
      %select_n3A_1348 = arith.select %le3A_1345, %mul3A_1342, %broadcast_in_dim3A_1347 : vector<16xi1>, vector<16xf32>
      %add3A_1349 = arith.addf %broadcast_in_dim3A_15, %select_n3A_1348 : vector<16xf32>
      %le3A_1350 = arith.constant 1.300000e+01 : f32
      %le3A_1351 = vector.broadcast %le3A_1350 : f32 to vector<16xf32>
      %le3A_1352 = arith.cmpf ole, %le3A_1351, %max3A_336 : vector<16xf32>
      %jit3A_1353 = arith.constant 0.000000e+00 : f32
      %broadcast_in_dim3A_1354 = vector.broadcast %jit3A_1353 : f32 to vector<16xf32>
      %select_n3A_1355 = arith.select %le3A_1352, %add3A_1349, %broadcast_in_dim3A_1354 : vector<16xi1>, vector<16xf32>
      %add3A_1356 = arith.addf %add3A_1334, %select_n3A_1355 : vector<16xf32>
      %broadcast_in_dim3A_1357 = arith.constant 12 : i32
      %broadcast_in_dim3A_1358 = vector.broadcast %broadcast_in_dim3A_1357 : i32 to vector<16x1xi32>
      %gather3A_1359 = vector.shape_cast %broadcast_in_dim3A_1358 : vector<16x1xi32> to vector<16xi32>
      %gather3A_1360 = tpu.dynamic_gather %add3A_547[%gather3A_1359] in [0] : vector<16xf32>, vector<16xi32> -> vector<16xf32>
      %sub3A_1361 = arith.subf %sub3A, %gather3A_1360 : vector<16xf32>
      %mul3A_1362 = arith.mulf %gather3A_234, %sub3A_1361 : vector<16xf32>
      %exp3A_1363 = math.exp %mul3A_1362 : vector<16xf32>
      %mul3A_1364 = arith.mulf %add3A_216, %exp3A_1363 : vector<16xf32>
      %le3A_1365 = arith.constant 12 : i32
      %le3A_1366 = vector.broadcast %le3A_1365 : i32 to vector<16xi32>
      %le3A_1367 = arith.cmpi sle, %iota3A, %le3A_1366 : vector<16xi32>
      %jit3A_1368 = arith.constant 0.000000e+00 : f32
      %broadcast_in_dim3A_1369 = vector.broadcast %jit3A_1368 : f32 to vector<16xf32>
      %select_n3A_1370 = arith.select %le3A_1367, %mul3A_1364, %broadcast_in_dim3A_1369 : vector<16xi1>, vector<16xf32>
      %add3A_1371 = arith.addf %broadcast_in_dim3A_15, %select_n3A_1370 : vector<16xf32>
      %le3A_1372 = arith.constant 1.400000e+01 : f32
      %le3A_1373 = vector.broadcast %le3A_1372 : f32 to vector<16xf32>
      %le3A_1374 = arith.cmpf ole, %le3A_1373, %max3A_336 : vector<16xf32>
      %jit3A_1375 = arith.constant 0.000000e+00 : f32
      %broadcast_in_dim3A_1376 = vector.broadcast %jit3A_1375 : f32 to vector<16xf32>
      %select_n3A_1377 = arith.select %le3A_1374, %add3A_1371, %broadcast_in_dim3A_1376 : vector<16xi1>, vector<16xf32>
      %add3A_1378 = arith.addf %add3A_1356, %select_n3A_1377 : vector<16xf32>
      %broadcast_in_dim3A_1379 = arith.constant 13 : i32
      %broadcast_in_dim3A_1380 = vector.broadcast %broadcast_in_dim3A_1379 : i32 to vector<16x1xi32>
      %gather3A_1381 = vector.shape_cast %broadcast_in_dim3A_1380 : vector<16x1xi32> to vector<16xi32>
      %gather3A_1382 = tpu.dynamic_gather %add3A_547[%gather3A_1381] in [0] : vector<16xf32>, vector<16xi32> -> vector<16xf32>
      %sub3A_1383 = arith.subf %sub3A, %gather3A_1382 : vector<16xf32>
      %mul3A_1384 = arith.mulf %gather3A_234, %sub3A_1383 : vector<16xf32>
      %exp3A_1385 = math.exp %mul3A_1384 : vector<16xf32>
      %mul3A_1386 = arith.mulf %add3A_216, %exp3A_1385 : vector<16xf32>
      %le3A_1387 = arith.constant 13 : i32
      %le3A_1388 = vector.broadcast %le3A_1387 : i32 to vector<16xi32>
      %le3A_1389 = arith.cmpi sle, %iota3A, %le3A_1388 : vector<16xi32>
      %jit3A_1390 = arith.constant 0.000000e+00 : f32
      %broadcast_in_dim3A_1391 = vector.broadcast %jit3A_1390 : f32 to vector<16xf32>
      %select_n3A_1392 = arith.select %le3A_1389, %mul3A_1386, %broadcast_in_dim3A_1391 : vector<16xi1>, vector<16xf32>
      %add3A_1393 = arith.addf %broadcast_in_dim3A_15, %select_n3A_1392 : vector<16xf32>
      %le3A_1394 = arith.constant 1.500000e+01 : f32
      %le3A_1395 = vector.broadcast %le3A_1394 : f32 to vector<16xf32>
      %le3A_1396 = arith.cmpf ole, %le3A_1395, %max3A_336 : vector<16xf32>
      %jit3A_1397 = arith.constant 0.000000e+00 : f32
      %broadcast_in_dim3A_1398 = vector.broadcast %jit3A_1397 : f32 to vector<16xf32>
      %select_n3A_1399 = arith.select %le3A_1396, %add3A_1393, %broadcast_in_dim3A_1398 : vector<16xi1>, vector<16xf32>
      %add3A_1400 = arith.addf %add3A_1378, %select_n3A_1399 : vector<16xf32>
      %broadcast_in_dim3A_1401 = arith.constant 14 : i32
      %broadcast_in_dim3A_1402 = vector.broadcast %broadcast_in_dim3A_1401 : i32 to vector<16x1xi32>
      %gather3A_1403 = vector.shape_cast %broadcast_in_dim3A_1402 : vector<16x1xi32> to vector<16xi32>
      %gather3A_1404 = tpu.dynamic_gather %add3A_547[%gather3A_1403] in [0] : vector<16xf32>, vector<16xi32> -> vector<16xf32>
      %sub3A_1405 = arith.subf %sub3A, %gather3A_1404 : vector<16xf32>
      %mul3A_1406 = arith.mulf %gather3A_234, %sub3A_1405 : vector<16xf32>
      %exp3A_1407 = math.exp %mul3A_1406 : vector<16xf32>
      %mul3A_1408 = arith.mulf %add3A_216, %exp3A_1407 : vector<16xf32>
      %le3A_1409 = arith.constant 14 : i32
      %le3A_1410 = vector.broadcast %le3A_1409 : i32 to vector<16xi32>
      %le3A_1411 = arith.cmpi sle, %iota3A, %le3A_1410 : vector<16xi32>
      %jit3A_1412 = arith.constant 0.000000e+00 : f32
      %broadcast_in_dim3A_1413 = vector.broadcast %jit3A_1412 : f32 to vector<16xf32>
      %select_n3A_1414 = arith.select %le3A_1411, %mul3A_1408, %broadcast_in_dim3A_1413 : vector<16xi1>, vector<16xf32>
      %add3A_1415 = arith.addf %broadcast_in_dim3A_15, %select_n3A_1414 : vector<16xf32>
      %le3A_1416 = arith.constant 1.600000e+01 : f32
      %le3A_1417 = vector.broadcast %le3A_1416 : f32 to vector<16xf32>
      %le3A_1418 = arith.cmpf ole, %le3A_1417, %max3A_336 : vector<16xf32>
      %jit3A_1419 = arith.constant 0.000000e+00 : f32
      %broadcast_in_dim3A_1420 = vector.broadcast %jit3A_1419 : f32 to vector<16xf32>
      %select_n3A_1421 = arith.select %le3A_1418, %add3A_1415, %broadcast_in_dim3A_1420 : vector<16xi1>, vector<16xf32>
      %add3A_1422 = arith.addf %add3A_1400, %select_n3A_1421 : vector<16xf32>
      %broadcast_in_dim3A_1423 = arith.constant 15 : i32
      %broadcast_in_dim3A_1424 = vector.broadcast %broadcast_in_dim3A_1423 : i32 to vector<16x1xi32>
      %gather3A_1425 = vector.shape_cast %broadcast_in_dim3A_1424 : vector<16x1xi32> to vector<16xi32>
      %gather3A_1426 = tpu.dynamic_gather %add3A_547[%gather3A_1425] in [0] : vector<16xf32>, vector<16xi32> -> vector<16xf32>
      %sub3A_1427 = arith.subf %sub3A, %gather3A_1426 : vector<16xf32>
      %mul3A_1428 = arith.mulf %gather3A_234, %sub3A_1427 : vector<16xf32>
      %exp3A_1429 = math.exp %mul3A_1428 : vector<16xf32>
      %mul3A_1430 = arith.mulf %add3A_216, %exp3A_1429 : vector<16xf32>
      %add3A_1431 = arith.addf %broadcast_in_dim3A_15, %mul3A_1430 : vector<16xf32>
      %le3A_1432 = arith.constant 1.700000e+01 : f32
      %le3A_1433 = vector.broadcast %le3A_1432 : f32 to vector<16xf32>
      %le3A_1434 = arith.cmpf ole, %le3A_1433, %max3A_336 : vector<16xf32>
      %jit3A_1435 = arith.constant 0.000000e+00 : f32
      %broadcast_in_dim3A_1436 = vector.broadcast %jit3A_1435 : f32 to vector<16xf32>
      %select_n3A_1437 = arith.select %le3A_1434, %add3A_1431, %broadcast_in_dim3A_1436 : vector<16xi1>, vector<16xf32>
      %add3A_1438 = arith.addf %add3A_1422, %select_n3A_1437 : vector<16xf32>
      %broadcast_in_dim3A_1439 = arith.constant 0 : i32
      %broadcast_in_dim3A_1440 = vector.broadcast %broadcast_in_dim3A_1439 : i32 to vector<16x1xi32>
      %gather3A_1441 = vector.shape_cast %broadcast_in_dim3A_1440 : vector<16x1xi32> to vector<16xi32>
      %gather3A_1442 = tpu.dynamic_gather %add3A_727[%gather3A_1441] in [0] : vector<16xf32>, vector<16xi32> -> vector<16xf32>
      %sub3A_1443 = arith.subf %sub3A, %gather3A_1442 : vector<16xf32>
      %mul3A_1444 = arith.mulf %gather3A_234, %sub3A_1443 : vector<16xf32>
      %exp3A_1445 = math.exp %mul3A_1444 : vector<16xf32>
      %mul3A_1446 = arith.mulf %add3A_216, %exp3A_1445 : vector<16xf32>
      %add3A_1447 = arith.addf %broadcast_in_dim3A_15, %mul3A_1446 : vector<16xf32>
      %sub3A_1448 = arith.subf %sub3A_728, %gather3A_1442 : vector<16xf32>
      %mul3A_1449 = arith.mulf %gather3A_234, %sub3A_1448 : vector<16xf32>
      %exp3A_1450 = math.exp %mul3A_1449 : vector<16xf32>
      %mul3A_1451 = arith.mulf %add3A_219, %exp3A_1450 : vector<16xf32>
      %le3A_1452 = arith.constant 0 : i32
      %le3A_1453 = vector.broadcast %le3A_1452 : i32 to vector<16xi32>
      %le3A_1454 = arith.cmpi sle, %iota3A, %le3A_1453 : vector<16xi32>
      %jit3A_1455 = arith.constant 0.000000e+00 : f32
      %broadcast_in_dim3A_1456 = vector.broadcast %jit3A_1455 : f32 to vector<16xf32>
      %select_n3A_1457 = arith.select %le3A_1454, %mul3A_1451, %broadcast_in_dim3A_1456 : vector<16xi1>, vector<16xf32>
      %add3A_1458 = arith.addf %add3A_1447, %select_n3A_1457 : vector<16xf32>
      %le3A_1459 = arith.constant 1.800000e+01 : f32
      %le3A_1460 = vector.broadcast %le3A_1459 : f32 to vector<16xf32>
      %le3A_1461 = arith.cmpf ole, %le3A_1460, %max3A_336 : vector<16xf32>
      %jit3A_1462 = arith.constant 0.000000e+00 : f32
      %broadcast_in_dim3A_1463 = vector.broadcast %jit3A_1462 : f32 to vector<16xf32>
      %select_n3A_1464 = arith.select %le3A_1461, %add3A_1458, %broadcast_in_dim3A_1463 : vector<16xi1>, vector<16xf32>
      %add3A_1465 = arith.addf %add3A_1438, %select_n3A_1464 : vector<16xf32>
      %broadcast_in_dim3A_1466 = arith.constant 1 : i32
      %broadcast_in_dim3A_1467 = vector.broadcast %broadcast_in_dim3A_1466 : i32 to vector<16x1xi32>
      %gather3A_1468 = vector.shape_cast %broadcast_in_dim3A_1467 : vector<16x1xi32> to vector<16xi32>
      %gather3A_1469 = tpu.dynamic_gather %add3A_727[%gather3A_1468] in [0] : vector<16xf32>, vector<16xi32> -> vector<16xf32>
      %sub3A_1470 = arith.subf %sub3A, %gather3A_1469 : vector<16xf32>
      %mul3A_1471 = arith.mulf %gather3A_234, %sub3A_1470 : vector<16xf32>
      %exp3A_1472 = math.exp %mul3A_1471 : vector<16xf32>
      %mul3A_1473 = arith.mulf %add3A_216, %exp3A_1472 : vector<16xf32>
      %add3A_1474 = arith.addf %broadcast_in_dim3A_15, %mul3A_1473 : vector<16xf32>
      %sub3A_1475 = arith.subf %sub3A_728, %gather3A_1469 : vector<16xf32>
      %mul3A_1476 = arith.mulf %gather3A_234, %sub3A_1475 : vector<16xf32>
      %exp3A_1477 = math.exp %mul3A_1476 : vector<16xf32>
      %mul3A_1478 = arith.mulf %add3A_219, %exp3A_1477 : vector<16xf32>
      %le3A_1479 = arith.constant 1 : i32
      %le3A_1480 = vector.broadcast %le3A_1479 : i32 to vector<16xi32>
      %le3A_1481 = arith.cmpi sle, %iota3A, %le3A_1480 : vector<16xi32>
      %jit3A_1482 = arith.constant 0.000000e+00 : f32
      %broadcast_in_dim3A_1483 = vector.broadcast %jit3A_1482 : f32 to vector<16xf32>
      %select_n3A_1484 = arith.select %le3A_1481, %mul3A_1478, %broadcast_in_dim3A_1483 : vector<16xi1>, vector<16xf32>
      %add3A_1485 = arith.addf %add3A_1474, %select_n3A_1484 : vector<16xf32>
      %le3A_1486 = arith.constant 1.900000e+01 : f32
      %le3A_1487 = vector.broadcast %le3A_1486 : f32 to vector<16xf32>
      %le3A_1488 = arith.cmpf ole, %le3A_1487, %max3A_336 : vector<16xf32>
      %jit3A_1489 = arith.constant 0.000000e+00 : f32
      %broadcast_in_dim3A_1490 = vector.broadcast %jit3A_1489 : f32 to vector<16xf32>
      %select_n3A_1491 = arith.select %le3A_1488, %add3A_1485, %broadcast_in_dim3A_1490 : vector<16xi1>, vector<16xf32>
      %add3A_1492 = arith.addf %add3A_1465, %select_n3A_1491 : vector<16xf32>
      %broadcast_in_dim3A_1493 = arith.constant 2 : i32
      %broadcast_in_dim3A_1494 = vector.broadcast %broadcast_in_dim3A_1493 : i32 to vector<16x1xi32>
      %gather3A_1495 = vector.shape_cast %broadcast_in_dim3A_1494 : vector<16x1xi32> to vector<16xi32>
      %gather3A_1496 = tpu.dynamic_gather %add3A_727[%gather3A_1495] in [0] : vector<16xf32>, vector<16xi32> -> vector<16xf32>
      %sub3A_1497 = arith.subf %sub3A, %gather3A_1496 : vector<16xf32>
      %mul3A_1498 = arith.mulf %gather3A_234, %sub3A_1497 : vector<16xf32>
      %exp3A_1499 = math.exp %mul3A_1498 : vector<16xf32>
      %mul3A_1500 = arith.mulf %add3A_216, %exp3A_1499 : vector<16xf32>
      %add3A_1501 = arith.addf %broadcast_in_dim3A_15, %mul3A_1500 : vector<16xf32>
      %sub3A_1502 = arith.subf %sub3A_728, %gather3A_1496 : vector<16xf32>
      %mul3A_1503 = arith.mulf %gather3A_234, %sub3A_1502 : vector<16xf32>
      %exp3A_1504 = math.exp %mul3A_1503 : vector<16xf32>
      %mul3A_1505 = arith.mulf %add3A_219, %exp3A_1504 : vector<16xf32>
      %le3A_1506 = arith.constant 2 : i32
      %le3A_1507 = vector.broadcast %le3A_1506 : i32 to vector<16xi32>
      %le3A_1508 = arith.cmpi sle, %iota3A, %le3A_1507 : vector<16xi32>
      %jit3A_1509 = arith.constant 0.000000e+00 : f32
      %broadcast_in_dim3A_1510 = vector.broadcast %jit3A_1509 : f32 to vector<16xf32>
      %select_n3A_1511 = arith.select %le3A_1508, %mul3A_1505, %broadcast_in_dim3A_1510 : vector<16xi1>, vector<16xf32>
      %add3A_1512 = arith.addf %add3A_1501, %select_n3A_1511 : vector<16xf32>
      %le3A_1513 = arith.constant 2.000000e+01 : f32
      %le3A_1514 = vector.broadcast %le3A_1513 : f32 to vector<16xf32>
      %le3A_1515 = arith.cmpf ole, %le3A_1514, %max3A_336 : vector<16xf32>
      %jit3A_1516 = arith.constant 0.000000e+00 : f32
      %broadcast_in_dim3A_1517 = vector.broadcast %jit3A_1516 : f32 to vector<16xf32>
      %select_n3A_1518 = arith.select %le3A_1515, %add3A_1512, %broadcast_in_dim3A_1517 : vector<16xi1>, vector<16xf32>
      %add3A_1519 = arith.addf %add3A_1492, %select_n3A_1518 : vector<16xf32>
      %broadcast_in_dim3A_1520 = arith.constant 3 : i32
      %broadcast_in_dim3A_1521 = vector.broadcast %broadcast_in_dim3A_1520 : i32 to vector<16x1xi32>
      %gather3A_1522 = vector.shape_cast %broadcast_in_dim3A_1521 : vector<16x1xi32> to vector<16xi32>
      %gather3A_1523 = tpu.dynamic_gather %add3A_727[%gather3A_1522] in [0] : vector<16xf32>, vector<16xi32> -> vector<16xf32>
      %sub3A_1524 = arith.subf %sub3A, %gather3A_1523 : vector<16xf32>
      %mul3A_1525 = arith.mulf %gather3A_234, %sub3A_1524 : vector<16xf32>
      %exp3A_1526 = math.exp %mul3A_1525 : vector<16xf32>
      %mul3A_1527 = arith.mulf %add3A_216, %exp3A_1526 : vector<16xf32>
      %add3A_1528 = arith.addf %broadcast_in_dim3A_15, %mul3A_1527 : vector<16xf32>
      %sub3A_1529 = arith.subf %sub3A_728, %gather3A_1523 : vector<16xf32>
      %mul3A_1530 = arith.mulf %gather3A_234, %sub3A_1529 : vector<16xf32>
      %exp3A_1531 = math.exp %mul3A_1530 : vector<16xf32>
      %mul3A_1532 = arith.mulf %add3A_219, %exp3A_1531 : vector<16xf32>
      %le3A_1533 = arith.constant 3 : i32
      %le3A_1534 = vector.broadcast %le3A_1533 : i32 to vector<16xi32>
      %le3A_1535 = arith.cmpi sle, %iota3A, %le3A_1534 : vector<16xi32>
      %jit3A_1536 = arith.constant 0.000000e+00 : f32
      %broadcast_in_dim3A_1537 = vector.broadcast %jit3A_1536 : f32 to vector<16xf32>
      %select_n3A_1538 = arith.select %le3A_1535, %mul3A_1532, %broadcast_in_dim3A_1537 : vector<16xi1>, vector<16xf32>
      %add3A_1539 = arith.addf %add3A_1528, %select_n3A_1538 : vector<16xf32>
      %le3A_1540 = arith.constant 2.100000e+01 : f32
      %le3A_1541 = vector.broadcast %le3A_1540 : f32 to vector<16xf32>
      %le3A_1542 = arith.cmpf ole, %le3A_1541, %max3A_336 : vector<16xf32>
      %jit3A_1543 = arith.constant 0.000000e+00 : f32
      %broadcast_in_dim3A_1544 = vector.broadcast %jit3A_1543 : f32 to vector<16xf32>
      %select_n3A_1545 = arith.select %le3A_1542, %add3A_1539, %broadcast_in_dim3A_1544 : vector<16xi1>, vector<16xf32>
      %add3A_1546 = arith.addf %add3A_1519, %select_n3A_1545 : vector<16xf32>
      %broadcast_in_dim3A_1547 = arith.constant 4 : i32
      %broadcast_in_dim3A_1548 = vector.broadcast %broadcast_in_dim3A_1547 : i32 to vector<16x1xi32>
      %gather3A_1549 = vector.shape_cast %broadcast_in_dim3A_1548 : vector<16x1xi32> to vector<16xi32>
      %gather3A_1550 = tpu.dynamic_gather %add3A_727[%gather3A_1549] in [0] : vector<16xf32>, vector<16xi32> -> vector<16xf32>
      %sub3A_1551 = arith.subf %sub3A, %gather3A_1550 : vector<16xf32>
      %mul3A_1552 = arith.mulf %gather3A_234, %sub3A_1551 : vector<16xf32>
      %exp3A_1553 = math.exp %mul3A_1552 : vector<16xf32>
      %mul3A_1554 = arith.mulf %add3A_216, %exp3A_1553 : vector<16xf32>
      %add3A_1555 = arith.addf %broadcast_in_dim3A_15, %mul3A_1554 : vector<16xf32>
      %sub3A_1556 = arith.subf %sub3A_728, %gather3A_1550 : vector<16xf32>
      %mul3A_1557 = arith.mulf %gather3A_234, %sub3A_1556 : vector<16xf32>
      %exp3A_1558 = math.exp %mul3A_1557 : vector<16xf32>
      %mul3A_1559 = arith.mulf %add3A_219, %exp3A_1558 : vector<16xf32>
      %le3A_1560 = arith.constant 4 : i32
      %le3A_1561 = vector.broadcast %le3A_1560 : i32 to vector<16xi32>
      %le3A_1562 = arith.cmpi sle, %iota3A, %le3A_1561 : vector<16xi32>
      %jit3A_1563 = arith.constant 0.000000e+00 : f32
      %broadcast_in_dim3A_1564 = vector.broadcast %jit3A_1563 : f32 to vector<16xf32>
      %select_n3A_1565 = arith.select %le3A_1562, %mul3A_1559, %broadcast_in_dim3A_1564 : vector<16xi1>, vector<16xf32>
      %add3A_1566 = arith.addf %add3A_1555, %select_n3A_1565 : vector<16xf32>
      %le3A_1567 = arith.constant 2.200000e+01 : f32
      %le3A_1568 = vector.broadcast %le3A_1567 : f32 to vector<16xf32>
      %le3A_1569 = arith.cmpf ole, %le3A_1568, %max3A_336 : vector<16xf32>
      %jit3A_1570 = arith.constant 0.000000e+00 : f32
      %broadcast_in_dim3A_1571 = vector.broadcast %jit3A_1570 : f32 to vector<16xf32>
      %select_n3A_1572 = arith.select %le3A_1569, %add3A_1566, %broadcast_in_dim3A_1571 : vector<16xi1>, vector<16xf32>
      %add3A_1573 = arith.addf %add3A_1546, %select_n3A_1572 : vector<16xf32>
      %broadcast_in_dim3A_1574 = arith.constant 5 : i32
      %broadcast_in_dim3A_1575 = vector.broadcast %broadcast_in_dim3A_1574 : i32 to vector<16x1xi32>
      %gather3A_1576 = vector.shape_cast %broadcast_in_dim3A_1575 : vector<16x1xi32> to vector<16xi32>
      %gather3A_1577 = tpu.dynamic_gather %add3A_727[%gather3A_1576] in [0] : vector<16xf32>, vector<16xi32> -> vector<16xf32>
      %sub3A_1578 = arith.subf %sub3A, %gather3A_1577 : vector<16xf32>
      %mul3A_1579 = arith.mulf %gather3A_234, %sub3A_1578 : vector<16xf32>
      %exp3A_1580 = math.exp %mul3A_1579 : vector<16xf32>
      %mul3A_1581 = arith.mulf %add3A_216, %exp3A_1580 : vector<16xf32>
      %add3A_1582 = arith.addf %broadcast_in_dim3A_15, %mul3A_1581 : vector<16xf32>
      %sub3A_1583 = arith.subf %sub3A_728, %gather3A_1577 : vector<16xf32>
      %mul3A_1584 = arith.mulf %gather3A_234, %sub3A_1583 : vector<16xf32>
      %exp3A_1585 = math.exp %mul3A_1584 : vector<16xf32>
      %mul3A_1586 = arith.mulf %add3A_219, %exp3A_1585 : vector<16xf32>
      %le3A_1587 = arith.constant 5 : i32
      %le3A_1588 = vector.broadcast %le3A_1587 : i32 to vector<16xi32>
      %le3A_1589 = arith.cmpi sle, %iota3A, %le3A_1588 : vector<16xi32>
      %jit3A_1590 = arith.constant 0.000000e+00 : f32
      %broadcast_in_dim3A_1591 = vector.broadcast %jit3A_1590 : f32 to vector<16xf32>
      %select_n3A_1592 = arith.select %le3A_1589, %mul3A_1586, %broadcast_in_dim3A_1591 : vector<16xi1>, vector<16xf32>
      %add3A_1593 = arith.addf %add3A_1582, %select_n3A_1592 : vector<16xf32>
      %le3A_1594 = arith.constant 2.300000e+01 : f32
      %le3A_1595 = vector.broadcast %le3A_1594 : f32 to vector<16xf32>
      %le3A_1596 = arith.cmpf ole, %le3A_1595, %max3A_336 : vector<16xf32>
      %jit3A_1597 = arith.constant 0.000000e+00 : f32
      %broadcast_in_dim3A_1598 = vector.broadcast %jit3A_1597 : f32 to vector<16xf32>
      %select_n3A_1599 = arith.select %le3A_1596, %add3A_1593, %broadcast_in_dim3A_1598 : vector<16xi1>, vector<16xf32>
      %add3A_1600 = arith.addf %add3A_1573, %select_n3A_1599 : vector<16xf32>
      %broadcast_in_dim3A_1601 = arith.constant 6 : i32
      %broadcast_in_dim3A_1602 = vector.broadcast %broadcast_in_dim3A_1601 : i32 to vector<16x1xi32>
      %gather3A_1603 = vector.shape_cast %broadcast_in_dim3A_1602 : vector<16x1xi32> to vector<16xi32>
      %gather3A_1604 = tpu.dynamic_gather %add3A_727[%gather3A_1603] in [0] : vector<16xf32>, vector<16xi32> -> vector<16xf32>
      %sub3A_1605 = arith.subf %sub3A, %gather3A_1604 : vector<16xf32>
      %mul3A_1606 = arith.mulf %gather3A_234, %sub3A_1605 : vector<16xf32>
      %exp3A_1607 = math.exp %mul3A_1606 : vector<16xf32>
      %mul3A_1608 = arith.mulf %add3A_216, %exp3A_1607 : vector<16xf32>
      %add3A_1609 = arith.addf %broadcast_in_dim3A_15, %mul3A_1608 : vector<16xf32>
      %sub3A_1610 = arith.subf %sub3A_728, %gather3A_1604 : vector<16xf32>
      %mul3A_1611 = arith.mulf %gather3A_234, %sub3A_1610 : vector<16xf32>
      %exp3A_1612 = math.exp %mul3A_1611 : vector<16xf32>
      %mul3A_1613 = arith.mulf %add3A_219, %exp3A_1612 : vector<16xf32>
      %le3A_1614 = arith.constant 6 : i32
      %le3A_1615 = vector.broadcast %le3A_1614 : i32 to vector<16xi32>
      %le3A_1616 = arith.cmpi sle, %iota3A, %le3A_1615 : vector<16xi32>
      %jit3A_1617 = arith.constant 0.000000e+00 : f32
      %broadcast_in_dim3A_1618 = vector.broadcast %jit3A_1617 : f32 to vector<16xf32>
      %select_n3A_1619 = arith.select %le3A_1616, %mul3A_1613, %broadcast_in_dim3A_1618 : vector<16xi1>, vector<16xf32>
      %add3A_1620 = arith.addf %add3A_1609, %select_n3A_1619 : vector<16xf32>
      %le3A_1621 = arith.constant 2.400000e+01 : f32
      %le3A_1622 = vector.broadcast %le3A_1621 : f32 to vector<16xf32>
      %le3A_1623 = arith.cmpf ole, %le3A_1622, %max3A_336 : vector<16xf32>
      %jit3A_1624 = arith.constant 0.000000e+00 : f32
      %broadcast_in_dim3A_1625 = vector.broadcast %jit3A_1624 : f32 to vector<16xf32>
      %select_n3A_1626 = arith.select %le3A_1623, %add3A_1620, %broadcast_in_dim3A_1625 : vector<16xi1>, vector<16xf32>
      %add3A_1627 = arith.addf %add3A_1600, %select_n3A_1626 : vector<16xf32>
      %broadcast_in_dim3A_1628 = arith.constant 7 : i32
      %broadcast_in_dim3A_1629 = vector.broadcast %broadcast_in_dim3A_1628 : i32 to vector<16x1xi32>
      %gather3A_1630 = vector.shape_cast %broadcast_in_dim3A_1629 : vector<16x1xi32> to vector<16xi32>
      %gather3A_1631 = tpu.dynamic_gather %add3A_727[%gather3A_1630] in [0] : vector<16xf32>, vector<16xi32> -> vector<16xf32>
      %sub3A_1632 = arith.subf %sub3A, %gather3A_1631 : vector<16xf32>
      %mul3A_1633 = arith.mulf %gather3A_234, %sub3A_1632 : vector<16xf32>
      %exp3A_1634 = math.exp %mul3A_1633 : vector<16xf32>
      %mul3A_1635 = arith.mulf %add3A_216, %exp3A_1634 : vector<16xf32>
      %add3A_1636 = arith.addf %broadcast_in_dim3A_15, %mul3A_1635 : vector<16xf32>
      %sub3A_1637 = arith.subf %sub3A_728, %gather3A_1631 : vector<16xf32>
      %mul3A_1638 = arith.mulf %gather3A_234, %sub3A_1637 : vector<16xf32>
      %exp3A_1639 = math.exp %mul3A_1638 : vector<16xf32>
      %mul3A_1640 = arith.mulf %add3A_219, %exp3A_1639 : vector<16xf32>
      %le3A_1641 = arith.constant 7 : i32
      %le3A_1642 = vector.broadcast %le3A_1641 : i32 to vector<16xi32>
      %le3A_1643 = arith.cmpi sle, %iota3A, %le3A_1642 : vector<16xi32>
      %jit3A_1644 = arith.constant 0.000000e+00 : f32
      %broadcast_in_dim3A_1645 = vector.broadcast %jit3A_1644 : f32 to vector<16xf32>
      %select_n3A_1646 = arith.select %le3A_1643, %mul3A_1640, %broadcast_in_dim3A_1645 : vector<16xi1>, vector<16xf32>
      %add3A_1647 = arith.addf %add3A_1636, %select_n3A_1646 : vector<16xf32>
      %le3A_1648 = arith.constant 2.500000e+01 : f32
      %le3A_1649 = vector.broadcast %le3A_1648 : f32 to vector<16xf32>
      %le3A_1650 = arith.cmpf ole, %le3A_1649, %max3A_336 : vector<16xf32>
      %jit3A_1651 = arith.constant 0.000000e+00 : f32
      %broadcast_in_dim3A_1652 = vector.broadcast %jit3A_1651 : f32 to vector<16xf32>
      %select_n3A_1653 = arith.select %le3A_1650, %add3A_1647, %broadcast_in_dim3A_1652 : vector<16xi1>, vector<16xf32>
      %add3A_1654 = arith.addf %add3A_1627, %select_n3A_1653 : vector<16xf32>
      %broadcast_in_dim3A_1655 = arith.constant 8 : i32
      %broadcast_in_dim3A_1656 = vector.broadcast %broadcast_in_dim3A_1655 : i32 to vector<16x1xi32>
      %gather3A_1657 = vector.shape_cast %broadcast_in_dim3A_1656 : vector<16x1xi32> to vector<16xi32>
      %gather3A_1658 = tpu.dynamic_gather %add3A_727[%gather3A_1657] in [0] : vector<16xf32>, vector<16xi32> -> vector<16xf32>
      %sub3A_1659 = arith.subf %sub3A, %gather3A_1658 : vector<16xf32>
      %mul3A_1660 = arith.mulf %gather3A_234, %sub3A_1659 : vector<16xf32>
      %exp3A_1661 = math.exp %mul3A_1660 : vector<16xf32>
      %mul3A_1662 = arith.mulf %add3A_216, %exp3A_1661 : vector<16xf32>
      %add3A_1663 = arith.addf %broadcast_in_dim3A_15, %mul3A_1662 : vector<16xf32>
      %sub3A_1664 = arith.subf %sub3A_728, %gather3A_1658 : vector<16xf32>
      %mul3A_1665 = arith.mulf %gather3A_234, %sub3A_1664 : vector<16xf32>
      %exp3A_1666 = math.exp %mul3A_1665 : vector<16xf32>
      %mul3A_1667 = arith.mulf %add3A_219, %exp3A_1666 : vector<16xf32>
      %le3A_1668 = arith.constant 8 : i32
      %le3A_1669 = vector.broadcast %le3A_1668 : i32 to vector<16xi32>
      %le3A_1670 = arith.cmpi sle, %iota3A, %le3A_1669 : vector<16xi32>
      %jit3A_1671 = arith.constant 0.000000e+00 : f32
      %broadcast_in_dim3A_1672 = vector.broadcast %jit3A_1671 : f32 to vector<16xf32>
      %select_n3A_1673 = arith.select %le3A_1670, %mul3A_1667, %broadcast_in_dim3A_1672 : vector<16xi1>, vector<16xf32>
      %add3A_1674 = arith.addf %add3A_1663, %select_n3A_1673 : vector<16xf32>
      %le3A_1675 = arith.constant 2.600000e+01 : f32
      %le3A_1676 = vector.broadcast %le3A_1675 : f32 to vector<16xf32>
      %le3A_1677 = arith.cmpf ole, %le3A_1676, %max3A_336 : vector<16xf32>
      %jit3A_1678 = arith.constant 0.000000e+00 : f32
      %broadcast_in_dim3A_1679 = vector.broadcast %jit3A_1678 : f32 to vector<16xf32>
      %select_n3A_1680 = arith.select %le3A_1677, %add3A_1674, %broadcast_in_dim3A_1679 : vector<16xi1>, vector<16xf32>
      %add3A_1681 = arith.addf %add3A_1654, %select_n3A_1680 : vector<16xf32>
      %broadcast_in_dim3A_1682 = arith.constant 9 : i32
      %broadcast_in_dim3A_1683 = vector.broadcast %broadcast_in_dim3A_1682 : i32 to vector<16x1xi32>
      %gather3A_1684 = vector.shape_cast %broadcast_in_dim3A_1683 : vector<16x1xi32> to vector<16xi32>
      %gather3A_1685 = tpu.dynamic_gather %add3A_727[%gather3A_1684] in [0] : vector<16xf32>, vector<16xi32> -> vector<16xf32>
      %sub3A_1686 = arith.subf %sub3A, %gather3A_1685 : vector<16xf32>
      %mul3A_1687 = arith.mulf %gather3A_234, %sub3A_1686 : vector<16xf32>
      %exp3A_1688 = math.exp %mul3A_1687 : vector<16xf32>
      %mul3A_1689 = arith.mulf %add3A_216, %exp3A_1688 : vector<16xf32>
      %add3A_1690 = arith.addf %broadcast_in_dim3A_15, %mul3A_1689 : vector<16xf32>
      %sub3A_1691 = arith.subf %sub3A_728, %gather3A_1685 : vector<16xf32>
      %mul3A_1692 = arith.mulf %gather3A_234, %sub3A_1691 : vector<16xf32>
      %exp3A_1693 = math.exp %mul3A_1692 : vector<16xf32>
      %mul3A_1694 = arith.mulf %add3A_219, %exp3A_1693 : vector<16xf32>
      %le3A_1695 = arith.constant 9 : i32
      %le3A_1696 = vector.broadcast %le3A_1695 : i32 to vector<16xi32>
      %le3A_1697 = arith.cmpi sle, %iota3A, %le3A_1696 : vector<16xi32>
      %jit3A_1698 = arith.constant 0.000000e+00 : f32
      %broadcast_in_dim3A_1699 = vector.broadcast %jit3A_1698 : f32 to vector<16xf32>
      %select_n3A_1700 = arith.select %le3A_1697, %mul3A_1694, %broadcast_in_dim3A_1699 : vector<16xi1>, vector<16xf32>
      %add3A_1701 = arith.addf %add3A_1690, %select_n3A_1700 : vector<16xf32>
      %le3A_1702 = arith.constant 2.700000e+01 : f32
      %le3A_1703 = vector.broadcast %le3A_1702 : f32 to vector<16xf32>
      %le3A_1704 = arith.cmpf ole, %le3A_1703, %max3A_336 : vector<16xf32>
      %jit3A_1705 = arith.constant 0.000000e+00 : f32
      %broadcast_in_dim3A_1706 = vector.broadcast %jit3A_1705 : f32 to vector<16xf32>
      %select_n3A_1707 = arith.select %le3A_1704, %add3A_1701, %broadcast_in_dim3A_1706 : vector<16xi1>, vector<16xf32>
      %add3A_1708 = arith.addf %add3A_1681, %select_n3A_1707 : vector<16xf32>
      %broadcast_in_dim3A_1709 = arith.constant 10 : i32
      %broadcast_in_dim3A_1710 = vector.broadcast %broadcast_in_dim3A_1709 : i32 to vector<16x1xi32>
      %gather3A_1711 = vector.shape_cast %broadcast_in_dim3A_1710 : vector<16x1xi32> to vector<16xi32>
      %gather3A_1712 = tpu.dynamic_gather %add3A_727[%gather3A_1711] in [0] : vector<16xf32>, vector<16xi32> -> vector<16xf32>
      %sub3A_1713 = arith.subf %sub3A, %gather3A_1712 : vector<16xf32>
      %mul3A_1714 = arith.mulf %gather3A_234, %sub3A_1713 : vector<16xf32>
      %exp3A_1715 = math.exp %mul3A_1714 : vector<16xf32>
      %mul3A_1716 = arith.mulf %add3A_216, %exp3A_1715 : vector<16xf32>
      %add3A_1717 = arith.addf %broadcast_in_dim3A_15, %mul3A_1716 : vector<16xf32>
      %sub3A_1718 = arith.subf %sub3A_728, %gather3A_1712 : vector<16xf32>
      %mul3A_1719 = arith.mulf %gather3A_234, %sub3A_1718 : vector<16xf32>
      %exp3A_1720 = math.exp %mul3A_1719 : vector<16xf32>
      %mul3A_1721 = arith.mulf %add3A_219, %exp3A_1720 : vector<16xf32>
      %le3A_1722 = arith.constant 10 : i32
      %le3A_1723 = vector.broadcast %le3A_1722 : i32 to vector<16xi32>
      %le3A_1724 = arith.cmpi sle, %iota3A, %le3A_1723 : vector<16xi32>
      %jit3A_1725 = arith.constant 0.000000e+00 : f32
      %broadcast_in_dim3A_1726 = vector.broadcast %jit3A_1725 : f32 to vector<16xf32>
      %select_n3A_1727 = arith.select %le3A_1724, %mul3A_1721, %broadcast_in_dim3A_1726 : vector<16xi1>, vector<16xf32>
      %add3A_1728 = arith.addf %add3A_1717, %select_n3A_1727 : vector<16xf32>
      %le3A_1729 = arith.constant 2.800000e+01 : f32
      %le3A_1730 = vector.broadcast %le3A_1729 : f32 to vector<16xf32>
      %le3A_1731 = arith.cmpf ole, %le3A_1730, %max3A_336 : vector<16xf32>
      %jit3A_1732 = arith.constant 0.000000e+00 : f32
      %broadcast_in_dim3A_1733 = vector.broadcast %jit3A_1732 : f32 to vector<16xf32>
      %select_n3A_1734 = arith.select %le3A_1731, %add3A_1728, %broadcast_in_dim3A_1733 : vector<16xi1>, vector<16xf32>
      %add3A_1735 = arith.addf %add3A_1708, %select_n3A_1734 : vector<16xf32>
      %broadcast_in_dim3A_1736 = arith.constant 11 : i32
      %broadcast_in_dim3A_1737 = vector.broadcast %broadcast_in_dim3A_1736 : i32 to vector<16x1xi32>
      %gather3A_1738 = vector.shape_cast %broadcast_in_dim3A_1737 : vector<16x1xi32> to vector<16xi32>
      %gather3A_1739 = tpu.dynamic_gather %add3A_727[%gather3A_1738] in [0] : vector<16xf32>, vector<16xi32> -> vector<16xf32>
      %sub3A_1740 = arith.subf %sub3A, %gather3A_1739 : vector<16xf32>
      %mul3A_1741 = arith.mulf %gather3A_234, %sub3A_1740 : vector<16xf32>
      %exp3A_1742 = math.exp %mul3A_1741 : vector<16xf32>
      %mul3A_1743 = arith.mulf %add3A_216, %exp3A_1742 : vector<16xf32>
      %add3A_1744 = arith.addf %broadcast_in_dim3A_15, %mul3A_1743 : vector<16xf32>
      %sub3A_1745 = arith.subf %sub3A_728, %gather3A_1739 : vector<16xf32>
      %mul3A_1746 = arith.mulf %gather3A_234, %sub3A_1745 : vector<16xf32>
      %exp3A_1747 = math.exp %mul3A_1746 : vector<16xf32>
      %mul3A_1748 = arith.mulf %add3A_219, %exp3A_1747 : vector<16xf32>
      %le3A_1749 = arith.constant 11 : i32
      %le3A_1750 = vector.broadcast %le3A_1749 : i32 to vector<16xi32>
      %le3A_1751 = arith.cmpi sle, %iota3A, %le3A_1750 : vector<16xi32>
      %jit3A_1752 = arith.constant 0.000000e+00 : f32
      %broadcast_in_dim3A_1753 = vector.broadcast %jit3A_1752 : f32 to vector<16xf32>
      %select_n3A_1754 = arith.select %le3A_1751, %mul3A_1748, %broadcast_in_dim3A_1753 : vector<16xi1>, vector<16xf32>
      %add3A_1755 = arith.addf %add3A_1744, %select_n3A_1754 : vector<16xf32>
      %le3A_1756 = arith.constant 2.900000e+01 : f32
      %le3A_1757 = vector.broadcast %le3A_1756 : f32 to vector<16xf32>
      %le3A_1758 = arith.cmpf ole, %le3A_1757, %max3A_336 : vector<16xf32>
      %jit3A_1759 = arith.constant 0.000000e+00 : f32
      %broadcast_in_dim3A_1760 = vector.broadcast %jit3A_1759 : f32 to vector<16xf32>
      %select_n3A_1761 = arith.select %le3A_1758, %add3A_1755, %broadcast_in_dim3A_1760 : vector<16xi1>, vector<16xf32>
      %add3A_1762 = arith.addf %add3A_1735, %select_n3A_1761 : vector<16xf32>
      %broadcast_in_dim3A_1763 = arith.constant 12 : i32
      %broadcast_in_dim3A_1764 = vector.broadcast %broadcast_in_dim3A_1763 : i32 to vector<16x1xi32>
      %gather3A_1765 = vector.shape_cast %broadcast_in_dim3A_1764 : vector<16x1xi32> to vector<16xi32>
      %gather3A_1766 = tpu.dynamic_gather %add3A_727[%gather3A_1765] in [0] : vector<16xf32>, vector<16xi32> -> vector<16xf32>
      %sub3A_1767 = arith.subf %sub3A, %gather3A_1766 : vector<16xf32>
      %mul3A_1768 = arith.mulf %gather3A_234, %sub3A_1767 : vector<16xf32>
      %exp3A_1769 = math.exp %mul3A_1768 : vector<16xf32>
      %mul3A_1770 = arith.mulf %add3A_216, %exp3A_1769 : vector<16xf32>
      %add3A_1771 = arith.addf %broadcast_in_dim3A_15, %mul3A_1770 : vector<16xf32>
      %sub3A_1772 = arith.subf %sub3A_728, %gather3A_1766 : vector<16xf32>
      %mul3A_1773 = arith.mulf %gather3A_234, %sub3A_1772 : vector<16xf32>
      %exp3A_1774 = math.exp %mul3A_1773 : vector<16xf32>
      %mul3A_1775 = arith.mulf %add3A_219, %exp3A_1774 : vector<16xf32>
      %le3A_1776 = arith.constant 12 : i32
      %le3A_1777 = vector.broadcast %le3A_1776 : i32 to vector<16xi32>
      %le3A_1778 = arith.cmpi sle, %iota3A, %le3A_1777 : vector<16xi32>
      %jit3A_1779 = arith.constant 0.000000e+00 : f32
      %broadcast_in_dim3A_1780 = vector.broadcast %jit3A_1779 : f32 to vector<16xf32>
      %select_n3A_1781 = arith.select %le3A_1778, %mul3A_1775, %broadcast_in_dim3A_1780 : vector<16xi1>, vector<16xf32>
      %add3A_1782 = arith.addf %add3A_1771, %select_n3A_1781 : vector<16xf32>
      %le3A_1783 = arith.constant 3.000000e+01 : f32
      %le3A_1784 = vector.broadcast %le3A_1783 : f32 to vector<16xf32>
      %le3A_1785 = arith.cmpf ole, %le3A_1784, %max3A_336 : vector<16xf32>
      %jit3A_1786 = arith.constant 0.000000e+00 : f32
      %broadcast_in_dim3A_1787 = vector.broadcast %jit3A_1786 : f32 to vector<16xf32>
      %select_n3A_1788 = arith.select %le3A_1785, %add3A_1782, %broadcast_in_dim3A_1787 : vector<16xi1>, vector<16xf32>
      %add3A_1789 = arith.addf %add3A_1762, %select_n3A_1788 : vector<16xf32>
      %broadcast_in_dim3A_1790 = arith.constant 13 : i32
      %broadcast_in_dim3A_1791 = vector.broadcast %broadcast_in_dim3A_1790 : i32 to vector<16x1xi32>
      %gather3A_1792 = vector.shape_cast %broadcast_in_dim3A_1791 : vector<16x1xi32> to vector<16xi32>
      %gather3A_1793 = tpu.dynamic_gather %add3A_727[%gather3A_1792] in [0] : vector<16xf32>, vector<16xi32> -> vector<16xf32>
      %sub3A_1794 = arith.subf %sub3A, %gather3A_1793 : vector<16xf32>
      %mul3A_1795 = arith.mulf %gather3A_234, %sub3A_1794 : vector<16xf32>
      %exp3A_1796 = math.exp %mul3A_1795 : vector<16xf32>
      %mul3A_1797 = arith.mulf %add3A_216, %exp3A_1796 : vector<16xf32>
      %add3A_1798 = arith.addf %broadcast_in_dim3A_15, %mul3A_1797 : vector<16xf32>
      %sub3A_1799 = arith.subf %sub3A_728, %gather3A_1793 : vector<16xf32>
      %mul3A_1800 = arith.mulf %gather3A_234, %sub3A_1799 : vector<16xf32>
      %exp3A_1801 = math.exp %mul3A_1800 : vector<16xf32>
      %mul3A_1802 = arith.mulf %add3A_219, %exp3A_1801 : vector<16xf32>
      %le3A_1803 = arith.constant 13 : i32
      %le3A_1804 = vector.broadcast %le3A_1803 : i32 to vector<16xi32>
      %le3A_1805 = arith.cmpi sle, %iota3A, %le3A_1804 : vector<16xi32>
      %jit3A_1806 = arith.constant 0.000000e+00 : f32
      %broadcast_in_dim3A_1807 = vector.broadcast %jit3A_1806 : f32 to vector<16xf32>
      %select_n3A_1808 = arith.select %le3A_1805, %mul3A_1802, %broadcast_in_dim3A_1807 : vector<16xi1>, vector<16xf32>
      %add3A_1809 = arith.addf %add3A_1798, %select_n3A_1808 : vector<16xf32>
      %le3A_1810 = arith.constant 3.100000e+01 : f32
      %le3A_1811 = vector.broadcast %le3A_1810 : f32 to vector<16xf32>
      %le3A_1812 = arith.cmpf ole, %le3A_1811, %max3A_336 : vector<16xf32>
      %jit3A_1813 = arith.constant 0.000000e+00 : f32
      %broadcast_in_dim3A_1814 = vector.broadcast %jit3A_1813 : f32 to vector<16xf32>
      %select_n3A_1815 = arith.select %le3A_1812, %add3A_1809, %broadcast_in_dim3A_1814 : vector<16xi1>, vector<16xf32>
      %add3A_1816 = arith.addf %add3A_1789, %select_n3A_1815 : vector<16xf32>
      %broadcast_in_dim3A_1817 = arith.constant 14 : i32
      %broadcast_in_dim3A_1818 = vector.broadcast %broadcast_in_dim3A_1817 : i32 to vector<16x1xi32>
      %gather3A_1819 = vector.shape_cast %broadcast_in_dim3A_1818 : vector<16x1xi32> to vector<16xi32>
      %gather3A_1820 = tpu.dynamic_gather %add3A_727[%gather3A_1819] in [0] : vector<16xf32>, vector<16xi32> -> vector<16xf32>
      %sub3A_1821 = arith.subf %sub3A, %gather3A_1820 : vector<16xf32>
      %mul3A_1822 = arith.mulf %gather3A_234, %sub3A_1821 : vector<16xf32>
      %exp3A_1823 = math.exp %mul3A_1822 : vector<16xf32>
      %mul3A_1824 = arith.mulf %add3A_216, %exp3A_1823 : vector<16xf32>
      %add3A_1825 = arith.addf %broadcast_in_dim3A_15, %mul3A_1824 : vector<16xf32>
      %sub3A_1826 = arith.subf %sub3A_728, %gather3A_1820 : vector<16xf32>
      %mul3A_1827 = arith.mulf %gather3A_234, %sub3A_1826 : vector<16xf32>
      %exp3A_1828 = math.exp %mul3A_1827 : vector<16xf32>
      %mul3A_1829 = arith.mulf %add3A_219, %exp3A_1828 : vector<16xf32>
      %le3A_1830 = arith.constant 14 : i32
      %le3A_1831 = vector.broadcast %le3A_1830 : i32 to vector<16xi32>
      %le3A_1832 = arith.cmpi sle, %iota3A, %le3A_1831 : vector<16xi32>
      %jit3A_1833 = arith.constant 0.000000e+00 : f32
      %broadcast_in_dim3A_1834 = vector.broadcast %jit3A_1833 : f32 to vector<16xf32>
      %select_n3A_1835 = arith.select %le3A_1832, %mul3A_1829, %broadcast_in_dim3A_1834 : vector<16xi1>, vector<16xf32>
      %add3A_1836 = arith.addf %add3A_1825, %select_n3A_1835 : vector<16xf32>
      %le3A_1837 = arith.constant 3.200000e+01 : f32
      %le3A_1838 = vector.broadcast %le3A_1837 : f32 to vector<16xf32>
      %le3A_1839 = arith.cmpf ole, %le3A_1838, %max3A_336 : vector<16xf32>
      %jit3A_1840 = arith.constant 0.000000e+00 : f32
      %broadcast_in_dim3A_1841 = vector.broadcast %jit3A_1840 : f32 to vector<16xf32>
      %select_n3A_1842 = arith.select %le3A_1839, %add3A_1836, %broadcast_in_dim3A_1841 : vector<16xi1>, vector<16xf32>
      %add3A_1843 = arith.addf %add3A_1816, %select_n3A_1842 : vector<16xf32>
      %broadcast_in_dim3A_1844 = arith.constant 15 : i32
      %broadcast_in_dim3A_1845 = vector.broadcast %broadcast_in_dim3A_1844 : i32 to vector<16x1xi32>
      %gather3A_1846 = vector.shape_cast %broadcast_in_dim3A_1845 : vector<16x1xi32> to vector<16xi32>
      %gather3A_1847 = tpu.dynamic_gather %add3A_727[%gather3A_1846] in [0] : vector<16xf32>, vector<16xi32> -> vector<16xf32>
      %sub3A_1848 = arith.subf %sub3A, %gather3A_1847 : vector<16xf32>
      %mul3A_1849 = arith.mulf %gather3A_234, %sub3A_1848 : vector<16xf32>
      %exp3A_1850 = math.exp %mul3A_1849 : vector<16xf32>
      %mul3A_1851 = arith.mulf %add3A_216, %exp3A_1850 : vector<16xf32>
      %add3A_1852 = arith.addf %broadcast_in_dim3A_15, %mul3A_1851 : vector<16xf32>
      %sub3A_1853 = arith.subf %sub3A_728, %gather3A_1847 : vector<16xf32>
      %mul3A_1854 = arith.mulf %gather3A_234, %sub3A_1853 : vector<16xf32>
      %exp3A_1855 = math.exp %mul3A_1854 : vector<16xf32>
      %mul3A_1856 = arith.mulf %add3A_219, %exp3A_1855 : vector<16xf32>
      %add3A_1857 = arith.addf %add3A_1852, %mul3A_1856 : vector<16xf32>
      %le3A_1858 = arith.constant 3.300000e+01 : f32
      %le3A_1859 = vector.broadcast %le3A_1858 : f32 to vector<16xf32>
      %le3A_1860 = arith.cmpf ole, %le3A_1859, %max3A_336 : vector<16xf32>
      %jit3A_1861 = arith.constant 0.000000e+00 : f32
      %broadcast_in_dim3A_1862 = vector.broadcast %jit3A_1861 : f32 to vector<16xf32>
      %select_n3A_1863 = arith.select %le3A_1860, %add3A_1857, %broadcast_in_dim3A_1862 : vector<16xi1>, vector<16xf32>
      %add3A_1864 = arith.addf %add3A_1843, %select_n3A_1863 : vector<16xf32>
      %broadcast_in_dim3A_1865 = arith.constant 0 : i32
      %broadcast_in_dim3A_1866 = vector.broadcast %broadcast_in_dim3A_1865 : i32 to vector<16x1xi32>
      %gather3A_1867 = vector.shape_cast %broadcast_in_dim3A_1866 : vector<16x1xi32> to vector<16xi32>
      %gather3A_1868 = tpu.dynamic_gather %add3A_908[%gather3A_1867] in [0] : vector<16xf32>, vector<16xi32> -> vector<16xf32>
      %sub3A_1869 = arith.subf %sub3A, %gather3A_1868 : vector<16xf32>
      %mul3A_1870 = arith.mulf %gather3A_234, %sub3A_1869 : vector<16xf32>
      %exp3A_1871 = math.exp %mul3A_1870 : vector<16xf32>
      %mul3A_1872 = arith.mulf %add3A_216, %exp3A_1871 : vector<16xf32>
      %add3A_1873 = arith.addf %broadcast_in_dim3A_15, %mul3A_1872 : vector<16xf32>
      %sub3A_1874 = arith.subf %sub3A_728, %gather3A_1868 : vector<16xf32>
      %mul3A_1875 = arith.mulf %gather3A_234, %sub3A_1874 : vector<16xf32>
      %exp3A_1876 = math.exp %mul3A_1875 : vector<16xf32>
      %mul3A_1877 = arith.mulf %add3A_219, %exp3A_1876 : vector<16xf32>
      %add3A_1878 = arith.addf %add3A_1873, %mul3A_1877 : vector<16xf32>
      %sub3A_1879 = arith.subf %sub3A_909, %gather3A_1868 : vector<16xf32>
      %mul3A_1880 = arith.mulf %gather3A_234, %sub3A_1879 : vector<16xf32>
      %exp3A_1881 = math.exp %mul3A_1880 : vector<16xf32>
      %mul3A_1882 = arith.mulf %add3A_222, %exp3A_1881 : vector<16xf32>
      %le3A_1883 = arith.constant 0 : i32
      %le3A_1884 = vector.broadcast %le3A_1883 : i32 to vector<16xi32>
      %le3A_1885 = arith.cmpi sle, %iota3A, %le3A_1884 : vector<16xi32>
      %jit3A_1886 = arith.constant 0.000000e+00 : f32
      %broadcast_in_dim3A_1887 = vector.broadcast %jit3A_1886 : f32 to vector<16xf32>
      %select_n3A_1888 = arith.select %le3A_1885, %mul3A_1882, %broadcast_in_dim3A_1887 : vector<16xi1>, vector<16xf32>
      %add3A_1889 = arith.addf %add3A_1878, %select_n3A_1888 : vector<16xf32>
      %le3A_1890 = arith.constant 3.400000e+01 : f32
      %le3A_1891 = vector.broadcast %le3A_1890 : f32 to vector<16xf32>
      %le3A_1892 = arith.cmpf ole, %le3A_1891, %max3A_336 : vector<16xf32>
      %jit3A_1893 = arith.constant 0.000000e+00 : f32
      %broadcast_in_dim3A_1894 = vector.broadcast %jit3A_1893 : f32 to vector<16xf32>
      %select_n3A_1895 = arith.select %le3A_1892, %add3A_1889, %broadcast_in_dim3A_1894 : vector<16xi1>, vector<16xf32>
      %add3A_1896 = arith.addf %add3A_1864, %select_n3A_1895 : vector<16xf32>
      %broadcast_in_dim3A_1897 = arith.constant 1 : i32
      %broadcast_in_dim3A_1898 = vector.broadcast %broadcast_in_dim3A_1897 : i32 to vector<16x1xi32>
      %gather3A_1899 = vector.shape_cast %broadcast_in_dim3A_1898 : vector<16x1xi32> to vector<16xi32>
      %gather3A_1900 = tpu.dynamic_gather %add3A_908[%gather3A_1899] in [0] : vector<16xf32>, vector<16xi32> -> vector<16xf32>
      %sub3A_1901 = arith.subf %sub3A, %gather3A_1900 : vector<16xf32>
      %mul3A_1902 = arith.mulf %gather3A_234, %sub3A_1901 : vector<16xf32>
      %exp3A_1903 = math.exp %mul3A_1902 : vector<16xf32>
      %mul3A_1904 = arith.mulf %add3A_216, %exp3A_1903 : vector<16xf32>
      %add3A_1905 = arith.addf %broadcast_in_dim3A_15, %mul3A_1904 : vector<16xf32>
      %sub3A_1906 = arith.subf %sub3A_728, %gather3A_1900 : vector<16xf32>
      %mul3A_1907 = arith.mulf %gather3A_234, %sub3A_1906 : vector<16xf32>
      %exp3A_1908 = math.exp %mul3A_1907 : vector<16xf32>
      %mul3A_1909 = arith.mulf %add3A_219, %exp3A_1908 : vector<16xf32>
      %add3A_1910 = arith.addf %add3A_1905, %mul3A_1909 : vector<16xf32>
      %sub3A_1911 = arith.subf %sub3A_909, %gather3A_1900 : vector<16xf32>
      %mul3A_1912 = arith.mulf %gather3A_234, %sub3A_1911 : vector<16xf32>
      %exp3A_1913 = math.exp %mul3A_1912 : vector<16xf32>
      %mul3A_1914 = arith.mulf %add3A_222, %exp3A_1913 : vector<16xf32>
      %le3A_1915 = arith.constant 1 : i32
      %le3A_1916 = vector.broadcast %le3A_1915 : i32 to vector<16xi32>
      %le3A_1917 = arith.cmpi sle, %iota3A, %le3A_1916 : vector<16xi32>
      %jit3A_1918 = arith.constant 0.000000e+00 : f32
      %broadcast_in_dim3A_1919 = vector.broadcast %jit3A_1918 : f32 to vector<16xf32>
      %select_n3A_1920 = arith.select %le3A_1917, %mul3A_1914, %broadcast_in_dim3A_1919 : vector<16xi1>, vector<16xf32>
      %add3A_1921 = arith.addf %add3A_1910, %select_n3A_1920 : vector<16xf32>
      %le3A_1922 = arith.constant 3.500000e+01 : f32
      %le3A_1923 = vector.broadcast %le3A_1922 : f32 to vector<16xf32>
      %le3A_1924 = arith.cmpf ole, %le3A_1923, %max3A_336 : vector<16xf32>
      %jit3A_1925 = arith.constant 0.000000e+00 : f32
      %broadcast_in_dim3A_1926 = vector.broadcast %jit3A_1925 : f32 to vector<16xf32>
      %select_n3A_1927 = arith.select %le3A_1924, %add3A_1921, %broadcast_in_dim3A_1926 : vector<16xi1>, vector<16xf32>
      %add3A_1928 = arith.addf %add3A_1896, %select_n3A_1927 : vector<16xf32>
      %broadcast_in_dim3A_1929 = arith.constant 2 : i32
      %broadcast_in_dim3A_1930 = vector.broadcast %broadcast_in_dim3A_1929 : i32 to vector<16x1xi32>
      %gather3A_1931 = vector.shape_cast %broadcast_in_dim3A_1930 : vector<16x1xi32> to vector<16xi32>
      %gather3A_1932 = tpu.dynamic_gather %add3A_908[%gather3A_1931] in [0] : vector<16xf32>, vector<16xi32> -> vector<16xf32>
      %sub3A_1933 = arith.subf %sub3A, %gather3A_1932 : vector<16xf32>
      %mul3A_1934 = arith.mulf %gather3A_234, %sub3A_1933 : vector<16xf32>
      %exp3A_1935 = math.exp %mul3A_1934 : vector<16xf32>
      %mul3A_1936 = arith.mulf %add3A_216, %exp3A_1935 : vector<16xf32>
      %add3A_1937 = arith.addf %broadcast_in_dim3A_15, %mul3A_1936 : vector<16xf32>
      %sub3A_1938 = arith.subf %sub3A_728, %gather3A_1932 : vector<16xf32>
      %mul3A_1939 = arith.mulf %gather3A_234, %sub3A_1938 : vector<16xf32>
      %exp3A_1940 = math.exp %mul3A_1939 : vector<16xf32>
      %mul3A_1941 = arith.mulf %add3A_219, %exp3A_1940 : vector<16xf32>
      %add3A_1942 = arith.addf %add3A_1937, %mul3A_1941 : vector<16xf32>
      %sub3A_1943 = arith.subf %sub3A_909, %gather3A_1932 : vector<16xf32>
      %mul3A_1944 = arith.mulf %gather3A_234, %sub3A_1943 : vector<16xf32>
      %exp3A_1945 = math.exp %mul3A_1944 : vector<16xf32>
      %mul3A_1946 = arith.mulf %add3A_222, %exp3A_1945 : vector<16xf32>
      %le3A_1947 = arith.constant 2 : i32
      %le3A_1948 = vector.broadcast %le3A_1947 : i32 to vector<16xi32>
      %le3A_1949 = arith.cmpi sle, %iota3A, %le3A_1948 : vector<16xi32>
      %jit3A_1950 = arith.constant 0.000000e+00 : f32
      %broadcast_in_dim3A_1951 = vector.broadcast %jit3A_1950 : f32 to vector<16xf32>
      %select_n3A_1952 = arith.select %le3A_1949, %mul3A_1946, %broadcast_in_dim3A_1951 : vector<16xi1>, vector<16xf32>
      %add3A_1953 = arith.addf %add3A_1942, %select_n3A_1952 : vector<16xf32>
      %le3A_1954 = arith.constant 3.600000e+01 : f32
      %le3A_1955 = vector.broadcast %le3A_1954 : f32 to vector<16xf32>
      %le3A_1956 = arith.cmpf ole, %le3A_1955, %max3A_336 : vector<16xf32>
      %jit3A_1957 = arith.constant 0.000000e+00 : f32
      %broadcast_in_dim3A_1958 = vector.broadcast %jit3A_1957 : f32 to vector<16xf32>
      %select_n3A_1959 = arith.select %le3A_1956, %add3A_1953, %broadcast_in_dim3A_1958 : vector<16xi1>, vector<16xf32>
      %add3A_1960 = arith.addf %add3A_1928, %select_n3A_1959 : vector<16xf32>
      %broadcast_in_dim3A_1961 = arith.constant 3 : i32
      %broadcast_in_dim3A_1962 = vector.broadcast %broadcast_in_dim3A_1961 : i32 to vector<16x1xi32>
      %gather3A_1963 = vector.shape_cast %broadcast_in_dim3A_1962 : vector<16x1xi32> to vector<16xi32>
      %gather3A_1964 = tpu.dynamic_gather %add3A_908[%gather3A_1963] in [0] : vector<16xf32>, vector<16xi32> -> vector<16xf32>
      %sub3A_1965 = arith.subf %sub3A, %gather3A_1964 : vector<16xf32>
      %mul3A_1966 = arith.mulf %gather3A_234, %sub3A_1965 : vector<16xf32>
      %exp3A_1967 = math.exp %mul3A_1966 : vector<16xf32>
      %mul3A_1968 = arith.mulf %add3A_216, %exp3A_1967 : vector<16xf32>
      %add3A_1969 = arith.addf %broadcast_in_dim3A_15, %mul3A_1968 : vector<16xf32>
      %sub3A_1970 = arith.subf %sub3A_728, %gather3A_1964 : vector<16xf32>
      %mul3A_1971 = arith.mulf %gather3A_234, %sub3A_1970 : vector<16xf32>
      %exp3A_1972 = math.exp %mul3A_1971 : vector<16xf32>
      %mul3A_1973 = arith.mulf %add3A_219, %exp3A_1972 : vector<16xf32>
      %add3A_1974 = arith.addf %add3A_1969, %mul3A_1973 : vector<16xf32>
      %sub3A_1975 = arith.subf %sub3A_909, %gather3A_1964 : vector<16xf32>
      %mul3A_1976 = arith.mulf %gather3A_234, %sub3A_1975 : vector<16xf32>
      %exp3A_1977 = math.exp %mul3A_1976 : vector<16xf32>
      %mul3A_1978 = arith.mulf %add3A_222, %exp3A_1977 : vector<16xf32>
      %le3A_1979 = arith.constant 3 : i32
      %le3A_1980 = vector.broadcast %le3A_1979 : i32 to vector<16xi32>
      %le3A_1981 = arith.cmpi sle, %iota3A, %le3A_1980 : vector<16xi32>
      %jit3A_1982 = arith.constant 0.000000e+00 : f32
      %broadcast_in_dim3A_1983 = vector.broadcast %jit3A_1982 : f32 to vector<16xf32>
      %select_n3A_1984 = arith.select %le3A_1981, %mul3A_1978, %broadcast_in_dim3A_1983 : vector<16xi1>, vector<16xf32>
      %add3A_1985 = arith.addf %add3A_1974, %select_n3A_1984 : vector<16xf32>
      %le3A_1986 = arith.constant 3.700000e+01 : f32
      %le3A_1987 = vector.broadcast %le3A_1986 : f32 to vector<16xf32>
      %le3A_1988 = arith.cmpf ole, %le3A_1987, %max3A_336 : vector<16xf32>
      %jit3A_1989 = arith.constant 0.000000e+00 : f32
      %broadcast_in_dim3A_1990 = vector.broadcast %jit3A_1989 : f32 to vector<16xf32>
      %select_n3A_1991 = arith.select %le3A_1988, %add3A_1985, %broadcast_in_dim3A_1990 : vector<16xi1>, vector<16xf32>
      %add3A_1992 = arith.addf %add3A_1960, %select_n3A_1991 : vector<16xf32>
      %broadcast_in_dim3A_1993 = arith.constant 4 : i32
      %broadcast_in_dim3A_1994 = vector.broadcast %broadcast_in_dim3A_1993 : i32 to vector<16x1xi32>
      %gather3A_1995 = vector.shape_cast %broadcast_in_dim3A_1994 : vector<16x1xi32> to vector<16xi32>
      %gather3A_1996 = tpu.dynamic_gather %add3A_908[%gather3A_1995] in [0] : vector<16xf32>, vector<16xi32> -> vector<16xf32>
      %sub3A_1997 = arith.subf %sub3A, %gather3A_1996 : vector<16xf32>
      %mul3A_1998 = arith.mulf %gather3A_234, %sub3A_1997 : vector<16xf32>
      %exp3A_1999 = math.exp %mul3A_1998 : vector<16xf32>
      %mul3A_2000 = arith.mulf %add3A_216, %exp3A_1999 : vector<16xf32>
      %add3A_2001 = arith.addf %broadcast_in_dim3A_15, %mul3A_2000 : vector<16xf32>
      %sub3A_2002 = arith.subf %sub3A_728, %gather3A_1996 : vector<16xf32>
      %mul3A_2003 = arith.mulf %gather3A_234, %sub3A_2002 : vector<16xf32>
      %exp3A_2004 = math.exp %mul3A_2003 : vector<16xf32>
      %mul3A_2005 = arith.mulf %add3A_219, %exp3A_2004 : vector<16xf32>
      %add3A_2006 = arith.addf %add3A_2001, %mul3A_2005 : vector<16xf32>
      %sub3A_2007 = arith.subf %sub3A_909, %gather3A_1996 : vector<16xf32>
      %mul3A_2008 = arith.mulf %gather3A_234, %sub3A_2007 : vector<16xf32>
      %exp3A_2009 = math.exp %mul3A_2008 : vector<16xf32>
      %mul3A_2010 = arith.mulf %add3A_222, %exp3A_2009 : vector<16xf32>
      %le3A_2011 = arith.constant 4 : i32
      %le3A_2012 = vector.broadcast %le3A_2011 : i32 to vector<16xi32>
      %le3A_2013 = arith.cmpi sle, %iota3A, %le3A_2012 : vector<16xi32>
      %jit3A_2014 = arith.constant 0.000000e+00 : f32
      %broadcast_in_dim3A_2015 = vector.broadcast %jit3A_2014 : f32 to vector<16xf32>
      %select_n3A_2016 = arith.select %le3A_2013, %mul3A_2010, %broadcast_in_dim3A_2015 : vector<16xi1>, vector<16xf32>
      %add3A_2017 = arith.addf %add3A_2006, %select_n3A_2016 : vector<16xf32>
      %le3A_2018 = arith.constant 3.800000e+01 : f32
      %le3A_2019 = vector.broadcast %le3A_2018 : f32 to vector<16xf32>
      %le3A_2020 = arith.cmpf ole, %le3A_2019, %max3A_336 : vector<16xf32>
      %jit3A_2021 = arith.constant 0.000000e+00 : f32
      %broadcast_in_dim3A_2022 = vector.broadcast %jit3A_2021 : f32 to vector<16xf32>
      %select_n3A_2023 = arith.select %le3A_2020, %add3A_2017, %broadcast_in_dim3A_2022 : vector<16xi1>, vector<16xf32>
      %add3A_2024 = arith.addf %add3A_1992, %select_n3A_2023 : vector<16xf32>
      %broadcast_in_dim3A_2025 = arith.constant 5 : i32
      %broadcast_in_dim3A_2026 = vector.broadcast %broadcast_in_dim3A_2025 : i32 to vector<16x1xi32>
      %gather3A_2027 = vector.shape_cast %broadcast_in_dim3A_2026 : vector<16x1xi32> to vector<16xi32>
      %gather3A_2028 = tpu.dynamic_gather %add3A_908[%gather3A_2027] in [0] : vector<16xf32>, vector<16xi32> -> vector<16xf32>
      %sub3A_2029 = arith.subf %sub3A, %gather3A_2028 : vector<16xf32>
      %mul3A_2030 = arith.mulf %gather3A_234, %sub3A_2029 : vector<16xf32>
      %exp3A_2031 = math.exp %mul3A_2030 : vector<16xf32>
      %mul3A_2032 = arith.mulf %add3A_216, %exp3A_2031 : vector<16xf32>
      %add3A_2033 = arith.addf %broadcast_in_dim3A_15, %mul3A_2032 : vector<16xf32>
      %sub3A_2034 = arith.subf %sub3A_728, %gather3A_2028 : vector<16xf32>
      %mul3A_2035 = arith.mulf %gather3A_234, %sub3A_2034 : vector<16xf32>
      %exp3A_2036 = math.exp %mul3A_2035 : vector<16xf32>
      %mul3A_2037 = arith.mulf %add3A_219, %exp3A_2036 : vector<16xf32>
      %add3A_2038 = arith.addf %add3A_2033, %mul3A_2037 : vector<16xf32>
      %sub3A_2039 = arith.subf %sub3A_909, %gather3A_2028 : vector<16xf32>
      %mul3A_2040 = arith.mulf %gather3A_234, %sub3A_2039 : vector<16xf32>
      %exp3A_2041 = math.exp %mul3A_2040 : vector<16xf32>
      %mul3A_2042 = arith.mulf %add3A_222, %exp3A_2041 : vector<16xf32>
      %le3A_2043 = arith.constant 5 : i32
      %le3A_2044 = vector.broadcast %le3A_2043 : i32 to vector<16xi32>
      %le3A_2045 = arith.cmpi sle, %iota3A, %le3A_2044 : vector<16xi32>
      %jit3A_2046 = arith.constant 0.000000e+00 : f32
      %broadcast_in_dim3A_2047 = vector.broadcast %jit3A_2046 : f32 to vector<16xf32>
      %select_n3A_2048 = arith.select %le3A_2045, %mul3A_2042, %broadcast_in_dim3A_2047 : vector<16xi1>, vector<16xf32>
      %add3A_2049 = arith.addf %add3A_2038, %select_n3A_2048 : vector<16xf32>
      %le3A_2050 = arith.constant 3.900000e+01 : f32
      %le3A_2051 = vector.broadcast %le3A_2050 : f32 to vector<16xf32>
      %le3A_2052 = arith.cmpf ole, %le3A_2051, %max3A_336 : vector<16xf32>
      %jit3A_2053 = arith.constant 0.000000e+00 : f32
      %broadcast_in_dim3A_2054 = vector.broadcast %jit3A_2053 : f32 to vector<16xf32>
      %select_n3A_2055 = arith.select %le3A_2052, %add3A_2049, %broadcast_in_dim3A_2054 : vector<16xi1>, vector<16xf32>
      %add3A_2056 = arith.addf %add3A_2024, %select_n3A_2055 : vector<16xf32>
      %broadcast_in_dim3A_2057 = arith.constant 6 : i32
      %broadcast_in_dim3A_2058 = vector.broadcast %broadcast_in_dim3A_2057 : i32 to vector<16x1xi32>
      %gather3A_2059 = vector.shape_cast %broadcast_in_dim3A_2058 : vector<16x1xi32> to vector<16xi32>
      %gather3A_2060 = tpu.dynamic_gather %add3A_908[%gather3A_2059] in [0] : vector<16xf32>, vector<16xi32> -> vector<16xf32>
      %sub3A_2061 = arith.subf %sub3A, %gather3A_2060 : vector<16xf32>
      %mul3A_2062 = arith.mulf %gather3A_234, %sub3A_2061 : vector<16xf32>
      %exp3A_2063 = math.exp %mul3A_2062 : vector<16xf32>
      %mul3A_2064 = arith.mulf %add3A_216, %exp3A_2063 : vector<16xf32>
      %add3A_2065 = arith.addf %broadcast_in_dim3A_15, %mul3A_2064 : vector<16xf32>
      %sub3A_2066 = arith.subf %sub3A_728, %gather3A_2060 : vector<16xf32>
      %mul3A_2067 = arith.mulf %gather3A_234, %sub3A_2066 : vector<16xf32>
      %exp3A_2068 = math.exp %mul3A_2067 : vector<16xf32>
      %mul3A_2069 = arith.mulf %add3A_219, %exp3A_2068 : vector<16xf32>
      %add3A_2070 = arith.addf %add3A_2065, %mul3A_2069 : vector<16xf32>
      %sub3A_2071 = arith.subf %sub3A_909, %gather3A_2060 : vector<16xf32>
      %mul3A_2072 = arith.mulf %gather3A_234, %sub3A_2071 : vector<16xf32>
      %exp3A_2073 = math.exp %mul3A_2072 : vector<16xf32>
      %mul3A_2074 = arith.mulf %add3A_222, %exp3A_2073 : vector<16xf32>
      %le3A_2075 = arith.constant 6 : i32
      %le3A_2076 = vector.broadcast %le3A_2075 : i32 to vector<16xi32>
      %le3A_2077 = arith.cmpi sle, %iota3A, %le3A_2076 : vector<16xi32>
      %jit3A_2078 = arith.constant 0.000000e+00 : f32
      %broadcast_in_dim3A_2079 = vector.broadcast %jit3A_2078 : f32 to vector<16xf32>
      %select_n3A_2080 = arith.select %le3A_2077, %mul3A_2074, %broadcast_in_dim3A_2079 : vector<16xi1>, vector<16xf32>
      %add3A_2081 = arith.addf %add3A_2070, %select_n3A_2080 : vector<16xf32>
      %le3A_2082 = arith.constant 4.000000e+01 : f32
      %le3A_2083 = vector.broadcast %le3A_2082 : f32 to vector<16xf32>
      %le3A_2084 = arith.cmpf ole, %le3A_2083, %max3A_336 : vector<16xf32>
      %jit3A_2085 = arith.constant 0.000000e+00 : f32
      %broadcast_in_dim3A_2086 = vector.broadcast %jit3A_2085 : f32 to vector<16xf32>
      %select_n3A_2087 = arith.select %le3A_2084, %add3A_2081, %broadcast_in_dim3A_2086 : vector<16xi1>, vector<16xf32>
      %add3A_2088 = arith.addf %add3A_2056, %select_n3A_2087 : vector<16xf32>
      %broadcast_in_dim3A_2089 = arith.constant 7 : i32
      %broadcast_in_dim3A_2090 = vector.broadcast %broadcast_in_dim3A_2089 : i32 to vector<16x1xi32>
      %gather3A_2091 = vector.shape_cast %broadcast_in_dim3A_2090 : vector<16x1xi32> to vector<16xi32>
      %gather3A_2092 = tpu.dynamic_gather %add3A_908[%gather3A_2091] in [0] : vector<16xf32>, vector<16xi32> -> vector<16xf32>
      %sub3A_2093 = arith.subf %sub3A, %gather3A_2092 : vector<16xf32>
      %mul3A_2094 = arith.mulf %gather3A_234, %sub3A_2093 : vector<16xf32>
      %exp3A_2095 = math.exp %mul3A_2094 : vector<16xf32>
      %mul3A_2096 = arith.mulf %add3A_216, %exp3A_2095 : vector<16xf32>
      %add3A_2097 = arith.addf %broadcast_in_dim3A_15, %mul3A_2096 : vector<16xf32>
      %sub3A_2098 = arith.subf %sub3A_728, %gather3A_2092 : vector<16xf32>
      %mul3A_2099 = arith.mulf %gather3A_234, %sub3A_2098 : vector<16xf32>
      %exp3A_2100 = math.exp %mul3A_2099 : vector<16xf32>
      %mul3A_2101 = arith.mulf %add3A_219, %exp3A_2100 : vector<16xf32>
      %add3A_2102 = arith.addf %add3A_2097, %mul3A_2101 : vector<16xf32>
      %sub3A_2103 = arith.subf %sub3A_909, %gather3A_2092 : vector<16xf32>
      %mul3A_2104 = arith.mulf %gather3A_234, %sub3A_2103 : vector<16xf32>
      %exp3A_2105 = math.exp %mul3A_2104 : vector<16xf32>
      %mul3A_2106 = arith.mulf %add3A_222, %exp3A_2105 : vector<16xf32>
      %le3A_2107 = arith.constant 7 : i32
      %le3A_2108 = vector.broadcast %le3A_2107 : i32 to vector<16xi32>
      %le3A_2109 = arith.cmpi sle, %iota3A, %le3A_2108 : vector<16xi32>
      %jit3A_2110 = arith.constant 0.000000e+00 : f32
      %broadcast_in_dim3A_2111 = vector.broadcast %jit3A_2110 : f32 to vector<16xf32>
      %select_n3A_2112 = arith.select %le3A_2109, %mul3A_2106, %broadcast_in_dim3A_2111 : vector<16xi1>, vector<16xf32>
      %add3A_2113 = arith.addf %add3A_2102, %select_n3A_2112 : vector<16xf32>
      %le3A_2114 = arith.constant 4.100000e+01 : f32
      %le3A_2115 = vector.broadcast %le3A_2114 : f32 to vector<16xf32>
      %le3A_2116 = arith.cmpf ole, %le3A_2115, %max3A_336 : vector<16xf32>
      %jit3A_2117 = arith.constant 0.000000e+00 : f32
      %broadcast_in_dim3A_2118 = vector.broadcast %jit3A_2117 : f32 to vector<16xf32>
      %select_n3A_2119 = arith.select %le3A_2116, %add3A_2113, %broadcast_in_dim3A_2118 : vector<16xi1>, vector<16xf32>
      %add3A_2120 = arith.addf %add3A_2088, %select_n3A_2119 : vector<16xf32>
      %broadcast_in_dim3A_2121 = arith.constant 8 : i32
      %broadcast_in_dim3A_2122 = vector.broadcast %broadcast_in_dim3A_2121 : i32 to vector<16x1xi32>
      %gather3A_2123 = vector.shape_cast %broadcast_in_dim3A_2122 : vector<16x1xi32> to vector<16xi32>
      %gather3A_2124 = tpu.dynamic_gather %add3A_908[%gather3A_2123] in [0] : vector<16xf32>, vector<16xi32> -> vector<16xf32>
      %sub3A_2125 = arith.subf %sub3A, %gather3A_2124 : vector<16xf32>
      %mul3A_2126 = arith.mulf %gather3A_234, %sub3A_2125 : vector<16xf32>
      %exp3A_2127 = math.exp %mul3A_2126 : vector<16xf32>
      %mul3A_2128 = arith.mulf %add3A_216, %exp3A_2127 : vector<16xf32>
      %add3A_2129 = arith.addf %broadcast_in_dim3A_15, %mul3A_2128 : vector<16xf32>
      %sub3A_2130 = arith.subf %sub3A_728, %gather3A_2124 : vector<16xf32>
      %mul3A_2131 = arith.mulf %gather3A_234, %sub3A_2130 : vector<16xf32>
      %exp3A_2132 = math.exp %mul3A_2131 : vector<16xf32>
      %mul3A_2133 = arith.mulf %add3A_219, %exp3A_2132 : vector<16xf32>
      %add3A_2134 = arith.addf %add3A_2129, %mul3A_2133 : vector<16xf32>
      %sub3A_2135 = arith.subf %sub3A_909, %gather3A_2124 : vector<16xf32>
      %mul3A_2136 = arith.mulf %gather3A_234, %sub3A_2135 : vector<16xf32>
      %exp3A_2137 = math.exp %mul3A_2136 : vector<16xf32>
      %mul3A_2138 = arith.mulf %add3A_222, %exp3A_2137 : vector<16xf32>
      %le3A_2139 = arith.constant 8 : i32
      %le3A_2140 = vector.broadcast %le3A_2139 : i32 to vector<16xi32>
      %le3A_2141 = arith.cmpi sle, %iota3A, %le3A_2140 : vector<16xi32>
      %jit3A_2142 = arith.constant 0.000000e+00 : f32
      %broadcast_in_dim3A_2143 = vector.broadcast %jit3A_2142 : f32 to vector<16xf32>
      %select_n3A_2144 = arith.select %le3A_2141, %mul3A_2138, %broadcast_in_dim3A_2143 : vector<16xi1>, vector<16xf32>
      %add3A_2145 = arith.addf %add3A_2134, %select_n3A_2144 : vector<16xf32>
      %le3A_2146 = arith.constant 4.200000e+01 : f32
      %le3A_2147 = vector.broadcast %le3A_2146 : f32 to vector<16xf32>
      %le3A_2148 = arith.cmpf ole, %le3A_2147, %max3A_336 : vector<16xf32>
      %jit3A_2149 = arith.constant 0.000000e+00 : f32
      %broadcast_in_dim3A_2150 = vector.broadcast %jit3A_2149 : f32 to vector<16xf32>
      %select_n3A_2151 = arith.select %le3A_2148, %add3A_2145, %broadcast_in_dim3A_2150 : vector<16xi1>, vector<16xf32>
      %add3A_2152 = arith.addf %add3A_2120, %select_n3A_2151 : vector<16xf32>
      %broadcast_in_dim3A_2153 = arith.constant 9 : i32
      %broadcast_in_dim3A_2154 = vector.broadcast %broadcast_in_dim3A_2153 : i32 to vector<16x1xi32>
      %gather3A_2155 = vector.shape_cast %broadcast_in_dim3A_2154 : vector<16x1xi32> to vector<16xi32>
      %gather3A_2156 = tpu.dynamic_gather %add3A_908[%gather3A_2155] in [0] : vector<16xf32>, vector<16xi32> -> vector<16xf32>
      %sub3A_2157 = arith.subf %sub3A, %gather3A_2156 : vector<16xf32>
      %mul3A_2158 = arith.mulf %gather3A_234, %sub3A_2157 : vector<16xf32>
      %exp3A_2159 = math.exp %mul3A_2158 : vector<16xf32>
      %mul3A_2160 = arith.mulf %add3A_216, %exp3A_2159 : vector<16xf32>
      %add3A_2161 = arith.addf %broadcast_in_dim3A_15, %mul3A_2160 : vector<16xf32>
      %sub3A_2162 = arith.subf %sub3A_728, %gather3A_2156 : vector<16xf32>
      %mul3A_2163 = arith.mulf %gather3A_234, %sub3A_2162 : vector<16xf32>
      %exp3A_2164 = math.exp %mul3A_2163 : vector<16xf32>
      %mul3A_2165 = arith.mulf %add3A_219, %exp3A_2164 : vector<16xf32>
      %add3A_2166 = arith.addf %add3A_2161, %mul3A_2165 : vector<16xf32>
      %sub3A_2167 = arith.subf %sub3A_909, %gather3A_2156 : vector<16xf32>
      %mul3A_2168 = arith.mulf %gather3A_234, %sub3A_2167 : vector<16xf32>
      %exp3A_2169 = math.exp %mul3A_2168 : vector<16xf32>
      %mul3A_2170 = arith.mulf %add3A_222, %exp3A_2169 : vector<16xf32>
      %le3A_2171 = arith.constant 9 : i32
      %le3A_2172 = vector.broadcast %le3A_2171 : i32 to vector<16xi32>
      %le3A_2173 = arith.cmpi sle, %iota3A, %le3A_2172 : vector<16xi32>
      %jit3A_2174 = arith.constant 0.000000e+00 : f32
      %broadcast_in_dim3A_2175 = vector.broadcast %jit3A_2174 : f32 to vector<16xf32>
      %select_n3A_2176 = arith.select %le3A_2173, %mul3A_2170, %broadcast_in_dim3A_2175 : vector<16xi1>, vector<16xf32>
      %add3A_2177 = arith.addf %add3A_2166, %select_n3A_2176 : vector<16xf32>
      %le3A_2178 = arith.constant 4.300000e+01 : f32
      %le3A_2179 = vector.broadcast %le3A_2178 : f32 to vector<16xf32>
      %le3A_2180 = arith.cmpf ole, %le3A_2179, %max3A_336 : vector<16xf32>
      %jit3A_2181 = arith.constant 0.000000e+00 : f32
      %broadcast_in_dim3A_2182 = vector.broadcast %jit3A_2181 : f32 to vector<16xf32>
      %select_n3A_2183 = arith.select %le3A_2180, %add3A_2177, %broadcast_in_dim3A_2182 : vector<16xi1>, vector<16xf32>
      %add3A_2184 = arith.addf %add3A_2152, %select_n3A_2183 : vector<16xf32>
      %broadcast_in_dim3A_2185 = arith.constant 10 : i32
      %broadcast_in_dim3A_2186 = vector.broadcast %broadcast_in_dim3A_2185 : i32 to vector<16x1xi32>
      %gather3A_2187 = vector.shape_cast %broadcast_in_dim3A_2186 : vector<16x1xi32> to vector<16xi32>
      %gather3A_2188 = tpu.dynamic_gather %add3A_908[%gather3A_2187] in [0] : vector<16xf32>, vector<16xi32> -> vector<16xf32>
      %sub3A_2189 = arith.subf %sub3A, %gather3A_2188 : vector<16xf32>
      %mul3A_2190 = arith.mulf %gather3A_234, %sub3A_2189 : vector<16xf32>
      %exp3A_2191 = math.exp %mul3A_2190 : vector<16xf32>
      %mul3A_2192 = arith.mulf %add3A_216, %exp3A_2191 : vector<16xf32>
      %add3A_2193 = arith.addf %broadcast_in_dim3A_15, %mul3A_2192 : vector<16xf32>
      %sub3A_2194 = arith.subf %sub3A_728, %gather3A_2188 : vector<16xf32>
      %mul3A_2195 = arith.mulf %gather3A_234, %sub3A_2194 : vector<16xf32>
      %exp3A_2196 = math.exp %mul3A_2195 : vector<16xf32>
      %mul3A_2197 = arith.mulf %add3A_219, %exp3A_2196 : vector<16xf32>
      %add3A_2198 = arith.addf %add3A_2193, %mul3A_2197 : vector<16xf32>
      %sub3A_2199 = arith.subf %sub3A_909, %gather3A_2188 : vector<16xf32>
      %mul3A_2200 = arith.mulf %gather3A_234, %sub3A_2199 : vector<16xf32>
      %exp3A_2201 = math.exp %mul3A_2200 : vector<16xf32>
      %mul3A_2202 = arith.mulf %add3A_222, %exp3A_2201 : vector<16xf32>
      %le3A_2203 = arith.constant 10 : i32
      %le3A_2204 = vector.broadcast %le3A_2203 : i32 to vector<16xi32>
      %le3A_2205 = arith.cmpi sle, %iota3A, %le3A_2204 : vector<16xi32>
      %jit3A_2206 = arith.constant 0.000000e+00 : f32
      %broadcast_in_dim3A_2207 = vector.broadcast %jit3A_2206 : f32 to vector<16xf32>
      %select_n3A_2208 = arith.select %le3A_2205, %mul3A_2202, %broadcast_in_dim3A_2207 : vector<16xi1>, vector<16xf32>
      %add3A_2209 = arith.addf %add3A_2198, %select_n3A_2208 : vector<16xf32>
      %le3A_2210 = arith.constant 4.400000e+01 : f32
      %le3A_2211 = vector.broadcast %le3A_2210 : f32 to vector<16xf32>
      %le3A_2212 = arith.cmpf ole, %le3A_2211, %max3A_336 : vector<16xf32>
      %jit3A_2213 = arith.constant 0.000000e+00 : f32
      %broadcast_in_dim3A_2214 = vector.broadcast %jit3A_2213 : f32 to vector<16xf32>
      %select_n3A_2215 = arith.select %le3A_2212, %add3A_2209, %broadcast_in_dim3A_2214 : vector<16xi1>, vector<16xf32>
      %add3A_2216 = arith.addf %add3A_2184, %select_n3A_2215 : vector<16xf32>
      %broadcast_in_dim3A_2217 = arith.constant 11 : i32
      %broadcast_in_dim3A_2218 = vector.broadcast %broadcast_in_dim3A_2217 : i32 to vector<16x1xi32>
      %gather3A_2219 = vector.shape_cast %broadcast_in_dim3A_2218 : vector<16x1xi32> to vector<16xi32>
      %gather3A_2220 = tpu.dynamic_gather %add3A_908[%gather3A_2219] in [0] : vector<16xf32>, vector<16xi32> -> vector<16xf32>
      %sub3A_2221 = arith.subf %sub3A, %gather3A_2220 : vector<16xf32>
      %mul3A_2222 = arith.mulf %gather3A_234, %sub3A_2221 : vector<16xf32>
      %exp3A_2223 = math.exp %mul3A_2222 : vector<16xf32>
      %mul3A_2224 = arith.mulf %add3A_216, %exp3A_2223 : vector<16xf32>
      %add3A_2225 = arith.addf %broadcast_in_dim3A_15, %mul3A_2224 : vector<16xf32>
      %sub3A_2226 = arith.subf %sub3A_728, %gather3A_2220 : vector<16xf32>
      %mul3A_2227 = arith.mulf %gather3A_234, %sub3A_2226 : vector<16xf32>
      %exp3A_2228 = math.exp %mul3A_2227 : vector<16xf32>
      %mul3A_2229 = arith.mulf %add3A_219, %exp3A_2228 : vector<16xf32>
      %add3A_2230 = arith.addf %add3A_2225, %mul3A_2229 : vector<16xf32>
      %sub3A_2231 = arith.subf %sub3A_909, %gather3A_2220 : vector<16xf32>
      %mul3A_2232 = arith.mulf %gather3A_234, %sub3A_2231 : vector<16xf32>
      %exp3A_2233 = math.exp %mul3A_2232 : vector<16xf32>
      %mul3A_2234 = arith.mulf %add3A_222, %exp3A_2233 : vector<16xf32>
      %le3A_2235 = arith.constant 11 : i32
      %le3A_2236 = vector.broadcast %le3A_2235 : i32 to vector<16xi32>
      %le3A_2237 = arith.cmpi sle, %iota3A, %le3A_2236 : vector<16xi32>
      %jit3A_2238 = arith.constant 0.000000e+00 : f32
      %broadcast_in_dim3A_2239 = vector.broadcast %jit3A_2238 : f32 to vector<16xf32>
      %select_n3A_2240 = arith.select %le3A_2237, %mul3A_2234, %broadcast_in_dim3A_2239 : vector<16xi1>, vector<16xf32>
      %add3A_2241 = arith.addf %add3A_2230, %select_n3A_2240 : vector<16xf32>
      %le3A_2242 = arith.constant 4.500000e+01 : f32
      %le3A_2243 = vector.broadcast %le3A_2242 : f32 to vector<16xf32>
      %le3A_2244 = arith.cmpf ole, %le3A_2243, %max3A_336 : vector<16xf32>
      %jit3A_2245 = arith.constant 0.000000e+00 : f32
      %broadcast_in_dim3A_2246 = vector.broadcast %jit3A_2245 : f32 to vector<16xf32>
      %select_n3A_2247 = arith.select %le3A_2244, %add3A_2241, %broadcast_in_dim3A_2246 : vector<16xi1>, vector<16xf32>
      %add3A_2248 = arith.addf %add3A_2216, %select_n3A_2247 : vector<16xf32>
      %broadcast_in_dim3A_2249 = arith.constant 12 : i32
      %broadcast_in_dim3A_2250 = vector.broadcast %broadcast_in_dim3A_2249 : i32 to vector<16x1xi32>
      %gather3A_2251 = vector.shape_cast %broadcast_in_dim3A_2250 : vector<16x1xi32> to vector<16xi32>
      %gather3A_2252 = tpu.dynamic_gather %add3A_908[%gather3A_2251] in [0] : vector<16xf32>, vector<16xi32> -> vector<16xf32>
      %sub3A_2253 = arith.subf %sub3A, %gather3A_2252 : vector<16xf32>
      %mul3A_2254 = arith.mulf %gather3A_234, %sub3A_2253 : vector<16xf32>
      %exp3A_2255 = math.exp %mul3A_2254 : vector<16xf32>
      %mul3A_2256 = arith.mulf %add3A_216, %exp3A_2255 : vector<16xf32>
      %add3A_2257 = arith.addf %broadcast_in_dim3A_15, %mul3A_2256 : vector<16xf32>
      %sub3A_2258 = arith.subf %sub3A_728, %gather3A_2252 : vector<16xf32>
      %mul3A_2259 = arith.mulf %gather3A_234, %sub3A_2258 : vector<16xf32>
      %exp3A_2260 = math.exp %mul3A_2259 : vector<16xf32>
      %mul3A_2261 = arith.mulf %add3A_219, %exp3A_2260 : vector<16xf32>
      %add3A_2262 = arith.addf %add3A_2257, %mul3A_2261 : vector<16xf32>
      %sub3A_2263 = arith.subf %sub3A_909, %gather3A_2252 : vector<16xf32>
      %mul3A_2264 = arith.mulf %gather3A_234, %sub3A_2263 : vector<16xf32>
      %exp3A_2265 = math.exp %mul3A_2264 : vector<16xf32>
      %mul3A_2266 = arith.mulf %add3A_222, %exp3A_2265 : vector<16xf32>
      %le3A_2267 = arith.constant 12 : i32
      %le3A_2268 = vector.broadcast %le3A_2267 : i32 to vector<16xi32>
      %le3A_2269 = arith.cmpi sle, %iota3A, %le3A_2268 : vector<16xi32>
      %jit3A_2270 = arith.constant 0.000000e+00 : f32
      %broadcast_in_dim3A_2271 = vector.broadcast %jit3A_2270 : f32 to vector<16xf32>
      %select_n3A_2272 = arith.select %le3A_2269, %mul3A_2266, %broadcast_in_dim3A_2271 : vector<16xi1>, vector<16xf32>
      %add3A_2273 = arith.addf %add3A_2262, %select_n3A_2272 : vector<16xf32>
      %le3A_2274 = arith.constant 4.600000e+01 : f32
      %le3A_2275 = vector.broadcast %le3A_2274 : f32 to vector<16xf32>
      %le3A_2276 = arith.cmpf ole, %le3A_2275, %max3A_336 : vector<16xf32>
      %jit3A_2277 = arith.constant 0.000000e+00 : f32
      %broadcast_in_dim3A_2278 = vector.broadcast %jit3A_2277 : f32 to vector<16xf32>
      %select_n3A_2279 = arith.select %le3A_2276, %add3A_2273, %broadcast_in_dim3A_2278 : vector<16xi1>, vector<16xf32>
      %add3A_2280 = arith.addf %add3A_2248, %select_n3A_2279 : vector<16xf32>
      %broadcast_in_dim3A_2281 = arith.constant 13 : i32
      %broadcast_in_dim3A_2282 = vector.broadcast %broadcast_in_dim3A_2281 : i32 to vector<16x1xi32>
      %gather3A_2283 = vector.shape_cast %broadcast_in_dim3A_2282 : vector<16x1xi32> to vector<16xi32>
      %gather3A_2284 = tpu.dynamic_gather %add3A_908[%gather3A_2283] in [0] : vector<16xf32>, vector<16xi32> -> vector<16xf32>
      %sub3A_2285 = arith.subf %sub3A, %gather3A_2284 : vector<16xf32>
      %mul3A_2286 = arith.mulf %gather3A_234, %sub3A_2285 : vector<16xf32>
      %exp3A_2287 = math.exp %mul3A_2286 : vector<16xf32>
      %mul3A_2288 = arith.mulf %add3A_216, %exp3A_2287 : vector<16xf32>
      %add3A_2289 = arith.addf %broadcast_in_dim3A_15, %mul3A_2288 : vector<16xf32>
      %sub3A_2290 = arith.subf %sub3A_728, %gather3A_2284 : vector<16xf32>
      %mul3A_2291 = arith.mulf %gather3A_234, %sub3A_2290 : vector<16xf32>
      %exp3A_2292 = math.exp %mul3A_2291 : vector<16xf32>
      %mul3A_2293 = arith.mulf %add3A_219, %exp3A_2292 : vector<16xf32>
      %add3A_2294 = arith.addf %add3A_2289, %mul3A_2293 : vector<16xf32>
      %sub3A_2295 = arith.subf %sub3A_909, %gather3A_2284 : vector<16xf32>
      %mul3A_2296 = arith.mulf %gather3A_234, %sub3A_2295 : vector<16xf32>
      %exp3A_2297 = math.exp %mul3A_2296 : vector<16xf32>
      %mul3A_2298 = arith.mulf %add3A_222, %exp3A_2297 : vector<16xf32>
      %le3A_2299 = arith.constant 13 : i32
      %le3A_2300 = vector.broadcast %le3A_2299 : i32 to vector<16xi32>
      %le3A_2301 = arith.cmpi sle, %iota3A, %le3A_2300 : vector<16xi32>
      %jit3A_2302 = arith.constant 0.000000e+00 : f32
      %broadcast_in_dim3A_2303 = vector.broadcast %jit3A_2302 : f32 to vector<16xf32>
      %select_n3A_2304 = arith.select %le3A_2301, %mul3A_2298, %broadcast_in_dim3A_2303 : vector<16xi1>, vector<16xf32>
      %add3A_2305 = arith.addf %add3A_2294, %select_n3A_2304 : vector<16xf32>
      %le3A_2306 = arith.constant 4.700000e+01 : f32
      %le3A_2307 = vector.broadcast %le3A_2306 : f32 to vector<16xf32>
      %le3A_2308 = arith.cmpf ole, %le3A_2307, %max3A_336 : vector<16xf32>
      %jit3A_2309 = arith.constant 0.000000e+00 : f32
      %broadcast_in_dim3A_2310 = vector.broadcast %jit3A_2309 : f32 to vector<16xf32>
      %select_n3A_2311 = arith.select %le3A_2308, %add3A_2305, %broadcast_in_dim3A_2310 : vector<16xi1>, vector<16xf32>
      %add3A_2312 = arith.addf %add3A_2280, %select_n3A_2311 : vector<16xf32>
      %broadcast_in_dim3A_2313 = arith.constant 14 : i32
      %broadcast_in_dim3A_2314 = vector.broadcast %broadcast_in_dim3A_2313 : i32 to vector<16x1xi32>
      %gather3A_2315 = vector.shape_cast %broadcast_in_dim3A_2314 : vector<16x1xi32> to vector<16xi32>
      %gather3A_2316 = tpu.dynamic_gather %add3A_908[%gather3A_2315] in [0] : vector<16xf32>, vector<16xi32> -> vector<16xf32>
      %sub3A_2317 = arith.subf %sub3A, %gather3A_2316 : vector<16xf32>
      %mul3A_2318 = arith.mulf %gather3A_234, %sub3A_2317 : vector<16xf32>
      %exp3A_2319 = math.exp %mul3A_2318 : vector<16xf32>
      %mul3A_2320 = arith.mulf %add3A_216, %exp3A_2319 : vector<16xf32>
      %add3A_2321 = arith.addf %broadcast_in_dim3A_15, %mul3A_2320 : vector<16xf32>
      %sub3A_2322 = arith.subf %sub3A_728, %gather3A_2316 : vector<16xf32>
      %mul3A_2323 = arith.mulf %gather3A_234, %sub3A_2322 : vector<16xf32>
      %exp3A_2324 = math.exp %mul3A_2323 : vector<16xf32>
      %mul3A_2325 = arith.mulf %add3A_219, %exp3A_2324 : vector<16xf32>
      %add3A_2326 = arith.addf %add3A_2321, %mul3A_2325 : vector<16xf32>
      %sub3A_2327 = arith.subf %sub3A_909, %gather3A_2316 : vector<16xf32>
      %mul3A_2328 = arith.mulf %gather3A_234, %sub3A_2327 : vector<16xf32>
      %exp3A_2329 = math.exp %mul3A_2328 : vector<16xf32>
      %mul3A_2330 = arith.mulf %add3A_222, %exp3A_2329 : vector<16xf32>
      %le3A_2331 = arith.constant 14 : i32
      %le3A_2332 = vector.broadcast %le3A_2331 : i32 to vector<16xi32>
      %le3A_2333 = arith.cmpi sle, %iota3A, %le3A_2332 : vector<16xi32>
      %jit3A_2334 = arith.constant 0.000000e+00 : f32
      %broadcast_in_dim3A_2335 = vector.broadcast %jit3A_2334 : f32 to vector<16xf32>
      %select_n3A_2336 = arith.select %le3A_2333, %mul3A_2330, %broadcast_in_dim3A_2335 : vector<16xi1>, vector<16xf32>
      %add3A_2337 = arith.addf %add3A_2326, %select_n3A_2336 : vector<16xf32>
      %le3A_2338 = arith.constant 4.800000e+01 : f32
      %le3A_2339 = vector.broadcast %le3A_2338 : f32 to vector<16xf32>
      %le3A_2340 = arith.cmpf ole, %le3A_2339, %max3A_336 : vector<16xf32>
      %jit3A_2341 = arith.constant 0.000000e+00 : f32
      %broadcast_in_dim3A_2342 = vector.broadcast %jit3A_2341 : f32 to vector<16xf32>
      %select_n3A_2343 = arith.select %le3A_2340, %add3A_2337, %broadcast_in_dim3A_2342 : vector<16xi1>, vector<16xf32>
      %add3A_2344 = arith.addf %add3A_2312, %select_n3A_2343 : vector<16xf32>
      %broadcast_in_dim3A_2345 = arith.constant 15 : i32
      %broadcast_in_dim3A_2346 = vector.broadcast %broadcast_in_dim3A_2345 : i32 to vector<16x1xi32>
      %gather3A_2347 = vector.shape_cast %broadcast_in_dim3A_2346 : vector<16x1xi32> to vector<16xi32>
      %gather3A_2348 = tpu.dynamic_gather %add3A_908[%gather3A_2347] in [0] : vector<16xf32>, vector<16xi32> -> vector<16xf32>
      %sub3A_2349 = arith.subf %sub3A, %gather3A_2348 : vector<16xf32>
      %mul3A_2350 = arith.mulf %gather3A_234, %sub3A_2349 : vector<16xf32>
      %exp3A_2351 = math.exp %mul3A_2350 : vector<16xf32>
      %mul3A_2352 = arith.mulf %add3A_216, %exp3A_2351 : vector<16xf32>
      %add3A_2353 = arith.addf %broadcast_in_dim3A_15, %mul3A_2352 : vector<16xf32>
      %sub3A_2354 = arith.subf %sub3A_728, %gather3A_2348 : vector<16xf32>
      %mul3A_2355 = arith.mulf %gather3A_234, %sub3A_2354 : vector<16xf32>
      %exp3A_2356 = math.exp %mul3A_2355 : vector<16xf32>
      %mul3A_2357 = arith.mulf %add3A_219, %exp3A_2356 : vector<16xf32>
      %add3A_2358 = arith.addf %add3A_2353, %mul3A_2357 : vector<16xf32>
      %sub3A_2359 = arith.subf %sub3A_909, %gather3A_2348 : vector<16xf32>
      %mul3A_2360 = arith.mulf %gather3A_234, %sub3A_2359 : vector<16xf32>
      %exp3A_2361 = math.exp %mul3A_2360 : vector<16xf32>
      %mul3A_2362 = arith.mulf %add3A_222, %exp3A_2361 : vector<16xf32>
      %add3A_2363 = arith.addf %add3A_2358, %mul3A_2362 : vector<16xf32>
      %le3A_2364 = arith.constant 4.900000e+01 : f32
      %le3A_2365 = vector.broadcast %le3A_2364 : f32 to vector<16xf32>
      %le3A_2366 = arith.cmpf ole, %le3A_2365, %max3A_336 : vector<16xf32>
      %jit3A_2367 = arith.constant 0.000000e+00 : f32
      %broadcast_in_dim3A_2368 = vector.broadcast %jit3A_2367 : f32 to vector<16xf32>
      %select_n3A_2369 = arith.select %le3A_2366, %add3A_2363, %broadcast_in_dim3A_2368 : vector<16xi1>, vector<16xf32>
      %add3A_2370 = arith.addf %add3A_2344, %select_n3A_2369 : vector<16xf32>
      %broadcast_in_dim3A_2371 = arith.constant 0 : i32
      %broadcast_in_dim3A_2372 = vector.broadcast %broadcast_in_dim3A_2371 : i32 to vector<16x1xi32>
      %gather3A_2373 = vector.shape_cast %broadcast_in_dim3A_2372 : vector<16x1xi32> to vector<16xi32>
      %gather3A_2374 = tpu.dynamic_gather %add3A_1089[%gather3A_2373] in [0] : vector<16xf32>, vector<16xi32> -> vector<16xf32>
      %sub3A_2375 = arith.subf %sub3A, %gather3A_2374 : vector<16xf32>
      %mul3A_2376 = arith.mulf %gather3A_234, %sub3A_2375 : vector<16xf32>
      %exp3A_2377 = math.exp %mul3A_2376 : vector<16xf32>
      %mul3A_2378 = arith.mulf %add3A_216, %exp3A_2377 : vector<16xf32>
      %add3A_2379 = arith.addf %broadcast_in_dim3A_15, %mul3A_2378 : vector<16xf32>
      %sub3A_2380 = arith.subf %sub3A_728, %gather3A_2374 : vector<16xf32>
      %mul3A_2381 = arith.mulf %gather3A_234, %sub3A_2380 : vector<16xf32>
      %exp3A_2382 = math.exp %mul3A_2381 : vector<16xf32>
      %mul3A_2383 = arith.mulf %add3A_219, %exp3A_2382 : vector<16xf32>
      %add3A_2384 = arith.addf %add3A_2379, %mul3A_2383 : vector<16xf32>
      %sub3A_2385 = arith.subf %sub3A_909, %gather3A_2374 : vector<16xf32>
      %mul3A_2386 = arith.mulf %gather3A_234, %sub3A_2385 : vector<16xf32>
      %exp3A_2387 = math.exp %mul3A_2386 : vector<16xf32>
      %mul3A_2388 = arith.mulf %add3A_222, %exp3A_2387 : vector<16xf32>
      %add3A_2389 = arith.addf %add3A_2384, %mul3A_2388 : vector<16xf32>
      %sub3A_2390 = arith.subf %sub3A_1090, %gather3A_2374 : vector<16xf32>
      %mul3A_2391 = arith.mulf %gather3A_234, %sub3A_2390 : vector<16xf32>
      %exp3A_2392 = math.exp %mul3A_2391 : vector<16xf32>
      %mul3A_2393 = arith.mulf %add3A_225, %exp3A_2392 : vector<16xf32>
      %le3A_2394 = arith.constant 0 : i32
      %le3A_2395 = vector.broadcast %le3A_2394 : i32 to vector<16xi32>
      %le3A_2396 = arith.cmpi sle, %iota3A, %le3A_2395 : vector<16xi32>
      %jit3A_2397 = arith.constant 0.000000e+00 : f32
      %broadcast_in_dim3A_2398 = vector.broadcast %jit3A_2397 : f32 to vector<16xf32>
      %select_n3A_2399 = arith.select %le3A_2396, %mul3A_2393, %broadcast_in_dim3A_2398 : vector<16xi1>, vector<16xf32>
      %add3A_2400 = arith.addf %add3A_2389, %select_n3A_2399 : vector<16xf32>
      %le3A_2401 = arith.constant 5.000000e+01 : f32
      %le3A_2402 = vector.broadcast %le3A_2401 : f32 to vector<16xf32>
      %le3A_2403 = arith.cmpf ole, %le3A_2402, %max3A_336 : vector<16xf32>
      %jit3A_2404 = arith.constant 0.000000e+00 : f32
      %broadcast_in_dim3A_2405 = vector.broadcast %jit3A_2404 : f32 to vector<16xf32>
      %select_n3A_2406 = arith.select %le3A_2403, %add3A_2400, %broadcast_in_dim3A_2405 : vector<16xi1>, vector<16xf32>
      %add3A_2407 = arith.addf %add3A_2370, %select_n3A_2406 : vector<16xf32>
      %broadcast_in_dim3A_2408 = arith.constant 0 : i32
      %broadcast_in_dim3A_2409 = vector.broadcast %broadcast_in_dim3A_2408 : i32 to vector<16x1xi32>
      %gather3A_2410 = vector.shape_cast %broadcast_in_dim3A_2409 : vector<16x1xi32> to vector<16xi32>
      %gather3A_2411 = tpu.dynamic_gather %add3A_2407[%gather3A_2410] in [0] : vector<16xf32>, vector<16xi32> -> vector<16xf32>
      %broadcast_in_dim3A_2412 = arith.constant 1 : i32
      %broadcast_in_dim3A_2413 = vector.broadcast %broadcast_in_dim3A_2412 : i32 to vector<16x1xi32>
      %gather3A_2414 = vector.shape_cast %broadcast_in_dim3A_2413 : vector<16x1xi32> to vector<16xi32>
      %gather3A_2415 = tpu.dynamic_gather %add3A_2407[%gather3A_2414] in [0] : vector<16xf32>, vector<16xi32> -> vector<16xf32>
      %add3A_2416 = arith.addf %gather3A_2411, %gather3A_2415 : vector<16xf32>
      %broadcast_in_dim3A_2417 = arith.constant 2 : i32
      %broadcast_in_dim3A_2418 = vector.broadcast %broadcast_in_dim3A_2417 : i32 to vector<16x1xi32>
      %gather3A_2419 = vector.shape_cast %broadcast_in_dim3A_2418 : vector<16x1xi32> to vector<16xi32>
      %gather3A_2420 = tpu.dynamic_gather %add3A_2407[%gather3A_2419] in [0] : vector<16xf32>, vector<16xi32> -> vector<16xf32>
      %add3A_2421 = arith.addf %add3A_2416, %gather3A_2420 : vector<16xf32>
      %broadcast_in_dim3A_2422 = arith.constant 3 : i32
      %broadcast_in_dim3A_2423 = vector.broadcast %broadcast_in_dim3A_2422 : i32 to vector<16x1xi32>
      %gather3A_2424 = vector.shape_cast %broadcast_in_dim3A_2423 : vector<16x1xi32> to vector<16xi32>
      %gather3A_2425 = tpu.dynamic_gather %add3A_2407[%gather3A_2424] in [0] : vector<16xf32>, vector<16xi32> -> vector<16xf32>
      %add3A_2426 = arith.addf %add3A_2421, %gather3A_2425 : vector<16xf32>
      %broadcast_in_dim3A_2427 = arith.constant 4 : i32
      %broadcast_in_dim3A_2428 = vector.broadcast %broadcast_in_dim3A_2427 : i32 to vector<16x1xi32>
      %gather3A_2429 = vector.shape_cast %broadcast_in_dim3A_2428 : vector<16x1xi32> to vector<16xi32>
      %gather3A_2430 = tpu.dynamic_gather %add3A_2407[%gather3A_2429] in [0] : vector<16xf32>, vector<16xi32> -> vector<16xf32>
      %add3A_2431 = arith.addf %add3A_2426, %gather3A_2430 : vector<16xf32>
      %broadcast_in_dim3A_2432 = arith.constant 5 : i32
      %broadcast_in_dim3A_2433 = vector.broadcast %broadcast_in_dim3A_2432 : i32 to vector<16x1xi32>
      %gather3A_2434 = vector.shape_cast %broadcast_in_dim3A_2433 : vector<16x1xi32> to vector<16xi32>
      %gather3A_2435 = tpu.dynamic_gather %add3A_2407[%gather3A_2434] in [0] : vector<16xf32>, vector<16xi32> -> vector<16xf32>
      %add3A_2436 = arith.addf %add3A_2431, %gather3A_2435 : vector<16xf32>
      %broadcast_in_dim3A_2437 = arith.constant 6 : i32
      %broadcast_in_dim3A_2438 = vector.broadcast %broadcast_in_dim3A_2437 : i32 to vector<16x1xi32>
      %gather3A_2439 = vector.shape_cast %broadcast_in_dim3A_2438 : vector<16x1xi32> to vector<16xi32>
      %gather3A_2440 = tpu.dynamic_gather %add3A_2407[%gather3A_2439] in [0] : vector<16xf32>, vector<16xi32> -> vector<16xf32>
      %add3A_2441 = arith.addf %add3A_2436, %gather3A_2440 : vector<16xf32>
      %broadcast_in_dim3A_2442 = arith.constant 7 : i32
      %broadcast_in_dim3A_2443 = vector.broadcast %broadcast_in_dim3A_2442 : i32 to vector<16x1xi32>
      %gather3A_2444 = vector.shape_cast %broadcast_in_dim3A_2443 : vector<16x1xi32> to vector<16xi32>
      %gather3A_2445 = tpu.dynamic_gather %add3A_2407[%gather3A_2444] in [0] : vector<16xf32>, vector<16xi32> -> vector<16xf32>
      %add3A_2446 = arith.addf %add3A_2441, %gather3A_2445 : vector<16xf32>
      %broadcast_in_dim3A_2447 = arith.constant 8 : i32
      %broadcast_in_dim3A_2448 = vector.broadcast %broadcast_in_dim3A_2447 : i32 to vector<16x1xi32>
      %gather3A_2449 = vector.shape_cast %broadcast_in_dim3A_2448 : vector<16x1xi32> to vector<16xi32>
      %gather3A_2450 = tpu.dynamic_gather %add3A_2407[%gather3A_2449] in [0] : vector<16xf32>, vector<16xi32> -> vector<16xf32>
      %add3A_2451 = arith.addf %add3A_2446, %gather3A_2450 : vector<16xf32>
      %broadcast_in_dim3A_2452 = arith.constant 9 : i32
      %broadcast_in_dim3A_2453 = vector.broadcast %broadcast_in_dim3A_2452 : i32 to vector<16x1xi32>
      %gather3A_2454 = vector.shape_cast %broadcast_in_dim3A_2453 : vector<16x1xi32> to vector<16xi32>
      %gather3A_2455 = tpu.dynamic_gather %add3A_2407[%gather3A_2454] in [0] : vector<16xf32>, vector<16xi32> -> vector<16xf32>
      %add3A_2456 = arith.addf %add3A_2451, %gather3A_2455 : vector<16xf32>
      %broadcast_in_dim3A_2457 = arith.constant 10 : i32
      %broadcast_in_dim3A_2458 = vector.broadcast %broadcast_in_dim3A_2457 : i32 to vector<16x1xi32>
      %gather3A_2459 = vector.shape_cast %broadcast_in_dim3A_2458 : vector<16x1xi32> to vector<16xi32>
      %gather3A_2460 = tpu.dynamic_gather %add3A_2407[%gather3A_2459] in [0] : vector<16xf32>, vector<16xi32> -> vector<16xf32>
      %add3A_2461 = arith.addf %add3A_2456, %gather3A_2460 : vector<16xf32>
      %broadcast_in_dim3A_2462 = arith.constant 11 : i32
      %broadcast_in_dim3A_2463 = vector.broadcast %broadcast_in_dim3A_2462 : i32 to vector<16x1xi32>
      %gather3A_2464 = vector.shape_cast %broadcast_in_dim3A_2463 : vector<16x1xi32> to vector<16xi32>
      %gather3A_2465 = tpu.dynamic_gather %add3A_2407[%gather3A_2464] in [0] : vector<16xf32>, vector<16xi32> -> vector<16xf32>
      %add3A_2466 = arith.addf %add3A_2461, %gather3A_2465 : vector<16xf32>
      %broadcast_in_dim3A_2467 = arith.constant 12 : i32
      %broadcast_in_dim3A_2468 = vector.broadcast %broadcast_in_dim3A_2467 : i32 to vector<16x1xi32>
      %gather3A_2469 = vector.shape_cast %broadcast_in_dim3A_2468 : vector<16x1xi32> to vector<16xi32>
      %gather3A_2470 = tpu.dynamic_gather %add3A_2407[%gather3A_2469] in [0] : vector<16xf32>, vector<16xi32> -> vector<16xf32>
      %add3A_2471 = arith.addf %add3A_2466, %gather3A_2470 : vector<16xf32>
      %broadcast_in_dim3A_2472 = arith.constant 13 : i32
      %broadcast_in_dim3A_2473 = vector.broadcast %broadcast_in_dim3A_2472 : i32 to vector<16x1xi32>
      %gather3A_2474 = vector.shape_cast %broadcast_in_dim3A_2473 : vector<16x1xi32> to vector<16xi32>
      %gather3A_2475 = tpu.dynamic_gather %add3A_2407[%gather3A_2474] in [0] : vector<16xf32>, vector<16xi32> -> vector<16xf32>
      %add3A_2476 = arith.addf %add3A_2471, %gather3A_2475 : vector<16xf32>
      %broadcast_in_dim3A_2477 = arith.constant 14 : i32
      %broadcast_in_dim3A_2478 = vector.broadcast %broadcast_in_dim3A_2477 : i32 to vector<16x1xi32>
      %gather3A_2479 = vector.shape_cast %broadcast_in_dim3A_2478 : vector<16x1xi32> to vector<16xi32>
      %gather3A_2480 = tpu.dynamic_gather %add3A_2407[%gather3A_2479] in [0] : vector<16xf32>, vector<16xi32> -> vector<16xf32>
      %add3A_2481 = arith.addf %add3A_2476, %gather3A_2480 : vector<16xf32>
      %broadcast_in_dim3A_2482 = arith.constant 15 : i32
      %broadcast_in_dim3A_2483 = vector.broadcast %broadcast_in_dim3A_2482 : i32 to vector<16x1xi32>
      %gather3A_2484 = vector.shape_cast %broadcast_in_dim3A_2483 : vector<16x1xi32> to vector<16xi32>
      %gather3A_2485 = tpu.dynamic_gather %add3A_2407[%gather3A_2484] in [0] : vector<16xf32>, vector<16xi32> -> vector<16xf32>
      %add3A_2486 = arith.addf %add3A_2481, %gather3A_2485 : vector<16xf32>
      %mul3A_2487 = arith.mulf %add3A_2486, %gather3A_230 : vector<16xf32>
      %eq3A_2488 = arith.constant 0 : i32
      %eq3A_2489 = vector.broadcast %eq3A_2488 : i32 to vector<16xi32>
      %eq3A_2490 = arith.cmpi eq, %iota3A, %eq3A_2489 : vector<16xi32>
      %eq3A_2491 = arith.constant 1 : i32
      %eq3A_2492 = vector.broadcast %eq3A_2491 : i32 to vector<16xi32>
      %eq3A_2493 = arith.cmpi eq, %iota3A, %eq3A_2492 : vector<16xi32>
      %eq3A_2494 = arith.constant 2 : i32
      %eq3A_2495 = vector.broadcast %eq3A_2494 : i32 to vector<16xi32>
      %eq3A_2496 = arith.cmpi eq, %iota3A, %eq3A_2495 : vector<16xi32>
      %select_n3A_2497 = arith.select %eq3A_2496, %gather3A_340, %broadcast_in_dim3A_15 : vector<16xi1>, vector<16xf32>
      %select_n3A_2498 = arith.select %eq3A_2493, %max3A_336, %select_n3A_2497 : vector<16xi1>, vector<16xf32>
      %select_n3A_2499 = arith.select %eq3A_2490, %mul3A_2487, %select_n3A_2498 : vector<16xi1>, vector<16xf32>
      %swap3A_2500 = arith.constant 0 : index
      %swap3A_2501 = tpu.vector_load %arg9[%swap3A_2500] {strides = array<i32>} : memref<16xf32, #tpu.memory_space<vmem>>, vector<16xf32>,
      tpu.vector_store %arg9[%swap3A_2500], %select_n3A_2499 {strides = array<i32>} : memref<16xf32, #tpu.memory_space<vmem>>, vector<16xf32>,
      "tpu.region"() ({
        %run_scoped3A = tpu.sem_alloc : memref<!tpu.dma_semaphore, #tpu.memory_space<semaphore_mem>>
        tpu.enqueue_dma source(%arg9 : memref<16xf32, #tpu.memory_space<vmem>>) target(%arg4 : memref<16xf32, #tpu.memory_space<hbm>>) target_semaphore(%run_scoped3A : memref<!tpu.dma_semaphore, #tpu.memory_space<semaphore_mem>>)
        tpu.wait_dma2 semaphore(%run_scoped3A : memref<!tpu.dma_semaphore, #tpu.memory_space<semaphore_mem>>) src(%arg9 : memref<16xf32, #tpu.memory_space<vmem>>) dst(%arg4 : memref<16xf32, #tpu.memory_space<hbm>>)
        tpu.yield
      }) : () -> ()
    } else {
    }
    return
  }
}

module attributes {stable_mosaic.version = 14 : i64} {
  func.func @_etas_kernel(%arg0: memref<5120x1xf32, #tpu.memory_space<vmem>>, %arg1: memref<1x5120xf32, #tpu.memory_space<vmem>>, %arg2: memref<5120x1xf32, #tpu.memory_space<vmem>>, %arg3: memref<1x5120xf32, #tpu.memory_space<vmem>>, %arg4: memref<5120x1xf32, #tpu.memory_space<vmem>>, %arg5: memref<1x5120xf32, #tpu.memory_space<vmem>>, %arg6: memref<1x8xf32, #tpu.memory_space<vmem>>, %arg7: memref<1x16xf32, #tpu.memory_space<vmem>>, %arg8: memref<1x1xf32, #tpu.memory_space<vmem>>, %arg9: memref<1x1xf32, #tpu.memory_space<vmem>>, %arg10: memref<1x1xf32, #tpu.memory_space<vmem>>) attributes {dimension_semantics = [], scalar_prefetch = 0 : i64, scratch_operands = 0 : i64, tpu.core_type = #tpu.core_type<tc>} {
    %get3A = arith.constant 0 : index
    %get3A_0 = arith.constant 0 : index
    %get3A_1 = vector.load %arg6[%get3A, %get3A_0] : memref<1x8xf32, #tpu.memory_space<vmem>>, vector<1x1xf32>
    %get3A_2 = vector.extract %get3A_1[0, 0] : f32 from vector<1x1xf32>
    %get3A_3 = arith.constant 0 : index
    %get3A_4 = arith.constant 1 : index
    %get3A_5 = vector.load %arg6[%get3A_3, %get3A_4] : memref<1x8xf32, #tpu.memory_space<vmem>>, vector<1x1xf32>
    %get3A_6 = vector.extract %get3A_5[0, 0] : f32 from vector<1x1xf32>
    %get3A_7 = arith.constant 0 : index
    %get3A_8 = arith.constant 2 : index
    %get3A_9 = vector.load %arg6[%get3A_7, %get3A_8] : memref<1x8xf32, #tpu.memory_space<vmem>>, vector<1x1xf32>
    %get3A_10 = vector.extract %get3A_9[0, 0] : f32 from vector<1x1xf32>
    %get3A_11 = arith.constant 0 : index
    %get3A_12 = arith.constant 3 : index
    %get3A_13 = vector.load %arg6[%get3A_11, %get3A_12] : memref<1x8xf32, #tpu.memory_space<vmem>>, vector<1x1xf32>
    %get3A_14 = vector.extract %get3A_13[0, 0] : f32 from vector<1x1xf32>
    %get3A_15 = arith.constant 0 : index
    %get3A_16 = arith.constant 4 : index
    %get3A_17 = vector.load %arg6[%get3A_15, %get3A_16] : memref<1x8xf32, #tpu.memory_space<vmem>>, vector<1x1xf32>
    %get3A_18 = vector.extract %get3A_17[0, 0] : f32 from vector<1x1xf32>
    %mul3A = arith.mulf %get3A_14, %get3A_18 : f32
    %mul3A_19 = arith.constant 6.28318548 : f32
    %mul3A_20 = arith.mulf %mul3A, %mul3A_19 : f32
    %div3A = arith.divf %get3A_6, %mul3A_20 : f32
    %sqrt3A = arith.constant 2.000000e+00 : f32
    %sqrt3A_21 = math.sqrt %sqrt3A : f32
    %mul3A_22 = arith.mulf %sqrt3A_21, %get3A_14 : f32
    %div3A_23 = arith.constant 1.000000e+00 : f32
    %div3A_24 = arith.divf %div3A_23, %mul3A_22 : f32
    %sqrt3A_25 = arith.constant 2.000000e+00 : f32
    %sqrt3A_26 = math.sqrt %sqrt3A_25 : f32
    %mul3A_27 = arith.mulf %sqrt3A_26, %get3A_18 : f32
    %div3A_28 = arith.constant 1.000000e+00 : f32
    %div3A_29 = arith.divf %div3A_28, %mul3A_27 : f32
    %neg3A = arith.constant 0.000000e+00 : f32
    %neg3A_30 = arith.subf %neg3A, %get3A_10 : f32
    %get3A_31 = arith.constant 0 : index
    %get3A_32 = arith.constant 0 : index
    %get3A_33 = vector.load %arg1[%get3A_31, %get3A_32] : memref<1x5120xf32, #tpu.memory_space<vmem>>, vector<1x5120xf32>
    %get3A_34 = arith.constant 0 : index
    %get3A_35 = arith.constant 0 : index
    %get3A_36 = vector.load %arg3[%get3A_34, %get3A_35] : memref<1x5120xf32, #tpu.memory_space<vmem>>, vector<1x5120xf32>
    %mul3A_37 = vector.broadcast %div3A_24 : f32 to vector<1x5120xf32>
    %mul3A_38 = arith.mulf %get3A_36, %mul3A_37 : vector<1x5120xf32>
    %get3A_39 = arith.constant 0 : index
    %get3A_40 = arith.constant 0 : index
    %get3A_41 = vector.load %arg5[%get3A_39, %get3A_40] : memref<1x5120xf32, #tpu.memory_space<vmem>>, vector<1x5120xf32>
    %mul3A_42 = vector.broadcast %div3A_29 : f32 to vector<1x5120xf32>
    %mul3A_43 = arith.mulf %get3A_41, %mul3A_42 : vector<1x5120xf32>
    %get3A_44 = arith.constant 0 : index
    %get3A_45 = arith.constant 0 : index
    %get3A_46 = vector.load %arg0[%get3A_44, %get3A_45] : memref<5120x1xf32, #tpu.memory_space<vmem>>, vector<256x1xf32>
    %get3A_47 = arith.constant 0 : index
    %get3A_48 = arith.constant 0 : index
    %get3A_49 = vector.load %arg2[%get3A_47, %get3A_48] : memref<5120x1xf32, #tpu.memory_space<vmem>>, vector<256x1xf32>
    %mul3A_50 = vector.broadcast %div3A_24 : f32 to vector<256x1xf32>
    %mul3A_51 = arith.mulf %get3A_49, %mul3A_50 : vector<256x1xf32>
    %get3A_52 = arith.constant 0 : index
    %get3A_53 = arith.constant 0 : index
    %get3A_54 = vector.load %arg4[%get3A_52, %get3A_53] : memref<5120x1xf32, #tpu.memory_space<vmem>>, vector<256x1xf32>
    %mul3A_55 = vector.broadcast %div3A_29 : f32 to vector<256x1xf32>
    %mul3A_56 = arith.mulf %get3A_54, %mul3A_55 : vector<256x1xf32>
    %slice3A = vector.extract_strided_slice %get3A_33 {offsets = [0, 0], sizes = [1, 256], strides = [1, 1]} : vector<1x5120xf32> to vector<1x256xf32>
    %lt3A = vector.broadcast %slice3A : vector<1x256xf32> to vector<256x256xf32>
    %lt3A_57 = vector.broadcast %get3A_46 : vector<256x1xf32> to vector<256x256xf32>
    %lt3A_58 = arith.cmpf olt, %lt3A, %lt3A_57 : vector<256x256xf32>
    %sub3A = vector.broadcast %get3A_46 : vector<256x1xf32> to vector<256x256xf32>
    %sub3A_59 = vector.broadcast %slice3A : vector<1x256xf32> to vector<256x256xf32>
    %sub3A_60 = arith.subf %sub3A, %sub3A_59 : vector<256x256xf32>
    %jit3A = arith.constant 1.000000e+00 : f32
    %broadcast_in_dim3A = vector.broadcast %jit3A : f32 to vector<256x256xf32>
    %select_n3A = arith.select %lt3A_58, %sub3A_60, %broadcast_in_dim3A : vector<256x256xi1>, vector<256x256xf32>
    %div3A_61 = arith.constant 1.000000e+00 : f32
    %div3A_62 = vector.broadcast %div3A_61 : f32 to vector<256x256xf32>
    %div3A_63 = arith.divf %div3A_62, %select_n3A : vector<256x256xf32>
    %slice3A_64 = vector.extract_strided_slice %mul3A_38 {offsets = [0, 0], sizes = [1, 256], strides = [1, 1]} : vector<1x5120xf32> to vector<1x256xf32>
    %sub3A_65 = vector.broadcast %mul3A_51 : vector<256x1xf32> to vector<256x256xf32>
    %sub3A_66 = vector.broadcast %slice3A_64 : vector<1x256xf32> to vector<256x256xf32>
    %sub3A_67 = arith.subf %sub3A_65, %sub3A_66 : vector<256x256xf32>
    %slice3A_68 = vector.extract_strided_slice %mul3A_43 {offsets = [0, 0], sizes = [1, 256], strides = [1, 1]} : vector<1x5120xf32> to vector<1x256xf32>
    %sub3A_69 = vector.broadcast %mul3A_56 : vector<256x1xf32> to vector<256x256xf32>
    %sub3A_70 = vector.broadcast %slice3A_68 : vector<1x256xf32> to vector<256x256xf32>
    %sub3A_71 = arith.subf %sub3A_69, %sub3A_70 : vector<256x256xf32>
    %mul3A_72 = arith.mulf %sub3A_67, %sub3A_67 : vector<256x256xf32>
    %mul3A_73 = arith.mulf %sub3A_71, %sub3A_71 : vector<256x256xf32>
    %add3A = arith.addf %mul3A_72, %mul3A_73 : vector<256x256xf32>
    %mul3A_74 = vector.broadcast %neg3A_30 : f32 to vector<256x256xf32>
    %mul3A_75 = arith.mulf %mul3A_74, %select_n3A : vector<256x256xf32>
    %mul3A_76 = arith.mulf %add3A, %div3A_63 : vector<256x256xf32>
    %sub3A_77 = arith.subf %mul3A_75, %mul3A_76 : vector<256x256xf32>
    %exp3A = math.exp %sub3A_77 : vector<256x256xf32>
    %mul3A_78 = arith.mulf %exp3A, %div3A_63 : vector<256x256xf32>
    %jit3A_79 = arith.constant 0.000000e+00 : f32
    %broadcast_in_dim3A_80 = vector.broadcast %jit3A_79 : f32 to vector<256x256xf32>
    %select_n3A_81 = arith.select %lt3A_58, %mul3A_78, %broadcast_in_dim3A_80 : vector<256x256xi1>, vector<256x256xf32>
    %reduce_sum3A = arith.constant dense<0.000000e+00> : vector<256xf32>
    %reduce_sum3A_82 = vector.multi_reduction <add>, %select_n3A_81, %reduce_sum3A [1] : vector<256x256xf32> to vector<256xf32>
    %broadcast_in_dim3A_83 = vector.shape_cast %reduce_sum3A_82 : vector<256xf32> to vector<256x1xf32>
    %mul3A_84 = vector.broadcast %div3A : f32 to vector<256x1xf32>
    %mul3A_85 = arith.mulf %mul3A_84, %broadcast_in_dim3A_83 : vector<256x1xf32>
    %ge3A = arith.constant 2.000000e+00 : f32
    %ge3A_86 = vector.broadcast %ge3A : f32 to vector<256x1xf32>
    %ge3A_87 = arith.cmpf oge, %get3A_46, %ge3A_86 : vector<256x1xf32>
    %le3A = arith.constant 5.000000e+01 : f32
    %le3A_88 = vector.broadcast %le3A : f32 to vector<256x1xf32>
    %le3A_89 = arith.cmpf ole, %get3A_46, %le3A_88 : vector<256x1xf32>
    %and3A = arith.andi %ge3A_87, %le3A_89 : vector<256x1xi1>
    %jit3A_90 = arith.constant 1.000000e+00 : f32
    %broadcast_in_dim3A_91 = vector.broadcast %jit3A_90 : f32 to vector<256x1xf32>
    %select_n3A_92 = arith.select %and3A, %mul3A_85, %broadcast_in_dim3A_91 : vector<256x1xi1>, vector<256x1xf32>
    %log3A = math.log %select_n3A_92 : vector<256x1xf32>
    %jit3A_93 = arith.constant 0.000000e+00 : f32
    %broadcast_in_dim3A_94 = vector.broadcast %jit3A_93 : f32 to vector<256x1xf32>
    %select_n3A_95 = arith.select %and3A, %log3A, %broadcast_in_dim3A_94 : vector<256x1xi1>, vector<256x1xf32>
    %reduce_sum3A_96 = vector.shape_cast %select_n3A_95 : vector<256x1xf32> to vector<1x256x1xf32>
    %reduce_sum3A_97 = arith.constant dense<0.000000e+00> : vector<1xf32>
    %reduce_sum3A_98 = vector.multi_reduction <add>, %reduce_sum3A_96, %reduce_sum3A_97 [1, 2] : vector<1x256x1xf32> to vector<1xf32>
    %reduce_sum3A_99 = vector.shape_cast %reduce_sum3A_98 : vector<1xf32> to vector<1x1x1xf32>
    %reduce_sum3A_100 = vector.extract %reduce_sum3A_99[0, 0, 0] : f32 from vector<1x1x1xf32>
    %add3A_101 = arith.constant 0.000000e+00 : f32
    %add3A_102 = arith.addf %add3A_101, %reduce_sum3A_100 : f32
    %get3A_103 = arith.constant 256 : index
    %get3A_104 = arith.constant 0 : index
    %get3A_105 = vector.load %arg0[%get3A_103, %get3A_104] : memref<5120x1xf32, #tpu.memory_space<vmem>>, vector<256x1xf32>
    %get3A_106 = arith.constant 256 : index
    %get3A_107 = arith.constant 0 : index
    %get3A_108 = vector.load %arg2[%get3A_106, %get3A_107] : memref<5120x1xf32, #tpu.memory_space<vmem>>, vector<256x1xf32>
    %mul3A_109 = vector.broadcast %div3A_24 : f32 to vector<256x1xf32>
    %mul3A_110 = arith.mulf %get3A_108, %mul3A_109 : vector<256x1xf32>
    %get3A_111 = arith.constant 256 : index
    %get3A_112 = arith.constant 0 : index
    %get3A_113 = vector.load %arg4[%get3A_111, %get3A_112] : memref<5120x1xf32, #tpu.memory_space<vmem>>, vector<256x1xf32>
    %mul3A_114 = vector.broadcast %div3A_29 : f32 to vector<256x1xf32>
    %mul3A_115 = arith.mulf %get3A_113, %mul3A_114 : vector<256x1xf32>
    %slice3A_116 = vector.extract_strided_slice %get3A_33 {offsets = [0, 0], sizes = [1, 512], strides = [1, 1]} : vector<1x5120xf32> to vector<1x512xf32>
    %lt3A_117 = vector.broadcast %slice3A_116 : vector<1x512xf32> to vector<256x512xf32>
    %lt3A_118 = vector.broadcast %get3A_105 : vector<256x1xf32> to vector<256x512xf32>
    %lt3A_119 = arith.cmpf olt, %lt3A_117, %lt3A_118 : vector<256x512xf32>
    %sub3A_120 = vector.broadcast %get3A_105 : vector<256x1xf32> to vector<256x512xf32>
    %sub3A_121 = vector.broadcast %slice3A_116 : vector<1x512xf32> to vector<256x512xf32>
    %sub3A_122 = arith.subf %sub3A_120, %sub3A_121 : vector<256x512xf32>
    %jit3A_123 = arith.constant 1.000000e+00 : f32
    %broadcast_in_dim3A_124 = vector.broadcast %jit3A_123 : f32 to vector<256x512xf32>
    %select_n3A_125 = arith.select %lt3A_119, %sub3A_122, %broadcast_in_dim3A_124 : vector<256x512xi1>, vector<256x512xf32>
    %div3A_126 = arith.constant 1.000000e+00 : f32
    %div3A_127 = vector.broadcast %div3A_126 : f32 to vector<256x512xf32>
    %div3A_128 = arith.divf %div3A_127, %select_n3A_125 : vector<256x512xf32>
    %slice3A_129 = vector.extract_strided_slice %mul3A_38 {offsets = [0, 0], sizes = [1, 512], strides = [1, 1]} : vector<1x5120xf32> to vector<1x512xf32>
    %sub3A_130 = vector.broadcast %mul3A_110 : vector<256x1xf32> to vector<256x512xf32>
    %sub3A_131 = vector.broadcast %slice3A_129 : vector<1x512xf32> to vector<256x512xf32>
    %sub3A_132 = arith.subf %sub3A_130, %sub3A_131 : vector<256x512xf32>
    %slice3A_133 = vector.extract_strided_slice %mul3A_43 {offsets = [0, 0], sizes = [1, 512], strides = [1, 1]} : vector<1x5120xf32> to vector<1x512xf32>
    %sub3A_134 = vector.broadcast %mul3A_115 : vector<256x1xf32> to vector<256x512xf32>
    %sub3A_135 = vector.broadcast %slice3A_133 : vector<1x512xf32> to vector<256x512xf32>
    %sub3A_136 = arith.subf %sub3A_134, %sub3A_135 : vector<256x512xf32>
    %mul3A_137 = arith.mulf %sub3A_132, %sub3A_132 : vector<256x512xf32>
    %mul3A_138 = arith.mulf %sub3A_136, %sub3A_136 : vector<256x512xf32>
    %add3A_139 = arith.addf %mul3A_137, %mul3A_138 : vector<256x512xf32>
    %mul3A_140 = vector.broadcast %neg3A_30 : f32 to vector<256x512xf32>
    %mul3A_141 = arith.mulf %mul3A_140, %select_n3A_125 : vector<256x512xf32>
    %mul3A_142 = arith.mulf %add3A_139, %div3A_128 : vector<256x512xf32>
    %sub3A_143 = arith.subf %mul3A_141, %mul3A_142 : vector<256x512xf32>
    %exp3A_144 = math.exp %sub3A_143 : vector<256x512xf32>
    %mul3A_145 = arith.mulf %exp3A_144, %div3A_128 : vector<256x512xf32>
    %jit3A_146 = arith.constant 0.000000e+00 : f32
    %broadcast_in_dim3A_147 = vector.broadcast %jit3A_146 : f32 to vector<256x512xf32>
    %select_n3A_148 = arith.select %lt3A_119, %mul3A_145, %broadcast_in_dim3A_147 : vector<256x512xi1>, vector<256x512xf32>
    %reduce_sum3A_149 = arith.constant dense<0.000000e+00> : vector<256xf32>
    %reduce_sum3A_150 = vector.multi_reduction <add>, %select_n3A_148, %reduce_sum3A_149 [1] : vector<256x512xf32> to vector<256xf32>
    %broadcast_in_dim3A_151 = vector.shape_cast %reduce_sum3A_150 : vector<256xf32> to vector<256x1xf32>
    %mul3A_152 = vector.broadcast %div3A : f32 to vector<256x1xf32>
    %mul3A_153 = arith.mulf %mul3A_152, %broadcast_in_dim3A_151 : vector<256x1xf32>
    %ge3A_154 = arith.constant 2.000000e+00 : f32
    %ge3A_155 = vector.broadcast %ge3A_154 : f32 to vector<256x1xf32>
    %ge3A_156 = arith.cmpf oge, %get3A_105, %ge3A_155 : vector<256x1xf32>
    %le3A_157 = arith.constant 5.000000e+01 : f32
    %le3A_158 = vector.broadcast %le3A_157 : f32 to vector<256x1xf32>
    %le3A_159 = arith.cmpf ole, %get3A_105, %le3A_158 : vector<256x1xf32>
    %and3A_160 = arith.andi %ge3A_156, %le3A_159 : vector<256x1xi1>
    %jit3A_161 = arith.constant 1.000000e+00 : f32
    %broadcast_in_dim3A_162 = vector.broadcast %jit3A_161 : f32 to vector<256x1xf32>
    %select_n3A_163 = arith.select %and3A_160, %mul3A_153, %broadcast_in_dim3A_162 : vector<256x1xi1>, vector<256x1xf32>
    %log3A_164 = math.log %select_n3A_163 : vector<256x1xf32>
    %jit3A_165 = arith.constant 0.000000e+00 : f32
    %broadcast_in_dim3A_166 = vector.broadcast %jit3A_165 : f32 to vector<256x1xf32>
    %select_n3A_167 = arith.select %and3A_160, %log3A_164, %broadcast_in_dim3A_166 : vector<256x1xi1>, vector<256x1xf32>
    %reduce_sum3A_168 = vector.shape_cast %select_n3A_167 : vector<256x1xf32> to vector<1x256x1xf32>
    %reduce_sum3A_169 = arith.constant dense<0.000000e+00> : vector<1xf32>
    %reduce_sum3A_170 = vector.multi_reduction <add>, %reduce_sum3A_168, %reduce_sum3A_169 [1, 2] : vector<1x256x1xf32> to vector<1xf32>
    %reduce_sum3A_171 = vector.shape_cast %reduce_sum3A_170 : vector<1xf32> to vector<1x1x1xf32>
    %reduce_sum3A_172 = vector.extract %reduce_sum3A_171[0, 0, 0] : f32 from vector<1x1x1xf32>
    %add3A_173 = arith.addf %add3A_102, %reduce_sum3A_172 : f32
    %get3A_174 = arith.constant 512 : index
    %get3A_175 = arith.constant 0 : index
    %get3A_176 = vector.load %arg0[%get3A_174, %get3A_175] : memref<5120x1xf32, #tpu.memory_space<vmem>>, vector<256x1xf32>
    %get3A_177 = arith.constant 512 : index
    %get3A_178 = arith.constant 0 : index
    %get3A_179 = vector.load %arg2[%get3A_177, %get3A_178] : memref<5120x1xf32, #tpu.memory_space<vmem>>, vector<256x1xf32>
    %mul3A_180 = vector.broadcast %div3A_24 : f32 to vector<256x1xf32>
    %mul3A_181 = arith.mulf %get3A_179, %mul3A_180 : vector<256x1xf32>
    %get3A_182 = arith.constant 512 : index
    %get3A_183 = arith.constant 0 : index
    %get3A_184 = vector.load %arg4[%get3A_182, %get3A_183] : memref<5120x1xf32, #tpu.memory_space<vmem>>, vector<256x1xf32>
    %mul3A_185 = vector.broadcast %div3A_29 : f32 to vector<256x1xf32>
    %mul3A_186 = arith.mulf %get3A_184, %mul3A_185 : vector<256x1xf32>
    %slice3A_187 = vector.extract_strided_slice %get3A_33 {offsets = [0, 0], sizes = [1, 768], strides = [1, 1]} : vector<1x5120xf32> to vector<1x768xf32>
    %lt3A_188 = vector.broadcast %slice3A_187 : vector<1x768xf32> to vector<256x768xf32>
    %lt3A_189 = vector.broadcast %get3A_176 : vector<256x1xf32> to vector<256x768xf32>
    %lt3A_190 = arith.cmpf olt, %lt3A_188, %lt3A_189 : vector<256x768xf32>
    %sub3A_191 = vector.broadcast %get3A_176 : vector<256x1xf32> to vector<256x768xf32>
    %sub3A_192 = vector.broadcast %slice3A_187 : vector<1x768xf32> to vector<256x768xf32>
    %sub3A_193 = arith.subf %sub3A_191, %sub3A_192 : vector<256x768xf32>
    %jit3A_194 = arith.constant 1.000000e+00 : f32
    %broadcast_in_dim3A_195 = vector.broadcast %jit3A_194 : f32 to vector<256x768xf32>
    %select_n3A_196 = arith.select %lt3A_190, %sub3A_193, %broadcast_in_dim3A_195 : vector<256x768xi1>, vector<256x768xf32>
    %div3A_197 = arith.constant 1.000000e+00 : f32
    %div3A_198 = vector.broadcast %div3A_197 : f32 to vector<256x768xf32>
    %div3A_199 = arith.divf %div3A_198, %select_n3A_196 : vector<256x768xf32>
    %slice3A_200 = vector.extract_strided_slice %mul3A_38 {offsets = [0, 0], sizes = [1, 768], strides = [1, 1]} : vector<1x5120xf32> to vector<1x768xf32>
    %sub3A_201 = vector.broadcast %mul3A_181 : vector<256x1xf32> to vector<256x768xf32>
    %sub3A_202 = vector.broadcast %slice3A_200 : vector<1x768xf32> to vector<256x768xf32>
    %sub3A_203 = arith.subf %sub3A_201, %sub3A_202 : vector<256x768xf32>
    %slice3A_204 = vector.extract_strided_slice %mul3A_43 {offsets = [0, 0], sizes = [1, 768], strides = [1, 1]} : vector<1x5120xf32> to vector<1x768xf32>
    %sub3A_205 = vector.broadcast %mul3A_186 : vector<256x1xf32> to vector<256x768xf32>
    %sub3A_206 = vector.broadcast %slice3A_204 : vector<1x768xf32> to vector<256x768xf32>
    %sub3A_207 = arith.subf %sub3A_205, %sub3A_206 : vector<256x768xf32>
    %mul3A_208 = arith.mulf %sub3A_203, %sub3A_203 : vector<256x768xf32>
    %mul3A_209 = arith.mulf %sub3A_207, %sub3A_207 : vector<256x768xf32>
    %add3A_210 = arith.addf %mul3A_208, %mul3A_209 : vector<256x768xf32>
    %mul3A_211 = vector.broadcast %neg3A_30 : f32 to vector<256x768xf32>
    %mul3A_212 = arith.mulf %mul3A_211, %select_n3A_196 : vector<256x768xf32>
    %mul3A_213 = arith.mulf %add3A_210, %div3A_199 : vector<256x768xf32>
    %sub3A_214 = arith.subf %mul3A_212, %mul3A_213 : vector<256x768xf32>
    %exp3A_215 = math.exp %sub3A_214 : vector<256x768xf32>
    %mul3A_216 = arith.mulf %exp3A_215, %div3A_199 : vector<256x768xf32>
    %jit3A_217 = arith.constant 0.000000e+00 : f32
    %broadcast_in_dim3A_218 = vector.broadcast %jit3A_217 : f32 to vector<256x768xf32>
    %select_n3A_219 = arith.select %lt3A_190, %mul3A_216, %broadcast_in_dim3A_218 : vector<256x768xi1>, vector<256x768xf32>
    %reduce_sum3A_220 = arith.constant dense<0.000000e+00> : vector<256xf32>
    %reduce_sum3A_221 = vector.multi_reduction <add>, %select_n3A_219, %reduce_sum3A_220 [1] : vector<256x768xf32> to vector<256xf32>
    %broadcast_in_dim3A_222 = vector.shape_cast %reduce_sum3A_221 : vector<256xf32> to vector<256x1xf32>
    %mul3A_223 = vector.broadcast %div3A : f32 to vector<256x1xf32>
    %mul3A_224 = arith.mulf %mul3A_223, %broadcast_in_dim3A_222 : vector<256x1xf32>
    %ge3A_225 = arith.constant 2.000000e+00 : f32
    %ge3A_226 = vector.broadcast %ge3A_225 : f32 to vector<256x1xf32>
    %ge3A_227 = arith.cmpf oge, %get3A_176, %ge3A_226 : vector<256x1xf32>
    %le3A_228 = arith.constant 5.000000e+01 : f32
    %le3A_229 = vector.broadcast %le3A_228 : f32 to vector<256x1xf32>
    %le3A_230 = arith.cmpf ole, %get3A_176, %le3A_229 : vector<256x1xf32>
    %and3A_231 = arith.andi %ge3A_227, %le3A_230 : vector<256x1xi1>
    %jit3A_232 = arith.constant 1.000000e+00 : f32
    %broadcast_in_dim3A_233 = vector.broadcast %jit3A_232 : f32 to vector<256x1xf32>
    %select_n3A_234 = arith.select %and3A_231, %mul3A_224, %broadcast_in_dim3A_233 : vector<256x1xi1>, vector<256x1xf32>
    %log3A_235 = math.log %select_n3A_234 : vector<256x1xf32>
    %jit3A_236 = arith.constant 0.000000e+00 : f32
    %broadcast_in_dim3A_237 = vector.broadcast %jit3A_236 : f32 to vector<256x1xf32>
    %select_n3A_238 = arith.select %and3A_231, %log3A_235, %broadcast_in_dim3A_237 : vector<256x1xi1>, vector<256x1xf32>
    %reduce_sum3A_239 = vector.shape_cast %select_n3A_238 : vector<256x1xf32> to vector<1x256x1xf32>
    %reduce_sum3A_240 = arith.constant dense<0.000000e+00> : vector<1xf32>
    %reduce_sum3A_241 = vector.multi_reduction <add>, %reduce_sum3A_239, %reduce_sum3A_240 [1, 2] : vector<1x256x1xf32> to vector<1xf32>
    %reduce_sum3A_242 = vector.shape_cast %reduce_sum3A_241 : vector<1xf32> to vector<1x1x1xf32>
    %reduce_sum3A_243 = vector.extract %reduce_sum3A_242[0, 0, 0] : f32 from vector<1x1x1xf32>
    %add3A_244 = arith.addf %add3A_173, %reduce_sum3A_243 : f32
    %get3A_245 = arith.constant 768 : index
    %get3A_246 = arith.constant 0 : index
    %get3A_247 = vector.load %arg0[%get3A_245, %get3A_246] : memref<5120x1xf32, #tpu.memory_space<vmem>>, vector<256x1xf32>
    %get3A_248 = arith.constant 768 : index
    %get3A_249 = arith.constant 0 : index
    %get3A_250 = vector.load %arg2[%get3A_248, %get3A_249] : memref<5120x1xf32, #tpu.memory_space<vmem>>, vector<256x1xf32>
    %mul3A_251 = vector.broadcast %div3A_24 : f32 to vector<256x1xf32>
    %mul3A_252 = arith.mulf %get3A_250, %mul3A_251 : vector<256x1xf32>
    %get3A_253 = arith.constant 768 : index
    %get3A_254 = arith.constant 0 : index
    %get3A_255 = vector.load %arg4[%get3A_253, %get3A_254] : memref<5120x1xf32, #tpu.memory_space<vmem>>, vector<256x1xf32>
    %mul3A_256 = vector.broadcast %div3A_29 : f32 to vector<256x1xf32>
    %mul3A_257 = arith.mulf %get3A_255, %mul3A_256 : vector<256x1xf32>
    %slice3A_258 = vector.extract_strided_slice %get3A_33 {offsets = [0, 0], sizes = [1, 1024], strides = [1, 1]} : vector<1x5120xf32> to vector<1x1024xf32>
    %lt3A_259 = vector.broadcast %slice3A_258 : vector<1x1024xf32> to vector<256x1024xf32>
    %lt3A_260 = vector.broadcast %get3A_247 : vector<256x1xf32> to vector<256x1024xf32>
    %lt3A_261 = arith.cmpf olt, %lt3A_259, %lt3A_260 : vector<256x1024xf32>
    %sub3A_262 = vector.broadcast %get3A_247 : vector<256x1xf32> to vector<256x1024xf32>
    %sub3A_263 = vector.broadcast %slice3A_258 : vector<1x1024xf32> to vector<256x1024xf32>
    %sub3A_264 = arith.subf %sub3A_262, %sub3A_263 : vector<256x1024xf32>
    %jit3A_265 = arith.constant 1.000000e+00 : f32
    %broadcast_in_dim3A_266 = vector.broadcast %jit3A_265 : f32 to vector<256x1024xf32>
    %select_n3A_267 = arith.select %lt3A_261, %sub3A_264, %broadcast_in_dim3A_266 : vector<256x1024xi1>, vector<256x1024xf32>
    %div3A_268 = arith.constant 1.000000e+00 : f32
    %div3A_269 = vector.broadcast %div3A_268 : f32 to vector<256x1024xf32>
    %div3A_270 = arith.divf %div3A_269, %select_n3A_267 : vector<256x1024xf32>
    %slice3A_271 = vector.extract_strided_slice %mul3A_38 {offsets = [0, 0], sizes = [1, 1024], strides = [1, 1]} : vector<1x5120xf32> to vector<1x1024xf32>
    %sub3A_272 = vector.broadcast %mul3A_252 : vector<256x1xf32> to vector<256x1024xf32>
    %sub3A_273 = vector.broadcast %slice3A_271 : vector<1x1024xf32> to vector<256x1024xf32>
    %sub3A_274 = arith.subf %sub3A_272, %sub3A_273 : vector<256x1024xf32>
    %slice3A_275 = vector.extract_strided_slice %mul3A_43 {offsets = [0, 0], sizes = [1, 1024], strides = [1, 1]} : vector<1x5120xf32> to vector<1x1024xf32>
    %sub3A_276 = vector.broadcast %mul3A_257 : vector<256x1xf32> to vector<256x1024xf32>
    %sub3A_277 = vector.broadcast %slice3A_275 : vector<1x1024xf32> to vector<256x1024xf32>
    %sub3A_278 = arith.subf %sub3A_276, %sub3A_277 : vector<256x1024xf32>
    %mul3A_279 = arith.mulf %sub3A_274, %sub3A_274 : vector<256x1024xf32>
    %mul3A_280 = arith.mulf %sub3A_278, %sub3A_278 : vector<256x1024xf32>
    %add3A_281 = arith.addf %mul3A_279, %mul3A_280 : vector<256x1024xf32>
    %mul3A_282 = vector.broadcast %neg3A_30 : f32 to vector<256x1024xf32>
    %mul3A_283 = arith.mulf %mul3A_282, %select_n3A_267 : vector<256x1024xf32>
    %mul3A_284 = arith.mulf %add3A_281, %div3A_270 : vector<256x1024xf32>
    %sub3A_285 = arith.subf %mul3A_283, %mul3A_284 : vector<256x1024xf32>
    %exp3A_286 = math.exp %sub3A_285 : vector<256x1024xf32>
    %mul3A_287 = arith.mulf %exp3A_286, %div3A_270 : vector<256x1024xf32>
    %jit3A_288 = arith.constant 0.000000e+00 : f32
    %broadcast_in_dim3A_289 = vector.broadcast %jit3A_288 : f32 to vector<256x1024xf32>
    %select_n3A_290 = arith.select %lt3A_261, %mul3A_287, %broadcast_in_dim3A_289 : vector<256x1024xi1>, vector<256x1024xf32>
    %reduce_sum3A_291 = arith.constant dense<0.000000e+00> : vector<256xf32>
    %reduce_sum3A_292 = vector.multi_reduction <add>, %select_n3A_290, %reduce_sum3A_291 [1] : vector<256x1024xf32> to vector<256xf32>
    %broadcast_in_dim3A_293 = vector.shape_cast %reduce_sum3A_292 : vector<256xf32> to vector<256x1xf32>
    %mul3A_294 = vector.broadcast %div3A : f32 to vector<256x1xf32>
    %mul3A_295 = arith.mulf %mul3A_294, %broadcast_in_dim3A_293 : vector<256x1xf32>
    %ge3A_296 = arith.constant 2.000000e+00 : f32
    %ge3A_297 = vector.broadcast %ge3A_296 : f32 to vector<256x1xf32>
    %ge3A_298 = arith.cmpf oge, %get3A_247, %ge3A_297 : vector<256x1xf32>
    %le3A_299 = arith.constant 5.000000e+01 : f32
    %le3A_300 = vector.broadcast %le3A_299 : f32 to vector<256x1xf32>
    %le3A_301 = arith.cmpf ole, %get3A_247, %le3A_300 : vector<256x1xf32>
    %and3A_302 = arith.andi %ge3A_298, %le3A_301 : vector<256x1xi1>
    %jit3A_303 = arith.constant 1.000000e+00 : f32
    %broadcast_in_dim3A_304 = vector.broadcast %jit3A_303 : f32 to vector<256x1xf32>
    %select_n3A_305 = arith.select %and3A_302, %mul3A_295, %broadcast_in_dim3A_304 : vector<256x1xi1>, vector<256x1xf32>
    %log3A_306 = math.log %select_n3A_305 : vector<256x1xf32>
    %jit3A_307 = arith.constant 0.000000e+00 : f32
    %broadcast_in_dim3A_308 = vector.broadcast %jit3A_307 : f32 to vector<256x1xf32>
    %select_n3A_309 = arith.select %and3A_302, %log3A_306, %broadcast_in_dim3A_308 : vector<256x1xi1>, vector<256x1xf32>
    %reduce_sum3A_310 = vector.shape_cast %select_n3A_309 : vector<256x1xf32> to vector<1x256x1xf32>
    %reduce_sum3A_311 = arith.constant dense<0.000000e+00> : vector<1xf32>
    %reduce_sum3A_312 = vector.multi_reduction <add>, %reduce_sum3A_310, %reduce_sum3A_311 [1, 2] : vector<1x256x1xf32> to vector<1xf32>
    %reduce_sum3A_313 = vector.shape_cast %reduce_sum3A_312 : vector<1xf32> to vector<1x1x1xf32>
    %reduce_sum3A_314 = vector.extract %reduce_sum3A_313[0, 0, 0] : f32 from vector<1x1x1xf32>
    %add3A_315 = arith.addf %add3A_244, %reduce_sum3A_314 : f32
    %get3A_316 = arith.constant 1024 : index
    %get3A_317 = arith.constant 0 : index
    %get3A_318 = vector.load %arg0[%get3A_316, %get3A_317] : memref<5120x1xf32, #tpu.memory_space<vmem>>, vector<256x1xf32>
    %get3A_319 = arith.constant 1024 : index
    %get3A_320 = arith.constant 0 : index
    %get3A_321 = vector.load %arg2[%get3A_319, %get3A_320] : memref<5120x1xf32, #tpu.memory_space<vmem>>, vector<256x1xf32>
    %mul3A_322 = vector.broadcast %div3A_24 : f32 to vector<256x1xf32>
    %mul3A_323 = arith.mulf %get3A_321, %mul3A_322 : vector<256x1xf32>
    %get3A_324 = arith.constant 1024 : index
    %get3A_325 = arith.constant 0 : index
    %get3A_326 = vector.load %arg4[%get3A_324, %get3A_325] : memref<5120x1xf32, #tpu.memory_space<vmem>>, vector<256x1xf32>
    %mul3A_327 = vector.broadcast %div3A_29 : f32 to vector<256x1xf32>
    %mul3A_328 = arith.mulf %get3A_326, %mul3A_327 : vector<256x1xf32>
    %slice3A_329 = vector.extract_strided_slice %get3A_33 {offsets = [0, 0], sizes = [1, 1280], strides = [1, 1]} : vector<1x5120xf32> to vector<1x1280xf32>
    %lt3A_330 = vector.broadcast %slice3A_329 : vector<1x1280xf32> to vector<256x1280xf32>
    %lt3A_331 = vector.broadcast %get3A_318 : vector<256x1xf32> to vector<256x1280xf32>
    %lt3A_332 = arith.cmpf olt, %lt3A_330, %lt3A_331 : vector<256x1280xf32>
    %sub3A_333 = vector.broadcast %get3A_318 : vector<256x1xf32> to vector<256x1280xf32>
    %sub3A_334 = vector.broadcast %slice3A_329 : vector<1x1280xf32> to vector<256x1280xf32>
    %sub3A_335 = arith.subf %sub3A_333, %sub3A_334 : vector<256x1280xf32>
    %jit3A_336 = arith.constant 1.000000e+00 : f32
    %broadcast_in_dim3A_337 = vector.broadcast %jit3A_336 : f32 to vector<256x1280xf32>
    %select_n3A_338 = arith.select %lt3A_332, %sub3A_335, %broadcast_in_dim3A_337 : vector<256x1280xi1>, vector<256x1280xf32>
    %div3A_339 = arith.constant 1.000000e+00 : f32
    %div3A_340 = vector.broadcast %div3A_339 : f32 to vector<256x1280xf32>
    %div3A_341 = arith.divf %div3A_340, %select_n3A_338 : vector<256x1280xf32>
    %slice3A_342 = vector.extract_strided_slice %mul3A_38 {offsets = [0, 0], sizes = [1, 1280], strides = [1, 1]} : vector<1x5120xf32> to vector<1x1280xf32>
    %sub3A_343 = vector.broadcast %mul3A_323 : vector<256x1xf32> to vector<256x1280xf32>
    %sub3A_344 = vector.broadcast %slice3A_342 : vector<1x1280xf32> to vector<256x1280xf32>
    %sub3A_345 = arith.subf %sub3A_343, %sub3A_344 : vector<256x1280xf32>
    %slice3A_346 = vector.extract_strided_slice %mul3A_43 {offsets = [0, 0], sizes = [1, 1280], strides = [1, 1]} : vector<1x5120xf32> to vector<1x1280xf32>
    %sub3A_347 = vector.broadcast %mul3A_328 : vector<256x1xf32> to vector<256x1280xf32>
    %sub3A_348 = vector.broadcast %slice3A_346 : vector<1x1280xf32> to vector<256x1280xf32>
    %sub3A_349 = arith.subf %sub3A_347, %sub3A_348 : vector<256x1280xf32>
    %mul3A_350 = arith.mulf %sub3A_345, %sub3A_345 : vector<256x1280xf32>
    %mul3A_351 = arith.mulf %sub3A_349, %sub3A_349 : vector<256x1280xf32>
    %add3A_352 = arith.addf %mul3A_350, %mul3A_351 : vector<256x1280xf32>
    %mul3A_353 = vector.broadcast %neg3A_30 : f32 to vector<256x1280xf32>
    %mul3A_354 = arith.mulf %mul3A_353, %select_n3A_338 : vector<256x1280xf32>
    %mul3A_355 = arith.mulf %add3A_352, %div3A_341 : vector<256x1280xf32>
    %sub3A_356 = arith.subf %mul3A_354, %mul3A_355 : vector<256x1280xf32>
    %exp3A_357 = math.exp %sub3A_356 : vector<256x1280xf32>
    %mul3A_358 = arith.mulf %exp3A_357, %div3A_341 : vector<256x1280xf32>
    %jit3A_359 = arith.constant 0.000000e+00 : f32
    %broadcast_in_dim3A_360 = vector.broadcast %jit3A_359 : f32 to vector<256x1280xf32>
    %select_n3A_361 = arith.select %lt3A_332, %mul3A_358, %broadcast_in_dim3A_360 : vector<256x1280xi1>, vector<256x1280xf32>
    %reduce_sum3A_362 = arith.constant dense<0.000000e+00> : vector<256xf32>
    %reduce_sum3A_363 = vector.multi_reduction <add>, %select_n3A_361, %reduce_sum3A_362 [1] : vector<256x1280xf32> to vector<256xf32>
    %broadcast_in_dim3A_364 = vector.shape_cast %reduce_sum3A_363 : vector<256xf32> to vector<256x1xf32>
    %mul3A_365 = vector.broadcast %div3A : f32 to vector<256x1xf32>
    %mul3A_366 = arith.mulf %mul3A_365, %broadcast_in_dim3A_364 : vector<256x1xf32>
    %ge3A_367 = arith.constant 2.000000e+00 : f32
    %ge3A_368 = vector.broadcast %ge3A_367 : f32 to vector<256x1xf32>
    %ge3A_369 = arith.cmpf oge, %get3A_318, %ge3A_368 : vector<256x1xf32>
    %le3A_370 = arith.constant 5.000000e+01 : f32
    %le3A_371 = vector.broadcast %le3A_370 : f32 to vector<256x1xf32>
    %le3A_372 = arith.cmpf ole, %get3A_318, %le3A_371 : vector<256x1xf32>
    %and3A_373 = arith.andi %ge3A_369, %le3A_372 : vector<256x1xi1>
    %jit3A_374 = arith.constant 1.000000e+00 : f32
    %broadcast_in_dim3A_375 = vector.broadcast %jit3A_374 : f32 to vector<256x1xf32>
    %select_n3A_376 = arith.select %and3A_373, %mul3A_366, %broadcast_in_dim3A_375 : vector<256x1xi1>, vector<256x1xf32>
    %log3A_377 = math.log %select_n3A_376 : vector<256x1xf32>
    %jit3A_378 = arith.constant 0.000000e+00 : f32
    %broadcast_in_dim3A_379 = vector.broadcast %jit3A_378 : f32 to vector<256x1xf32>
    %select_n3A_380 = arith.select %and3A_373, %log3A_377, %broadcast_in_dim3A_379 : vector<256x1xi1>, vector<256x1xf32>
    %reduce_sum3A_381 = vector.shape_cast %select_n3A_380 : vector<256x1xf32> to vector<1x256x1xf32>
    %reduce_sum3A_382 = arith.constant dense<0.000000e+00> : vector<1xf32>
    %reduce_sum3A_383 = vector.multi_reduction <add>, %reduce_sum3A_381, %reduce_sum3A_382 [1, 2] : vector<1x256x1xf32> to vector<1xf32>
    %reduce_sum3A_384 = vector.shape_cast %reduce_sum3A_383 : vector<1xf32> to vector<1x1x1xf32>
    %reduce_sum3A_385 = vector.extract %reduce_sum3A_384[0, 0, 0] : f32 from vector<1x1x1xf32>
    %add3A_386 = arith.addf %add3A_315, %reduce_sum3A_385 : f32
    %get3A_387 = arith.constant 1280 : index
    %get3A_388 = arith.constant 0 : index
    %get3A_389 = vector.load %arg0[%get3A_387, %get3A_388] : memref<5120x1xf32, #tpu.memory_space<vmem>>, vector<256x1xf32>
    %get3A_390 = arith.constant 1280 : index
    %get3A_391 = arith.constant 0 : index
    %get3A_392 = vector.load %arg2[%get3A_390, %get3A_391] : memref<5120x1xf32, #tpu.memory_space<vmem>>, vector<256x1xf32>
    %mul3A_393 = vector.broadcast %div3A_24 : f32 to vector<256x1xf32>
    %mul3A_394 = arith.mulf %get3A_392, %mul3A_393 : vector<256x1xf32>
    %get3A_395 = arith.constant 1280 : index
    %get3A_396 = arith.constant 0 : index
    %get3A_397 = vector.load %arg4[%get3A_395, %get3A_396] : memref<5120x1xf32, #tpu.memory_space<vmem>>, vector<256x1xf32>
    %mul3A_398 = vector.broadcast %div3A_29 : f32 to vector<256x1xf32>
    %mul3A_399 = arith.mulf %get3A_397, %mul3A_398 : vector<256x1xf32>
    %slice3A_400 = vector.extract_strided_slice %get3A_33 {offsets = [0, 0], sizes = [1, 1536], strides = [1, 1]} : vector<1x5120xf32> to vector<1x1536xf32>
    %lt3A_401 = vector.broadcast %slice3A_400 : vector<1x1536xf32> to vector<256x1536xf32>
    %lt3A_402 = vector.broadcast %get3A_389 : vector<256x1xf32> to vector<256x1536xf32>
    %lt3A_403 = arith.cmpf olt, %lt3A_401, %lt3A_402 : vector<256x1536xf32>
    %sub3A_404 = vector.broadcast %get3A_389 : vector<256x1xf32> to vector<256x1536xf32>
    %sub3A_405 = vector.broadcast %slice3A_400 : vector<1x1536xf32> to vector<256x1536xf32>
    %sub3A_406 = arith.subf %sub3A_404, %sub3A_405 : vector<256x1536xf32>
    %jit3A_407 = arith.constant 1.000000e+00 : f32
    %broadcast_in_dim3A_408 = vector.broadcast %jit3A_407 : f32 to vector<256x1536xf32>
    %select_n3A_409 = arith.select %lt3A_403, %sub3A_406, %broadcast_in_dim3A_408 : vector<256x1536xi1>, vector<256x1536xf32>
    %div3A_410 = arith.constant 1.000000e+00 : f32
    %div3A_411 = vector.broadcast %div3A_410 : f32 to vector<256x1536xf32>
    %div3A_412 = arith.divf %div3A_411, %select_n3A_409 : vector<256x1536xf32>
    %slice3A_413 = vector.extract_strided_slice %mul3A_38 {offsets = [0, 0], sizes = [1, 1536], strides = [1, 1]} : vector<1x5120xf32> to vector<1x1536xf32>
    %sub3A_414 = vector.broadcast %mul3A_394 : vector<256x1xf32> to vector<256x1536xf32>
    %sub3A_415 = vector.broadcast %slice3A_413 : vector<1x1536xf32> to vector<256x1536xf32>
    %sub3A_416 = arith.subf %sub3A_414, %sub3A_415 : vector<256x1536xf32>
    %slice3A_417 = vector.extract_strided_slice %mul3A_43 {offsets = [0, 0], sizes = [1, 1536], strides = [1, 1]} : vector<1x5120xf32> to vector<1x1536xf32>
    %sub3A_418 = vector.broadcast %mul3A_399 : vector<256x1xf32> to vector<256x1536xf32>
    %sub3A_419 = vector.broadcast %slice3A_417 : vector<1x1536xf32> to vector<256x1536xf32>
    %sub3A_420 = arith.subf %sub3A_418, %sub3A_419 : vector<256x1536xf32>
    %mul3A_421 = arith.mulf %sub3A_416, %sub3A_416 : vector<256x1536xf32>
    %mul3A_422 = arith.mulf %sub3A_420, %sub3A_420 : vector<256x1536xf32>
    %add3A_423 = arith.addf %mul3A_421, %mul3A_422 : vector<256x1536xf32>
    %mul3A_424 = vector.broadcast %neg3A_30 : f32 to vector<256x1536xf32>
    %mul3A_425 = arith.mulf %mul3A_424, %select_n3A_409 : vector<256x1536xf32>
    %mul3A_426 = arith.mulf %add3A_423, %div3A_412 : vector<256x1536xf32>
    %sub3A_427 = arith.subf %mul3A_425, %mul3A_426 : vector<256x1536xf32>
    %exp3A_428 = math.exp %sub3A_427 : vector<256x1536xf32>
    %mul3A_429 = arith.mulf %exp3A_428, %div3A_412 : vector<256x1536xf32>
    %jit3A_430 = arith.constant 0.000000e+00 : f32
    %broadcast_in_dim3A_431 = vector.broadcast %jit3A_430 : f32 to vector<256x1536xf32>
    %select_n3A_432 = arith.select %lt3A_403, %mul3A_429, %broadcast_in_dim3A_431 : vector<256x1536xi1>, vector<256x1536xf32>
    %reduce_sum3A_433 = arith.constant dense<0.000000e+00> : vector<256xf32>
    %reduce_sum3A_434 = vector.multi_reduction <add>, %select_n3A_432, %reduce_sum3A_433 [1] : vector<256x1536xf32> to vector<256xf32>
    %broadcast_in_dim3A_435 = vector.shape_cast %reduce_sum3A_434 : vector<256xf32> to vector<256x1xf32>
    %mul3A_436 = vector.broadcast %div3A : f32 to vector<256x1xf32>
    %mul3A_437 = arith.mulf %mul3A_436, %broadcast_in_dim3A_435 : vector<256x1xf32>
    %ge3A_438 = arith.constant 2.000000e+00 : f32
    %ge3A_439 = vector.broadcast %ge3A_438 : f32 to vector<256x1xf32>
    %ge3A_440 = arith.cmpf oge, %get3A_389, %ge3A_439 : vector<256x1xf32>
    %le3A_441 = arith.constant 5.000000e+01 : f32
    %le3A_442 = vector.broadcast %le3A_441 : f32 to vector<256x1xf32>
    %le3A_443 = arith.cmpf ole, %get3A_389, %le3A_442 : vector<256x1xf32>
    %and3A_444 = arith.andi %ge3A_440, %le3A_443 : vector<256x1xi1>
    %jit3A_445 = arith.constant 1.000000e+00 : f32
    %broadcast_in_dim3A_446 = vector.broadcast %jit3A_445 : f32 to vector<256x1xf32>
    %select_n3A_447 = arith.select %and3A_444, %mul3A_437, %broadcast_in_dim3A_446 : vector<256x1xi1>, vector<256x1xf32>
    %log3A_448 = math.log %select_n3A_447 : vector<256x1xf32>
    %jit3A_449 = arith.constant 0.000000e+00 : f32
    %broadcast_in_dim3A_450 = vector.broadcast %jit3A_449 : f32 to vector<256x1xf32>
    %select_n3A_451 = arith.select %and3A_444, %log3A_448, %broadcast_in_dim3A_450 : vector<256x1xi1>, vector<256x1xf32>
    %reduce_sum3A_452 = vector.shape_cast %select_n3A_451 : vector<256x1xf32> to vector<1x256x1xf32>
    %reduce_sum3A_453 = arith.constant dense<0.000000e+00> : vector<1xf32>
    %reduce_sum3A_454 = vector.multi_reduction <add>, %reduce_sum3A_452, %reduce_sum3A_453 [1, 2] : vector<1x256x1xf32> to vector<1xf32>
    %reduce_sum3A_455 = vector.shape_cast %reduce_sum3A_454 : vector<1xf32> to vector<1x1x1xf32>
    %reduce_sum3A_456 = vector.extract %reduce_sum3A_455[0, 0, 0] : f32 from vector<1x1x1xf32>
    %add3A_457 = arith.addf %add3A_386, %reduce_sum3A_456 : f32
    %get3A_458 = arith.constant 1536 : index
    %get3A_459 = arith.constant 0 : index
    %get3A_460 = vector.load %arg0[%get3A_458, %get3A_459] : memref<5120x1xf32, #tpu.memory_space<vmem>>, vector<256x1xf32>
    %get3A_461 = arith.constant 1536 : index
    %get3A_462 = arith.constant 0 : index
    %get3A_463 = vector.load %arg2[%get3A_461, %get3A_462] : memref<5120x1xf32, #tpu.memory_space<vmem>>, vector<256x1xf32>
    %mul3A_464 = vector.broadcast %div3A_24 : f32 to vector<256x1xf32>
    %mul3A_465 = arith.mulf %get3A_463, %mul3A_464 : vector<256x1xf32>
    %get3A_466 = arith.constant 1536 : index
    %get3A_467 = arith.constant 0 : index
    %get3A_468 = vector.load %arg4[%get3A_466, %get3A_467] : memref<5120x1xf32, #tpu.memory_space<vmem>>, vector<256x1xf32>
    %mul3A_469 = vector.broadcast %div3A_29 : f32 to vector<256x1xf32>
    %mul3A_470 = arith.mulf %get3A_468, %mul3A_469 : vector<256x1xf32>
    %slice3A_471 = vector.extract_strided_slice %get3A_33 {offsets = [0, 0], sizes = [1, 1792], strides = [1, 1]} : vector<1x5120xf32> to vector<1x1792xf32>
    %lt3A_472 = vector.broadcast %slice3A_471 : vector<1x1792xf32> to vector<256x1792xf32>
    %lt3A_473 = vector.broadcast %get3A_460 : vector<256x1xf32> to vector<256x1792xf32>
    %lt3A_474 = arith.cmpf olt, %lt3A_472, %lt3A_473 : vector<256x1792xf32>
    %sub3A_475 = vector.broadcast %get3A_460 : vector<256x1xf32> to vector<256x1792xf32>
    %sub3A_476 = vector.broadcast %slice3A_471 : vector<1x1792xf32> to vector<256x1792xf32>
    %sub3A_477 = arith.subf %sub3A_475, %sub3A_476 : vector<256x1792xf32>
    %jit3A_478 = arith.constant 1.000000e+00 : f32
    %broadcast_in_dim3A_479 = vector.broadcast %jit3A_478 : f32 to vector<256x1792xf32>
    %select_n3A_480 = arith.select %lt3A_474, %sub3A_477, %broadcast_in_dim3A_479 : vector<256x1792xi1>, vector<256x1792xf32>
    %div3A_481 = arith.constant 1.000000e+00 : f32
    %div3A_482 = vector.broadcast %div3A_481 : f32 to vector<256x1792xf32>
    %div3A_483 = arith.divf %div3A_482, %select_n3A_480 : vector<256x1792xf32>
    %slice3A_484 = vector.extract_strided_slice %mul3A_38 {offsets = [0, 0], sizes = [1, 1792], strides = [1, 1]} : vector<1x5120xf32> to vector<1x1792xf32>
    %sub3A_485 = vector.broadcast %mul3A_465 : vector<256x1xf32> to vector<256x1792xf32>
    %sub3A_486 = vector.broadcast %slice3A_484 : vector<1x1792xf32> to vector<256x1792xf32>
    %sub3A_487 = arith.subf %sub3A_485, %sub3A_486 : vector<256x1792xf32>
    %slice3A_488 = vector.extract_strided_slice %mul3A_43 {offsets = [0, 0], sizes = [1, 1792], strides = [1, 1]} : vector<1x5120xf32> to vector<1x1792xf32>
    %sub3A_489 = vector.broadcast %mul3A_470 : vector<256x1xf32> to vector<256x1792xf32>
    %sub3A_490 = vector.broadcast %slice3A_488 : vector<1x1792xf32> to vector<256x1792xf32>
    %sub3A_491 = arith.subf %sub3A_489, %sub3A_490 : vector<256x1792xf32>
    %mul3A_492 = arith.mulf %sub3A_487, %sub3A_487 : vector<256x1792xf32>
    %mul3A_493 = arith.mulf %sub3A_491, %sub3A_491 : vector<256x1792xf32>
    %add3A_494 = arith.addf %mul3A_492, %mul3A_493 : vector<256x1792xf32>
    %mul3A_495 = vector.broadcast %neg3A_30 : f32 to vector<256x1792xf32>
    %mul3A_496 = arith.mulf %mul3A_495, %select_n3A_480 : vector<256x1792xf32>
    %mul3A_497 = arith.mulf %add3A_494, %div3A_483 : vector<256x1792xf32>
    %sub3A_498 = arith.subf %mul3A_496, %mul3A_497 : vector<256x1792xf32>
    %exp3A_499 = math.exp %sub3A_498 : vector<256x1792xf32>
    %mul3A_500 = arith.mulf %exp3A_499, %div3A_483 : vector<256x1792xf32>
    %jit3A_501 = arith.constant 0.000000e+00 : f32
    %broadcast_in_dim3A_502 = vector.broadcast %jit3A_501 : f32 to vector<256x1792xf32>
    %select_n3A_503 = arith.select %lt3A_474, %mul3A_500, %broadcast_in_dim3A_502 : vector<256x1792xi1>, vector<256x1792xf32>
    %reduce_sum3A_504 = arith.constant dense<0.000000e+00> : vector<256xf32>
    %reduce_sum3A_505 = vector.multi_reduction <add>, %select_n3A_503, %reduce_sum3A_504 [1] : vector<256x1792xf32> to vector<256xf32>
    %broadcast_in_dim3A_506 = vector.shape_cast %reduce_sum3A_505 : vector<256xf32> to vector<256x1xf32>
    %mul3A_507 = vector.broadcast %div3A : f32 to vector<256x1xf32>
    %mul3A_508 = arith.mulf %mul3A_507, %broadcast_in_dim3A_506 : vector<256x1xf32>
    %ge3A_509 = arith.constant 2.000000e+00 : f32
    %ge3A_510 = vector.broadcast %ge3A_509 : f32 to vector<256x1xf32>
    %ge3A_511 = arith.cmpf oge, %get3A_460, %ge3A_510 : vector<256x1xf32>
    %le3A_512 = arith.constant 5.000000e+01 : f32
    %le3A_513 = vector.broadcast %le3A_512 : f32 to vector<256x1xf32>
    %le3A_514 = arith.cmpf ole, %get3A_460, %le3A_513 : vector<256x1xf32>
    %and3A_515 = arith.andi %ge3A_511, %le3A_514 : vector<256x1xi1>
    %jit3A_516 = arith.constant 1.000000e+00 : f32
    %broadcast_in_dim3A_517 = vector.broadcast %jit3A_516 : f32 to vector<256x1xf32>
    %select_n3A_518 = arith.select %and3A_515, %mul3A_508, %broadcast_in_dim3A_517 : vector<256x1xi1>, vector<256x1xf32>
    %log3A_519 = math.log %select_n3A_518 : vector<256x1xf32>
    %jit3A_520 = arith.constant 0.000000e+00 : f32
    %broadcast_in_dim3A_521 = vector.broadcast %jit3A_520 : f32 to vector<256x1xf32>
    %select_n3A_522 = arith.select %and3A_515, %log3A_519, %broadcast_in_dim3A_521 : vector<256x1xi1>, vector<256x1xf32>
    %reduce_sum3A_523 = vector.shape_cast %select_n3A_522 : vector<256x1xf32> to vector<1x256x1xf32>
    %reduce_sum3A_524 = arith.constant dense<0.000000e+00> : vector<1xf32>
    %reduce_sum3A_525 = vector.multi_reduction <add>, %reduce_sum3A_523, %reduce_sum3A_524 [1, 2] : vector<1x256x1xf32> to vector<1xf32>
    %reduce_sum3A_526 = vector.shape_cast %reduce_sum3A_525 : vector<1xf32> to vector<1x1x1xf32>
    %reduce_sum3A_527 = vector.extract %reduce_sum3A_526[0, 0, 0] : f32 from vector<1x1x1xf32>
    %add3A_528 = arith.addf %add3A_457, %reduce_sum3A_527 : f32
    %get3A_529 = arith.constant 1792 : index
    %get3A_530 = arith.constant 0 : index
    %get3A_531 = vector.load %arg0[%get3A_529, %get3A_530] : memref<5120x1xf32, #tpu.memory_space<vmem>>, vector<256x1xf32>
    %get3A_532 = arith.constant 1792 : index
    %get3A_533 = arith.constant 0 : index
    %get3A_534 = vector.load %arg2[%get3A_532, %get3A_533] : memref<5120x1xf32, #tpu.memory_space<vmem>>, vector<256x1xf32>
    %mul3A_535 = vector.broadcast %div3A_24 : f32 to vector<256x1xf32>
    %mul3A_536 = arith.mulf %get3A_534, %mul3A_535 : vector<256x1xf32>
    %get3A_537 = arith.constant 1792 : index
    %get3A_538 = arith.constant 0 : index
    %get3A_539 = vector.load %arg4[%get3A_537, %get3A_538] : memref<5120x1xf32, #tpu.memory_space<vmem>>, vector<256x1xf32>
    %mul3A_540 = vector.broadcast %div3A_29 : f32 to vector<256x1xf32>
    %mul3A_541 = arith.mulf %get3A_539, %mul3A_540 : vector<256x1xf32>
    %slice3A_542 = vector.extract_strided_slice %get3A_33 {offsets = [0, 0], sizes = [1, 2048], strides = [1, 1]} : vector<1x5120xf32> to vector<1x2048xf32>
    %lt3A_543 = vector.broadcast %slice3A_542 : vector<1x2048xf32> to vector<256x2048xf32>
    %lt3A_544 = vector.broadcast %get3A_531 : vector<256x1xf32> to vector<256x2048xf32>
    %lt3A_545 = arith.cmpf olt, %lt3A_543, %lt3A_544 : vector<256x2048xf32>
    %sub3A_546 = vector.broadcast %get3A_531 : vector<256x1xf32> to vector<256x2048xf32>
    %sub3A_547 = vector.broadcast %slice3A_542 : vector<1x2048xf32> to vector<256x2048xf32>
    %sub3A_548 = arith.subf %sub3A_546, %sub3A_547 : vector<256x2048xf32>
    %jit3A_549 = arith.constant 1.000000e+00 : f32
    %broadcast_in_dim3A_550 = vector.broadcast %jit3A_549 : f32 to vector<256x2048xf32>
    %select_n3A_551 = arith.select %lt3A_545, %sub3A_548, %broadcast_in_dim3A_550 : vector<256x2048xi1>, vector<256x2048xf32>
    %div3A_552 = arith.constant 1.000000e+00 : f32
    %div3A_553 = vector.broadcast %div3A_552 : f32 to vector<256x2048xf32>
    %div3A_554 = arith.divf %div3A_553, %select_n3A_551 : vector<256x2048xf32>
    %slice3A_555 = vector.extract_strided_slice %mul3A_38 {offsets = [0, 0], sizes = [1, 2048], strides = [1, 1]} : vector<1x5120xf32> to vector<1x2048xf32>
    %sub3A_556 = vector.broadcast %mul3A_536 : vector<256x1xf32> to vector<256x2048xf32>
    %sub3A_557 = vector.broadcast %slice3A_555 : vector<1x2048xf32> to vector<256x2048xf32>
    %sub3A_558 = arith.subf %sub3A_556, %sub3A_557 : vector<256x2048xf32>
    %slice3A_559 = vector.extract_strided_slice %mul3A_43 {offsets = [0, 0], sizes = [1, 2048], strides = [1, 1]} : vector<1x5120xf32> to vector<1x2048xf32>
    %sub3A_560 = vector.broadcast %mul3A_541 : vector<256x1xf32> to vector<256x2048xf32>
    %sub3A_561 = vector.broadcast %slice3A_559 : vector<1x2048xf32> to vector<256x2048xf32>
    %sub3A_562 = arith.subf %sub3A_560, %sub3A_561 : vector<256x2048xf32>
    %mul3A_563 = arith.mulf %sub3A_558, %sub3A_558 : vector<256x2048xf32>
    %mul3A_564 = arith.mulf %sub3A_562, %sub3A_562 : vector<256x2048xf32>
    %add3A_565 = arith.addf %mul3A_563, %mul3A_564 : vector<256x2048xf32>
    %mul3A_566 = vector.broadcast %neg3A_30 : f32 to vector<256x2048xf32>
    %mul3A_567 = arith.mulf %mul3A_566, %select_n3A_551 : vector<256x2048xf32>
    %mul3A_568 = arith.mulf %add3A_565, %div3A_554 : vector<256x2048xf32>
    %sub3A_569 = arith.subf %mul3A_567, %mul3A_568 : vector<256x2048xf32>
    %exp3A_570 = math.exp %sub3A_569 : vector<256x2048xf32>
    %mul3A_571 = arith.mulf %exp3A_570, %div3A_554 : vector<256x2048xf32>
    %jit3A_572 = arith.constant 0.000000e+00 : f32
    %broadcast_in_dim3A_573 = vector.broadcast %jit3A_572 : f32 to vector<256x2048xf32>
    %select_n3A_574 = arith.select %lt3A_545, %mul3A_571, %broadcast_in_dim3A_573 : vector<256x2048xi1>, vector<256x2048xf32>
    %reduce_sum3A_575 = arith.constant dense<0.000000e+00> : vector<256xf32>
    %reduce_sum3A_576 = vector.multi_reduction <add>, %select_n3A_574, %reduce_sum3A_575 [1] : vector<256x2048xf32> to vector<256xf32>
    %broadcast_in_dim3A_577 = vector.shape_cast %reduce_sum3A_576 : vector<256xf32> to vector<256x1xf32>
    %mul3A_578 = vector.broadcast %div3A : f32 to vector<256x1xf32>
    %mul3A_579 = arith.mulf %mul3A_578, %broadcast_in_dim3A_577 : vector<256x1xf32>
    %ge3A_580 = arith.constant 2.000000e+00 : f32
    %ge3A_581 = vector.broadcast %ge3A_580 : f32 to vector<256x1xf32>
    %ge3A_582 = arith.cmpf oge, %get3A_531, %ge3A_581 : vector<256x1xf32>
    %le3A_583 = arith.constant 5.000000e+01 : f32
    %le3A_584 = vector.broadcast %le3A_583 : f32 to vector<256x1xf32>
    %le3A_585 = arith.cmpf ole, %get3A_531, %le3A_584 : vector<256x1xf32>
    %and3A_586 = arith.andi %ge3A_582, %le3A_585 : vector<256x1xi1>
    %jit3A_587 = arith.constant 1.000000e+00 : f32
    %broadcast_in_dim3A_588 = vector.broadcast %jit3A_587 : f32 to vector<256x1xf32>
    %select_n3A_589 = arith.select %and3A_586, %mul3A_579, %broadcast_in_dim3A_588 : vector<256x1xi1>, vector<256x1xf32>
    %log3A_590 = math.log %select_n3A_589 : vector<256x1xf32>
    %jit3A_591 = arith.constant 0.000000e+00 : f32
    %broadcast_in_dim3A_592 = vector.broadcast %jit3A_591 : f32 to vector<256x1xf32>
    %select_n3A_593 = arith.select %and3A_586, %log3A_590, %broadcast_in_dim3A_592 : vector<256x1xi1>, vector<256x1xf32>
    %reduce_sum3A_594 = vector.shape_cast %select_n3A_593 : vector<256x1xf32> to vector<1x256x1xf32>
    %reduce_sum3A_595 = arith.constant dense<0.000000e+00> : vector<1xf32>
    %reduce_sum3A_596 = vector.multi_reduction <add>, %reduce_sum3A_594, %reduce_sum3A_595 [1, 2] : vector<1x256x1xf32> to vector<1xf32>
    %reduce_sum3A_597 = vector.shape_cast %reduce_sum3A_596 : vector<1xf32> to vector<1x1x1xf32>
    %reduce_sum3A_598 = vector.extract %reduce_sum3A_597[0, 0, 0] : f32 from vector<1x1x1xf32>
    %add3A_599 = arith.addf %add3A_528, %reduce_sum3A_598 : f32
    %get3A_600 = arith.constant 2048 : index
    %get3A_601 = arith.constant 0 : index
    %get3A_602 = vector.load %arg0[%get3A_600, %get3A_601] : memref<5120x1xf32, #tpu.memory_space<vmem>>, vector<256x1xf32>
    %get3A_603 = arith.constant 2048 : index
    %get3A_604 = arith.constant 0 : index
    %get3A_605 = vector.load %arg2[%get3A_603, %get3A_604] : memref<5120x1xf32, #tpu.memory_space<vmem>>, vector<256x1xf32>
    %mul3A_606 = vector.broadcast %div3A_24 : f32 to vector<256x1xf32>
    %mul3A_607 = arith.mulf %get3A_605, %mul3A_606 : vector<256x1xf32>
    %get3A_608 = arith.constant 2048 : index
    %get3A_609 = arith.constant 0 : index
    %get3A_610 = vector.load %arg4[%get3A_608, %get3A_609] : memref<5120x1xf32, #tpu.memory_space<vmem>>, vector<256x1xf32>
    %mul3A_611 = vector.broadcast %div3A_29 : f32 to vector<256x1xf32>
    %mul3A_612 = arith.mulf %get3A_610, %mul3A_611 : vector<256x1xf32>
    %slice3A_613 = vector.extract_strided_slice %get3A_33 {offsets = [0, 0], sizes = [1, 2304], strides = [1, 1]} : vector<1x5120xf32> to vector<1x2304xf32>
    %lt3A_614 = vector.broadcast %slice3A_613 : vector<1x2304xf32> to vector<256x2304xf32>
    %lt3A_615 = vector.broadcast %get3A_602 : vector<256x1xf32> to vector<256x2304xf32>
    %lt3A_616 = arith.cmpf olt, %lt3A_614, %lt3A_615 : vector<256x2304xf32>
    %sub3A_617 = vector.broadcast %get3A_602 : vector<256x1xf32> to vector<256x2304xf32>
    %sub3A_618 = vector.broadcast %slice3A_613 : vector<1x2304xf32> to vector<256x2304xf32>
    %sub3A_619 = arith.subf %sub3A_617, %sub3A_618 : vector<256x2304xf32>
    %jit3A_620 = arith.constant 1.000000e+00 : f32
    %broadcast_in_dim3A_621 = vector.broadcast %jit3A_620 : f32 to vector<256x2304xf32>
    %select_n3A_622 = arith.select %lt3A_616, %sub3A_619, %broadcast_in_dim3A_621 : vector<256x2304xi1>, vector<256x2304xf32>
    %div3A_623 = arith.constant 1.000000e+00 : f32
    %div3A_624 = vector.broadcast %div3A_623 : f32 to vector<256x2304xf32>
    %div3A_625 = arith.divf %div3A_624, %select_n3A_622 : vector<256x2304xf32>
    %slice3A_626 = vector.extract_strided_slice %mul3A_38 {offsets = [0, 0], sizes = [1, 2304], strides = [1, 1]} : vector<1x5120xf32> to vector<1x2304xf32>
    %sub3A_627 = vector.broadcast %mul3A_607 : vector<256x1xf32> to vector<256x2304xf32>
    %sub3A_628 = vector.broadcast %slice3A_626 : vector<1x2304xf32> to vector<256x2304xf32>
    %sub3A_629 = arith.subf %sub3A_627, %sub3A_628 : vector<256x2304xf32>
    %slice3A_630 = vector.extract_strided_slice %mul3A_43 {offsets = [0, 0], sizes = [1, 2304], strides = [1, 1]} : vector<1x5120xf32> to vector<1x2304xf32>
    %sub3A_631 = vector.broadcast %mul3A_612 : vector<256x1xf32> to vector<256x2304xf32>
    %sub3A_632 = vector.broadcast %slice3A_630 : vector<1x2304xf32> to vector<256x2304xf32>
    %sub3A_633 = arith.subf %sub3A_631, %sub3A_632 : vector<256x2304xf32>
    %mul3A_634 = arith.mulf %sub3A_629, %sub3A_629 : vector<256x2304xf32>
    %mul3A_635 = arith.mulf %sub3A_633, %sub3A_633 : vector<256x2304xf32>
    %add3A_636 = arith.addf %mul3A_634, %mul3A_635 : vector<256x2304xf32>
    %mul3A_637 = vector.broadcast %neg3A_30 : f32 to vector<256x2304xf32>
    %mul3A_638 = arith.mulf %mul3A_637, %select_n3A_622 : vector<256x2304xf32>
    %mul3A_639 = arith.mulf %add3A_636, %div3A_625 : vector<256x2304xf32>
    %sub3A_640 = arith.subf %mul3A_638, %mul3A_639 : vector<256x2304xf32>
    %exp3A_641 = math.exp %sub3A_640 : vector<256x2304xf32>
    %mul3A_642 = arith.mulf %exp3A_641, %div3A_625 : vector<256x2304xf32>
    %jit3A_643 = arith.constant 0.000000e+00 : f32
    %broadcast_in_dim3A_644 = vector.broadcast %jit3A_643 : f32 to vector<256x2304xf32>
    %select_n3A_645 = arith.select %lt3A_616, %mul3A_642, %broadcast_in_dim3A_644 : vector<256x2304xi1>, vector<256x2304xf32>
    %reduce_sum3A_646 = arith.constant dense<0.000000e+00> : vector<256xf32>
    %reduce_sum3A_647 = vector.multi_reduction <add>, %select_n3A_645, %reduce_sum3A_646 [1] : vector<256x2304xf32> to vector<256xf32>
    %broadcast_in_dim3A_648 = vector.shape_cast %reduce_sum3A_647 : vector<256xf32> to vector<256x1xf32>
    %mul3A_649 = vector.broadcast %div3A : f32 to vector<256x1xf32>
    %mul3A_650 = arith.mulf %mul3A_649, %broadcast_in_dim3A_648 : vector<256x1xf32>
    %ge3A_651 = arith.constant 2.000000e+00 : f32
    %ge3A_652 = vector.broadcast %ge3A_651 : f32 to vector<256x1xf32>
    %ge3A_653 = arith.cmpf oge, %get3A_602, %ge3A_652 : vector<256x1xf32>
    %le3A_654 = arith.constant 5.000000e+01 : f32
    %le3A_655 = vector.broadcast %le3A_654 : f32 to vector<256x1xf32>
    %le3A_656 = arith.cmpf ole, %get3A_602, %le3A_655 : vector<256x1xf32>
    %and3A_657 = arith.andi %ge3A_653, %le3A_656 : vector<256x1xi1>
    %jit3A_658 = arith.constant 1.000000e+00 : f32
    %broadcast_in_dim3A_659 = vector.broadcast %jit3A_658 : f32 to vector<256x1xf32>
    %select_n3A_660 = arith.select %and3A_657, %mul3A_650, %broadcast_in_dim3A_659 : vector<256x1xi1>, vector<256x1xf32>
    %log3A_661 = math.log %select_n3A_660 : vector<256x1xf32>
    %jit3A_662 = arith.constant 0.000000e+00 : f32
    %broadcast_in_dim3A_663 = vector.broadcast %jit3A_662 : f32 to vector<256x1xf32>
    %select_n3A_664 = arith.select %and3A_657, %log3A_661, %broadcast_in_dim3A_663 : vector<256x1xi1>, vector<256x1xf32>
    %reduce_sum3A_665 = vector.shape_cast %select_n3A_664 : vector<256x1xf32> to vector<1x256x1xf32>
    %reduce_sum3A_666 = arith.constant dense<0.000000e+00> : vector<1xf32>
    %reduce_sum3A_667 = vector.multi_reduction <add>, %reduce_sum3A_665, %reduce_sum3A_666 [1, 2] : vector<1x256x1xf32> to vector<1xf32>
    %reduce_sum3A_668 = vector.shape_cast %reduce_sum3A_667 : vector<1xf32> to vector<1x1x1xf32>
    %reduce_sum3A_669 = vector.extract %reduce_sum3A_668[0, 0, 0] : f32 from vector<1x1x1xf32>
    %add3A_670 = arith.addf %add3A_599, %reduce_sum3A_669 : f32
    %get3A_671 = arith.constant 2304 : index
    %get3A_672 = arith.constant 0 : index
    %get3A_673 = vector.load %arg0[%get3A_671, %get3A_672] : memref<5120x1xf32, #tpu.memory_space<vmem>>, vector<256x1xf32>
    %get3A_674 = arith.constant 2304 : index
    %get3A_675 = arith.constant 0 : index
    %get3A_676 = vector.load %arg2[%get3A_674, %get3A_675] : memref<5120x1xf32, #tpu.memory_space<vmem>>, vector<256x1xf32>
    %mul3A_677 = vector.broadcast %div3A_24 : f32 to vector<256x1xf32>
    %mul3A_678 = arith.mulf %get3A_676, %mul3A_677 : vector<256x1xf32>
    %get3A_679 = arith.constant 2304 : index
    %get3A_680 = arith.constant 0 : index
    %get3A_681 = vector.load %arg4[%get3A_679, %get3A_680] : memref<5120x1xf32, #tpu.memory_space<vmem>>, vector<256x1xf32>
    %mul3A_682 = vector.broadcast %div3A_29 : f32 to vector<256x1xf32>
    %mul3A_683 = arith.mulf %get3A_681, %mul3A_682 : vector<256x1xf32>
    %slice3A_684 = vector.extract_strided_slice %get3A_33 {offsets = [0, 0], sizes = [1, 2560], strides = [1, 1]} : vector<1x5120xf32> to vector<1x2560xf32>
    %lt3A_685 = vector.broadcast %slice3A_684 : vector<1x2560xf32> to vector<256x2560xf32>
    %lt3A_686 = vector.broadcast %get3A_673 : vector<256x1xf32> to vector<256x2560xf32>
    %lt3A_687 = arith.cmpf olt, %lt3A_685, %lt3A_686 : vector<256x2560xf32>
    %sub3A_688 = vector.broadcast %get3A_673 : vector<256x1xf32> to vector<256x2560xf32>
    %sub3A_689 = vector.broadcast %slice3A_684 : vector<1x2560xf32> to vector<256x2560xf32>
    %sub3A_690 = arith.subf %sub3A_688, %sub3A_689 : vector<256x2560xf32>
    %jit3A_691 = arith.constant 1.000000e+00 : f32
    %broadcast_in_dim3A_692 = vector.broadcast %jit3A_691 : f32 to vector<256x2560xf32>
    %select_n3A_693 = arith.select %lt3A_687, %sub3A_690, %broadcast_in_dim3A_692 : vector<256x2560xi1>, vector<256x2560xf32>
    %div3A_694 = arith.constant 1.000000e+00 : f32
    %div3A_695 = vector.broadcast %div3A_694 : f32 to vector<256x2560xf32>
    %div3A_696 = arith.divf %div3A_695, %select_n3A_693 : vector<256x2560xf32>
    %slice3A_697 = vector.extract_strided_slice %mul3A_38 {offsets = [0, 0], sizes = [1, 2560], strides = [1, 1]} : vector<1x5120xf32> to vector<1x2560xf32>
    %sub3A_698 = vector.broadcast %mul3A_678 : vector<256x1xf32> to vector<256x2560xf32>
    %sub3A_699 = vector.broadcast %slice3A_697 : vector<1x2560xf32> to vector<256x2560xf32>
    %sub3A_700 = arith.subf %sub3A_698, %sub3A_699 : vector<256x2560xf32>
    %slice3A_701 = vector.extract_strided_slice %mul3A_43 {offsets = [0, 0], sizes = [1, 2560], strides = [1, 1]} : vector<1x5120xf32> to vector<1x2560xf32>
    %sub3A_702 = vector.broadcast %mul3A_683 : vector<256x1xf32> to vector<256x2560xf32>
    %sub3A_703 = vector.broadcast %slice3A_701 : vector<1x2560xf32> to vector<256x2560xf32>
    %sub3A_704 = arith.subf %sub3A_702, %sub3A_703 : vector<256x2560xf32>
    %mul3A_705 = arith.mulf %sub3A_700, %sub3A_700 : vector<256x2560xf32>
    %mul3A_706 = arith.mulf %sub3A_704, %sub3A_704 : vector<256x2560xf32>
    %add3A_707 = arith.addf %mul3A_705, %mul3A_706 : vector<256x2560xf32>
    %mul3A_708 = vector.broadcast %neg3A_30 : f32 to vector<256x2560xf32>
    %mul3A_709 = arith.mulf %mul3A_708, %select_n3A_693 : vector<256x2560xf32>
    %mul3A_710 = arith.mulf %add3A_707, %div3A_696 : vector<256x2560xf32>
    %sub3A_711 = arith.subf %mul3A_709, %mul3A_710 : vector<256x2560xf32>
    %exp3A_712 = math.exp %sub3A_711 : vector<256x2560xf32>
    %mul3A_713 = arith.mulf %exp3A_712, %div3A_696 : vector<256x2560xf32>
    %jit3A_714 = arith.constant 0.000000e+00 : f32
    %broadcast_in_dim3A_715 = vector.broadcast %jit3A_714 : f32 to vector<256x2560xf32>
    %select_n3A_716 = arith.select %lt3A_687, %mul3A_713, %broadcast_in_dim3A_715 : vector<256x2560xi1>, vector<256x2560xf32>
    %reduce_sum3A_717 = arith.constant dense<0.000000e+00> : vector<256xf32>
    %reduce_sum3A_718 = vector.multi_reduction <add>, %select_n3A_716, %reduce_sum3A_717 [1] : vector<256x2560xf32> to vector<256xf32>
    %broadcast_in_dim3A_719 = vector.shape_cast %reduce_sum3A_718 : vector<256xf32> to vector<256x1xf32>
    %mul3A_720 = vector.broadcast %div3A : f32 to vector<256x1xf32>
    %mul3A_721 = arith.mulf %mul3A_720, %broadcast_in_dim3A_719 : vector<256x1xf32>
    %ge3A_722 = arith.constant 2.000000e+00 : f32
    %ge3A_723 = vector.broadcast %ge3A_722 : f32 to vector<256x1xf32>
    %ge3A_724 = arith.cmpf oge, %get3A_673, %ge3A_723 : vector<256x1xf32>
    %le3A_725 = arith.constant 5.000000e+01 : f32
    %le3A_726 = vector.broadcast %le3A_725 : f32 to vector<256x1xf32>
    %le3A_727 = arith.cmpf ole, %get3A_673, %le3A_726 : vector<256x1xf32>
    %and3A_728 = arith.andi %ge3A_724, %le3A_727 : vector<256x1xi1>
    %jit3A_729 = arith.constant 1.000000e+00 : f32
    %broadcast_in_dim3A_730 = vector.broadcast %jit3A_729 : f32 to vector<256x1xf32>
    %select_n3A_731 = arith.select %and3A_728, %mul3A_721, %broadcast_in_dim3A_730 : vector<256x1xi1>, vector<256x1xf32>
    %log3A_732 = math.log %select_n3A_731 : vector<256x1xf32>
    %jit3A_733 = arith.constant 0.000000e+00 : f32
    %broadcast_in_dim3A_734 = vector.broadcast %jit3A_733 : f32 to vector<256x1xf32>
    %select_n3A_735 = arith.select %and3A_728, %log3A_732, %broadcast_in_dim3A_734 : vector<256x1xi1>, vector<256x1xf32>
    %reduce_sum3A_736 = vector.shape_cast %select_n3A_735 : vector<256x1xf32> to vector<1x256x1xf32>
    %reduce_sum3A_737 = arith.constant dense<0.000000e+00> : vector<1xf32>
    %reduce_sum3A_738 = vector.multi_reduction <add>, %reduce_sum3A_736, %reduce_sum3A_737 [1, 2] : vector<1x256x1xf32> to vector<1xf32>
    %reduce_sum3A_739 = vector.shape_cast %reduce_sum3A_738 : vector<1xf32> to vector<1x1x1xf32>
    %reduce_sum3A_740 = vector.extract %reduce_sum3A_739[0, 0, 0] : f32 from vector<1x1x1xf32>
    %add3A_741 = arith.addf %add3A_670, %reduce_sum3A_740 : f32
    %get3A_742 = arith.constant 2560 : index
    %get3A_743 = arith.constant 0 : index
    %get3A_744 = vector.load %arg0[%get3A_742, %get3A_743] : memref<5120x1xf32, #tpu.memory_space<vmem>>, vector<256x1xf32>
    %get3A_745 = arith.constant 2560 : index
    %get3A_746 = arith.constant 0 : index
    %get3A_747 = vector.load %arg2[%get3A_745, %get3A_746] : memref<5120x1xf32, #tpu.memory_space<vmem>>, vector<256x1xf32>
    %mul3A_748 = vector.broadcast %div3A_24 : f32 to vector<256x1xf32>
    %mul3A_749 = arith.mulf %get3A_747, %mul3A_748 : vector<256x1xf32>
    %get3A_750 = arith.constant 2560 : index
    %get3A_751 = arith.constant 0 : index
    %get3A_752 = vector.load %arg4[%get3A_750, %get3A_751] : memref<5120x1xf32, #tpu.memory_space<vmem>>, vector<256x1xf32>
    %mul3A_753 = vector.broadcast %div3A_29 : f32 to vector<256x1xf32>
    %mul3A_754 = arith.mulf %get3A_752, %mul3A_753 : vector<256x1xf32>
    %slice3A_755 = vector.extract_strided_slice %get3A_33 {offsets = [0, 0], sizes = [1, 2816], strides = [1, 1]} : vector<1x5120xf32> to vector<1x2816xf32>
    %lt3A_756 = vector.broadcast %slice3A_755 : vector<1x2816xf32> to vector<256x2816xf32>
    %lt3A_757 = vector.broadcast %get3A_744 : vector<256x1xf32> to vector<256x2816xf32>
    %lt3A_758 = arith.cmpf olt, %lt3A_756, %lt3A_757 : vector<256x2816xf32>
    %sub3A_759 = vector.broadcast %get3A_744 : vector<256x1xf32> to vector<256x2816xf32>
    %sub3A_760 = vector.broadcast %slice3A_755 : vector<1x2816xf32> to vector<256x2816xf32>
    %sub3A_761 = arith.subf %sub3A_759, %sub3A_760 : vector<256x2816xf32>
    %jit3A_762 = arith.constant 1.000000e+00 : f32
    %broadcast_in_dim3A_763 = vector.broadcast %jit3A_762 : f32 to vector<256x2816xf32>
    %select_n3A_764 = arith.select %lt3A_758, %sub3A_761, %broadcast_in_dim3A_763 : vector<256x2816xi1>, vector<256x2816xf32>
    %div3A_765 = arith.constant 1.000000e+00 : f32
    %div3A_766 = vector.broadcast %div3A_765 : f32 to vector<256x2816xf32>
    %div3A_767 = arith.divf %div3A_766, %select_n3A_764 : vector<256x2816xf32>
    %slice3A_768 = vector.extract_strided_slice %mul3A_38 {offsets = [0, 0], sizes = [1, 2816], strides = [1, 1]} : vector<1x5120xf32> to vector<1x2816xf32>
    %sub3A_769 = vector.broadcast %mul3A_749 : vector<256x1xf32> to vector<256x2816xf32>
    %sub3A_770 = vector.broadcast %slice3A_768 : vector<1x2816xf32> to vector<256x2816xf32>
    %sub3A_771 = arith.subf %sub3A_769, %sub3A_770 : vector<256x2816xf32>
    %slice3A_772 = vector.extract_strided_slice %mul3A_43 {offsets = [0, 0], sizes = [1, 2816], strides = [1, 1]} : vector<1x5120xf32> to vector<1x2816xf32>
    %sub3A_773 = vector.broadcast %mul3A_754 : vector<256x1xf32> to vector<256x2816xf32>
    %sub3A_774 = vector.broadcast %slice3A_772 : vector<1x2816xf32> to vector<256x2816xf32>
    %sub3A_775 = arith.subf %sub3A_773, %sub3A_774 : vector<256x2816xf32>
    %mul3A_776 = arith.mulf %sub3A_771, %sub3A_771 : vector<256x2816xf32>
    %mul3A_777 = arith.mulf %sub3A_775, %sub3A_775 : vector<256x2816xf32>
    %add3A_778 = arith.addf %mul3A_776, %mul3A_777 : vector<256x2816xf32>
    %mul3A_779 = vector.broadcast %neg3A_30 : f32 to vector<256x2816xf32>
    %mul3A_780 = arith.mulf %mul3A_779, %select_n3A_764 : vector<256x2816xf32>
    %mul3A_781 = arith.mulf %add3A_778, %div3A_767 : vector<256x2816xf32>
    %sub3A_782 = arith.subf %mul3A_780, %mul3A_781 : vector<256x2816xf32>
    %exp3A_783 = math.exp %sub3A_782 : vector<256x2816xf32>
    %mul3A_784 = arith.mulf %exp3A_783, %div3A_767 : vector<256x2816xf32>
    %jit3A_785 = arith.constant 0.000000e+00 : f32
    %broadcast_in_dim3A_786 = vector.broadcast %jit3A_785 : f32 to vector<256x2816xf32>
    %select_n3A_787 = arith.select %lt3A_758, %mul3A_784, %broadcast_in_dim3A_786 : vector<256x2816xi1>, vector<256x2816xf32>
    %reduce_sum3A_788 = arith.constant dense<0.000000e+00> : vector<256xf32>
    %reduce_sum3A_789 = vector.multi_reduction <add>, %select_n3A_787, %reduce_sum3A_788 [1] : vector<256x2816xf32> to vector<256xf32>
    %broadcast_in_dim3A_790 = vector.shape_cast %reduce_sum3A_789 : vector<256xf32> to vector<256x1xf32>
    %mul3A_791 = vector.broadcast %div3A : f32 to vector<256x1xf32>
    %mul3A_792 = arith.mulf %mul3A_791, %broadcast_in_dim3A_790 : vector<256x1xf32>
    %ge3A_793 = arith.constant 2.000000e+00 : f32
    %ge3A_794 = vector.broadcast %ge3A_793 : f32 to vector<256x1xf32>
    %ge3A_795 = arith.cmpf oge, %get3A_744, %ge3A_794 : vector<256x1xf32>
    %le3A_796 = arith.constant 5.000000e+01 : f32
    %le3A_797 = vector.broadcast %le3A_796 : f32 to vector<256x1xf32>
    %le3A_798 = arith.cmpf ole, %get3A_744, %le3A_797 : vector<256x1xf32>
    %and3A_799 = arith.andi %ge3A_795, %le3A_798 : vector<256x1xi1>
    %jit3A_800 = arith.constant 1.000000e+00 : f32
    %broadcast_in_dim3A_801 = vector.broadcast %jit3A_800 : f32 to vector<256x1xf32>
    %select_n3A_802 = arith.select %and3A_799, %mul3A_792, %broadcast_in_dim3A_801 : vector<256x1xi1>, vector<256x1xf32>
    %log3A_803 = math.log %select_n3A_802 : vector<256x1xf32>
    %jit3A_804 = arith.constant 0.000000e+00 : f32
    %broadcast_in_dim3A_805 = vector.broadcast %jit3A_804 : f32 to vector<256x1xf32>
    %select_n3A_806 = arith.select %and3A_799, %log3A_803, %broadcast_in_dim3A_805 : vector<256x1xi1>, vector<256x1xf32>
    %reduce_sum3A_807 = vector.shape_cast %select_n3A_806 : vector<256x1xf32> to vector<1x256x1xf32>
    %reduce_sum3A_808 = arith.constant dense<0.000000e+00> : vector<1xf32>
    %reduce_sum3A_809 = vector.multi_reduction <add>, %reduce_sum3A_807, %reduce_sum3A_808 [1, 2] : vector<1x256x1xf32> to vector<1xf32>
    %reduce_sum3A_810 = vector.shape_cast %reduce_sum3A_809 : vector<1xf32> to vector<1x1x1xf32>
    %reduce_sum3A_811 = vector.extract %reduce_sum3A_810[0, 0, 0] : f32 from vector<1x1x1xf32>
    %add3A_812 = arith.addf %add3A_741, %reduce_sum3A_811 : f32
    %get3A_813 = arith.constant 2816 : index
    %get3A_814 = arith.constant 0 : index
    %get3A_815 = vector.load %arg0[%get3A_813, %get3A_814] : memref<5120x1xf32, #tpu.memory_space<vmem>>, vector<256x1xf32>
    %get3A_816 = arith.constant 2816 : index
    %get3A_817 = arith.constant 0 : index
    %get3A_818 = vector.load %arg2[%get3A_816, %get3A_817] : memref<5120x1xf32, #tpu.memory_space<vmem>>, vector<256x1xf32>
    %mul3A_819 = vector.broadcast %div3A_24 : f32 to vector<256x1xf32>
    %mul3A_820 = arith.mulf %get3A_818, %mul3A_819 : vector<256x1xf32>
    %get3A_821 = arith.constant 2816 : index
    %get3A_822 = arith.constant 0 : index
    %get3A_823 = vector.load %arg4[%get3A_821, %get3A_822] : memref<5120x1xf32, #tpu.memory_space<vmem>>, vector<256x1xf32>
    %mul3A_824 = vector.broadcast %div3A_29 : f32 to vector<256x1xf32>
    %mul3A_825 = arith.mulf %get3A_823, %mul3A_824 : vector<256x1xf32>
    %slice3A_826 = vector.extract_strided_slice %get3A_33 {offsets = [0, 0], sizes = [1, 3072], strides = [1, 1]} : vector<1x5120xf32> to vector<1x3072xf32>
    %lt3A_827 = vector.broadcast %slice3A_826 : vector<1x3072xf32> to vector<256x3072xf32>
    %lt3A_828 = vector.broadcast %get3A_815 : vector<256x1xf32> to vector<256x3072xf32>
    %lt3A_829 = arith.cmpf olt, %lt3A_827, %lt3A_828 : vector<256x3072xf32>
    %sub3A_830 = vector.broadcast %get3A_815 : vector<256x1xf32> to vector<256x3072xf32>
    %sub3A_831 = vector.broadcast %slice3A_826 : vector<1x3072xf32> to vector<256x3072xf32>
    %sub3A_832 = arith.subf %sub3A_830, %sub3A_831 : vector<256x3072xf32>
    %jit3A_833 = arith.constant 1.000000e+00 : f32
    %broadcast_in_dim3A_834 = vector.broadcast %jit3A_833 : f32 to vector<256x3072xf32>
    %select_n3A_835 = arith.select %lt3A_829, %sub3A_832, %broadcast_in_dim3A_834 : vector<256x3072xi1>, vector<256x3072xf32>
    %div3A_836 = arith.constant 1.000000e+00 : f32
    %div3A_837 = vector.broadcast %div3A_836 : f32 to vector<256x3072xf32>
    %div3A_838 = arith.divf %div3A_837, %select_n3A_835 : vector<256x3072xf32>
    %slice3A_839 = vector.extract_strided_slice %mul3A_38 {offsets = [0, 0], sizes = [1, 3072], strides = [1, 1]} : vector<1x5120xf32> to vector<1x3072xf32>
    %sub3A_840 = vector.broadcast %mul3A_820 : vector<256x1xf32> to vector<256x3072xf32>
    %sub3A_841 = vector.broadcast %slice3A_839 : vector<1x3072xf32> to vector<256x3072xf32>
    %sub3A_842 = arith.subf %sub3A_840, %sub3A_841 : vector<256x3072xf32>
    %slice3A_843 = vector.extract_strided_slice %mul3A_43 {offsets = [0, 0], sizes = [1, 3072], strides = [1, 1]} : vector<1x5120xf32> to vector<1x3072xf32>
    %sub3A_844 = vector.broadcast %mul3A_825 : vector<256x1xf32> to vector<256x3072xf32>
    %sub3A_845 = vector.broadcast %slice3A_843 : vector<1x3072xf32> to vector<256x3072xf32>
    %sub3A_846 = arith.subf %sub3A_844, %sub3A_845 : vector<256x3072xf32>
    %mul3A_847 = arith.mulf %sub3A_842, %sub3A_842 : vector<256x3072xf32>
    %mul3A_848 = arith.mulf %sub3A_846, %sub3A_846 : vector<256x3072xf32>
    %add3A_849 = arith.addf %mul3A_847, %mul3A_848 : vector<256x3072xf32>
    %mul3A_850 = vector.broadcast %neg3A_30 : f32 to vector<256x3072xf32>
    %mul3A_851 = arith.mulf %mul3A_850, %select_n3A_835 : vector<256x3072xf32>
    %mul3A_852 = arith.mulf %add3A_849, %div3A_838 : vector<256x3072xf32>
    %sub3A_853 = arith.subf %mul3A_851, %mul3A_852 : vector<256x3072xf32>
    %exp3A_854 = math.exp %sub3A_853 : vector<256x3072xf32>
    %mul3A_855 = arith.mulf %exp3A_854, %div3A_838 : vector<256x3072xf32>
    %jit3A_856 = arith.constant 0.000000e+00 : f32
    %broadcast_in_dim3A_857 = vector.broadcast %jit3A_856 : f32 to vector<256x3072xf32>
    %select_n3A_858 = arith.select %lt3A_829, %mul3A_855, %broadcast_in_dim3A_857 : vector<256x3072xi1>, vector<256x3072xf32>
    %reduce_sum3A_859 = arith.constant dense<0.000000e+00> : vector<256xf32>
    %reduce_sum3A_860 = vector.multi_reduction <add>, %select_n3A_858, %reduce_sum3A_859 [1] : vector<256x3072xf32> to vector<256xf32>
    %broadcast_in_dim3A_861 = vector.shape_cast %reduce_sum3A_860 : vector<256xf32> to vector<256x1xf32>
    %mul3A_862 = vector.broadcast %div3A : f32 to vector<256x1xf32>
    %mul3A_863 = arith.mulf %mul3A_862, %broadcast_in_dim3A_861 : vector<256x1xf32>
    %ge3A_864 = arith.constant 2.000000e+00 : f32
    %ge3A_865 = vector.broadcast %ge3A_864 : f32 to vector<256x1xf32>
    %ge3A_866 = arith.cmpf oge, %get3A_815, %ge3A_865 : vector<256x1xf32>
    %le3A_867 = arith.constant 5.000000e+01 : f32
    %le3A_868 = vector.broadcast %le3A_867 : f32 to vector<256x1xf32>
    %le3A_869 = arith.cmpf ole, %get3A_815, %le3A_868 : vector<256x1xf32>
    %and3A_870 = arith.andi %ge3A_866, %le3A_869 : vector<256x1xi1>
    %jit3A_871 = arith.constant 1.000000e+00 : f32
    %broadcast_in_dim3A_872 = vector.broadcast %jit3A_871 : f32 to vector<256x1xf32>
    %select_n3A_873 = arith.select %and3A_870, %mul3A_863, %broadcast_in_dim3A_872 : vector<256x1xi1>, vector<256x1xf32>
    %log3A_874 = math.log %select_n3A_873 : vector<256x1xf32>
    %jit3A_875 = arith.constant 0.000000e+00 : f32
    %broadcast_in_dim3A_876 = vector.broadcast %jit3A_875 : f32 to vector<256x1xf32>
    %select_n3A_877 = arith.select %and3A_870, %log3A_874, %broadcast_in_dim3A_876 : vector<256x1xi1>, vector<256x1xf32>
    %reduce_sum3A_878 = vector.shape_cast %select_n3A_877 : vector<256x1xf32> to vector<1x256x1xf32>
    %reduce_sum3A_879 = arith.constant dense<0.000000e+00> : vector<1xf32>
    %reduce_sum3A_880 = vector.multi_reduction <add>, %reduce_sum3A_878, %reduce_sum3A_879 [1, 2] : vector<1x256x1xf32> to vector<1xf32>
    %reduce_sum3A_881 = vector.shape_cast %reduce_sum3A_880 : vector<1xf32> to vector<1x1x1xf32>
    %reduce_sum3A_882 = vector.extract %reduce_sum3A_881[0, 0, 0] : f32 from vector<1x1x1xf32>
    %add3A_883 = arith.addf %add3A_812, %reduce_sum3A_882 : f32
    %get3A_884 = arith.constant 3072 : index
    %get3A_885 = arith.constant 0 : index
    %get3A_886 = vector.load %arg0[%get3A_884, %get3A_885] : memref<5120x1xf32, #tpu.memory_space<vmem>>, vector<256x1xf32>
    %get3A_887 = arith.constant 3072 : index
    %get3A_888 = arith.constant 0 : index
    %get3A_889 = vector.load %arg2[%get3A_887, %get3A_888] : memref<5120x1xf32, #tpu.memory_space<vmem>>, vector<256x1xf32>
    %mul3A_890 = vector.broadcast %div3A_24 : f32 to vector<256x1xf32>
    %mul3A_891 = arith.mulf %get3A_889, %mul3A_890 : vector<256x1xf32>
    %get3A_892 = arith.constant 3072 : index
    %get3A_893 = arith.constant 0 : index
    %get3A_894 = vector.load %arg4[%get3A_892, %get3A_893] : memref<5120x1xf32, #tpu.memory_space<vmem>>, vector<256x1xf32>
    %mul3A_895 = vector.broadcast %div3A_29 : f32 to vector<256x1xf32>
    %mul3A_896 = arith.mulf %get3A_894, %mul3A_895 : vector<256x1xf32>
    %slice3A_897 = vector.extract_strided_slice %get3A_33 {offsets = [0, 0], sizes = [1, 3328], strides = [1, 1]} : vector<1x5120xf32> to vector<1x3328xf32>
    %lt3A_898 = vector.broadcast %slice3A_897 : vector<1x3328xf32> to vector<256x3328xf32>
    %lt3A_899 = vector.broadcast %get3A_886 : vector<256x1xf32> to vector<256x3328xf32>
    %lt3A_900 = arith.cmpf olt, %lt3A_898, %lt3A_899 : vector<256x3328xf32>
    %sub3A_901 = vector.broadcast %get3A_886 : vector<256x1xf32> to vector<256x3328xf32>
    %sub3A_902 = vector.broadcast %slice3A_897 : vector<1x3328xf32> to vector<256x3328xf32>
    %sub3A_903 = arith.subf %sub3A_901, %sub3A_902 : vector<256x3328xf32>
    %jit3A_904 = arith.constant 1.000000e+00 : f32
    %broadcast_in_dim3A_905 = vector.broadcast %jit3A_904 : f32 to vector<256x3328xf32>
    %select_n3A_906 = arith.select %lt3A_900, %sub3A_903, %broadcast_in_dim3A_905 : vector<256x3328xi1>, vector<256x3328xf32>
    %div3A_907 = arith.constant 1.000000e+00 : f32
    %div3A_908 = vector.broadcast %div3A_907 : f32 to vector<256x3328xf32>
    %div3A_909 = arith.divf %div3A_908, %select_n3A_906 : vector<256x3328xf32>
    %slice3A_910 = vector.extract_strided_slice %mul3A_38 {offsets = [0, 0], sizes = [1, 3328], strides = [1, 1]} : vector<1x5120xf32> to vector<1x3328xf32>
    %sub3A_911 = vector.broadcast %mul3A_891 : vector<256x1xf32> to vector<256x3328xf32>
    %sub3A_912 = vector.broadcast %slice3A_910 : vector<1x3328xf32> to vector<256x3328xf32>
    %sub3A_913 = arith.subf %sub3A_911, %sub3A_912 : vector<256x3328xf32>
    %slice3A_914 = vector.extract_strided_slice %mul3A_43 {offsets = [0, 0], sizes = [1, 3328], strides = [1, 1]} : vector<1x5120xf32> to vector<1x3328xf32>
    %sub3A_915 = vector.broadcast %mul3A_896 : vector<256x1xf32> to vector<256x3328xf32>
    %sub3A_916 = vector.broadcast %slice3A_914 : vector<1x3328xf32> to vector<256x3328xf32>
    %sub3A_917 = arith.subf %sub3A_915, %sub3A_916 : vector<256x3328xf32>
    %mul3A_918 = arith.mulf %sub3A_913, %sub3A_913 : vector<256x3328xf32>
    %mul3A_919 = arith.mulf %sub3A_917, %sub3A_917 : vector<256x3328xf32>
    %add3A_920 = arith.addf %mul3A_918, %mul3A_919 : vector<256x3328xf32>
    %mul3A_921 = vector.broadcast %neg3A_30 : f32 to vector<256x3328xf32>
    %mul3A_922 = arith.mulf %mul3A_921, %select_n3A_906 : vector<256x3328xf32>
    %mul3A_923 = arith.mulf %add3A_920, %div3A_909 : vector<256x3328xf32>
    %sub3A_924 = arith.subf %mul3A_922, %mul3A_923 : vector<256x3328xf32>
    %exp3A_925 = math.exp %sub3A_924 : vector<256x3328xf32>
    %mul3A_926 = arith.mulf %exp3A_925, %div3A_909 : vector<256x3328xf32>
    %jit3A_927 = arith.constant 0.000000e+00 : f32
    %broadcast_in_dim3A_928 = vector.broadcast %jit3A_927 : f32 to vector<256x3328xf32>
    %select_n3A_929 = arith.select %lt3A_900, %mul3A_926, %broadcast_in_dim3A_928 : vector<256x3328xi1>, vector<256x3328xf32>
    %reduce_sum3A_930 = arith.constant dense<0.000000e+00> : vector<256xf32>
    %reduce_sum3A_931 = vector.multi_reduction <add>, %select_n3A_929, %reduce_sum3A_930 [1] : vector<256x3328xf32> to vector<256xf32>
    %broadcast_in_dim3A_932 = vector.shape_cast %reduce_sum3A_931 : vector<256xf32> to vector<256x1xf32>
    %mul3A_933 = vector.broadcast %div3A : f32 to vector<256x1xf32>
    %mul3A_934 = arith.mulf %mul3A_933, %broadcast_in_dim3A_932 : vector<256x1xf32>
    %ge3A_935 = arith.constant 2.000000e+00 : f32
    %ge3A_936 = vector.broadcast %ge3A_935 : f32 to vector<256x1xf32>
    %ge3A_937 = arith.cmpf oge, %get3A_886, %ge3A_936 : vector<256x1xf32>
    %le3A_938 = arith.constant 5.000000e+01 : f32
    %le3A_939 = vector.broadcast %le3A_938 : f32 to vector<256x1xf32>
    %le3A_940 = arith.cmpf ole, %get3A_886, %le3A_939 : vector<256x1xf32>
    %and3A_941 = arith.andi %ge3A_937, %le3A_940 : vector<256x1xi1>
    %jit3A_942 = arith.constant 1.000000e+00 : f32
    %broadcast_in_dim3A_943 = vector.broadcast %jit3A_942 : f32 to vector<256x1xf32>
    %select_n3A_944 = arith.select %and3A_941, %mul3A_934, %broadcast_in_dim3A_943 : vector<256x1xi1>, vector<256x1xf32>
    %log3A_945 = math.log %select_n3A_944 : vector<256x1xf32>
    %jit3A_946 = arith.constant 0.000000e+00 : f32
    %broadcast_in_dim3A_947 = vector.broadcast %jit3A_946 : f32 to vector<256x1xf32>
    %select_n3A_948 = arith.select %and3A_941, %log3A_945, %broadcast_in_dim3A_947 : vector<256x1xi1>, vector<256x1xf32>
    %reduce_sum3A_949 = vector.shape_cast %select_n3A_948 : vector<256x1xf32> to vector<1x256x1xf32>
    %reduce_sum3A_950 = arith.constant dense<0.000000e+00> : vector<1xf32>
    %reduce_sum3A_951 = vector.multi_reduction <add>, %reduce_sum3A_949, %reduce_sum3A_950 [1, 2] : vector<1x256x1xf32> to vector<1xf32>
    %reduce_sum3A_952 = vector.shape_cast %reduce_sum3A_951 : vector<1xf32> to vector<1x1x1xf32>
    %reduce_sum3A_953 = vector.extract %reduce_sum3A_952[0, 0, 0] : f32 from vector<1x1x1xf32>
    %add3A_954 = arith.addf %add3A_883, %reduce_sum3A_953 : f32
    %get3A_955 = arith.constant 3328 : index
    %get3A_956 = arith.constant 0 : index
    %get3A_957 = vector.load %arg0[%get3A_955, %get3A_956] : memref<5120x1xf32, #tpu.memory_space<vmem>>, vector<256x1xf32>
    %get3A_958 = arith.constant 3328 : index
    %get3A_959 = arith.constant 0 : index
    %get3A_960 = vector.load %arg2[%get3A_958, %get3A_959] : memref<5120x1xf32, #tpu.memory_space<vmem>>, vector<256x1xf32>
    %mul3A_961 = vector.broadcast %div3A_24 : f32 to vector<256x1xf32>
    %mul3A_962 = arith.mulf %get3A_960, %mul3A_961 : vector<256x1xf32>
    %get3A_963 = arith.constant 3328 : index
    %get3A_964 = arith.constant 0 : index
    %get3A_965 = vector.load %arg4[%get3A_963, %get3A_964] : memref<5120x1xf32, #tpu.memory_space<vmem>>, vector<256x1xf32>
    %mul3A_966 = vector.broadcast %div3A_29 : f32 to vector<256x1xf32>
    %mul3A_967 = arith.mulf %get3A_965, %mul3A_966 : vector<256x1xf32>
    %slice3A_968 = vector.extract_strided_slice %get3A_33 {offsets = [0, 0], sizes = [1, 3584], strides = [1, 1]} : vector<1x5120xf32> to vector<1x3584xf32>
    %lt3A_969 = vector.broadcast %slice3A_968 : vector<1x3584xf32> to vector<256x3584xf32>
    %lt3A_970 = vector.broadcast %get3A_957 : vector<256x1xf32> to vector<256x3584xf32>
    %lt3A_971 = arith.cmpf olt, %lt3A_969, %lt3A_970 : vector<256x3584xf32>
    %sub3A_972 = vector.broadcast %get3A_957 : vector<256x1xf32> to vector<256x3584xf32>
    %sub3A_973 = vector.broadcast %slice3A_968 : vector<1x3584xf32> to vector<256x3584xf32>
    %sub3A_974 = arith.subf %sub3A_972, %sub3A_973 : vector<256x3584xf32>
    %jit3A_975 = arith.constant 1.000000e+00 : f32
    %broadcast_in_dim3A_976 = vector.broadcast %jit3A_975 : f32 to vector<256x3584xf32>
    %select_n3A_977 = arith.select %lt3A_971, %sub3A_974, %broadcast_in_dim3A_976 : vector<256x3584xi1>, vector<256x3584xf32>
    %div3A_978 = arith.constant 1.000000e+00 : f32
    %div3A_979 = vector.broadcast %div3A_978 : f32 to vector<256x3584xf32>
    %div3A_980 = arith.divf %div3A_979, %select_n3A_977 : vector<256x3584xf32>
    %slice3A_981 = vector.extract_strided_slice %mul3A_38 {offsets = [0, 0], sizes = [1, 3584], strides = [1, 1]} : vector<1x5120xf32> to vector<1x3584xf32>
    %sub3A_982 = vector.broadcast %mul3A_962 : vector<256x1xf32> to vector<256x3584xf32>
    %sub3A_983 = vector.broadcast %slice3A_981 : vector<1x3584xf32> to vector<256x3584xf32>
    %sub3A_984 = arith.subf %sub3A_982, %sub3A_983 : vector<256x3584xf32>
    %slice3A_985 = vector.extract_strided_slice %mul3A_43 {offsets = [0, 0], sizes = [1, 3584], strides = [1, 1]} : vector<1x5120xf32> to vector<1x3584xf32>
    %sub3A_986 = vector.broadcast %mul3A_967 : vector<256x1xf32> to vector<256x3584xf32>
    %sub3A_987 = vector.broadcast %slice3A_985 : vector<1x3584xf32> to vector<256x3584xf32>
    %sub3A_988 = arith.subf %sub3A_986, %sub3A_987 : vector<256x3584xf32>
    %mul3A_989 = arith.mulf %sub3A_984, %sub3A_984 : vector<256x3584xf32>
    %mul3A_990 = arith.mulf %sub3A_988, %sub3A_988 : vector<256x3584xf32>
    %add3A_991 = arith.addf %mul3A_989, %mul3A_990 : vector<256x3584xf32>
    %mul3A_992 = vector.broadcast %neg3A_30 : f32 to vector<256x3584xf32>
    %mul3A_993 = arith.mulf %mul3A_992, %select_n3A_977 : vector<256x3584xf32>
    %mul3A_994 = arith.mulf %add3A_991, %div3A_980 : vector<256x3584xf32>
    %sub3A_995 = arith.subf %mul3A_993, %mul3A_994 : vector<256x3584xf32>
    %exp3A_996 = math.exp %sub3A_995 : vector<256x3584xf32>
    %mul3A_997 = arith.mulf %exp3A_996, %div3A_980 : vector<256x3584xf32>
    %jit3A_998 = arith.constant 0.000000e+00 : f32
    %broadcast_in_dim3A_999 = vector.broadcast %jit3A_998 : f32 to vector<256x3584xf32>
    %select_n3A_1000 = arith.select %lt3A_971, %mul3A_997, %broadcast_in_dim3A_999 : vector<256x3584xi1>, vector<256x3584xf32>
    %reduce_sum3A_1001 = arith.constant dense<0.000000e+00> : vector<256xf32>
    %reduce_sum3A_1002 = vector.multi_reduction <add>, %select_n3A_1000, %reduce_sum3A_1001 [1] : vector<256x3584xf32> to vector<256xf32>
    %broadcast_in_dim3A_1003 = vector.shape_cast %reduce_sum3A_1002 : vector<256xf32> to vector<256x1xf32>
    %mul3A_1004 = vector.broadcast %div3A : f32 to vector<256x1xf32>
    %mul3A_1005 = arith.mulf %mul3A_1004, %broadcast_in_dim3A_1003 : vector<256x1xf32>
    %ge3A_1006 = arith.constant 2.000000e+00 : f32
    %ge3A_1007 = vector.broadcast %ge3A_1006 : f32 to vector<256x1xf32>
    %ge3A_1008 = arith.cmpf oge, %get3A_957, %ge3A_1007 : vector<256x1xf32>
    %le3A_1009 = arith.constant 5.000000e+01 : f32
    %le3A_1010 = vector.broadcast %le3A_1009 : f32 to vector<256x1xf32>
    %le3A_1011 = arith.cmpf ole, %get3A_957, %le3A_1010 : vector<256x1xf32>
    %and3A_1012 = arith.andi %ge3A_1008, %le3A_1011 : vector<256x1xi1>
    %jit3A_1013 = arith.constant 1.000000e+00 : f32
    %broadcast_in_dim3A_1014 = vector.broadcast %jit3A_1013 : f32 to vector<256x1xf32>
    %select_n3A_1015 = arith.select %and3A_1012, %mul3A_1005, %broadcast_in_dim3A_1014 : vector<256x1xi1>, vector<256x1xf32>
    %log3A_1016 = math.log %select_n3A_1015 : vector<256x1xf32>
    %jit3A_1017 = arith.constant 0.000000e+00 : f32
    %broadcast_in_dim3A_1018 = vector.broadcast %jit3A_1017 : f32 to vector<256x1xf32>
    %select_n3A_1019 = arith.select %and3A_1012, %log3A_1016, %broadcast_in_dim3A_1018 : vector<256x1xi1>, vector<256x1xf32>
    %reduce_sum3A_1020 = vector.shape_cast %select_n3A_1019 : vector<256x1xf32> to vector<1x256x1xf32>
    %reduce_sum3A_1021 = arith.constant dense<0.000000e+00> : vector<1xf32>
    %reduce_sum3A_1022 = vector.multi_reduction <add>, %reduce_sum3A_1020, %reduce_sum3A_1021 [1, 2] : vector<1x256x1xf32> to vector<1xf32>
    %reduce_sum3A_1023 = vector.shape_cast %reduce_sum3A_1022 : vector<1xf32> to vector<1x1x1xf32>
    %reduce_sum3A_1024 = vector.extract %reduce_sum3A_1023[0, 0, 0] : f32 from vector<1x1x1xf32>
    %add3A_1025 = arith.addf %add3A_954, %reduce_sum3A_1024 : f32
    %get3A_1026 = arith.constant 3584 : index
    %get3A_1027 = arith.constant 0 : index
    %get3A_1028 = vector.load %arg0[%get3A_1026, %get3A_1027] : memref<5120x1xf32, #tpu.memory_space<vmem>>, vector<256x1xf32>
    %get3A_1029 = arith.constant 3584 : index
    %get3A_1030 = arith.constant 0 : index
    %get3A_1031 = vector.load %arg2[%get3A_1029, %get3A_1030] : memref<5120x1xf32, #tpu.memory_space<vmem>>, vector<256x1xf32>
    %mul3A_1032 = vector.broadcast %div3A_24 : f32 to vector<256x1xf32>
    %mul3A_1033 = arith.mulf %get3A_1031, %mul3A_1032 : vector<256x1xf32>
    %get3A_1034 = arith.constant 3584 : index
    %get3A_1035 = arith.constant 0 : index
    %get3A_1036 = vector.load %arg4[%get3A_1034, %get3A_1035] : memref<5120x1xf32, #tpu.memory_space<vmem>>, vector<256x1xf32>
    %mul3A_1037 = vector.broadcast %div3A_29 : f32 to vector<256x1xf32>
    %mul3A_1038 = arith.mulf %get3A_1036, %mul3A_1037 : vector<256x1xf32>
    %slice3A_1039 = vector.extract_strided_slice %get3A_33 {offsets = [0, 0], sizes = [1, 3840], strides = [1, 1]} : vector<1x5120xf32> to vector<1x3840xf32>
    %lt3A_1040 = vector.broadcast %slice3A_1039 : vector<1x3840xf32> to vector<256x3840xf32>
    %lt3A_1041 = vector.broadcast %get3A_1028 : vector<256x1xf32> to vector<256x3840xf32>
    %lt3A_1042 = arith.cmpf olt, %lt3A_1040, %lt3A_1041 : vector<256x3840xf32>
    %sub3A_1043 = vector.broadcast %get3A_1028 : vector<256x1xf32> to vector<256x3840xf32>
    %sub3A_1044 = vector.broadcast %slice3A_1039 : vector<1x3840xf32> to vector<256x3840xf32>
    %sub3A_1045 = arith.subf %sub3A_1043, %sub3A_1044 : vector<256x3840xf32>
    %jit3A_1046 = arith.constant 1.000000e+00 : f32
    %broadcast_in_dim3A_1047 = vector.broadcast %jit3A_1046 : f32 to vector<256x3840xf32>
    %select_n3A_1048 = arith.select %lt3A_1042, %sub3A_1045, %broadcast_in_dim3A_1047 : vector<256x3840xi1>, vector<256x3840xf32>
    %div3A_1049 = arith.constant 1.000000e+00 : f32
    %div3A_1050 = vector.broadcast %div3A_1049 : f32 to vector<256x3840xf32>
    %div3A_1051 = arith.divf %div3A_1050, %select_n3A_1048 : vector<256x3840xf32>
    %slice3A_1052 = vector.extract_strided_slice %mul3A_38 {offsets = [0, 0], sizes = [1, 3840], strides = [1, 1]} : vector<1x5120xf32> to vector<1x3840xf32>
    %sub3A_1053 = vector.broadcast %mul3A_1033 : vector<256x1xf32> to vector<256x3840xf32>
    %sub3A_1054 = vector.broadcast %slice3A_1052 : vector<1x3840xf32> to vector<256x3840xf32>
    %sub3A_1055 = arith.subf %sub3A_1053, %sub3A_1054 : vector<256x3840xf32>
    %slice3A_1056 = vector.extract_strided_slice %mul3A_43 {offsets = [0, 0], sizes = [1, 3840], strides = [1, 1]} : vector<1x5120xf32> to vector<1x3840xf32>
    %sub3A_1057 = vector.broadcast %mul3A_1038 : vector<256x1xf32> to vector<256x3840xf32>
    %sub3A_1058 = vector.broadcast %slice3A_1056 : vector<1x3840xf32> to vector<256x3840xf32>
    %sub3A_1059 = arith.subf %sub3A_1057, %sub3A_1058 : vector<256x3840xf32>
    %mul3A_1060 = arith.mulf %sub3A_1055, %sub3A_1055 : vector<256x3840xf32>
    %mul3A_1061 = arith.mulf %sub3A_1059, %sub3A_1059 : vector<256x3840xf32>
    %add3A_1062 = arith.addf %mul3A_1060, %mul3A_1061 : vector<256x3840xf32>
    %mul3A_1063 = vector.broadcast %neg3A_30 : f32 to vector<256x3840xf32>
    %mul3A_1064 = arith.mulf %mul3A_1063, %select_n3A_1048 : vector<256x3840xf32>
    %mul3A_1065 = arith.mulf %add3A_1062, %div3A_1051 : vector<256x3840xf32>
    %sub3A_1066 = arith.subf %mul3A_1064, %mul3A_1065 : vector<256x3840xf32>
    %exp3A_1067 = math.exp %sub3A_1066 : vector<256x3840xf32>
    %mul3A_1068 = arith.mulf %exp3A_1067, %div3A_1051 : vector<256x3840xf32>
    %jit3A_1069 = arith.constant 0.000000e+00 : f32
    %broadcast_in_dim3A_1070 = vector.broadcast %jit3A_1069 : f32 to vector<256x3840xf32>
    %select_n3A_1071 = arith.select %lt3A_1042, %mul3A_1068, %broadcast_in_dim3A_1070 : vector<256x3840xi1>, vector<256x3840xf32>
    %reduce_sum3A_1072 = arith.constant dense<0.000000e+00> : vector<256xf32>
    %reduce_sum3A_1073 = vector.multi_reduction <add>, %select_n3A_1071, %reduce_sum3A_1072 [1] : vector<256x3840xf32> to vector<256xf32>
    %broadcast_in_dim3A_1074 = vector.shape_cast %reduce_sum3A_1073 : vector<256xf32> to vector<256x1xf32>
    %mul3A_1075 = vector.broadcast %div3A : f32 to vector<256x1xf32>
    %mul3A_1076 = arith.mulf %mul3A_1075, %broadcast_in_dim3A_1074 : vector<256x1xf32>
    %ge3A_1077 = arith.constant 2.000000e+00 : f32
    %ge3A_1078 = vector.broadcast %ge3A_1077 : f32 to vector<256x1xf32>
    %ge3A_1079 = arith.cmpf oge, %get3A_1028, %ge3A_1078 : vector<256x1xf32>
    %le3A_1080 = arith.constant 5.000000e+01 : f32
    %le3A_1081 = vector.broadcast %le3A_1080 : f32 to vector<256x1xf32>
    %le3A_1082 = arith.cmpf ole, %get3A_1028, %le3A_1081 : vector<256x1xf32>
    %and3A_1083 = arith.andi %ge3A_1079, %le3A_1082 : vector<256x1xi1>
    %jit3A_1084 = arith.constant 1.000000e+00 : f32
    %broadcast_in_dim3A_1085 = vector.broadcast %jit3A_1084 : f32 to vector<256x1xf32>
    %select_n3A_1086 = arith.select %and3A_1083, %mul3A_1076, %broadcast_in_dim3A_1085 : vector<256x1xi1>, vector<256x1xf32>
    %log3A_1087 = math.log %select_n3A_1086 : vector<256x1xf32>
    %jit3A_1088 = arith.constant 0.000000e+00 : f32
    %broadcast_in_dim3A_1089 = vector.broadcast %jit3A_1088 : f32 to vector<256x1xf32>
    %select_n3A_1090 = arith.select %and3A_1083, %log3A_1087, %broadcast_in_dim3A_1089 : vector<256x1xi1>, vector<256x1xf32>
    %reduce_sum3A_1091 = vector.shape_cast %select_n3A_1090 : vector<256x1xf32> to vector<1x256x1xf32>
    %reduce_sum3A_1092 = arith.constant dense<0.000000e+00> : vector<1xf32>
    %reduce_sum3A_1093 = vector.multi_reduction <add>, %reduce_sum3A_1091, %reduce_sum3A_1092 [1, 2] : vector<1x256x1xf32> to vector<1xf32>
    %reduce_sum3A_1094 = vector.shape_cast %reduce_sum3A_1093 : vector<1xf32> to vector<1x1x1xf32>
    %reduce_sum3A_1095 = vector.extract %reduce_sum3A_1094[0, 0, 0] : f32 from vector<1x1x1xf32>
    %add3A_1096 = arith.addf %add3A_1025, %reduce_sum3A_1095 : f32
    %get3A_1097 = arith.constant 3840 : index
    %get3A_1098 = arith.constant 0 : index
    %get3A_1099 = vector.load %arg0[%get3A_1097, %get3A_1098] : memref<5120x1xf32, #tpu.memory_space<vmem>>, vector<256x1xf32>
    %get3A_1100 = arith.constant 3840 : index
    %get3A_1101 = arith.constant 0 : index
    %get3A_1102 = vector.load %arg2[%get3A_1100, %get3A_1101] : memref<5120x1xf32, #tpu.memory_space<vmem>>, vector<256x1xf32>
    %mul3A_1103 = vector.broadcast %div3A_24 : f32 to vector<256x1xf32>
    %mul3A_1104 = arith.mulf %get3A_1102, %mul3A_1103 : vector<256x1xf32>
    %get3A_1105 = arith.constant 3840 : index
    %get3A_1106 = arith.constant 0 : index
    %get3A_1107 = vector.load %arg4[%get3A_1105, %get3A_1106] : memref<5120x1xf32, #tpu.memory_space<vmem>>, vector<256x1xf32>
    %mul3A_1108 = vector.broadcast %div3A_29 : f32 to vector<256x1xf32>
    %mul3A_1109 = arith.mulf %get3A_1107, %mul3A_1108 : vector<256x1xf32>
    %slice3A_1110 = vector.extract_strided_slice %get3A_33 {offsets = [0, 0], sizes = [1, 4096], strides = [1, 1]} : vector<1x5120xf32> to vector<1x4096xf32>
    %lt3A_1111 = vector.broadcast %slice3A_1110 : vector<1x4096xf32> to vector<256x4096xf32>
    %lt3A_1112 = vector.broadcast %get3A_1099 : vector<256x1xf32> to vector<256x4096xf32>
    %lt3A_1113 = arith.cmpf olt, %lt3A_1111, %lt3A_1112 : vector<256x4096xf32>
    %sub3A_1114 = vector.broadcast %get3A_1099 : vector<256x1xf32> to vector<256x4096xf32>
    %sub3A_1115 = vector.broadcast %slice3A_1110 : vector<1x4096xf32> to vector<256x4096xf32>
    %sub3A_1116 = arith.subf %sub3A_1114, %sub3A_1115 : vector<256x4096xf32>
    %jit3A_1117 = arith.constant 1.000000e+00 : f32
    %broadcast_in_dim3A_1118 = vector.broadcast %jit3A_1117 : f32 to vector<256x4096xf32>
    %select_n3A_1119 = arith.select %lt3A_1113, %sub3A_1116, %broadcast_in_dim3A_1118 : vector<256x4096xi1>, vector<256x4096xf32>
    %div3A_1120 = arith.constant 1.000000e+00 : f32
    %div3A_1121 = vector.broadcast %div3A_1120 : f32 to vector<256x4096xf32>
    %div3A_1122 = arith.divf %div3A_1121, %select_n3A_1119 : vector<256x4096xf32>
    %slice3A_1123 = vector.extract_strided_slice %mul3A_38 {offsets = [0, 0], sizes = [1, 4096], strides = [1, 1]} : vector<1x5120xf32> to vector<1x4096xf32>
    %sub3A_1124 = vector.broadcast %mul3A_1104 : vector<256x1xf32> to vector<256x4096xf32>
    %sub3A_1125 = vector.broadcast %slice3A_1123 : vector<1x4096xf32> to vector<256x4096xf32>
    %sub3A_1126 = arith.subf %sub3A_1124, %sub3A_1125 : vector<256x4096xf32>
    %slice3A_1127 = vector.extract_strided_slice %mul3A_43 {offsets = [0, 0], sizes = [1, 4096], strides = [1, 1]} : vector<1x5120xf32> to vector<1x4096xf32>
    %sub3A_1128 = vector.broadcast %mul3A_1109 : vector<256x1xf32> to vector<256x4096xf32>
    %sub3A_1129 = vector.broadcast %slice3A_1127 : vector<1x4096xf32> to vector<256x4096xf32>
    %sub3A_1130 = arith.subf %sub3A_1128, %sub3A_1129 : vector<256x4096xf32>
    %mul3A_1131 = arith.mulf %sub3A_1126, %sub3A_1126 : vector<256x4096xf32>
    %mul3A_1132 = arith.mulf %sub3A_1130, %sub3A_1130 : vector<256x4096xf32>
    %add3A_1133 = arith.addf %mul3A_1131, %mul3A_1132 : vector<256x4096xf32>
    %mul3A_1134 = vector.broadcast %neg3A_30 : f32 to vector<256x4096xf32>
    %mul3A_1135 = arith.mulf %mul3A_1134, %select_n3A_1119 : vector<256x4096xf32>
    %mul3A_1136 = arith.mulf %add3A_1133, %div3A_1122 : vector<256x4096xf32>
    %sub3A_1137 = arith.subf %mul3A_1135, %mul3A_1136 : vector<256x4096xf32>
    %exp3A_1138 = math.exp %sub3A_1137 : vector<256x4096xf32>
    %mul3A_1139 = arith.mulf %exp3A_1138, %div3A_1122 : vector<256x4096xf32>
    %jit3A_1140 = arith.constant 0.000000e+00 : f32
    %broadcast_in_dim3A_1141 = vector.broadcast %jit3A_1140 : f32 to vector<256x4096xf32>
    %select_n3A_1142 = arith.select %lt3A_1113, %mul3A_1139, %broadcast_in_dim3A_1141 : vector<256x4096xi1>, vector<256x4096xf32>
    %reduce_sum3A_1143 = arith.constant dense<0.000000e+00> : vector<256xf32>
    %reduce_sum3A_1144 = vector.multi_reduction <add>, %select_n3A_1142, %reduce_sum3A_1143 [1] : vector<256x4096xf32> to vector<256xf32>
    %broadcast_in_dim3A_1145 = vector.shape_cast %reduce_sum3A_1144 : vector<256xf32> to vector<256x1xf32>
    %mul3A_1146 = vector.broadcast %div3A : f32 to vector<256x1xf32>
    %mul3A_1147 = arith.mulf %mul3A_1146, %broadcast_in_dim3A_1145 : vector<256x1xf32>
    %ge3A_1148 = arith.constant 2.000000e+00 : f32
    %ge3A_1149 = vector.broadcast %ge3A_1148 : f32 to vector<256x1xf32>
    %ge3A_1150 = arith.cmpf oge, %get3A_1099, %ge3A_1149 : vector<256x1xf32>
    %le3A_1151 = arith.constant 5.000000e+01 : f32
    %le3A_1152 = vector.broadcast %le3A_1151 : f32 to vector<256x1xf32>
    %le3A_1153 = arith.cmpf ole, %get3A_1099, %le3A_1152 : vector<256x1xf32>
    %and3A_1154 = arith.andi %ge3A_1150, %le3A_1153 : vector<256x1xi1>
    %jit3A_1155 = arith.constant 1.000000e+00 : f32
    %broadcast_in_dim3A_1156 = vector.broadcast %jit3A_1155 : f32 to vector<256x1xf32>
    %select_n3A_1157 = arith.select %and3A_1154, %mul3A_1147, %broadcast_in_dim3A_1156 : vector<256x1xi1>, vector<256x1xf32>
    %log3A_1158 = math.log %select_n3A_1157 : vector<256x1xf32>
    %jit3A_1159 = arith.constant 0.000000e+00 : f32
    %broadcast_in_dim3A_1160 = vector.broadcast %jit3A_1159 : f32 to vector<256x1xf32>
    %select_n3A_1161 = arith.select %and3A_1154, %log3A_1158, %broadcast_in_dim3A_1160 : vector<256x1xi1>, vector<256x1xf32>
    %reduce_sum3A_1162 = vector.shape_cast %select_n3A_1161 : vector<256x1xf32> to vector<1x256x1xf32>
    %reduce_sum3A_1163 = arith.constant dense<0.000000e+00> : vector<1xf32>
    %reduce_sum3A_1164 = vector.multi_reduction <add>, %reduce_sum3A_1162, %reduce_sum3A_1163 [1, 2] : vector<1x256x1xf32> to vector<1xf32>
    %reduce_sum3A_1165 = vector.shape_cast %reduce_sum3A_1164 : vector<1xf32> to vector<1x1x1xf32>
    %reduce_sum3A_1166 = vector.extract %reduce_sum3A_1165[0, 0, 0] : f32 from vector<1x1x1xf32>
    %add3A_1167 = arith.addf %add3A_1096, %reduce_sum3A_1166 : f32
    %get3A_1168 = arith.constant 4096 : index
    %get3A_1169 = arith.constant 0 : index
    %get3A_1170 = vector.load %arg0[%get3A_1168, %get3A_1169] : memref<5120x1xf32, #tpu.memory_space<vmem>>, vector<256x1xf32>
    %get3A_1171 = arith.constant 4096 : index
    %get3A_1172 = arith.constant 0 : index
    %get3A_1173 = vector.load %arg2[%get3A_1171, %get3A_1172] : memref<5120x1xf32, #tpu.memory_space<vmem>>, vector<256x1xf32>
    %mul3A_1174 = vector.broadcast %div3A_24 : f32 to vector<256x1xf32>
    %mul3A_1175 = arith.mulf %get3A_1173, %mul3A_1174 : vector<256x1xf32>
    %get3A_1176 = arith.constant 4096 : index
    %get3A_1177 = arith.constant 0 : index
    %get3A_1178 = vector.load %arg4[%get3A_1176, %get3A_1177] : memref<5120x1xf32, #tpu.memory_space<vmem>>, vector<256x1xf32>
    %mul3A_1179 = vector.broadcast %div3A_29 : f32 to vector<256x1xf32>
    %mul3A_1180 = arith.mulf %get3A_1178, %mul3A_1179 : vector<256x1xf32>
    %slice3A_1181 = vector.extract_strided_slice %get3A_33 {offsets = [0, 0], sizes = [1, 4352], strides = [1, 1]} : vector<1x5120xf32> to vector<1x4352xf32>
    %lt3A_1182 = vector.broadcast %slice3A_1181 : vector<1x4352xf32> to vector<256x4352xf32>
    %lt3A_1183 = vector.broadcast %get3A_1170 : vector<256x1xf32> to vector<256x4352xf32>
    %lt3A_1184 = arith.cmpf olt, %lt3A_1182, %lt3A_1183 : vector<256x4352xf32>
    %sub3A_1185 = vector.broadcast %get3A_1170 : vector<256x1xf32> to vector<256x4352xf32>
    %sub3A_1186 = vector.broadcast %slice3A_1181 : vector<1x4352xf32> to vector<256x4352xf32>
    %sub3A_1187 = arith.subf %sub3A_1185, %sub3A_1186 : vector<256x4352xf32>
    %jit3A_1188 = arith.constant 1.000000e+00 : f32
    %broadcast_in_dim3A_1189 = vector.broadcast %jit3A_1188 : f32 to vector<256x4352xf32>
    %select_n3A_1190 = arith.select %lt3A_1184, %sub3A_1187, %broadcast_in_dim3A_1189 : vector<256x4352xi1>, vector<256x4352xf32>
    %div3A_1191 = arith.constant 1.000000e+00 : f32
    %div3A_1192 = vector.broadcast %div3A_1191 : f32 to vector<256x4352xf32>
    %div3A_1193 = arith.divf %div3A_1192, %select_n3A_1190 : vector<256x4352xf32>
    %slice3A_1194 = vector.extract_strided_slice %mul3A_38 {offsets = [0, 0], sizes = [1, 4352], strides = [1, 1]} : vector<1x5120xf32> to vector<1x4352xf32>
    %sub3A_1195 = vector.broadcast %mul3A_1175 : vector<256x1xf32> to vector<256x4352xf32>
    %sub3A_1196 = vector.broadcast %slice3A_1194 : vector<1x4352xf32> to vector<256x4352xf32>
    %sub3A_1197 = arith.subf %sub3A_1195, %sub3A_1196 : vector<256x4352xf32>
    %slice3A_1198 = vector.extract_strided_slice %mul3A_43 {offsets = [0, 0], sizes = [1, 4352], strides = [1, 1]} : vector<1x5120xf32> to vector<1x4352xf32>
    %sub3A_1199 = vector.broadcast %mul3A_1180 : vector<256x1xf32> to vector<256x4352xf32>
    %sub3A_1200 = vector.broadcast %slice3A_1198 : vector<1x4352xf32> to vector<256x4352xf32>
    %sub3A_1201 = arith.subf %sub3A_1199, %sub3A_1200 : vector<256x4352xf32>
    %mul3A_1202 = arith.mulf %sub3A_1197, %sub3A_1197 : vector<256x4352xf32>
    %mul3A_1203 = arith.mulf %sub3A_1201, %sub3A_1201 : vector<256x4352xf32>
    %add3A_1204 = arith.addf %mul3A_1202, %mul3A_1203 : vector<256x4352xf32>
    %mul3A_1205 = vector.broadcast %neg3A_30 : f32 to vector<256x4352xf32>
    %mul3A_1206 = arith.mulf %mul3A_1205, %select_n3A_1190 : vector<256x4352xf32>
    %mul3A_1207 = arith.mulf %add3A_1204, %div3A_1193 : vector<256x4352xf32>
    %sub3A_1208 = arith.subf %mul3A_1206, %mul3A_1207 : vector<256x4352xf32>
    %exp3A_1209 = math.exp %sub3A_1208 : vector<256x4352xf32>
    %mul3A_1210 = arith.mulf %exp3A_1209, %div3A_1193 : vector<256x4352xf32>
    %jit3A_1211 = arith.constant 0.000000e+00 : f32
    %broadcast_in_dim3A_1212 = vector.broadcast %jit3A_1211 : f32 to vector<256x4352xf32>
    %select_n3A_1213 = arith.select %lt3A_1184, %mul3A_1210, %broadcast_in_dim3A_1212 : vector<256x4352xi1>, vector<256x4352xf32>
    %reduce_sum3A_1214 = arith.constant dense<0.000000e+00> : vector<256xf32>
    %reduce_sum3A_1215 = vector.multi_reduction <add>, %select_n3A_1213, %reduce_sum3A_1214 [1] : vector<256x4352xf32> to vector<256xf32>
    %broadcast_in_dim3A_1216 = vector.shape_cast %reduce_sum3A_1215 : vector<256xf32> to vector<256x1xf32>
    %mul3A_1217 = vector.broadcast %div3A : f32 to vector<256x1xf32>
    %mul3A_1218 = arith.mulf %mul3A_1217, %broadcast_in_dim3A_1216 : vector<256x1xf32>
    %ge3A_1219 = arith.constant 2.000000e+00 : f32
    %ge3A_1220 = vector.broadcast %ge3A_1219 : f32 to vector<256x1xf32>
    %ge3A_1221 = arith.cmpf oge, %get3A_1170, %ge3A_1220 : vector<256x1xf32>
    %le3A_1222 = arith.constant 5.000000e+01 : f32
    %le3A_1223 = vector.broadcast %le3A_1222 : f32 to vector<256x1xf32>
    %le3A_1224 = arith.cmpf ole, %get3A_1170, %le3A_1223 : vector<256x1xf32>
    %and3A_1225 = arith.andi %ge3A_1221, %le3A_1224 : vector<256x1xi1>
    %jit3A_1226 = arith.constant 1.000000e+00 : f32
    %broadcast_in_dim3A_1227 = vector.broadcast %jit3A_1226 : f32 to vector<256x1xf32>
    %select_n3A_1228 = arith.select %and3A_1225, %mul3A_1218, %broadcast_in_dim3A_1227 : vector<256x1xi1>, vector<256x1xf32>
    %log3A_1229 = math.log %select_n3A_1228 : vector<256x1xf32>
    %jit3A_1230 = arith.constant 0.000000e+00 : f32
    %broadcast_in_dim3A_1231 = vector.broadcast %jit3A_1230 : f32 to vector<256x1xf32>
    %select_n3A_1232 = arith.select %and3A_1225, %log3A_1229, %broadcast_in_dim3A_1231 : vector<256x1xi1>, vector<256x1xf32>
    %reduce_sum3A_1233 = vector.shape_cast %select_n3A_1232 : vector<256x1xf32> to vector<1x256x1xf32>
    %reduce_sum3A_1234 = arith.constant dense<0.000000e+00> : vector<1xf32>
    %reduce_sum3A_1235 = vector.multi_reduction <add>, %reduce_sum3A_1233, %reduce_sum3A_1234 [1, 2] : vector<1x256x1xf32> to vector<1xf32>
    %reduce_sum3A_1236 = vector.shape_cast %reduce_sum3A_1235 : vector<1xf32> to vector<1x1x1xf32>
    %reduce_sum3A_1237 = vector.extract %reduce_sum3A_1236[0, 0, 0] : f32 from vector<1x1x1xf32>
    %add3A_1238 = arith.addf %add3A_1167, %reduce_sum3A_1237 : f32
    %get3A_1239 = arith.constant 4352 : index
    %get3A_1240 = arith.constant 0 : index
    %get3A_1241 = vector.load %arg0[%get3A_1239, %get3A_1240] : memref<5120x1xf32, #tpu.memory_space<vmem>>, vector<256x1xf32>
    %get3A_1242 = arith.constant 4352 : index
    %get3A_1243 = arith.constant 0 : index
    %get3A_1244 = vector.load %arg2[%get3A_1242, %get3A_1243] : memref<5120x1xf32, #tpu.memory_space<vmem>>, vector<256x1xf32>
    %mul3A_1245 = vector.broadcast %div3A_24 : f32 to vector<256x1xf32>
    %mul3A_1246 = arith.mulf %get3A_1244, %mul3A_1245 : vector<256x1xf32>
    %get3A_1247 = arith.constant 4352 : index
    %get3A_1248 = arith.constant 0 : index
    %get3A_1249 = vector.load %arg4[%get3A_1247, %get3A_1248] : memref<5120x1xf32, #tpu.memory_space<vmem>>, vector<256x1xf32>
    %mul3A_1250 = vector.broadcast %div3A_29 : f32 to vector<256x1xf32>
    %mul3A_1251 = arith.mulf %get3A_1249, %mul3A_1250 : vector<256x1xf32>
    %slice3A_1252 = vector.extract_strided_slice %get3A_33 {offsets = [0, 0], sizes = [1, 4608], strides = [1, 1]} : vector<1x5120xf32> to vector<1x4608xf32>
    %lt3A_1253 = vector.broadcast %slice3A_1252 : vector<1x4608xf32> to vector<256x4608xf32>
    %lt3A_1254 = vector.broadcast %get3A_1241 : vector<256x1xf32> to vector<256x4608xf32>
    %lt3A_1255 = arith.cmpf olt, %lt3A_1253, %lt3A_1254 : vector<256x4608xf32>
    %sub3A_1256 = vector.broadcast %get3A_1241 : vector<256x1xf32> to vector<256x4608xf32>
    %sub3A_1257 = vector.broadcast %slice3A_1252 : vector<1x4608xf32> to vector<256x4608xf32>
    %sub3A_1258 = arith.subf %sub3A_1256, %sub3A_1257 : vector<256x4608xf32>
    %jit3A_1259 = arith.constant 1.000000e+00 : f32
    %broadcast_in_dim3A_1260 = vector.broadcast %jit3A_1259 : f32 to vector<256x4608xf32>
    %select_n3A_1261 = arith.select %lt3A_1255, %sub3A_1258, %broadcast_in_dim3A_1260 : vector<256x4608xi1>, vector<256x4608xf32>
    %div3A_1262 = arith.constant 1.000000e+00 : f32
    %div3A_1263 = vector.broadcast %div3A_1262 : f32 to vector<256x4608xf32>
    %div3A_1264 = arith.divf %div3A_1263, %select_n3A_1261 : vector<256x4608xf32>
    %slice3A_1265 = vector.extract_strided_slice %mul3A_38 {offsets = [0, 0], sizes = [1, 4608], strides = [1, 1]} : vector<1x5120xf32> to vector<1x4608xf32>
    %sub3A_1266 = vector.broadcast %mul3A_1246 : vector<256x1xf32> to vector<256x4608xf32>
    %sub3A_1267 = vector.broadcast %slice3A_1265 : vector<1x4608xf32> to vector<256x4608xf32>
    %sub3A_1268 = arith.subf %sub3A_1266, %sub3A_1267 : vector<256x4608xf32>
    %slice3A_1269 = vector.extract_strided_slice %mul3A_43 {offsets = [0, 0], sizes = [1, 4608], strides = [1, 1]} : vector<1x5120xf32> to vector<1x4608xf32>
    %sub3A_1270 = vector.broadcast %mul3A_1251 : vector<256x1xf32> to vector<256x4608xf32>
    %sub3A_1271 = vector.broadcast %slice3A_1269 : vector<1x4608xf32> to vector<256x4608xf32>
    %sub3A_1272 = arith.subf %sub3A_1270, %sub3A_1271 : vector<256x4608xf32>
    %mul3A_1273 = arith.mulf %sub3A_1268, %sub3A_1268 : vector<256x4608xf32>
    %mul3A_1274 = arith.mulf %sub3A_1272, %sub3A_1272 : vector<256x4608xf32>
    %add3A_1275 = arith.addf %mul3A_1273, %mul3A_1274 : vector<256x4608xf32>
    %mul3A_1276 = vector.broadcast %neg3A_30 : f32 to vector<256x4608xf32>
    %mul3A_1277 = arith.mulf %mul3A_1276, %select_n3A_1261 : vector<256x4608xf32>
    %mul3A_1278 = arith.mulf %add3A_1275, %div3A_1264 : vector<256x4608xf32>
    %sub3A_1279 = arith.subf %mul3A_1277, %mul3A_1278 : vector<256x4608xf32>
    %exp3A_1280 = math.exp %sub3A_1279 : vector<256x4608xf32>
    %mul3A_1281 = arith.mulf %exp3A_1280, %div3A_1264 : vector<256x4608xf32>
    %jit3A_1282 = arith.constant 0.000000e+00 : f32
    %broadcast_in_dim3A_1283 = vector.broadcast %jit3A_1282 : f32 to vector<256x4608xf32>
    %select_n3A_1284 = arith.select %lt3A_1255, %mul3A_1281, %broadcast_in_dim3A_1283 : vector<256x4608xi1>, vector<256x4608xf32>
    %reduce_sum3A_1285 = arith.constant dense<0.000000e+00> : vector<256xf32>
    %reduce_sum3A_1286 = vector.multi_reduction <add>, %select_n3A_1284, %reduce_sum3A_1285 [1] : vector<256x4608xf32> to vector<256xf32>
    %broadcast_in_dim3A_1287 = vector.shape_cast %reduce_sum3A_1286 : vector<256xf32> to vector<256x1xf32>
    %mul3A_1288 = vector.broadcast %div3A : f32 to vector<256x1xf32>
    %mul3A_1289 = arith.mulf %mul3A_1288, %broadcast_in_dim3A_1287 : vector<256x1xf32>
    %ge3A_1290 = arith.constant 2.000000e+00 : f32
    %ge3A_1291 = vector.broadcast %ge3A_1290 : f32 to vector<256x1xf32>
    %ge3A_1292 = arith.cmpf oge, %get3A_1241, %ge3A_1291 : vector<256x1xf32>
    %le3A_1293 = arith.constant 5.000000e+01 : f32
    %le3A_1294 = vector.broadcast %le3A_1293 : f32 to vector<256x1xf32>
    %le3A_1295 = arith.cmpf ole, %get3A_1241, %le3A_1294 : vector<256x1xf32>
    %and3A_1296 = arith.andi %ge3A_1292, %le3A_1295 : vector<256x1xi1>
    %jit3A_1297 = arith.constant 1.000000e+00 : f32
    %broadcast_in_dim3A_1298 = vector.broadcast %jit3A_1297 : f32 to vector<256x1xf32>
    %select_n3A_1299 = arith.select %and3A_1296, %mul3A_1289, %broadcast_in_dim3A_1298 : vector<256x1xi1>, vector<256x1xf32>
    %log3A_1300 = math.log %select_n3A_1299 : vector<256x1xf32>
    %jit3A_1301 = arith.constant 0.000000e+00 : f32
    %broadcast_in_dim3A_1302 = vector.broadcast %jit3A_1301 : f32 to vector<256x1xf32>
    %select_n3A_1303 = arith.select %and3A_1296, %log3A_1300, %broadcast_in_dim3A_1302 : vector<256x1xi1>, vector<256x1xf32>
    %reduce_sum3A_1304 = vector.shape_cast %select_n3A_1303 : vector<256x1xf32> to vector<1x256x1xf32>
    %reduce_sum3A_1305 = arith.constant dense<0.000000e+00> : vector<1xf32>
    %reduce_sum3A_1306 = vector.multi_reduction <add>, %reduce_sum3A_1304, %reduce_sum3A_1305 [1, 2] : vector<1x256x1xf32> to vector<1xf32>
    %reduce_sum3A_1307 = vector.shape_cast %reduce_sum3A_1306 : vector<1xf32> to vector<1x1x1xf32>
    %reduce_sum3A_1308 = vector.extract %reduce_sum3A_1307[0, 0, 0] : f32 from vector<1x1x1xf32>
    %add3A_1309 = arith.addf %add3A_1238, %reduce_sum3A_1308 : f32
    %get3A_1310 = arith.constant 4608 : index
    %get3A_1311 = arith.constant 0 : index
    %get3A_1312 = vector.load %arg0[%get3A_1310, %get3A_1311] : memref<5120x1xf32, #tpu.memory_space<vmem>>, vector<256x1xf32>
    %get3A_1313 = arith.constant 4608 : index
    %get3A_1314 = arith.constant 0 : index
    %get3A_1315 = vector.load %arg2[%get3A_1313, %get3A_1314] : memref<5120x1xf32, #tpu.memory_space<vmem>>, vector<256x1xf32>
    %mul3A_1316 = vector.broadcast %div3A_24 : f32 to vector<256x1xf32>
    %mul3A_1317 = arith.mulf %get3A_1315, %mul3A_1316 : vector<256x1xf32>
    %get3A_1318 = arith.constant 4608 : index
    %get3A_1319 = arith.constant 0 : index
    %get3A_1320 = vector.load %arg4[%get3A_1318, %get3A_1319] : memref<5120x1xf32, #tpu.memory_space<vmem>>, vector<256x1xf32>
    %mul3A_1321 = vector.broadcast %div3A_29 : f32 to vector<256x1xf32>
    %mul3A_1322 = arith.mulf %get3A_1320, %mul3A_1321 : vector<256x1xf32>
    %slice3A_1323 = vector.extract_strided_slice %get3A_33 {offsets = [0, 0], sizes = [1, 4864], strides = [1, 1]} : vector<1x5120xf32> to vector<1x4864xf32>
    %lt3A_1324 = vector.broadcast %slice3A_1323 : vector<1x4864xf32> to vector<256x4864xf32>
    %lt3A_1325 = vector.broadcast %get3A_1312 : vector<256x1xf32> to vector<256x4864xf32>
    %lt3A_1326 = arith.cmpf olt, %lt3A_1324, %lt3A_1325 : vector<256x4864xf32>
    %sub3A_1327 = vector.broadcast %get3A_1312 : vector<256x1xf32> to vector<256x4864xf32>
    %sub3A_1328 = vector.broadcast %slice3A_1323 : vector<1x4864xf32> to vector<256x4864xf32>
    %sub3A_1329 = arith.subf %sub3A_1327, %sub3A_1328 : vector<256x4864xf32>
    %jit3A_1330 = arith.constant 1.000000e+00 : f32
    %broadcast_in_dim3A_1331 = vector.broadcast %jit3A_1330 : f32 to vector<256x4864xf32>
    %select_n3A_1332 = arith.select %lt3A_1326, %sub3A_1329, %broadcast_in_dim3A_1331 : vector<256x4864xi1>, vector<256x4864xf32>
    %div3A_1333 = arith.constant 1.000000e+00 : f32
    %div3A_1334 = vector.broadcast %div3A_1333 : f32 to vector<256x4864xf32>
    %div3A_1335 = arith.divf %div3A_1334, %select_n3A_1332 : vector<256x4864xf32>
    %slice3A_1336 = vector.extract_strided_slice %mul3A_38 {offsets = [0, 0], sizes = [1, 4864], strides = [1, 1]} : vector<1x5120xf32> to vector<1x4864xf32>
    %sub3A_1337 = vector.broadcast %mul3A_1317 : vector<256x1xf32> to vector<256x4864xf32>
    %sub3A_1338 = vector.broadcast %slice3A_1336 : vector<1x4864xf32> to vector<256x4864xf32>
    %sub3A_1339 = arith.subf %sub3A_1337, %sub3A_1338 : vector<256x4864xf32>
    %slice3A_1340 = vector.extract_strided_slice %mul3A_43 {offsets = [0, 0], sizes = [1, 4864], strides = [1, 1]} : vector<1x5120xf32> to vector<1x4864xf32>
    %sub3A_1341 = vector.broadcast %mul3A_1322 : vector<256x1xf32> to vector<256x4864xf32>
    %sub3A_1342 = vector.broadcast %slice3A_1340 : vector<1x4864xf32> to vector<256x4864xf32>
    %sub3A_1343 = arith.subf %sub3A_1341, %sub3A_1342 : vector<256x4864xf32>
    %mul3A_1344 = arith.mulf %sub3A_1339, %sub3A_1339 : vector<256x4864xf32>
    %mul3A_1345 = arith.mulf %sub3A_1343, %sub3A_1343 : vector<256x4864xf32>
    %add3A_1346 = arith.addf %mul3A_1344, %mul3A_1345 : vector<256x4864xf32>
    %mul3A_1347 = vector.broadcast %neg3A_30 : f32 to vector<256x4864xf32>
    %mul3A_1348 = arith.mulf %mul3A_1347, %select_n3A_1332 : vector<256x4864xf32>
    %mul3A_1349 = arith.mulf %add3A_1346, %div3A_1335 : vector<256x4864xf32>
    %sub3A_1350 = arith.subf %mul3A_1348, %mul3A_1349 : vector<256x4864xf32>
    %exp3A_1351 = math.exp %sub3A_1350 : vector<256x4864xf32>
    %mul3A_1352 = arith.mulf %exp3A_1351, %div3A_1335 : vector<256x4864xf32>
    %jit3A_1353 = arith.constant 0.000000e+00 : f32
    %broadcast_in_dim3A_1354 = vector.broadcast %jit3A_1353 : f32 to vector<256x4864xf32>
    %select_n3A_1355 = arith.select %lt3A_1326, %mul3A_1352, %broadcast_in_dim3A_1354 : vector<256x4864xi1>, vector<256x4864xf32>
    %reduce_sum3A_1356 = arith.constant dense<0.000000e+00> : vector<256xf32>
    %reduce_sum3A_1357 = vector.multi_reduction <add>, %select_n3A_1355, %reduce_sum3A_1356 [1] : vector<256x4864xf32> to vector<256xf32>
    %broadcast_in_dim3A_1358 = vector.shape_cast %reduce_sum3A_1357 : vector<256xf32> to vector<256x1xf32>
    %mul3A_1359 = vector.broadcast %div3A : f32 to vector<256x1xf32>
    %mul3A_1360 = arith.mulf %mul3A_1359, %broadcast_in_dim3A_1358 : vector<256x1xf32>
    %ge3A_1361 = arith.constant 2.000000e+00 : f32
    %ge3A_1362 = vector.broadcast %ge3A_1361 : f32 to vector<256x1xf32>
    %ge3A_1363 = arith.cmpf oge, %get3A_1312, %ge3A_1362 : vector<256x1xf32>
    %le3A_1364 = arith.constant 5.000000e+01 : f32
    %le3A_1365 = vector.broadcast %le3A_1364 : f32 to vector<256x1xf32>
    %le3A_1366 = arith.cmpf ole, %get3A_1312, %le3A_1365 : vector<256x1xf32>
    %and3A_1367 = arith.andi %ge3A_1363, %le3A_1366 : vector<256x1xi1>
    %jit3A_1368 = arith.constant 1.000000e+00 : f32
    %broadcast_in_dim3A_1369 = vector.broadcast %jit3A_1368 : f32 to vector<256x1xf32>
    %select_n3A_1370 = arith.select %and3A_1367, %mul3A_1360, %broadcast_in_dim3A_1369 : vector<256x1xi1>, vector<256x1xf32>
    %log3A_1371 = math.log %select_n3A_1370 : vector<256x1xf32>
    %jit3A_1372 = arith.constant 0.000000e+00 : f32
    %broadcast_in_dim3A_1373 = vector.broadcast %jit3A_1372 : f32 to vector<256x1xf32>
    %select_n3A_1374 = arith.select %and3A_1367, %log3A_1371, %broadcast_in_dim3A_1373 : vector<256x1xi1>, vector<256x1xf32>
    %reduce_sum3A_1375 = vector.shape_cast %select_n3A_1374 : vector<256x1xf32> to vector<1x256x1xf32>
    %reduce_sum3A_1376 = arith.constant dense<0.000000e+00> : vector<1xf32>
    %reduce_sum3A_1377 = vector.multi_reduction <add>, %reduce_sum3A_1375, %reduce_sum3A_1376 [1, 2] : vector<1x256x1xf32> to vector<1xf32>
    %reduce_sum3A_1378 = vector.shape_cast %reduce_sum3A_1377 : vector<1xf32> to vector<1x1x1xf32>
    %reduce_sum3A_1379 = vector.extract %reduce_sum3A_1378[0, 0, 0] : f32 from vector<1x1x1xf32>
    %add3A_1380 = arith.addf %add3A_1309, %reduce_sum3A_1379 : f32
    %get3A_1381 = arith.constant 4864 : index
    %get3A_1382 = arith.constant 0 : index
    %get3A_1383 = vector.load %arg0[%get3A_1381, %get3A_1382] : memref<5120x1xf32, #tpu.memory_space<vmem>>, vector<256x1xf32>
    %get3A_1384 = arith.constant 4864 : index
    %get3A_1385 = arith.constant 0 : index
    %get3A_1386 = vector.load %arg2[%get3A_1384, %get3A_1385] : memref<5120x1xf32, #tpu.memory_space<vmem>>, vector<256x1xf32>
    %mul3A_1387 = vector.broadcast %div3A_24 : f32 to vector<256x1xf32>
    %mul3A_1388 = arith.mulf %get3A_1386, %mul3A_1387 : vector<256x1xf32>
    %get3A_1389 = arith.constant 4864 : index
    %get3A_1390 = arith.constant 0 : index
    %get3A_1391 = vector.load %arg4[%get3A_1389, %get3A_1390] : memref<5120x1xf32, #tpu.memory_space<vmem>>, vector<256x1xf32>
    %mul3A_1392 = vector.broadcast %div3A_29 : f32 to vector<256x1xf32>
    %mul3A_1393 = arith.mulf %get3A_1391, %mul3A_1392 : vector<256x1xf32>
    %lt3A_1394 = vector.broadcast %get3A_33 : vector<1x5120xf32> to vector<256x5120xf32>
    %lt3A_1395 = vector.broadcast %get3A_1383 : vector<256x1xf32> to vector<256x5120xf32>
    %lt3A_1396 = arith.cmpf olt, %lt3A_1394, %lt3A_1395 : vector<256x5120xf32>
    %sub3A_1397 = vector.broadcast %get3A_1383 : vector<256x1xf32> to vector<256x5120xf32>
    %sub3A_1398 = vector.broadcast %get3A_33 : vector<1x5120xf32> to vector<256x5120xf32>
    %sub3A_1399 = arith.subf %sub3A_1397, %sub3A_1398 : vector<256x5120xf32>
    %jit3A_1400 = arith.constant 1.000000e+00 : f32
    %broadcast_in_dim3A_1401 = vector.broadcast %jit3A_1400 : f32 to vector<256x5120xf32>
    %select_n3A_1402 = arith.select %lt3A_1396, %sub3A_1399, %broadcast_in_dim3A_1401 : vector<256x5120xi1>, vector<256x5120xf32>
    %div3A_1403 = arith.constant 1.000000e+00 : f32
    %div3A_1404 = vector.broadcast %div3A_1403 : f32 to vector<256x5120xf32>
    %div3A_1405 = arith.divf %div3A_1404, %select_n3A_1402 : vector<256x5120xf32>
    %sub3A_1406 = vector.broadcast %mul3A_1388 : vector<256x1xf32> to vector<256x5120xf32>
    %sub3A_1407 = vector.broadcast %mul3A_38 : vector<1x5120xf32> to vector<256x5120xf32>
    %sub3A_1408 = arith.subf %sub3A_1406, %sub3A_1407 : vector<256x5120xf32>
    %sub3A_1409 = vector.broadcast %mul3A_1393 : vector<256x1xf32> to vector<256x5120xf32>
    %sub3A_1410 = vector.broadcast %mul3A_43 : vector<1x5120xf32> to vector<256x5120xf32>
    %sub3A_1411 = arith.subf %sub3A_1409, %sub3A_1410 : vector<256x5120xf32>
    %mul3A_1412 = arith.mulf %sub3A_1408, %sub3A_1408 : vector<256x5120xf32>
    %mul3A_1413 = arith.mulf %sub3A_1411, %sub3A_1411 : vector<256x5120xf32>
    %add3A_1414 = arith.addf %mul3A_1412, %mul3A_1413 : vector<256x5120xf32>
    %mul3A_1415 = vector.broadcast %neg3A_30 : f32 to vector<256x5120xf32>
    %mul3A_1416 = arith.mulf %mul3A_1415, %select_n3A_1402 : vector<256x5120xf32>
    %mul3A_1417 = arith.mulf %add3A_1414, %div3A_1405 : vector<256x5120xf32>
    %sub3A_1418 = arith.subf %mul3A_1416, %mul3A_1417 : vector<256x5120xf32>
    %exp3A_1419 = math.exp %sub3A_1418 : vector<256x5120xf32>
    %mul3A_1420 = arith.mulf %exp3A_1419, %div3A_1405 : vector<256x5120xf32>
    %jit3A_1421 = arith.constant 0.000000e+00 : f32
    %broadcast_in_dim3A_1422 = vector.broadcast %jit3A_1421 : f32 to vector<256x5120xf32>
    %select_n3A_1423 = arith.select %lt3A_1396, %mul3A_1420, %broadcast_in_dim3A_1422 : vector<256x5120xi1>, vector<256x5120xf32>
    %reduce_sum3A_1424 = arith.constant dense<0.000000e+00> : vector<256xf32>
    %reduce_sum3A_1425 = vector.multi_reduction <add>, %select_n3A_1423, %reduce_sum3A_1424 [1] : vector<256x5120xf32> to vector<256xf32>
    %broadcast_in_dim3A_1426 = vector.shape_cast %reduce_sum3A_1425 : vector<256xf32> to vector<256x1xf32>
    %mul3A_1427 = vector.broadcast %div3A : f32 to vector<256x1xf32>
    %mul3A_1428 = arith.mulf %mul3A_1427, %broadcast_in_dim3A_1426 : vector<256x1xf32>
    %ge3A_1429 = arith.constant 2.000000e+00 : f32
    %ge3A_1430 = vector.broadcast %ge3A_1429 : f32 to vector<256x1xf32>
    %ge3A_1431 = arith.cmpf oge, %get3A_1383, %ge3A_1430 : vector<256x1xf32>
    %le3A_1432 = arith.constant 5.000000e+01 : f32
    %le3A_1433 = vector.broadcast %le3A_1432 : f32 to vector<256x1xf32>
    %le3A_1434 = arith.cmpf ole, %get3A_1383, %le3A_1433 : vector<256x1xf32>
    %and3A_1435 = arith.andi %ge3A_1431, %le3A_1434 : vector<256x1xi1>
    %jit3A_1436 = arith.constant 1.000000e+00 : f32
    %broadcast_in_dim3A_1437 = vector.broadcast %jit3A_1436 : f32 to vector<256x1xf32>
    %select_n3A_1438 = arith.select %and3A_1435, %mul3A_1428, %broadcast_in_dim3A_1437 : vector<256x1xi1>, vector<256x1xf32>
    %log3A_1439 = math.log %select_n3A_1438 : vector<256x1xf32>
    %jit3A_1440 = arith.constant 0.000000e+00 : f32
    %broadcast_in_dim3A_1441 = vector.broadcast %jit3A_1440 : f32 to vector<256x1xf32>
    %select_n3A_1442 = arith.select %and3A_1435, %log3A_1439, %broadcast_in_dim3A_1441 : vector<256x1xi1>, vector<256x1xf32>
    %reduce_sum3A_1443 = vector.shape_cast %select_n3A_1442 : vector<256x1xf32> to vector<1x256x1xf32>
    %reduce_sum3A_1444 = arith.constant dense<0.000000e+00> : vector<1xf32>
    %reduce_sum3A_1445 = vector.multi_reduction <add>, %reduce_sum3A_1443, %reduce_sum3A_1444 [1, 2] : vector<1x256x1xf32> to vector<1xf32>
    %reduce_sum3A_1446 = vector.shape_cast %reduce_sum3A_1445 : vector<1xf32> to vector<1x1x1xf32>
    %reduce_sum3A_1447 = vector.extract %reduce_sum3A_1446[0, 0, 0] : f32 from vector<1x1x1xf32>
    %add3A_1448 = arith.addf %add3A_1380, %reduce_sum3A_1447 : f32
    %get3A_1449 = arith.constant 0 : index
    %get3A_1450 = arith.constant 0 : index
    %get3A_1451 = vector.load %arg7[%get3A_1449, %get3A_1450] : memref<1x16xf32, #tpu.memory_space<vmem>>, vector<1x16xf32>
    %iota3A = tpu.iota {dimensions = array<i32: 1>} : vector<1x16xi32>
    %eq3A = arith.constant 0 : i32
    %eq3A_1452 = vector.broadcast %eq3A : i32 to vector<1x16xi32>
    %eq3A_1453 = arith.cmpi eq, %iota3A, %eq3A_1452 : vector<1x16xi32>
    %jit3A_1454 = arith.constant 0.000000e+00 : f32
    %broadcast_in_dim3A_1455 = vector.broadcast %jit3A_1454 : f32 to vector<1x16xf32>
    %select_n3A_1456 = arith.select %eq3A_1453, %get3A_1451, %broadcast_in_dim3A_1455 : vector<1x16xi1>, vector<1x16xf32>
    %reduce_sum3A_1457 = vector.shape_cast %select_n3A_1456 : vector<1x16xf32> to vector<1x1x16xf32>
    %reduce_sum3A_1458 = arith.constant dense<0.000000e+00> : vector<1xf32>
    %reduce_sum3A_1459 = vector.multi_reduction <add>, %reduce_sum3A_1457, %reduce_sum3A_1458 [1, 2] : vector<1x1x16xf32> to vector<1xf32>
    %reduce_sum3A_1460 = vector.shape_cast %reduce_sum3A_1459 : vector<1xf32> to vector<1x1x1xf32>
    %reduce_sum3A_1461 = vector.extract %reduce_sum3A_1460[0, 0, 0] : f32 from vector<1x1x1xf32>
    %eq3A_1462 = arith.constant 1 : i32
    %eq3A_1463 = vector.broadcast %eq3A_1462 : i32 to vector<1x16xi32>
    %eq3A_1464 = arith.cmpi eq, %iota3A, %eq3A_1463 : vector<1x16xi32>
    %jit3A_1465 = arith.constant 0.000000e+00 : f32
    %broadcast_in_dim3A_1466 = vector.broadcast %jit3A_1465 : f32 to vector<1x16xf32>
    %select_n3A_1467 = arith.select %eq3A_1464, %get3A_1451, %broadcast_in_dim3A_1466 : vector<1x16xi1>, vector<1x16xf32>
    %reduce_sum3A_1468 = vector.shape_cast %select_n3A_1467 : vector<1x16xf32> to vector<1x1x16xf32>
    %reduce_sum3A_1469 = arith.constant dense<0.000000e+00> : vector<1xf32>
    %reduce_sum3A_1470 = vector.multi_reduction <add>, %reduce_sum3A_1468, %reduce_sum3A_1469 [1, 2] : vector<1x1x16xf32> to vector<1xf32>
    %reduce_sum3A_1471 = vector.shape_cast %reduce_sum3A_1470 : vector<1xf32> to vector<1x1x1xf32>
    %reduce_sum3A_1472 = vector.extract %reduce_sum3A_1471[0, 0, 0] : f32 from vector<1x1x1xf32>
    %eq3A_1473 = arith.constant 2 : i32
    %eq3A_1474 = vector.broadcast %eq3A_1473 : i32 to vector<1x16xi32>
    %eq3A_1475 = arith.cmpi eq, %iota3A, %eq3A_1474 : vector<1x16xi32>
    %jit3A_1476 = arith.constant 0.000000e+00 : f32
    %broadcast_in_dim3A_1477 = vector.broadcast %jit3A_1476 : f32 to vector<1x16xf32>
    %select_n3A_1478 = arith.select %eq3A_1475, %get3A_1451, %broadcast_in_dim3A_1477 : vector<1x16xi1>, vector<1x16xf32>
    %reduce_sum3A_1479 = vector.shape_cast %select_n3A_1478 : vector<1x16xf32> to vector<1x1x16xf32>
    %reduce_sum3A_1480 = arith.constant dense<0.000000e+00> : vector<1xf32>
    %reduce_sum3A_1481 = vector.multi_reduction <add>, %reduce_sum3A_1479, %reduce_sum3A_1480 [1, 2] : vector<1x1x16xf32> to vector<1xf32>
    %reduce_sum3A_1482 = vector.shape_cast %reduce_sum3A_1481 : vector<1xf32> to vector<1x1x1xf32>
    %reduce_sum3A_1483 = vector.extract %reduce_sum3A_1482[0, 0, 0] : f32 from vector<1x1x1xf32>
    %log3A_1484 = math.log %get3A_2 : f32
    %mul3A_1485 = arith.mulf %reduce_sum3A_1483, %log3A_1484 : f32
    %add3A_1486 = arith.addf %mul3A_1485, %add3A_1448 : f32
    %mul3A_1487 = arith.mulf %get3A_2, %reduce_sum3A_1472 : f32
    %add3A_1488 = arith.addf %mul3A_1487, %reduce_sum3A_1461 : f32
    %sub3A_1489 = arith.subf %add3A_1486, %add3A_1488 : f32
    %reshape3A = vector.broadcast %sub3A_1489 : f32 to vector<1x1xf32>
    %swap3A = arith.constant 0 : index
    %swap3A_1490 = arith.constant 0 : index
    %swap3A_1491 = vector.load %arg8[%swap3A, %swap3A_1490] : memref<1x1xf32, #tpu.memory_space<vmem>>, vector<1x1xf32>
    tpu.vector_store %arg8[%swap3A, %swap3A_1490], %reshape3A {strides = array<i32>} : memref<1x1xf32, #tpu.memory_space<vmem>>, vector<1x1xf32>,
    %reshape3A_1492 = vector.broadcast %add3A_1486 : f32 to vector<1x1xf32>
    %swap3A_1493 = arith.constant 0 : index
    %swap3A_1494 = arith.constant 0 : index
    %swap3A_1495 = vector.load %arg9[%swap3A_1493, %swap3A_1494] : memref<1x1xf32, #tpu.memory_space<vmem>>, vector<1x1xf32>
    tpu.vector_store %arg9[%swap3A_1493, %swap3A_1494], %reshape3A_1492 {strides = array<i32>} : memref<1x1xf32, #tpu.memory_space<vmem>>, vector<1x1xf32>,
    %reshape3A_1496 = vector.broadcast %add3A_1488 : f32 to vector<1x1xf32>
    %swap3A_1497 = arith.constant 0 : index
    %swap3A_1498 = arith.constant 0 : index
    %swap3A_1499 = vector.load %arg10[%swap3A_1497, %swap3A_1498] : memref<1x1xf32, #tpu.memory_space<vmem>>, vector<1x1xf32>
    tpu.vector_store %arg10[%swap3A_1497, %swap3A_1498], %reshape3A_1496 {strides = array<i32>} : memref<1x1xf32, #tpu.memory_space<vmem>>, vector<1x1xf32>,
    return
  }
}

</mosaic_0001>

<sc_bundles>
// kernel: kernel.4.cloned.1.call-start
scs
__scs_entry_jumppad:
0x0: {  	(pc) =	sbr.rel $0x88, $3  }
0x1: {  	(tag) =	ssettag $0x0;
	lr =	simm.s32 $0x1  }
0x2: {  	[smem:$0x3F9B] =	sst lr;
	_ =	strace $0xD0000000  }
0x3: {  	_ = 	snop  }
0x4: {  	_ = 	snop  }
0x5: {  	_ = 	snop  }
0x6: {  	_ = 	snop  }
0x7: {  	_ = 	snop  }
__scs_overlays_trampoline_lowered:
0x8: {  	[smem:$0x3FAA] =	sst s0  }
0x9: {  	[smem:$0x3FAB] =	sst s1  }
0xa: {  	[smem:$0x3FAC] =	sst s2  }
0xb: {  	[smem:$0x3FAD] =	sst s3  }
0xc: {  	[smem:$0x3FAE] =	sst s4  }
0xd: {  	[smem:$0x3FAF] =	sst s5  }
0xe: {  	[smem:$0x3FB0] =	sst s6  }
0xf: {  	[smem:$0x3FB1] =	sst s7  }
0x10: {  	[smem:$0x3FB2] =	sst s8  }
0x11: {  	[smem:$0x3FB3] =	sst s9;
	s0 =	simm.s32 @!p0 $0x0  }
0x12: {  	s1 =	sld [smem:$0x3F99];
	s0 =	simm.s32 @p0 $0x1  }
0x13: {  	[smem:$0x3FB4] =	sst s0;
	s0 =	simm.s32 @!p1 $0x0  }
0x14: {  	s2 =	sld [smem:$0x3F98];
	s0 =	simm.s32 @p1 $0x1  }
0x15: {  	[smem:$0x3FB5] =	sst s0;
	s0 =	simm.s32 @!p2 $0x0  }
0x16: {  	s3 =	sld [smem:$0x3FDB];
	s0 =	simm.s32 @p2 $0x1  }
0x17: {  	s4 =	simm.s32 $0x1BF5;
	[smem:$0x3FB7] =	sst s0  }
0x18: {  	s0 =	sld [smem:$0x3F9A];
	_ =	swait.ge [sflag:s4], $0x0  }
0x19: {  	s7 =	sld [smem:$0x3F9B]  }
0x1a: {  	s8 =	sadd.s32 $0xFFFFE003, lr  }
0x1b: {  	s9 =	sadd.s32 $0xFFFFFEF7, lr;
	s5 =	simm.s32 $0xFFFFFFFF;
	p2 =	slt.u32 s8, $0xFFFFF086  }
0x1c: {  	p1 =	slt.u32 s9, $0xF7A;
	s5 =	simm.s32 @!p2 $0x0  }
0x1d: {  	s5 =	simm.s32 @p1 $0x1;
	p0 =	seq.s32 s7, s2  }
0x1e: {  	s7 =	smul.u32 @!p0 $0xF7A, s2;
	p2 =	seq.s32 @!p0 s5, $0x0  }
0x1f: {  	s9 =	smul.u32 $0xF7A, s1;
	s8 =	simm.s32 @!p0 $0x1BF5;
	p2 =	por !p2, p0  }
0x20: {  	[sflag:s8] =	ssyncset.s32 @!p0 $0xFFFFF086;
	s6 =	sadd.s32 @!p0 s3, s7;
	s7 =	simm.s32 @!p0 $0x108  }
0x21: {  	s3 =	sadd.s32 s3, s9;
	s6 =	sadd.s32 @!p0 $0x88, s6;
	s7 =	simm.s32 @p2 $0x1082  }
0x22: {  	[simem:s7], [sflag:s8] =	dma.local @!p0 [hbm:s6], $0xF7A  }
0x23: {  	s9 =	sor.u32 $0xD0000000, s2;
	s6 =	simm.s32 $0x108;
	_ =	swait.ge @!p0 [sflag:s8], $0x0  }
0x24: {  	s3 =	sadd.s32 $0x88, s3;
	s6 =	simm.s32 @!p1 $0x1082;
	[sflag:s4] =	ssyncset.s32 $0xFFFFF086  }
0x25: {  	[simem:s6], [sflag:s4] =	dma.local [hbm:s3], $0xF7A  }
0x26: {  	[smem:$0x3F9B] =	sst s1;
	(tag) =	ssettag s2;
	_ =	strace s9  }
0x27: {  	s1 =	sld [smem:$0x3FAB]  }
0x28: {  	s2 =	sld [smem:$0x3FAC]  }
0x29: {  	s4 =	sld [smem:$0x3FAE]  }
0x2a: {  	p0 =	seq.s32 s5, $0x0;
	s5 =	sld [smem:$0x3FAF]  }
0x2b: {  	s6 =	sld [smem:$0x3FB0]  }
0x2c: {  	s7 =	sld [smem:$0x3FB1]  }
0x2d: {  	s3 =	simm.s32 $0x108;
	s8 =	sld [smem:$0x3FB2]  }
0x2e: {  	s3 =	simm.s32 @!p0 $0x1082;
	s9 =	sld [smem:$0x3FB3]  }
0x2f: {  	lr =	sadd.s32 s0, s3;
	s0 =	sld [smem:$0x3FAA]  }
0x30: {  	s3 =	sld [smem:$0x3FAD]  }
0x31: {  	[smem:$0x3FB6] =	sst s10  }
0x32: {  	s10 =	sld [smem:$0x3FB4];
	_ =	sdelay $0x3  }
0x33: {  	p0 =	seq.s32 s10, $0x1;
	s10 =	sld [smem:$0x3FB6];
	_ =	sdelay $0x3  }
0x34: {  	[smem:$0x3FB6] =	sst s10  }
0x35: {  	s10 =	sld [smem:$0x3FB5];
	_ =	sdelay $0x3  }
0x36: {  	p1 =	seq.s32 s10, $0x1;
	s10 =	sld [smem:$0x3FB6];
	_ =	sdelay $0x3  }
0x37: {  	[smem:$0x3FB6] =	sst s10  }
0x38: {  	s10 =	sld [smem:$0x3FB7]  }
0x39: {  	_ = 	snop;
	(pc) =	sbr.ind lr, $3  }
0x3a: {  	_ = 	snop  }
0x3b: {  	_ = 	snop  }
0x3c: {  	p2 =	seq.s32 s10, $0x1;
	s10 =	sld [smem:$0x3FB6]  }
0x3d: {  	_ =	shalt  }
0x3e: {  	_ =	shalt  }
0x3f: {  	_ =	shalt  }
0x40: {  	_ =	shalt  }
0x41: {  	_ =	shalt  }
0x42: {  	_ =	shalt  }
0x43: {  	_ =	shalt  }
0x44: {  	_ =	shalt  }
0x45: {  	_ =	shalt  }
0x46: {  	_ =	shalt  }
0x47: {  	_ =	shalt  }
0x48: {  	_ =	shalt  }
0x49: {  	_ =	shalt  }
0x4a: {  	_ =	shalt  }
0x4b: {  	_ =	shalt  }
0x4c: {  	_ =	shalt  }
0x4d: {  	_ =	shalt  }
0x4e: {  	_ =	shalt  }
0x4f: {  	_ =	shalt  }
0x50: {  	_ =	shalt  }
0x51: {  	_ =	shalt  }
0x52: {  	_ =	shalt  }
0x53: {  	_ =	shalt  }
0x54: {  	_ =	shalt  }
0x55: {  	_ =	shalt  }
0x56: {  	_ =	shalt  }
0x57: {  	_ =	shalt  }
0x58: {  	_ =	shalt  }
0x59: {  	_ =	shalt  }
0x5a: {  	_ =	shalt  }
0x5b: {  	_ =	shalt  }
0x5c: {  	_ =	shalt  }
0x5d: {  	_ =	shalt  }
0x5e: {  	_ =	shalt  }
0x5f: {  	_ =	shalt  }
0x60: {  	_ =	shalt  }
0x61: {  	_ =	shalt  }
0x62: {  	_ =	shalt  }
0x63: {  	_ =	shalt  }
0x64: {  	_ =	shalt  }
0x65: {  	_ =	shalt  }
0x66: {  	_ =	shalt  }
0x67: {  	_ =	shalt  }
0x68: {  	_ =	shalt  }
0x69: {  	_ =	shalt  }
0x6a: {  	_ =	shalt  }
0x6b: {  	_ =	shalt  }
0x6c: {  	_ =	shalt  }
0x6d: {  	_ =	shalt  }
0x6e: {  	_ =	shalt  }
0x6f: {  	_ =	shalt  }
0x70: {  	_ =	shalt  }
0x71: {  	_ =	shalt  }
0x72: {  	_ =	shalt  }
0x73: {  	_ =	shalt  }
0x74: {  	_ =	shalt  }
0x75: {  	_ =	shalt  }
0x76: {  	_ =	shalt  }
0x77: {  	_ =	shalt  }
0x78: {  	_ =	shalt  }
0x79: {  	_ =	shalt  }
0x7a: {  	_ =	shalt  }
0x7b: {  	_ =	shalt  }
0x7c: {  	_ =	shalt  }
0x7d: {  	_ =	shalt  }
0x7e: {  	_ =	shalt  }
0x7f: {  	_ =	shalt  }
0x80: {  	_ =	shalt  }
0x81: {  	_ =	shalt  }
0x82: {  	_ =	shalt  }
0x83: {  	_ =	shalt  }
0x84: {  	_ =	shalt  }
0x85: {  	_ =	shalt  }
0x86: {  	_ =	shalt  }
0x87: {  	_ =	shalt  }
.Lfunc_end0:
.L_simem_size_0:
called_computation_lowered:
.L_overlay_start_0:
0x88: {  	s2 =	sld [smem:$0x3FD9]  }
0x89: {  	s3 =	sld [smem:$0x3FFE];
	_ =	sdelay $0x1  }
0x8a: {  	s1 =	srdreg.scid  }
0x8b: {  	s0 =	sand.u32 $0x1, s1  }
0x8c: {  	s16 =	sshll.u32 s0, $0xA;
	s2 =	sadd.s32 s3, s2  }
0x8d: {  	s2 =	sadd.s32 s2, s16  }
0x8e: {  	[smem:$0x3FC2] =	sst s2  }
0x8f: {  	_ = 	snop  }
0x90: {  	(tm) =	ssettm $0x1  }
0x91: {  	s17 =	sld [smem:$0x3FFB];
	_ =	sdelay $0x3  }
0x92: {  	_ =	strace s17  }
0x93: {  	s2 =	sld [smem:$0x3FFC];
	_ =	sdelay $0x3  }
0x94: {  	_ =	strace s2  }
0x95: {  	s2 =	sld [smem:$0x3FFD];
	_ =	sdelay $0x3  }
0x96: {  	_ =	strace s2  }
0x97: {  	_ =	strace $0x8FFFFFFF  }
0x98: {  	s18 =	sld [smem:$0x3FDB];
	_ =	sdelay $0x1  }
0x99: {  	s19 =	simm.s32 $_scs_section_size  }
0x9a: {  	s4 =	simm.s32 $_size__tile_overlayer_lowered;
	s5 =	simm.s32 $_tile_overlayer_lowered  }
0x9b: {  	s22 =	simm.s32 $0x1BFF;
	s21 =	sshll.u32 s5, $0x1;
	s2 =	sadd.s32 s19, s18  }
0x9c: {  	s6 =	simm.s32 $0x0;
	s20 =	sshll.u32 s4, $0x1;
	s4 =	sadd.s32 s21, s2  }
0x9d: {  	[timem:s6], [sflag:s22] =	dma.local [hbm:s4], s20  }
0x9e: {  	_ =	swait.ge [sflag:s22], s20  }
0x9f: {  	s3 =	ssub.s32 $0x0, s20;
	[sflag:s22] =	ssyncset.done $0x0  }
0xa0: {  	[sflag:s22] =	ssyncadd.s32 s3;
	_ =	sdelay $0x1  }
0xa1: {  	s23 =	simm.s32 $0x1B8B  }
0xa2: {  	_ =	swait.ge [sflag:s23], $0x1  }
0xa3: {  	[sflag:s23] =	ssyncset.done $0x0  }
0xa4: {  	s25 =	simm.s32 $0x1B8E;
	s24 =	sld [smem:$0x3FFE];
	[sflag:s23] =	ssyncadd.s32 $0xFFFFFFFF  }
0xa5: {  	s26 =	simm.s32 $execute0_lowered;
	[smem:$0x3FD2] =	sst s25  }
0xa6: {  	s4 =	sshll.u32 s26, $0x1;
	_ =	strace $0x80000046;
	[dreg:$0x1] =	wrdreg $0xFFFFFFFF  }
0xa7: {  	s28 =	simm.s32 $_size_execute0_lowered;
	s2 =	sadd.s32 s2, s4;
	[dreg:$0x0] =	wrdreg $0x0  }
0xa8: {  	s4 =	sshll.u32 s28, $0x1;
	[dreg:$0x2] =	wrdreg s2  }
0xa9: {  	[dreg:$0x3] =	wrdreg s4  }
0xaa: {  	[dreg:$0x4] =	wrdreg $0xC0  }
0xab: {  	_ =	task [dreg:s6], $0x5FFFF  }
0xac: {  	[dreg:$0x1] =	wrdreg $0xFFFFFFFF  }
0xad: {  	[dreg:$0x0] =	wrdreg $0x60  }
0xae: {  	[dreg:$0x2] =	wrdreg s24  }
0xaf: {  	[dreg:$0x3] =	wrdreg $0x7000  }
0xb0: {  	[dreg:$0x4] =	wrdreg $0x9  }
0xb1: {  	_ =	task.clear_ibuf [dreg:s6], $0x5FFFF;
	_ =	strace $0x90000046  }
0xb2: {  	s29 =	simm.s32 $0x9;
	_ =	strace $0x80000048  }
0xb3: {  	_ =	swait.ge [sflag:s29], $0x1  }
0xb4: {  	[sflag:s29] =	ssyncadd.s32 $0xFFFFFFFF  }
0xb5: {  	_ =	strace $0x90000048  }
0xb6: {  	_ =	sfence  }
0xb7: {  	s30 =	sld [smem:$0x0];
	_ =	sdelay $0x2  }
0xb8: {  	s31 =	sshll.u32 s1, $0xD;
	s1 =	sshrl.u32 s1, $0x2  }
0xb9: {  	s3 =	sand.u32 $0x4000, s31;
	s1 =	sadd.s32 s1, s30  }
0xba: {  	s0 =	sor.u32 s3, s0;
	s1 =	sshll.u32 s1, $0x11  }
0xbb: {  	s0 =	sor.u32 s1, s0  }
0xbc: {  	s0 =	sadd.s32 $0x8F2B, s0  }
0xbd: {  	[sflag:s0] =	ssyncadd.remote.s32 $0x1  }
0xbe: {  	_ =	sfence.sel $0xFFFF  }
0xbf: {  	[dreg:$0x0] =	wrdreg $0xFFFFFFFF;
	(pc) =	sbr.abs _section_cstart, $3  }
0xc0: {  	[dreg:$0x1] =	wrdreg $0xFFFFFFFF  }
0xc1: {  	_ =	task.clear_ibuf [dreg:s6], $0x2FFFF;
	_ =	strace $0x9FFFFFFF  }
0xc2: {  	(tm) =	ssettm $0x7FFFFFFF  }
0xc3: {  	_ =	shalt  }
tec
execute0_lowered:
.L_overlay_start_1:
0x0: {  	(tag) =	ssettag $0x1  }
0x1: {  	v0 =	vimm.f32 $1.600000000e+01  }
0x2: {  	vm14 =	vcmask $0x300;
	vm13 =	vcmask $0x704;
	vm12 =	vcmask $0xB08  }
0x3: {  	vm11 =	vcmask $0xF0C;
	vm10 =	vcmask $0x1310;
	vm9 =	vcmask $0x1714  }
0x4: {  	vm8 =	vcmask $0x1B18;
	vm7 =	vcmask $0x1F1C;
	vm6 =	vcmask $0x2320  }
0x5: {  	vm5 =	vcmask $0x2724;
	vm4 =	vcmask $0x2B28;
	v3 =	vimm.f32 $3.200000000e+01  }
0x6: {  	v4 =	vimm.f32 $4.800000000e+01;
	v5 =	vimm.f32 $6.400000000e+01;
	v22 =	vimm.s32 $0x0  }
0x7: {  	vm15 =	vmmov $0xf;
	v0 =	vsel vm14, $0x3F800000, v0;
	v3 =	vsel vm14, $0x41880000, v3  }
0x8: {  	v4 =	vsel vm14, $0x42040000, v4;
	v5 =	vsel vm14, $0x42440000, v5;
	vm14 =	vmmov $0x7  }
0x9: {  	v0 =	vsel vm13, $0x40000000, v0;
	v3 =	vsel vm13, $0x41900000, v3;
	v4 =	vsel vm13, $0x42080000, v4  }
0xa: {  	s5 =	rddreg [dreg:$0x0];
	v5 =	vsel vm13, $0x42480000, v5;
	vm13 =	vmmov $0x3;
	v0 =	vsel vm12, $0x40400000, v0  }
0xb: {  	s1 =	rddreg [dreg:$0x1];
	s2 =	simm.s32 $0x0;
	v3 =	vsel vm12, $0x41980000, v3;
	v4 =	vsel vm12, $0x420C0000, v4;
	v5 =	vsel vm12, $0x424C0000, v5  }
0xc: {  	[smem:$0x7FF] =	sst s2;
	v22 =	vsel vm13, $0xFFFFFFFF, v22;
	v0 =	vsel vm11, $0x40800000, v0;
	v3 =	vsel vm11, $0x41A00000, v3  }
0xd: {  	s0 =	rddreg [dreg:$0x2];
	_ =	strace $0x80000047;
	v4 =	vsel vm11, $0x42100000, v4;
	v5 =	vsel vm11, $0x42500000, v5;
	[tilespmem:$0x1FF10] =	vst v22;
	v22 =	vimm.s32 $0x0  }
0xe: {  	v0 =	vsel vm10, $0x40A00000, v0;
	v3 =	vsel vm10, $0x41A80000, v3;
	v4 =	vsel vm10, $0x42140000, v4  }
0xf: {  	v5 =	vsel vm10, $0x42540000, v5;
	v22 =	vsel vm14, $0xFFFFFFFF, v22;
	v0 =	vsel vm9, $0x40C00000, v0  }
0x10: {  	v3 =	vsel vm9, $0x41B00000, v3;
	v4 =	vsel vm9, $0x42180000, v4;
	v5 =	vsel vm9, $0x42580000, v5  }
0x11: {  	[tilespmem:$0x1FF20] =	vst v22;
	v22 =	vimm.s32 $0x0;
	v0 =	vsel vm8, $0x40E00000, v0;
	v3 =	vsel vm8, $0x41B80000, v3  }
0x12: {  	v4 =	vsel vm8, $0x421C0000, v4;
	v5 =	vsel vm8, $0x425C0000, v5;
	v22 =	vsel vm15, $0xFFFFFFFF, v22  }
0x13: {  	v0 =	vsel vm7, $0x41000000, v0;
	v3 =	vsel vm7, $0x41C00000, v3;
	v4 =	vsel vm7, $0x42200000, v4  }
0x14: {  	v5 =	vsel vm7, $0x42600000, v5;
	[tilespmem:$0x1FF30] =	vst v22;
	v22 =	vimm.s32 $0x0;
	v0 =	vsel vm6, $0x41100000, v0  }
0x15: {  	v3 =	vsel vm6, $0x41C80000, v3;
	v4 =	vsel vm6, $0x42240000, v4;
	v5 =	vsel vm6, $0x42640000, v5  }
0x16: {  	v0 =	vsel vm5, $0x41200000, v0;
	v3 =	vsel vm5, $0x41D00000, v3;
	v4 =	vsel vm5, $0x42280000, v4  }
0x17: {  	v5 =	vsel vm5, $0x42680000, v5;
	v0 =	vsel vm4, $0x41300000, v0;
	v3 =	vsel vm4, $0x41D80000, v3  }
0x18: {  	v4 =	vsel vm4, $0x422C0000, v4;
	v5 =	vsel vm4, $0x426C0000, v5;
	vm4 =	vmmov $0x1f  }
0x19: {  	vm3 =	vcmask $0x2F2C;
	vm2 =	vcmask $0x3330;
	v22 =	vsel vm4, $0xFFFFFFFF, v22  }
0x1a: {  	vm1 =	vcmask $0x3734;
	vm5 =	vmmov $0x3f;
	[tilespmem:$0x1FF40] =	vst v22;
	v22 =	vimm.s32 $0x0  }
0x1b: {  	vm0 =	vcmask $0x3B38;
	v2 =	vimm.f32 $0.0e+00;
	v22 =	vsel vm5, $0xFFFFFFFF, v22  }
0x1c: {  	v6 =	vimm.s32 $0x1;
	vm6 =	vmmov $0x7f;
	[tilespmem:$0x1FF50] =	vst v22;
	v22 =	vimm.s32 $0x0  }
0x1d: {  	v7 =	vimm.s32 $0x2;
	v8 =	vimm.s32 $0x3;
	v22 =	vsel vm6, $0xFFFFFFFF, v22  }
0x1e: {  	v9 =	vimm.s32 $0x4;
	vm7 =	vmmov $0xff;
	[tilespmem:$0x1FF60] =	vst v22;
	v22 =	vimm.s32 $0x0  }
0x1f: {  	v10 =	vimm.s32 $0x5;
	v11 =	vimm.s32 $0x6;
	v22 =	vsel vm7, $0xFFFFFFFF, v22  }
0x20: {  	v12 =	vimm.s32 $0x7;
	vm8 =	vmmov $0x1ff;
	[tilespmem:$0x1FF70] =	vst v22;
	v22 =	vimm.s32 $0x0  }
0x21: {  	v13 =	vimm.s32 $0x8;
	v14 =	vimm.s32 $0x9;
	v22 =	vsel vm8, $0xFFFFFFFF, v22  }
0x22: {  	v15 =	vimm.s32 $0xA;
	vm9 =	vmmov $0x3ff;
	[tilespmem:$0x1FF80] =	vst v22;
	v22 =	vimm.s32 $0x0  }
0x23: {  	v16 =	vimm.s32 $0xB;
	v17 =	vimm.s32 $0xC;
	v22 =	vsel vm9, $0xFFFFFFFF, v22  }
0x24: {  	v18 =	vimm.s32 $0xD;
	vm10 =	vmmov $0x7ff;
	[tilespmem:$0x1FF90] =	vst v22;
	v22 =	vimm.s32 $0x0  }
0x25: {  	v19 =	vimm.s32 $0xE;
	v20 =	vimm.s32 $0xF;
	v22 =	vsel vm10, $0xFFFFFFFF, v22  }
0x26: {  	v21 =	vlaneseq.u32;
	vm11 =	vmmov $0xfff;
	[tilespmem:$0x1FFA0] =	vst v22;
	v22 =	vimm.s32 $0x0  }
0x27: {  	vm12 =	vmmov $0x1fff;
	vm13 =	vmmov $0x3fff;
	v22 =	vsel vm11, $0xFFFFFFFF, v22  }
0x28: {  	vm14 =	vmmov $0x7fff;
	vm15 =	vmmov $0x1;
	[tilespmem:$0x1FFB0] =	vst v22;
	v22 =	vimm.s32 $0x0  }
0x29: {  	s3 =	stileid.u32;
	s6 =	srdreg.scid;
	v0 =	vsel vm3, $0x41400000, v0;
	v3 =	vsel vm3, $0x41E00000, v3;
	v22 =	vsel vm12, $0xFFFFFFFF, v22  }
0x2a: {  	s12 =	simm.s32 $0x280;
	s13 =	simm.s32 $0x680;
	s14 =	simm.s32 $0x0;
	v4 =	vsel vm3, $0x42300000, v4;
	v5 =	vsel vm3, $0x42700000, v5;
	[tilespmem:$0x1FFC0] =	vst v22;
	v22 =	vimm.s32 $0x0  }
0x2b: {  	s4 =	smul.u32 $0x28, s3;
	s8 =	sand.u32 $0x1, s6;
	s10 =	sshll.u32 s3, $0x6;
	v0 =	vsel vm2, $0x41500000, v0;
	v3 =	vsel vm2, $0x41E80000, v3;
	v22 =	vsel vm13, $0xFFFFFFFF, v22  }
.Ltmp0:
0x2c: {  	s7 =	ssub.s32 $0x2, s8;
	s11 =	sor.u32 s8, s3;
	v4 =	vsel vm2, $0x42340000, v4;
	v5 =	vsel vm2, $0x42740000, v5;
	[tilespmem:$0x1FFD0] =	vst v22;
	v22 =	vimm.s32 $0x0;
	(pc) =	sbr.rel .LBB2_1-.Ltmp0, $4  }
0x2d: {  	s31 =	sadd.s32 s4, s5;
	s4 =	sadd.s32 $0x1400, s5;
	s5 =	sadd.s32 $0x1600, s5;
	v1 =	vsel vm1, $0x41600000, v0;
	v0 =	vimm.s32 $0x0;
	v22 =	vsel vm14, $0xFFFFFFFF, v22  }
0x2e: {  	s9 =	sshrl.u32 s7, $0x1;
	p0 =	sne.s32 s11, $0x0;
	s11 =	simm.s32 $0x180;
	v3 =	vsel vm1, $0x41F00000, v3;
	v4 =	vsel vm1, $0x42380000, v4;
	[tilespmem:$0x1FFE0] =	vst v22;
	v22 =	vimm.s32 $0x0  }
0x2f: {  	s9 =	ssub.s32 s7, s9;
	s6 =	sadd.s32 $0x1000, s31;
	s7 =	sadd.s32 s10, s1;
	v5 =	vsel vm1, $0x42780000, v5;
	v1 =	vsel vm0, $0x41700000, v1;
	v22 =	vsel vm15, $0xFFFFFFFF, v22  }
0x30: {  	s10 =	simm.s32 $0x200;
	s8 =	smax.u32 s9, $0x1;
	s9 =	simm.s32 $0x1;
	v3 =	vsel vm0, $0x41F80000, v3;
	v4 =	vsel vm0, $0x423C0000, v4;
	v5 =	vsel vm0, $0x427C0000, v5;
	[tilespmem:$0x1FFF0] =	vst v22  }
.LBB2_5:
0x31: {  	s14 =	sadd.s32 $0x1, s14  }
0x32: {  	p1 =	sne.s32 s14, s8  }
.Ltmp1:
0x33: {  	_ = 	snop;
	(pc) =	sbr.rel @!p1 .LBB2_6-.Ltmp1, $1  }
0x34: {  	_ =	sdelay $0x3  }
.LBB2_1:
0x35: {  	[tilespmem:s2], [sflag:$0x1] =	stream.linear.gather [hbm4b:s6+s2], $0x140, $0x38;
	[tilespmem:$0x740] =	vst v63  }
0x36: {  	_ =	swait.ge [sflag:s9], $0x140  }
0x37: {  	[sflag:s9] =	ssyncset.done $0x0  }
0x38: {  	[sflag:s9] =	ssyncadd.s32 $0xFFFFFEC0  }
0x39: {  	[tilespmem:s10], [sflag:$0x1] =	stream.linear.gather [hbm4b:s4+s2], $0x80, $0x38;
	[tilespmem:$0x740] =	vst v63  }
0x3a: {  	_ =	swait.ge [sflag:s9], $0x80  }
0x3b: {  	[sflag:s9] =	ssyncset.done $0x0  }
0x3c: {  	s15 =	simm.s32 $0x0;
	[sflag:s9] =	ssyncadd.s32 $0xFFFFFF80  }
0x3d: {  	v22 =	vld [tilespmem:s15+$0x0];
	_ =	sdelay $0x4  }
0x3e: {  	v23 =	vperm.xlane v22, v19  }
0x3f: {  	v24 =	vperm.xlane v22, v20;
	v25 =	vperm.xlane v22, v17  }
0x40: {  	v26 =	vperm.xlane v22, v18;
	v31 =	vperm.xlane v22, v15  }
0x41: {  	v28 =	vperm.xlane v22, v16;
	v35 =	vperm.xlane v22, v13  }
0x42: {  	v36 =	vperm.xlane v22, v14;
	v37 =	vperm.xlane v22, v11  }
0x43: {  	v38 =	vperm.xlane v22, v12;
	v39 =	vperm.xlane v22, v9  }
0x44: {  	v40 =	vperm.xlane v22, v10;
	v41 =	vperm.xlane v22, v7  }
0x45: {  	v42 =	vperm.xlane v22, v8;
	v43 =	vperm.xlane v22, v0  }
0x46: {  	v44 =	vperm.xlane v22, v6;
	v22 =	vimm.s32 $0x0;
	vm2 =	veq.f32 v24, v4  }
0x47: {  	v34 =	vimm.f32 $0.0e+00;
	v22 =	vsel vm2, $0xFFFFFFFF, v22  }
0x48: {  	v33 =	vimm.f32 $0.0e+00;
	vm2 =	veq.f32 v24, v5;
	[tilespmem:$0x1FC90] =	vst v22;
	v22 =	vimm.s32 $0x0  }
0x49: {  	v32 =	vimm.f32 $0.0e+00;
	v45 =	vimm.s32 $0x0;
	v22 =	vsel vm2, $0xFFFFFFFF, v22  }
0x4a: {  	v59 =	vimm.s32 $0x0;
	vm4 =	veq.f32 v23, v4;
	[tilespmem:$0x1FCA0] =	vst v22;
	v22 =	vimm.s32 $0x0  }
0x4b: {  	v60 =	vimm.s32 $0x0;
	v61 =	vimm.s32 $0x0;
	v22 =	vsel vm4, $0xFFFFFFFF, v22  }
0x4c: {  	v62 =	vimm.s32 $0x0;
	vm6 =	veq.f32 v23, v5;
	[tilespmem:$0x1FCB0] =	vst v22;
	v22 =	vimm.s32 $0x0  }
0x4d: {  	v63 =	vimm.s32 $0x0;
	v46 =	vimm.s32 $0x0;
	v22 =	vsel vm6, $0xFFFFFFFF, v22  }
0x4e: {  	v47 =	vimm.s32 $0x0;
	vm7 =	veq.f32 v26, v4;
	[tilespmem:$0x1FCC0] =	vst v22;
	v22 =	vimm.s32 $0x0  }
0x4f: {  	v48 =	vimm.s32 $0x0;
	v49 =	vimm.s32 $0x0;
	v22 =	vsel vm7, $0xFFFFFFFF, v22  }
0x50: {  	v50 =	vimm.s32 $0x0;
	vm7 =	veq.f32 v26, v5;
	[tilespmem:$0x1FCD0] =	vst v22;
	v22 =	vimm.s32 $0x0  }
0x51: {  	v51 =	vimm.s32 $0x0;
	v52 =	vimm.s32 $0x0;
	v22 =	vsel vm7, $0xFFFFFFFF, v22  }
0x52: {  	v53 =	vimm.s32 $0x0;
	vm8 =	veq.f32 v25, v4;
	[tilespmem:$0x1FCE0] =	vst v22;
	v22 =	vimm.s32 $0x0  }
0x53: {  	vm0 =	veq.f32 v24, v1;
	vm3 =	veq.f32 v23, v3;
	v22 =	vsel vm8, $0xFFFFFFFF, v22  }
0x54: {  	vm2 =	veq.f32 v23, v1;
	vm8 =	veq.f32 v25, v5;
	[tilespmem:$0x1FCF0] =	vst v22;
	v22 =	vimm.s32 $0x0  }
0x55: {  	v23 =	vsel vm0, $0x3F800000, v2;
	vm0 =	veq.f32 v28, v3;
	v22 =	vsel vm8, $0xFFFFFFFF, v22  }
0x56: {  	vm6 =	veq.f32 v25, v1;
	vm7 =	veq.f32 v25, v3;
	[tilespmem:$0x1FD00] =	vst v22;
	v22 =	vimm.s32 $0x0  }
0x57: {  	v25 =	vimm.s32 $0x0;
	v22 =	vsel vm0, $0xFFFFFFFF, v22;
	vm0 =	veq.f32 v28, v4  }
0x58: {  	vm1 =	veq.f32 v24, v3;
	v24 =	vsel vm2, $0x3F800000, v2;
	v25 =	vsel vm0, $0xFFFFFFFF, v25  }
0x59: {  	vm2 =	veq.f32 v28, v1;
	vm0 =	veq.f32 v31, v3;
	[tilespmem:$0x1FD20] =	vst v25;
	v25 =	vimm.s32 $0x0  }
0x5a: {  	v25 =	vsel vm0, $0xFFFFFFFF, v25;
	vm0 =	veq.f32 v28, v5;
	v28 =	vimm.s32 $0x0  }
0x5b: {  	v54 =	vimm.s32 $0x0;
	v55 =	vimm.s32 $0x0;
	v28 =	vsel vm0, $0xFFFFFFFF, v28  }
0x5c: {  	vm4 =	veq.f32 v26, v1;
	vm0 =	veq.f32 v36, v1;
	[tilespmem:$0x1FD40] =	vst v28;
	v28 =	vimm.s32 $0x0  }
0x5d: {  	v56 =	vimm.s32 $0x0;
	v27 =	vsel vm4, $0x3F800000, v2;
	[tilespmem:$0x1FD10] =	vst v22;
	v28 =	vsel vm0, $0xFFFFFFFF, v28  }
0x5e: {  	vm4 =	veq.f32 v31, v1;
	vm0 =	veq.f32 v31, v4;
	[tilespmem:$0x1FD50] =	vst v28;
	v28 =	vimm.s32 $0x0  }
0x5f: {  	[tilespmem:$0x1FD30] =	vst v25;
	v28 =	vsel vm0, $0xFFFFFFFF, v28;
	vm0 =	veq.f32 v31, v5;
	v31 =	vimm.s32 $0x0  }
0x60: {  	v57 =	vimm.s32 $0x0;
	[tilespmem:$0x1FD60] =	vst v28;
	v31 =	vsel vm0, $0xFFFFFFFF, v31;
	vm0 =	veq.f32 v36, v3  }
0x61: {  	v58 =	vimm.s32 $0x0;
	[tilespmem:$0x1FD70] =	vst v31;
	v45 =	vsel vm0, $0xFFFFFFFF, v45;
	vm0 =	veq.f32 v36, v4  }
0x62: {  	vm5 =	veq.f32 v26, v3;
	[tilespmem:$0x1FD80] =	vst v45;
	v45 =	vsel vm0, $0xFFFFFFFF, v59;
	vm0 =	veq.f32 v36, v5  }
0x63: {  	vm9 =	veq.f32 v39, v1;
	[tilespmem:$0x1FD90] =	vst v45;
	v36 =	vsel vm0, $0xFFFFFFFF, v60;
	vm0 =	veq.f32 v35, v1  }
0x64: {  	vm10 =	veq.f32 v39, v3;
	[tilespmem:$0x1FDA0] =	vst v36;
	v36 =	vsel vm0, $0xFFFFFFFF, v61;
	vm0 =	veq.f32 v35, v3  }
0x65: {  	vm12 =	veq.f32 v42, v3;
	[tilespmem:$0x1FDB0] =	vst v36;
	v36 =	vsel vm0, $0xFFFFFFFF, v62;
	vm0 =	veq.f32 v35, v4  }
0x66: {  	v45 =	vimm.s32 $0x0;
	[tilespmem:$0x1FDC0] =	vst v36;
	v36 =	vsel vm0, $0xFFFFFFFF, v63;
	vm0 =	veq.f32 v35, v5  }
0x67: {  	vm13 =	veq.f32 v41, v1;
	[tilespmem:$0x1FDD0] =	vst v36;
	v35 =	vsel vm0, $0xFFFFFFFF, v45;
	vm0 =	veq.f32 v38, v1  }
0x68: {  	vm11 =	veq.f32 v41, v3;
	[tilespmem:$0x1FDE0] =	vst v35;
	v35 =	vsel vm0, $0xFFFFFFFF, v46;
	vm0 =	veq.f32 v38, v3  }
0x69: {  	vm14 =	veq.f32 v44, v1;
	[tilespmem:$0x1FDF0] =	vst v35;
	v35 =	vsel vm0, $0xFFFFFFFF, v47;
	vm0 =	veq.f32 v38, v4  }
0x6a: {  	vm15 =	veq.f32 v44, v3;
	[tilespmem:$0x1FE00] =	vst v35;
	v35 =	vsel vm0, $0xFFFFFFFF, v48;
	vm0 =	veq.f32 v38, v5  }
0x6b: {  	v30 =	vsel vm2, $0x3F800000, v2;
	[tilespmem:$0x1FE10] =	vst v35;
	v35 =	vsel vm0, $0xFFFFFFFF, v49;
	vm0 =	veq.f32 v37, v1  }
0x6c: {  	vm2 =	veq.f32 v43, v4;
	[tilespmem:$0x1FE20] =	vst v35;
	v35 =	vsel vm0, $0xFFFFFFFF, v50;
	vm0 =	veq.f32 v37, v3  }
0x6d: {  	v29 =	vsel vm6, $0x3F800000, v2;
	[tilespmem:$0x1FE30] =	vst v35;
	v35 =	vsel vm0, $0xFFFFFFFF, v51;
	vm0 =	veq.f32 v37, v4  }
0x6e: {  	vm6 =	veq.f32 v44, v4;
	[tilespmem:$0x1FE40] =	vst v35;
	v35 =	vsel vm0, $0xFFFFFFFF, v52;
	vm0 =	veq.f32 v37, v5  }
0x6f: {  	v26 =	vsel vm5, $0x3F800000, v2;
	[tilespmem:$0x1FE50] =	vst v35;
	v35 =	vsel vm0, $0xFFFFFFFF, v53;
	vm0 =	veq.f32 v40, v3  }
0x70: {  	vm8 =	veq.f32 v42, v1;
	[tilespmem:$0x1FE60] =	vst v35;
	v35 =	vsel vm0, $0xFFFFFFFF, v54;
	vm0 =	veq.f32 v40, v4  }
0x71: {  	v22 =	vsel vm1, $0x3F800000, v2;
	[tilespmem:$0x1FE70] =	vst v35;
	v35 =	vsel vm0, $0xFFFFFFFF, v55;
	vm0 =	veq.f32 v40, v5  }
0x72: {  	vm1 =	veq.f32 v41, v5;
	[tilespmem:$0x1FE80] =	vst v35;
	v35 =	vsel vm0, $0xFFFFFFFF, v56;
	vm0 =	veq.f32 v39, v4  }
0x73: {  	v25 =	vsel vm3, $0x3F800000, v2;
	[tilespmem:$0x1FE90] =	vst v35;
	v35 =	vsel vm0, $0xFFFFFFFF, v57;
	vm0 =	veq.f32 v39, v5  }
0x74: {  	v59 =	vimm.s32 $0x0;
	[tilespmem:$0x1FEA0] =	vst v35;
	v35 =	vsel vm0, $0xFFFFFFFF, v58;
	vm0 =	veq.f32 v42, v4  }
0x75: {  	v60 =	vimm.s32 $0x0;
	[tilespmem:$0x1FEB0] =	vst v35;
	v35 =	vsel vm0, $0xFFFFFFFF, v59;
	vm0 =	veq.f32 v42, v5  }
0x76: {  	v61 =	vimm.s32 $0x0;
	[tilespmem:$0x1FEC0] =	vst v35;
	v35 =	vsel vm0, $0xFFFFFFFF, v60;
	vm0 =	veq.f32 v41, v4  }
0x77: {  	vm3 =	veq.f32 v43, v3;
	v62 =	vimm.s32 $0x0;
	[tilespmem:$0x1FED0] =	vst v35;
	v35 =	vsel vm0, $0xFFFFFFFF, v61  }
0x78: {  	v63 =	vimm.s32 $0x0;
	vm0 =	veq.f32 v44, v5;
	[tilespmem:$0x1FEE0] =	vst v35;
	v35 =	vsel vm1, $0xFFFFFFFF, v62  }
0x79: {  	v28 =	vsel vm7, $0x3F800000, v2;
	vm7 =	veq.f32 v40, v1;
	[tilespmem:$0x1FEF0] =	vst v35;
	v35 =	vsel vm0, $0xFFFFFFFF, v63  }
0x7a: {  	s15 =	simm.s32 $0x40;
	v31 =	vimm.f32 $0.0e+00;
	vm1 =	veq.f32 v43, v1;
	vm0 =	veq.f32 v43, v5;
	[tilespmem:$0x1FF00] =	vst v35  }
.LBB2_2:
0x7b: {  	v35 =	vsel vm4, $0x3F800000, v2;
	v36 =	vld [tilespmem:$0x1FD30];
	v44 =	vsel vm7, $0x3F800000, v2;
	v47 =	vsel vm9, $0x3F800000, v2  }
0x7c: {  	v37 =	vld [tilespmem:$0x1FD10];
	v48 =	vsel vm10, $0x3F800000, v2;
	v50 =	vsel vm13, $0x3F800000, v2;
	v51 =	vsel vm8, $0x3F800000, v2  }
0x7d: {  	v52 =	vsel vm12, $0x3F800000, v2;
	v53 =	vsel vm14, $0x3F800000, v2;
	v54 =	vsel vm15, $0x3F800000, v2;
	v61 =	vld [tilespmem:$0x1FF00]  }
0x7e: {  	v38 =	vld [tilespmem:$0x1FDB0];
	v56 =	vsel vm1, $0x3F800000, v2;
	v57 =	vsel vm3, $0x3F800000, v2;
	v58 =	vsel vm2, $0x3F800000, v2  }
0x7f: {  	v63 =	vsel vm0, $0x3F800000, v2;
	v62 =	vld [tilespmem:$0x1FEE0];
	v34 =	vadd.f32 v56, v34;
	v33 =	vadd.f32 v57, v33  }
0x80: {  	v39 =	vld [tilespmem:$0x1FD50];
	v55 =	vsel vm11, $0x3F800000, v2;
	v32 =	vadd.f32 v58, v32;
	v31 =	vadd.f32 v63, v31  }
0x81: {  	v60 =	vsel vm6, $0x3F800000, v2;
	v63 =	vld [tilespmem:$0x1FEF0];
	v34 =	vadd.f32 v53, v34;
	v33 =	vadd.f32 v54, v33  }
0x82: {  	v40 =	vld [tilespmem:$0x1FD80];
	v32 =	vadd.f32 v60, v32;
	vm4 =	vnez.u8 v36;
	vm0 =	vnez.u8 v61  }
0x83: {  	v54 =	vld [tilespmem:$0x1FEC0];
	v34 =	vadd.f32 v50, v34;
	v33 =	vadd.f32 v55, v33;
	v36 =	vsel vm4, $0x3F800000, v2  }
0x84: {  	v41 =	vld [tilespmem:$0x1FDF0];
	vm4 =	vnez.u8 v37;
	v53 =	vsel vm0, $0x3F800000, v2;
	vm0 =	vnez.u8 v62  }
0x85: {  	v42 =	vld [tilespmem:$0x1FE00];
	v37 =	vsel vm4, $0x3F800000, v2;
	vm4 =	vnez.u8 v38;
	v31 =	vadd.f32 v53, v31  }
0x86: {  	v55 =	vld [tilespmem:$0x1FED0];
	v53 =	vsel vm0, $0x3F800000, v2;
	vm0 =	vnez.u8 v63;
	v34 =	vadd.f32 v51, v34  }
0x87: {  	v43 =	vld [tilespmem:$0x1FDC0];
	v33 =	vadd.f32 v52, v33;
	v38 =	vsel vm4, $0x3F800000, v2;
	vm4 =	vnez.u8 v39  }
0x88: {  	v56 =	vld [tilespmem:$0x1FEA0];
	v50 =	vsel vm0, $0x3F800000, v2;
	v32 =	vadd.f32 v53, v32;
	vm0 =	vnez.u8 v54  }
0x89: {  	v45 =	vld [tilespmem:$0x1FE30];
	v39 =	vsel vm4, $0x3F800000, v2;
	vm4 =	vnez.u8 v40;
	v31 =	vadd.f32 v50, v31  }
0x8a: {  	v57 =	vld [tilespmem:$0x1FEB0];
	v50 =	vsel vm0, $0x3F800000, v2;
	v34 =	vadd.f32 v47, v34;
	v33 =	vadd.f32 v48, v33  }
0x8b: {  	v46 =	vld [tilespmem:$0x1FE40];
	v40 =	vsel vm4, $0x3F800000, v2;
	vm4 =	vnez.u8 v41;
	vm0 =	vnez.u8 v55  }
0x8c: {  	v58 =	vld [tilespmem:$0x1FE80];
	v32 =	vadd.f32 v50, v32;
	v41 =	vsel vm4, $0x3F800000, v2;
	vm4 =	vnez.u8 v42  }
0x8d: {  	v59 =	vld [tilespmem:$0x1FE90];
	v51 =	vsel vm0, $0x3F800000, v2;
	vm0 =	vnez.u8 v56;
	v34 =	vadd.f32 v44, v34  }
0x8e: {  	v49 =	vld [tilespmem:$0x1FE70];
	v42 =	vsel vm4, $0x3F800000, v2;
	vm4 =	vnez.u8 v43;
	v31 =	vadd.f32 v51, v31  }
0x8f: {  	v60 =	vld [tilespmem:$0x1FE50];
	v50 =	vsel vm0, $0x3F800000, v2;
	vm0 =	vnez.u8 v57;
	v43 =	vsel vm4, $0x3F800000, v2  }
0x90: {  	v61 =	vld [tilespmem:$0x1FE60];
	vm4 =	vnez.u8 v45;
	v47 =	vsel vm0, $0x3F800000, v2;
	v32 =	vadd.f32 v50, v32  }
0x91: {  	vm0 =	vnez.u8 v58;
	v45 =	vsel vm4, $0x3F800000, v2;
	vm4 =	vnez.u8 v46  }
0x92: {  	v31 =	vadd.f32 v47, v31;
	v47 =	vsel vm0, $0x3F800000, v2;
	vm0 =	vnez.u8 v59  }
0x93: {  	v46 =	vsel vm4, $0x3F800000, v2;
	vm4 =	vnez.u8 v49;
	v44 =	vsel vm0, $0x3F800000, v2  }
0x94: {  	v62 =	vld [tilespmem:$0x1FE10];
	vm0 =	vnez.u8 v60;
	v34 =	vadd.f32 v45, v34;
	v49 =	vsel vm4, $0x3F800000, v2  }
0x95: {  	v63 =	vld [tilespmem:$0x1FE20];
	v31 =	vadd.f32 v44, v31;
	v44 =	vsel vm0, $0x3F800000, v2;
	vm0 =	vnez.u8 v61  }
0x96: {  	v32 =	vadd.f32 v47, v32;
	v33 =	vadd.f32 v49, v33;
	v45 =	vsel vm0, $0x3F800000, v2  }
0x97: {  	v34 =	vadd.f32 v41, v34;
	v31 =	vadd.f32 v45, v31;
	v45 =	vld [tilespmem:$0x1FDD0]  }
0x98: {  	v33 =	vadd.f32 v46, v33;
	v46 =	vld [tilespmem:$0x1FDE0]  }
0x99: {  	v32 =	vadd.f32 v44, v32;
	vm0 =	vnez.u8 v62;
	v34 =	vadd.f32 v38, v34  }
0x9a: {  	v47 =	vld [tilespmem:$0x1FD90];
	v44 =	vsel vm0, $0x3F800000, v2;
	vm0 =	vnez.u8 v63  }
0x9b: {  	v48 =	vld [tilespmem:$0x1FDA0];
	v41 =	vsel vm0, $0x3F800000, v2;
	v32 =	vadd.f32 v44, v32;
	v34 =	vadd.f32 v39, v34  }
0x9c: {  	v31 =	vadd.f32 v41, v31;
	v33 =	vadd.f32 v42, v33;
	vm0 =	vnez.u8 v45  }
0x9d: {  	v49 =	vld [tilespmem:$0x1FD60];
	v34 =	vadd.f32 v35, v34;
	v41 =	vsel vm0, $0x3F800000, v2;
	vm0 =	vnez.u8 v46  }
0x9e: {  	v50 =	vld [tilespmem:$0x1FD70];
	v33 =	vadd.f32 v43, v33;
	v38 =	vsel vm0, $0x3F800000, v2  }
0x9f: {  	v51 =	vld [tilespmem:$0x1FD20];
	v32 =	vadd.f32 v41, v32;
	vm0 =	vnez.u8 v47;
	v30 =	vadd.f32 v30, v34  }
0xa0: {  	v52 =	vld [tilespmem:$0x1FD40];
	v31 =	vadd.f32 v38, v31;
	v38 =	vsel vm0, $0x3F800000, v2;
	vm0 =	vnez.u8 v48  }
0xa1: {  	v53 =	vld [tilespmem:$0x1FCF0];
	v33 =	vadd.f32 v40, v33;
	v39 =	vsel vm0, $0x3F800000, v2  }
0xa2: {  	v32 =	vadd.f32 v38, v32;
	vm0 =	vnez.u8 v49;
	v29 =	vadd.f32 v29, v30;
	v30 =	vld [tilespmem:$0x1FD00]  }
0xa3: {  	v31 =	vadd.f32 v39, v31;
	v38 =	vsel vm0, $0x3F800000, v2;
	vm0 =	vnez.u8 v50  }
0xa4: {  	v33 =	vadd.f32 v36, v33;
	v35 =	vsel vm0, $0x3F800000, v2;
	vm0 =	vnez.u8 v51  }
0xa5: {  	v31 =	vadd.f32 v35, v31;
	v35 =	vsel vm0, $0x3F800000, v2;
	vm0 =	vnez.u8 v52  }
0xa6: {  	v33 =	vadd.f32 v37, v33;
	v34 =	vsel vm0, $0x3F800000, v2;
	vm0 =	vnez.u8 v53  }
0xa7: {  	v31 =	vadd.f32 v34, v31;
	v34 =	vsel vm0, $0x3F800000, v2;
	vm0 =	vnez.u8 v30  }
0xa8: {  	v28 =	vadd.f32 v28, v33;
	v30 =	vsel vm0, $0x3F800000, v2  }
0xa9: {  	v30 =	vadd.f32 v30, v31;
	v31 =	vld [tilespmem:$0x1FCD0]  }
0xaa: {  	v26 =	vadd.f32 v26, v28;
	v28 =	vld [tilespmem:$0x1FCE0];
	_ =	sdelay $0x3  }
0xab: {  	vm0 =	vnez.u8 v31  }
0xac: {  	v31 =	vsel vm0, $0x3F800000, v2;
	vm0 =	vnez.u8 v28  }
0xad: {  	v28 =	vsel vm0, $0x3F800000, v2  }
0xae: {  	v28 =	vadd.f32 v28, v30;
	v30 =	vld [tilespmem:$0x1FCB0]  }
0xaf: {  	v25 =	vadd.f32 v25, v26;
	v26 =	vld [tilespmem:$0x1FCC0];
	_ =	sdelay $0x3  }
0xb0: {  	vm0 =	vnez.u8 v30  }
0xb1: {  	s16 =	sshra.s32 s15, $0x2;
	v30 =	vsel vm0, $0x3F800000, v2;
	vm0 =	vnez.u8 v26  }
0xb2: {  	v32 =	vadd.f32 v38, v32;
	v27 =	vadd.f32 v27, v29;
	v29 =	vld [tilespmem:s16+$0x0];
	v26 =	vsel vm0, $0x3F800000, v2  }
0xb3: {  	v26 =	vadd.f32 v26, v28;
	v28 =	vld [tilespmem:$0x1FC90]  }
0xb4: {  	v32 =	vadd.f32 v35, v32;
	v33 =	vadd.f32 v22, v25;
	v22 =	vld [tilespmem:$0x1FCA0]  }
0xb5: {  	v24 =	vadd.f32 v24, v27  }
0xb6: {  	v32 =	vadd.f32 v34, v32  }
0xb7: {  	v61 =	vimm.s32 $0x0;
	v62 =	vimm.s32 $0x0;
	v34 =	vadd.f32 v23, v24  }
0xb8: {  	v23 =	vperm.xlane v29, v20;
	v31 =	vadd.f32 v31, v32;
	vm0 =	vnez.u8 v28  }
0xb9: {  	v63 =	vimm.s32 $0x0;
	v28 =	vsel vm0, $0x3F800000, v2;
	vm0 =	vnez.u8 v22  }
0xba: {  	v27 =	vadd.f32 v30, v31;
	v22 =	vsel vm0, $0x3F800000, v2;
	vm0 =	veq.f32 v23, v1  }
0xbb: {  	v31 =	vadd.f32 v22, v26;
	v42 =	vsel vm0, $0xFFFFFFFF, v61;
	vm0 =	veq.f32 v23, v3  }
0xbc: {  	v22 =	vperm.xlane v29, v19;
	[tilespmem:$0x1FC00] =	vst v42;
	v42 =	vsel vm0, $0xFFFFFFFF, v62;
	vm0 =	veq.f32 v23, v4  }
0xbd: {  	[tilespmem:$0x1FC10] =	vst v42;
	v42 =	vsel vm0, $0xFFFFFFFF, v63;
	vm0 =	veq.f32 v23, v5;
	v23 =	vimm.s32 $0x0  }
0xbe: {  	v23 =	vsel vm0, $0xFFFFFFFF, v23  }
0xbf: {  	vm0 =	veq.f32 v22, v3;
	[tilespmem:$0x1FCA0] =	vst v23;
	v23 =	vimm.s32 $0x0  }
0xc0: {  	v23 =	vsel vm0, $0xFFFFFFFF, v23  }
0xc1: {  	v25 =	vperm.xlane v29, v18;
	vm0 =	veq.f32 v22, v4;
	[tilespmem:$0x1FC40] =	vst v23;
	v23 =	vimm.s32 $0x0  }
0xc2: {  	v24 =	vperm.xlane v29, v17;
	v23 =	vsel vm0, $0xFFFFFFFF, v23  }
0xc3: {  	vm4 =	veq.f32 v22, v1;
	vm0 =	veq.f32 v25, v3;
	[tilespmem:$0x1FCB0] =	vst v23;
	v23 =	vimm.s32 $0x0  }
0xc4: {  	v23 =	vsel vm0, $0xFFFFFFFF, v23;
	vm0 =	veq.f32 v22, v5;
	v22 =	vimm.s32 $0x0  }
0xc5: {  	v22 =	vsel vm0, $0xFFFFFFFF, v22  }
0xc6: {  	vm0 =	veq.f32 v24, v1;
	[tilespmem:$0x1FCC0] =	vst v22;
	v22 =	vimm.s32 $0x0  }
0xc7: {  	v22 =	vsel vm0, $0xFFFFFFFF, v22  }
0xc8: {  	vm0 =	veq.f32 v25, v4;
	[tilespmem:$0x1FC70] =	vst v22;
	v22 =	vimm.s32 $0x0  }
0xc9: {  	v22 =	vsel vm0, $0xFFFFFFFF, v22  }
0xca: {  	vm0 =	veq.f32 v25, v5;
	[tilespmem:$0x1FCD0] =	vst v22;
	v22 =	vimm.s32 $0x0  }
0xcb: {  	v22 =	vsel vm0, $0xFFFFFFFF, v22  }
0xcc: {  	vm0 =	veq.f32 v24, v3;
	[tilespmem:$0x1FCE0] =	vst v22;
	v22 =	vimm.s32 $0x0  }
0xcd: {  	v22 =	vsel vm0, $0xFFFFFFFF, v22  }
0xce: {  	vm0 =	veq.f32 v24, v4;
	[tilespmem:$0x1FC80] =	vst v22;
	v22 =	vimm.s32 $0x0  }
0xcf: {  	v32 =	vadd.f32 v28, v27;
	v22 =	vsel vm0, $0xFFFFFFFF, v22  }
0xd0: {  	v27 =	vperm.xlane v29, v16;
	vm0 =	veq.f32 v24, v5;
	[tilespmem:$0x1FCF0] =	vst v22;
	v22 =	vimm.s32 $0x0  }
0xd1: {  	v22 =	vsel vm0, $0xFFFFFFFF, v22  }
0xd2: {  	vm0 =	veq.f32 v27, v1;
	[tilespmem:$0x1FD00] =	vst v22;
	v22 =	vimm.s32 $0x0  }
0xd3: {  	v22 =	vsel vm0, $0xFFFFFFFF, v22  }
0xd4: {  	vm0 =	veq.f32 v27, v3;
	[tilespmem:$0x1FC60] =	vst v22;
	v22 =	vimm.s32 $0x0  }
0xd5: {  	v22 =	vsel vm0, $0xFFFFFFFF, v22  }
0xd6: {  	v26 =	vperm.xlane v29, v15;
	vm0 =	veq.f32 v27, v4;
	[tilespmem:$0x1FD10] =	vst v22;
	v22 =	vimm.s32 $0x0  }
0xd7: {  	v22 =	vsel vm0, $0xFFFFFFFF, v22  }
0xd8: {  	vm0 =	veq.f32 v26, v3;
	[tilespmem:$0x1FD20] =	vst v22;
	v22 =	vimm.s32 $0x0  }
0xd9: {  	v22 =	vsel vm0, $0xFFFFFFFF, v22  }
0xda: {  	v30 =	vperm.xlane v29, v14;
	vm0 =	veq.f32 v27, v5;
	[tilespmem:$0x1FD30] =	vst v22;
	v22 =	vimm.s32 $0x0  }
0xdb: {  	v22 =	vsel vm0, $0xFFFFFFFF, v22  }
0xdc: {  	vm0 =	veq.f32 v30, v1;
	[tilespmem:$0x1FD40] =	vst v22;
	v22 =	vimm.s32 $0x0  }
0xdd: {  	v22 =	vsel vm0, $0xFFFFFFFF, v22  }
0xde: {  	vm0 =	veq.f32 v26, v4;
	[tilespmem:$0x1FD50] =	vst v22;
	v22 =	vimm.s32 $0x0  }
0xdf: {  	v22 =	vsel vm0, $0xFFFFFFFF, v22  }
0xe0: {  	vm0 =	veq.f32 v26, v5;
	[tilespmem:$0x1FD60] =	vst v22;
	v22 =	vimm.s32 $0x0  }
0xe1: {  	v22 =	vsel vm0, $0xFFFFFFFF, v22  }
0xe2: {  	vm0 =	veq.f32 v30, v3;
	[tilespmem:$0x1FD70] =	vst v22;
	v22 =	vimm.s32 $0x0  }
0xe3: {  	v22 =	vsel vm0, $0xFFFFFFFF, v22  }
0xe4: {  	vm0 =	veq.f32 v30, v4;
	[tilespmem:$0x1FD80] =	vst v22;
	v22 =	vimm.s32 $0x0  }
0xe5: {  	v22 =	vsel vm0, $0xFFFFFFFF, v22  }
0xe6: {  	v28 =	vperm.xlane v29, v13;
	vm0 =	veq.f32 v30, v5;
	[tilespmem:$0x1FD90] =	vst v22;
	v22 =	vimm.s32 $0x0  }
0xe7: {  	v22 =	vsel vm0, $0xFFFFFFFF, v22  }
0xe8: {  	vm0 =	veq.f32 v28, v1;
	[tilespmem:$0x1FDA0] =	vst v22;
	v22 =	vimm.s32 $0x0  }
0xe9: {  	v22 =	vsel vm0, $0xFFFFFFFF, v22  }
0xea: {  	vm0 =	veq.f32 v28, v3;
	[tilespmem:$0x1FDB0] =	vst v22;
	v22 =	vimm.s32 $0x0  }
0xeb: {  	v22 =	vsel vm0, $0xFFFFFFFF, v22  }
0xec: {  	v55 =	vperm.xlane v29, v12;
	vm0 =	veq.f32 v28, v4;
	[tilespmem:$0x1FDC0] =	vst v22;
	v22 =	vimm.s32 $0x0  }
0xed: {  	v22 =	vsel vm0, $0xFFFFFFFF, v22  }
0xee: {  	vm0 =	veq.f32 v55, v1;
	[tilespmem:$0x1FDD0] =	vst v22;
	v22 =	vimm.s32 $0x0  }
0xef: {  	v22 =	vsel vm0, $0xFFFFFFFF, v22  }
0xf0: {  	vm0 =	veq.f32 v55, v3;
	[tilespmem:$0x1FDF0] =	vst v22;
	v22 =	vimm.s32 $0x0  }
0xf1: {  	v22 =	vsel vm0, $0xFFFFFFFF, v22  }
0xf2: {  	v54 =	vperm.xlane v29, v11;
	vm0 =	veq.f32 v28, v5;
	[tilespmem:$0x1FE00] =	vst v22;
	v22 =	vimm.s32 $0x0  }
0xf3: {  	v22 =	vsel vm0, $0xFFFFFFFF, v22  }
0xf4: {  	vm0 =	veq.f32 v54, v1;
	[tilespmem:$0x1FDE0] =	vst v22;
	v22 =	vimm.s32 $0x0  }
0xf5: {  	v22 =	vsel vm0, $0xFFFFFFFF, v22  }
0xf6: {  	vm0 =	veq.f32 v55, v4;
	[tilespmem:$0x1FE30] =	vst v22;
	v22 =	vimm.s32 $0x0  }
0xf7: {  	v22 =	vsel vm0, $0xFFFFFFFF, v22  }
0xf8: {  	vm0 =	veq.f32 v55, v5;
	[tilespmem:$0x1FE10] =	vst v22;
	v22 =	vimm.s32 $0x0  }
0xf9: {  	v22 =	vsel vm0, $0xFFFFFFFF, v22  }
0xfa: {  	vm0 =	veq.f32 v54, v3;
	[tilespmem:$0x1FE20] =	vst v22;
	v22 =	vimm.s32 $0x0  }
0xfb: {  	v22 =	vsel vm0, $0xFFFFFFFF, v22  }
0xfc: {  	vm0 =	veq.f32 v54, v4;
	[tilespmem:$0x1FE40] =	vst v22;
	v22 =	vimm.s32 $0x0  }
0xfd: {  	v22 =	vsel vm0, $0xFFFFFFFF, v22  }
0xfe: {  	v57 =	vperm.xlane v29, v10;
	vm0 =	veq.f32 v54, v5;
	[tilespmem:$0x1FE50] =	vst v22;
	v22 =	vimm.s32 $0x0  }
0xff: {  	v22 =	vsel vm0, $0xFFFFFFFF, v22  }
0x100: {  	vm0 =	veq.f32 v57, v1;
	[tilespmem:$0x1FE60] =	vst v22;
	v22 =	vimm.s32 $0x0  }
0x101: {  	v22 =	vsel vm0, $0xFFFFFFFF, v22  }
0x102: {  	vm0 =	veq.f32 v57, v3;
	[tilespmem:$0x1FC20] =	vst v22;
	v22 =	vimm.s32 $0x0  }
0x103: {  	v22 =	vsel vm0, $0xFFFFFFFF, v22  }
0x104: {  	vm0 =	veq.f32 v57, v4;
	[tilespmem:$0x1FE70] =	vst v22;
	v22 =	vimm.s32 $0x0  }
0x105: {  	v22 =	vsel vm0, $0xFFFFFFFF, v22  }
0x106: {  	v56 =	vperm.xlane v29, v9;
	vm0 =	veq.f32 v57, v5;
	[tilespmem:$0x1FE80] =	vst v22;
	v22 =	vimm.s32 $0x0  }
0x107: {  	v22 =	vsel vm0, $0xFFFFFFFF, v22  }
0x108: {  	vm0 =	veq.f32 v56, v4;
	[tilespmem:$0x1FE90] =	vst v22;
	v22 =	vimm.s32 $0x0  }
0x109: {  	v22 =	vsel vm0, $0xFFFFFFFF, v22  }
0x10a: {  	v59 =	vperm.xlane v29, v8;
	vm0 =	veq.f32 v56, v5;
	[tilespmem:$0x1FEA0] =	vst v22;
	v22 =	vimm.s32 $0x0  }
0x10b: {  	v22 =	vsel vm0, $0xFFFFFFFF, v22  }
0x10c: {  	vm0 =	veq.f32 v59, v3;
	[tilespmem:$0x1FEB0] =	vst v22;
	v22 =	vimm.s32 $0x0  }
0x10d: {  	v22 =	vsel vm0, $0xFFFFFFFF, v22  }
0x10e: {  	vm0 =	veq.f32 v59, v4;
	[tilespmem:$0x1FC50] =	vst v22;
	v22 =	vimm.s32 $0x0  }
0x10f: {  	v22 =	vsel vm0, $0xFFFFFFFF, v22  }
0x110: {  	v58 =	vperm.xlane v29, v7;
	vm0 =	veq.f32 v59, v5;
	[tilespmem:$0x1FEC0] =	vst v22;
	v22 =	vimm.s32 $0x0  }
0x111: {  	v22 =	vsel vm0, $0xFFFFFFFF, v22  }
0x112: {  	vm0 =	veq.f32 v58, v4;
	[tilespmem:$0x1FED0] =	vst v22;
	v22 =	vimm.s32 $0x0  }
0x113: {  	v60 =	vperm.xlane v29, v0;
	v22 =	vsel vm0, $0xFFFFFFFF, v22  }
0x114: {  	vm1 =	veq.f32 v58, v5;
	v29 =	vperm.xlane v29, v6;
	[tilespmem:$0x1FEE0] =	vst v22;
	v22 =	vimm.s32 $0x0  }
0x115: {  	v22 =	vsel vm1, $0xFFFFFFFF, v22  }
0x116: {  	vm0 =	veq.f32 v29, v5;
	[tilespmem:$0x1FEF0] =	vst v22;
	v22 =	vimm.s32 $0x0  }
0x117: {  	v22 =	vsel vm0, $0xFFFFFFFF, v22  }
0x118: {  	[tilespmem:$0x1FF00] =	vst v22;
	v22 =	vld [tilespmem:$0x1FC00]  }
0x119: {  	vm11 =	veq.f32 v25, v1;
	v25 =	vld [tilespmem:$0x1FC20];
	_ =	sdelay $0x3  }
0x11a: {  	[tilespmem:$0x1FC30] =	vst v23;
	v24 =	vsel vm4, $0x3F800000, v2;
	vm4 =	vnez.u8 v22;
	v22 =	vld [tilespmem:$0x1FC10]  }
0x11b: {  	vm7 =	vnez.u8 v25;
	v25 =	vld [tilespmem:$0x1FC30];
	_ =	sdelay $0x2  }
0x11c: {  	vm5 =	veq.f32 v26, v1  }
0x11d: {  	v23 =	vsel vm4, $0x3F800000, v2;
	vm4 =	vmmov vm5;
	vm5 =	vnez.u8 v22  }
0x11e: {  	v22 =	vsel vm5, $0x3F800000, v2;
	vm5 =	vnez.u8 v25;
	v25 =	vld [tilespmem:$0x1FC40]  }
0x11f: {  	v28 =	vld [tilespmem:$0x1FC50];
	_ =	sdelay $0x3  }
0x120: {  	vm12 =	veq.f32 v58, v3;
	v27 =	vsel vm11, $0x3F800000, v2;
	vm11 =	vnez.u8 v25  }
0x121: {  	v25 =	vsel vm11, $0x3F800000, v2;
	vm11 =	vmmov vm12;
	vm12 =	vnez.u8 v28;
	v28 =	vld [tilespmem:$0x1FC60];
	_ =	sdelay $0x4  }
0x122: {  	v26 =	vsel vm5, $0x3F800000, v2;
	vm5 =	vnez.u8 v28;
	v28 =	vld [tilespmem:$0x1FC70];
	_ =	sdelay $0x4  }
0x123: {  	v30 =	vsel vm5, $0x3F800000, v2;
	vm5 =	vnez.u8 v28;
	v28 =	vld [tilespmem:$0x1FC80]  }
0x124: {  	p1 =	sne.s32 s15, $0x4C0  }
.Ltmp2:
0x125: {  	vm9 =	veq.f32 v56, v1;
	vm10 =	veq.f32 v56, v3;
	(pc) =	sbr.rel @p1 .LBB2_2-.Ltmp2, $4  }
0x126: {  	vm8 =	veq.f32 v59, v1;
	vm13 =	veq.f32 v58, v1;
	vm3 =	veq.f32 v60, v3  }
0x127: {  	vm2 =	veq.f32 v60, v4;
	vm14 =	veq.f32 v29, v1;
	vm15 =	veq.f32 v29, v3  }
0x128: {  	vm6 =	veq.f32 v29, v4;
	v29 =	vsel vm5, $0x3F800000, v2;
	vm5 =	vnez.u8 v28  }
0x129: {  	s15 =	sadd.s32 $0x40, s15;
	[tilespmem:$0x1FC90] =	vst v42;
	vm1 =	veq.f32 v60, v1;
	vm0 =	veq.f32 v60, v5;
	v28 =	vsel vm5, $0x3F800000, v2  }
0x12a: {  	v36 =	vld [tilespmem:$0x1FD30]  }
0x12b: {  	v37 =	vld [tilespmem:$0x1FD10]  }
0x12c: {  	v38 =	vld [tilespmem:$0x1FDB0]  }
0x12d: {  	v39 =	vld [tilespmem:$0x1FD50]  }
0x12e: {  	v40 =	vld [tilespmem:$0x1FD80]  }
0x12f: {  	v35 =	vsel vm4, $0x3F800000, v2;
	v41 =	vld [tilespmem:$0x1FDF0];
	v44 =	vsel vm7, $0x3F800000, v2;
	v47 =	vsel vm9, $0x3F800000, v2  }
0x130: {  	v48 =	vsel vm10, $0x3F800000, v2;
	v49 =	vld [tilespmem:$0x1FE70];
	v50 =	vsel vm13, $0x3F800000, v2;
	v51 =	vsel vm8, $0x3F800000, v2  }
0x131: {  	v52 =	vsel vm12, $0x3F800000, v2;
	v53 =	vsel vm14, $0x3F800000, v2;
	v54 =	vsel vm1, $0x3F800000, v2;
	v61 =	vld [tilespmem:$0x1FF00]  }
0x132: {  	v55 =	vsel vm15, $0x3F800000, v2;
	v56 =	vsel vm3, $0x3F800000, v2;
	v57 =	vsel vm2, $0x3F800000, v2;
	v62 =	vld [tilespmem:$0x1FEE0]  }
0x133: {  	v63 =	vsel vm0, $0x3F800000, v2;
	v59 =	vld [tilespmem:$0x1FEB0];
	v34 =	vadd.f32 v54, v34;
	v33 =	vadd.f32 v56, v33  }
0x134: {  	v60 =	vsel vm6, $0x3F800000, v2;
	v32 =	vadd.f32 v57, v32;
	v31 =	vadd.f32 v63, v31;
	v63 =	vld [tilespmem:$0x1FEF0]  }
0x135: {  	v54 =	vsel vm11, $0x3F800000, v2;
	v56 =	vld [tilespmem:$0x1FEC0];
	v34 =	vadd.f32 v53, v34;
	v33 =	vadd.f32 v55, v33  }
0x136: {  	v57 =	vld [tilespmem:$0x1FED0];
	v32 =	vadd.f32 v60, v32;
	vm4 =	vnez.u8 v36;
	vm10 =	vnez.u8 v49  }
0x137: {  	v42 =	vld [tilespmem:$0x1FE00];
	vm11 =	vnez.u8 v61;
	v34 =	vadd.f32 v50, v34;
	vm12 =	vnez.u8 v62  }
0x138: {  	v43 =	vld [tilespmem:$0x1FDC0];
	v33 =	vadd.f32 v54, v33;
	vm5 =	vnez.u8 v59;
	v36 =	vsel vm4, $0x3F800000, v2  }
0x139: {  	v45 =	vld [tilespmem:$0x1FE30];
	vm4 =	vnez.u8 v37;
	v49 =	vsel vm10, $0x3F800000, v2;
	v55 =	vsel vm11, $0x3F800000, v2  }
0x13a: {  	v60 =	vld [tilespmem:$0x1FE80];
	v50 =	vsel vm12, $0x3F800000, v2;
	vm13 =	vnez.u8 v63;
	vm14 =	vnez.u8 v56  }
0x13b: {  	v46 =	vld [tilespmem:$0x1FE40];
	vm15 =	vnez.u8 v57;
	v37 =	vsel vm4, $0x3F800000, v2;
	vm4 =	vnez.u8 v38  }
0x13c: {  	v61 =	vld [tilespmem:$0x1FE90];
	v31 =	vadd.f32 v55, v31;
	v53 =	vsel vm13, $0x3F800000, v2;
	v32 =	vadd.f32 v50, v32  }
0x13d: {  	v62 =	vld [tilespmem:$0x1FE50];
	v34 =	vadd.f32 v51, v34;
	v50 =	vsel vm14, $0x3F800000, v2;
	v33 =	vadd.f32 v52, v33  }
0x13e: {  	v58 =	vld [tilespmem:$0x1FEA0];
	v51 =	vsel vm15, $0x3F800000, v2;
	v38 =	vsel vm4, $0x3F800000, v2;
	vm4 =	vnez.u8 v39  }
0x13f: {  	v54 =	vld [tilespmem:$0x1FD20];
	vm6 =	vnez.u8 v60;
	v39 =	vsel vm4, $0x3F800000, v2;
	v31 =	vadd.f32 v53, v31  }
0x140: {  	v63 =	vld [tilespmem:$0x1FE60];
	vm4 =	vnez.u8 v40;
	v32 =	vadd.f32 v50, v32;
	v34 =	vadd.f32 v47, v34  }
0x141: {  	v57 =	vld [tilespmem:$0x1FD00];
	v33 =	vadd.f32 v48, v33;
	v48 =	vsel vm5, $0x3F800000, v2;
	v40 =	vsel vm4, $0x3F800000, v2  }
0x142: {  	v50 =	vld [tilespmem:$0x1FD90];
	vm4 =	vnez.u8 v41;
	vm7 =	vnez.u8 v61;
	vm8 =	vnez.u8 v62  }
0x143: {  	v53 =	vld [tilespmem:$0x1FD70];
	v41 =	vsel vm4, $0x3F800000, v2;
	vm4 =	vnez.u8 v42;
	v31 =	vadd.f32 v51, v31  }
0x144: {  	v52 =	vld [tilespmem:$0x1FD60];
	v34 =	vadd.f32 v44, v34;
	v44 =	vsel vm6, $0x3F800000, v2;
	v33 =	vadd.f32 v49, v33  }
0x145: {  	vm9 =	vnez.u8 v63;
	v49 =	vld [tilespmem:$0x1FDE0];
	v42 =	vsel vm4, $0x3F800000, v2;
	vm4 =	vnez.u8 v43  }
0x146: {  	v51 =	vld [tilespmem:$0x1FDA0];
	vm6 =	vnez.u8 v54;
	v43 =	vsel vm4, $0x3F800000, v2;
	vm4 =	vnez.u8 v45  }
0x147: {  	v31 =	vadd.f32 v48, v31;
	v45 =	vsel vm4, $0x3F800000, v2;
	vm4 =	vnez.u8 v46  }
0x148: {  	v55 =	vld [tilespmem:$0x1FD40];
	vm14 =	vnez.u8 v50;
	vm5 =	vnez.u8 v53;
	v46 =	vsel vm4, $0x3F800000, v2  }
0x149: {  	v48 =	vld [tilespmem:$0x1FDD0];
	vm4 =	vnez.u8 v58;
	v34 =	vadd.f32 v45, v34;
	v45 =	vsel vm9, $0x3F800000, v2  }
0x14a: {  	v56 =	vld [tilespmem:$0x1FCF0];
	vm9 =	vnez.u8 v57;
	v47 =	vsel vm4, $0x3F800000, v2;
	v33 =	vadd.f32 v46, v33  }
0x14b: {  	v60 =	vld [tilespmem:$0x1FCB0];
	vm13 =	vnez.u8 v49;
	vm15 =	vnez.u8 v51;
	vm4 =	vnez.u8 v52  }
0x14c: {  	v46 =	vld [tilespmem:$0x1FE10];
	v32 =	vadd.f32 v47, v32;
	v47 =	vsel vm7, $0x3F800000, v2;
	v34 =	vadd.f32 v41, v34  }
0x14d: {  	vm7 =	vnez.u8 v55;
	v31 =	vadd.f32 v47, v31;
	v33 =	vadd.f32 v42, v33;
	v47 =	vld [tilespmem:$0x1FE20]  }
0x14e: {  	v63 =	vld [tilespmem:$0x1FCA0];
	vm12 =	vnez.u8 v48;
	v32 =	vadd.f32 v44, v32;
	v44 =	vsel vm8, $0x3F800000, v2  }
0x14f: {  	v58 =	vld [tilespmem:$0x1FCD0];
	v34 =	vadd.f32 v38, v34;
	v38 =	vsel vm12, $0x3F800000, v2;
	vm8 =	vnez.u8 v56  }
0x150: {  	vm12 =	vnez.u8 v60;
	v31 =	vadd.f32 v45, v31;
	v33 =	vadd.f32 v43, v33  }
0x151: {  	v32 =	vadd.f32 v44, v32;
	vm10 =	vnez.u8 v46;
	v34 =	vadd.f32 v39, v34  }
0x152: {  	v61 =	vld [tilespmem:$0x1FCC0];
	v39 =	vsel vm15, $0x3F800000, v2;
	v41 =	vsel vm10, $0x3F800000, v2;
	vm11 =	vnez.u8 v47  }
0x153: {  	v59 =	vld [tilespmem:$0x1FCE0];
	vm15 =	vnez.u8 v63;
	v32 =	vadd.f32 v41, v32;
	v42 =	vsel vm11, $0x3F800000, v2  }
0x154: {  	v33 =	vadd.f32 v40, v33;
	vm10 =	vnez.u8 v58;
	v31 =	vadd.f32 v42, v31  }
0x155: {  	v62 =	vld [tilespmem:$0x1FC90];
	v41 =	vsel vm13, $0x3F800000, v2;
	v34 =	vadd.f32 v35, v34;
	v32 =	vadd.f32 v38, v32  }
0x156: {  	v35 =	vsel vm4, $0x3F800000, v2;
	v38 =	vsel vm14, $0x3F800000, v2;
	v31 =	vadd.f32 v41, v31  }
0x157: {  	vm13 =	vnez.u8 v61;
	v33 =	vadd.f32 v36, v33;
	v32 =	vadd.f32 v38, v32  }
0x158: {  	v36 =	vsel vm5, $0x3F800000, v2;
	vm11 =	vnez.u8 v59;
	v31 =	vadd.f32 v39, v31  }
0x159: {  	v30 =	vadd.f32 v30, v34;
	v34 =	vsel vm6, $0x3F800000, v2;
	v32 =	vadd.f32 v35, v32  }
0x15a: {  	vm14 =	vnez.u8 v62;
	v33 =	vadd.f32 v37, v33;
	v31 =	vadd.f32 v36, v31  }
0x15b: {  	v29 =	vadd.f32 v29, v30;
	v35 =	vsel vm7, $0x3F800000, v2;
	v32 =	vadd.f32 v34, v32  }
0x15c: {  	v30 =	vsel vm8, $0x3F800000, v2;
	v28 =	vadd.f32 v28, v33;
	v31 =	vadd.f32 v35, v31  }
0x15d: {  	v33 =	vsel vm9, $0x3F800000, v2;
	v27 =	vadd.f32 v27, v29;
	v30 =	vadd.f32 v30, v32  }
0x15e: {  	v29 =	vsel vm10, $0x3F800000, v2;
	v26 =	vadd.f32 v26, v28;
	v31 =	vadd.f32 v33, v31  }
0x15f: {  	v28 =	vsel vm11, $0x3F800000, v2;
	v24 =	vadd.f32 v24, v27;
	v29 =	vadd.f32 v29, v30  }
0x160: {  	v27 =	vsel vm12, $0x3F800000, v2;
	v25 =	vadd.f32 v25, v26;
	v28 =	vadd.f32 v28, v31  }
0x161: {  	v26 =	vsel vm13, $0x3F800000, v2;
	v23 =	vadd.f32 v23, v24;
	v27 =	vadd.f32 v27, v29  }
0x162: {  	v24 =	vsel vm14, $0x3F800000, v2;
	v22 =	vadd.f32 v22, v25;
	v26 =	vadd.f32 v26, v28  }
0x163: {  	v25 =	vsel vm15, $0x3F800000, v2;
	[tilespmem:$0x180] =	vst v23;
	v24 =	vadd.f32 v24, v27  }
0x164: {  	[tilespmem:$0x190] =	vst v22;
	v23 =	vadd.f32 v25, v26  }
0x165: {  	[tilespmem:$0x1A0] =	vst v24  }
0x166: {  	[tilespmem:$0x1B0] =	vst v23  }
0x167: {  	[spmem:s7] =	stream.linear.scatter [tilespmem:s11], [sflag:$0x1], $0x40, $0x38;
	[tilespmem:$0x740] =	vst v63  }
.Ltmp3:
0x168: {  	_ =	swait.ge [sflag:s9], $0x40;
	(pc) =	sbr.rel @p0 .LBB2_5-.Ltmp3, $3  }
0x169: {  	[sflag:s9] =	ssyncset.done $0x0  }
0x16a: {  	[sflag:s9] =	ssyncadd.s32 $0xFFFFFFC0  }
0x16b: {  	[bflag:$0x0] =	sbarrier.arrive $0xFFFF;
	_ =	sdelay $0x1  }
0x16c: {  	[tilespmem:s12], [sflag:$0x1] =	stream.linear.gather [spmem:s1], $0x400, $0x38;
	[tilespmem:$0x740] =	vst v63  }
0x16d: {  	_ =	swait.ge [sflag:s9], $0x400  }
0x16e: {  	[sflag:s9] =	ssyncset.done $0x0  }
0x16f: {  	[sflag:s9] =	ssyncadd.s32 $0xFFFFFC00  }
0x170: {  	v22 =	vld [tilespmem:$0x280];
	_ =	sdelay $0x1  }
0x171: {  	v23 =	vld [tilespmem:$0x2C0];
	_ =	sdelay $0x1  }
0x172: {  	v24 =	vld [tilespmem:$0x300]  }
0x173: {  	v22 =	vadd.f32 $0.0e+00, v22  }
0x174: {  	v25 =	vld [tilespmem:$0x340]  }
0x175: {  	v22 =	vadd.f32 v23, v22  }
0x176: {  	v23 =	vld [tilespmem:$0x380]  }
0x177: {  	v22 =	vadd.f32 v24, v22  }
0x178: {  	v38 =	vld [tilespmem:$0x3C0]  }
0x179: {  	v22 =	vadd.f32 v25, v22  }
0x17a: {  	v39 =	vld [tilespmem:$0x400]  }
0x17b: {  	v22 =	vadd.f32 v23, v22  }
0x17c: {  	v23 =	vld [tilespmem:$0x440]  }
0x17d: {  	v22 =	vadd.f32 v38, v22  }
0x17e: {  	v40 =	vld [tilespmem:$0x480]  }
0x17f: {  	v22 =	vadd.f32 v39, v22  }
0x180: {  	v41 =	vld [tilespmem:$0x4C0]  }
0x181: {  	v22 =	vadd.f32 v23, v22  }
0x182: {  	v23 =	vld [tilespmem:$0x500]  }
0x183: {  	v22 =	vadd.f32 v40, v22  }
0x184: {  	v42 =	vld [tilespmem:$0x540]  }
0x185: {  	v22 =	vadd.f32 v41, v22  }
0x186: {  	v43 =	vld [tilespmem:$0x580]  }
0x187: {  	v22 =	vadd.f32 v23, v22  }
0x188: {  	v23 =	vld [tilespmem:$0x5C0]  }
0x189: {  	v22 =	vadd.f32 v42, v22  }
0x18a: {  	v44 =	vld [tilespmem:$0x600]  }
0x18b: {  	v22 =	vadd.f32 v43, v22  }
0x18c: {  	v45 =	vld [tilespmem:$0x640]  }
0x18d: {  	v22 =	vadd.f32 v23, v22;
	_ =	sdelay $0x1  }
0x18e: {  	v22 =	vadd.f32 v44, v22  }
0x18f: {  	v23 =	vld [tilespmem:$0x290]  }
0x190: {  	v52 =	vld [tilespmem:$0x1FF10];
	v22 =	vadd.f32 v45, v22  }
0x191: {  	v46 =	vld [tilespmem:$0x2D0]  }
0x192: {  	v55 =	vld [tilespmem:$0x1FF20];
	vm0 =	vgt.f32 v22, $0.0e+00  }
0x193: {  	v48 =	vld [tilespmem:$0x310];
	v27 =	vsel vm0, $0x3F800000, v2  }
0x194: {  	v58 =	vld [tilespmem:$0x1FF30];
	v23 =	vadd.f32 $0.0e+00, v23;
	v26 =	vperm.xlane v27, v0  }
0x195: {  	v28 =	vld [tilespmem:$0x350];
	v29 =	vperm.xlane v27, v6  }
0x196: {  	vm13 =	veq.s32 v21, $0x0;
	v61 =	vld [tilespmem:$0x1FF40];
	v23 =	vadd.f32 v46, v23;
	v49 =	vadd.f32 $0.0e+00, v26  }
0x197: {  	v50 =	vld [tilespmem:$0x390];
	v30 =	vperm.xlane v27, v7;
	v29 =	vsel vm13, $0x0, v29  }
0x198: {  	v32 =	vld [tilespmem:$0x1FF50];
	vm15 =	vnez.u8 v52;
	v23 =	vadd.f32 v48, v23;
	v24 =	vadd.f32 v29, v49  }
0x199: {  	v51 =	vld [tilespmem:$0x3D0];
	v53 =	vperm.xlane v27, v8;
	v29 =	vsel vm15, $0x0, v30  }
0x19a: {  	v35 =	vld [tilespmem:$0x1FF60];
	vm11 =	vnez.u8 v55;
	v23 =	vadd.f32 v28, v23;
	v24 =	vadd.f32 v29, v24  }
0x19b: {  	v54 =	vld [tilespmem:$0x410];
	v56 =	vperm.xlane v27, v9;
	v29 =	vsel vm11, $0x0, v53  }
0x19c: {  	v57 =	vld [tilespmem:$0x450];
	vm10 =	vnez.u8 v58;
	v23 =	vadd.f32 v50, v23;
	v24 =	vadd.f32 v29, v24  }
0x19d: {  	v60 =	vld [tilespmem:$0x490];
	v59 =	vperm.xlane v27, v10;
	v29 =	vsel vm10, $0x0, v56  }
0x19e: {  	v63 =	vld [tilespmem:$0x4D0];
	vm9 =	vnez.u8 v61;
	v23 =	vadd.f32 v51, v23;
	v24 =	vadd.f32 v29, v24  }
0x19f: {  	v38 =	vld [tilespmem:$0x1FF70];
	v62 =	vperm.xlane v27, v11;
	v29 =	vsel vm9, $0x0, v59  }
0x1a0: {  	v34 =	vld [tilespmem:$0x510];
	vm13 =	vnez.u8 v32;
	v23 =	vadd.f32 v54, v23;
	v24 =	vadd.f32 v29, v24  }
0x1a1: {  	v41 =	vld [tilespmem:$0x1FF80];
	v33 =	vperm.xlane v27, v12;
	v29 =	vsel vm13, $0x0, v62  }
0x1a2: {  	v37 =	vld [tilespmem:$0x550];
	vm12 =	vnez.u8 v35;
	v23 =	vadd.f32 v57, v23;
	v24 =	vadd.f32 v29, v24  }
0x1a3: {  	v47 =	vimm.s32 $0x0;
	v44 =	vld [tilespmem:$0x1FF90];
	v36 =	vperm.xlane v27, v13;
	v29 =	vsel vm12, $0x0, v33  }
0x1a4: {  	v52 =	vld [tilespmem:$0x1FFC0];
	vm1 =	vnez.u8 v38;
	v23 =	vadd.f32 v60, v23;
	v24 =	vadd.f32 v29, v24  }
0x1a5: {  	v25 =	vsel vm0, $0xFFFFFFFF, v47;
	v47 =	vld [tilespmem:$0x1FFA0];
	v39 =	vperm.xlane v27, v14;
	v29 =	vsel vm1, $0x0, v36  }
0x1a6: {  	v40 =	vld [tilespmem:$0x590];
	vm3 =	vnez.u8 v41;
	v23 =	vadd.f32 v63, v23;
	v24 =	vadd.f32 v29, v24  }
0x1a7: {  	v42 =	vperm.xlane v27, v15;
	v50 =	vld [tilespmem:$0x1FFB0];
	v29 =	vsel vm3, $0x0, v39  }
0x1a8: {  	v55 =	vld [tilespmem:$0x1FFD0];
	vm4 =	vnez.u8 v44;
	v23 =	vadd.f32 v34, v23;
	v24 =	vadd.f32 v29, v24  }
0x1a9: {  	v43 =	vld [tilespmem:$0x5D0];
	v45 =	vperm.xlane v27, v16;
	v29 =	vsel vm4, $0x0, v42  }
0x1aa: {  	v58 =	vld [tilespmem:$0x1FFE0];
	vm5 =	vnez.u8 v47;
	v23 =	vadd.f32 v37, v23;
	v24 =	vadd.f32 v29, v24  }
0x1ab: {  	v46 =	vld [tilespmem:$0x610];
	v48 =	vperm.xlane v27, v17;
	v29 =	vsel vm5, $0x0, v45  }
0x1ac: {  	v54 =	vld [tilespmem:$0x2A0];
	vm6 =	vnez.u8 v50;
	v23 =	vadd.f32 v40, v23;
	v24 =	vadd.f32 v29, v24  }
0x1ad: {  	v49 =	vld [tilespmem:$0x650];
	v51 =	vperm.xlane v27, v18;
	v29 =	vsel vm6, $0x0, v48  }
0x1ae: {  	vm7 =	vnez.u8 v52;
	v23 =	vadd.f32 v43, v23;
	v24 =	vadd.f32 v29, v24  }
0x1af: {  	v53 =	vperm.xlane v27, v19;
	v26 =	vsel vm7, $0x0, v51;
	v57 =	vld [tilespmem:$0x2E0]  }
0x1b0: {  	vm14 =	vnez.u8 v55;
	v23 =	vadd.f32 v46, v23;
	v24 =	vadd.f32 v26, v24  }
0x1b1: {  	[tilespmem:$0x1FBF0] =	vst v25;
	v56 =	vperm.xlane v27, v20;
	v59 =	vld [tilespmem:$0x320];
	v25 =	vadd.f32 $0.0e+00, v54;
	v26 =	vsel vm14, $0x0, v53  }
0x1b2: {  	vm8 =	vnez.u8 v58;
	v23 =	vadd.f32 v49, v23;
	v24 =	vadd.f32 v26, v24  }
0x1b3: {  	v61 =	vld [tilespmem:$0x360];
	v28 =	vsel vm8, $0x0, v56  }
0x1b4: {  	v25 =	vadd.f32 v57, v25;
	vm8 =	vgt.f32 v23, $0.0e+00;
	v38 =	vadd.f32 v28, v24  }
0x1b5: {  	v34 =	vld [tilespmem:$0x3A0];
	v33 =	vsel vm8, $0x3F800000, v2  }
0x1b6: {  	v60 =	vperm.xlane v33, v0;
	v24 =	vadd.f32 v59, v25;
	v37 =	vperm.xlane v38, v20  }
0x1b7: {  	v36 =	vld [tilespmem:$0x3E0];
	v62 =	vperm.xlane v33, v6  }
0x1b8: {  	v32 =	vld [tilespmem:$0x2B0];
	vm14 =	veq.s32 v21, $0x0;
	v24 =	vadd.f32 v61, v24;
	v63 =	vadd.f32 v60, v37  }
0x1b9: {  	v41 =	vld [tilespmem:$0x420];
	v31 =	vperm.xlane v33, v7;
	v30 =	vsel vm14, $0x0, v62  }
0x1ba: {  	v44 =	vld [tilespmem:$0x460];
	v24 =	vadd.f32 v34, v24;
	v35 =	vadd.f32 v30, v63  }
0x1bb: {  	v47 =	vld [tilespmem:$0x4A0];
	v40 =	vperm.xlane v33, v8;
	v39 =	vsel vm15, $0x0, v31  }
0x1bc: {  	v50 =	vld [tilespmem:$0x4E0];
	v24 =	vadd.f32 v36, v24;
	v25 =	vadd.f32 v39, v35  }
0x1bd: {  	v56 =	vadd.f32 $0.0e+00, v32;
	v57 =	vld [tilespmem:$0x560];
	v43 =	vperm.xlane v33, v9;
	v42 =	vsel vm11, $0x0, v40  }
0x1be: {  	vm2 =	vmmov vm9;
	v34 =	vld [tilespmem:$0x2F0];
	v24 =	vadd.f32 v41, v24;
	v25 =	vadd.f32 v42, v25  }
0x1bf: {  	vm0 =	vmmov vm6;
	v53 =	vld [tilespmem:$0x520];
	v46 =	vperm.xlane v33, v10;
	v45 =	vsel vm10, $0x0, v43  }
0x1c0: {  	v49 =	vperm.xlane v33, v11;
	v35 =	vld [tilespmem:$0x330];
	v24 =	vadd.f32 v44, v24;
	v25 =	vadd.f32 v45, v25  }
0x1c1: {  	v52 =	vperm.xlane v33, v12;
	v55 =	vperm.xlane v33, v13;
	v59 =	vld [tilespmem:$0x5A0];
	v48 =	vsel vm9, $0x0, v46  }
0x1c2: {  	v58 =	vperm.xlane v33, v14;
	v36 =	vld [tilespmem:$0x370];
	v24 =	vadd.f32 v47, v24;
	v25 =	vadd.f32 v48, v25  }
0x1c3: {  	vm14 =	vmmov vm11;
	v51 =	vsel vm13, $0x0, v49;
	v62 =	vld [tilespmem:$0x3B0];
	v26 =	vadd.f32 v34, v56  }
0x1c4: {  	v54 =	vsel vm12, $0x0, v52;
	v46 =	vld [tilespmem:$0x660];
	v24 =	vadd.f32 v50, v24;
	v25 =	vadd.f32 v51, v25  }
0x1c5: {  	v31 =	vsel vm1, $0x0, v55;
	vm11 =	vmmov vm1;
	v49 =	vld [tilespmem:$0x470];
	v26 =	vadd.f32 v35, v26  }
0x1c6: {  	vm12 =	vmmov vm3;
	v41 =	vld [tilespmem:$0x3F0];
	v24 =	vadd.f32 v53, v24;
	v25 =	vadd.f32 v54, v25  }
0x1c7: {  	vm13 =	vmmov vm4;
	v40 =	vperm.xlane v33, v16;
	v63 =	vld [tilespmem:$0x5E0];
	v26 =	vadd.f32 v36, v26  }
0x1c8: {  	vm9 =	vmmov vm5;
	v45 =	vld [tilespmem:$0x430];
	v24 =	vadd.f32 v57, v24;
	v25 =	vadd.f32 v31, v25  }
0x1c9: {  	v61 =	vperm.xlane v33, v15;
	v60 =	vsel vm3, $0x0, v58;
	v42 =	vld [tilespmem:$0x620];
	v26 =	vadd.f32 v62, v26  }
0x1ca: {  	v52 =	vld [tilespmem:$0x4B0];
	v43 =	vsel vm5, $0x0, v40;
	v24 =	vadd.f32 v59, v24;
	v25 =	vadd.f32 v60, v25  }
0x1cb: {  	vm5 =	vmmov vm7;
	v39 =	vsel vm4, $0x0, v61;
	v56 =	vld [tilespmem:$0x1FFE0];
	v26 =	vadd.f32 v41, v26  }
0x1cc: {  	v44 =	vperm.xlane v33, v17;
	v53 =	vld [tilespmem:$0x1FFD0];
	v24 =	vadd.f32 v63, v24;
	v25 =	vadd.f32 v39, v25  }
0x1cd: {  	vm4 =	veq.s32 v21, $0x0;
	v48 =	vperm.xlane v33, v18;
	v26 =	vadd.f32 v45, v26  }
0x1ce: {  	v55 =	vld [tilespmem:$0x4F0];
	v47 =	vsel vm6, $0x0, v44;
	v24 =	vadd.f32 v42, v24;
	v25 =	vadd.f32 v43, v25  }
0x1cf: {  	v50 =	vsel vm7, $0x0, v48;
	v51 =	vperm.xlane v33, v19;
	v26 =	vadd.f32 v49, v26  }
0x1d0: {  	vm7 =	vnez.u8 v56;
	v24 =	vadd.f32 v46, v24;
	v25 =	vadd.f32 v47, v25  }
0x1d1: {  	v54 =	vperm.xlane v33, v20;
	vm6 =	vnez.u8 v53;
	v26 =	vadd.f32 v52, v26  }
0x1d2: {  	v53 =	vnsel vm8, $0x0, v3;
	vm3 =	vgt.f32 v24, $0.0e+00;
	v25 =	vadd.f32 v50, v25  }
0x1d3: {  	v31 =	vsel vm6, $0x0, v51;
	v52 =	vld [tilespmem:$0x1FBF0];
	v26 =	vadd.f32 v55, v26;
	v36 =	vsel vm3, $0x3F800000, v2  }
0x1d4: {  	v57 =	vld [tilespmem:$0x530];
	v56 =	vnsel vm3, $0x0, v4;
	v58 =	vperm.xlane v36, v0;
	v25 =	vadd.f32 v31, v25  }
0x1d5: {  	v60 =	vperm.xlane v36, v6;
	v62 =	vperm.xlane v36, v7;
	v31 =	vsel vm7, $0x0, v54  }
0x1d6: {  	v59 =	vld [tilespmem:$0x570];
	v41 =	vperm.xlane v36, v8;
	v44 =	vperm.xlane v36, v9;
	v35 =	vadd.f32 v31, v25  }
0x1d7: {  	vm3 =	vmmov vm9;
	v47 =	vperm.xlane v36, v10;
	v49 =	vperm.xlane v36, v11  }
0x1d8: {  	v61 =	vld [tilespmem:$0x5B0];
	v51 =	vperm.xlane v36, v12;
	vm1 =	vnez.u8 v52;
	v34 =	vperm.xlane v35, v20  }
0x1d9: {  	v39 =	vld [tilespmem:$0x5F0];
	v55 =	vperm.xlane v36, v13;
	v40 =	vsel vm15, $0x0, v62;
	v25 =	vadd.f32 v57, v26  }
0x1da: {  	v50 =	vld [tilespmem:$0x1FF50];
	v43 =	vsel vm14, $0x0, v41;
	v46 =	vsel vm10, $0x0, v44;
	v28 =	vadd.f32 v58, v34  }
0x1db: {  	v42 =	vld [tilespmem:$0x630];
	v48 =	vsel vm2, $0x0, v47;
	v31 =	vsel vm4, $0x0, v60;
	v25 =	vadd.f32 v59, v25  }
0x1dc: {  	vm14 =	vmmov vm2;
	v54 =	vld [tilespmem:$0x1FF60];
	v30 =	vsel vm11, $0x0, v55;
	v63 =	vadd.f32 v31, v28  }
0x1dd: {  	vm2 =	vmmov vm13;
	v62 =	vperm.xlane v36, v16;
	v25 =	vadd.f32 v61, v25  }
0x1de: {  	v45 =	vld [tilespmem:$0x670];
	v41 =	vperm.xlane v36, v17;
	v44 =	vperm.xlane v36, v18;
	v26 =	vadd.f32 v40, v63  }
0x1df: {  	v47 =	vperm.xlane v36, v19;
	vm4 =	vnez.u8 v50;
	v25 =	vadd.f32 v39, v25  }
0x1e0: {  	v50 =	vperm.xlane v36, v20;
	v59 =	vperm.xlane v36, v15;
	v26 =	vadd.f32 v43, v26  }
0x1e1: {  	v33 =	vsub.f32 v35, v33;
	vm8 =	vnez.u8 v54;
	v25 =	vadd.f32 v42, v25  }
0x1e2: {  	v52 =	vsel vm7, $0x0, v50;
	vm7 =	veq.s32 v21, $0x0;
	v26 =	vadd.f32 v46, v26  }
0x1e3: {  	v29 =	vsel vm8, $0x0, v51;
	v39 =	vperm.xlane v36, v14;
	v25 =	vadd.f32 v45, v25  }
0x1e4: {  	v28 =	vsel vm4, $0x0, v49;
	v31 =	vnsel vm1, $0x0, v1;
	v26 =	vadd.f32 v48, v26  }
0x1e5: {  	v58 =	vsel vm12, $0x0, v39;
	v39 =	vsel vm9, $0x0, v62;
	vm1 =	vgt.f32 v25, $0.0e+00  }
0x1e6: {  	v46 =	vsel vm5, $0x0, v44;
	vm5 =	vmmov vm10;
	v26 =	vadd.f32 v28, v26  }
0x1e7: {  	v57 =	vnsel vm1, $0x0, v5;
	v28 =	vmax.f32 v31, v53;
	v31 =	vsel vm1, $0x3F800000, v2  }
0x1e8: {  	v55 =	vperm.xlane v31, v0;
	v26 =	vadd.f32 v29, v26;
	v29 =	vmax.f32 v56, v57  }
0x1e9: {  	v44 =	vperm.xlane v31, v7;
	v62 =	vperm.xlane v31, v9;
	v40 =	vmax.f32 v28, v29  }
0x1ea: {  	v56 =	vperm.xlane v31, v6;
	v29 =	vsel vm13, $0x0, v59;
	v60 =	vperm.xlane v40, v0  }
0x1eb: {  	vm13 =	vmmov vm15;
	v61 =	vperm.xlane v40, v6;
	v63 =	vperm.xlane v40, v7  }
0x1ec: {  	v26 =	vadd.f32 v30, v26;
	v42 =	vperm.xlane v40, v8;
	v43 =	vperm.xlane v40, v9  }
0x1ed: {  	v57 =	vsel vm15, $0x0, v44;
	v45 =	vperm.xlane v40, v10;
	v48 =	vperm.xlane v40, v11  }
0x1ee: {  	v49 =	vperm.xlane v40, v12;
	v51 =	vperm.xlane v40, v13;
	v26 =	vadd.f32 v58, v26  }
0x1ef: {  	v30 =	vsel vm0, $0x0, v41;
	v53 =	vperm.xlane v40, v14;
	v54 =	vperm.xlane v40, v15  }
0x1f0: {  	v41 =	vperm.xlane v40, v16;
	v28 =	vmax.f32 v60, v61;
	v26 =	vadd.f32 v29, v26  }
0x1f1: {  	v59 =	vperm.xlane v40, v19;
	v58 =	vperm.xlane v31, v8;
	v61 =	vld [tilespmem:$0x1FF20];
	v28 =	vmax.f32 v28, v63  }
0x1f2: {  	v63 =	vperm.xlane v38, v0;
	v28 =	vmax.f32 v28, v42;
	v26 =	vadd.f32 v39, v26  }
0x1f3: {  	v42 =	vperm.xlane v40, v17;
	v28 =	vmax.f32 v28, v43;
	v43 =	vperm.xlane v40, v18  }
0x1f4: {  	v40 =	vperm.xlane v40, v20;
	v28 =	vmax.f32 v28, v45;
	v26 =	vadd.f32 v30, v26  }
0x1f5: {  	v39 =	vsel vm7, $0x0, v56;
	v45 =	vperm.xlane v31, v12;
	vm7 =	vmmov vm8  }
0x1f6: {  	v28 =	vmax.f32 v28, v48;
	vm15 =	vnez.u8 v61;
	v26 =	vadd.f32 v46, v26  }
0x1f7: {  	v48 =	vperm.xlane v38, v6;
	v61 =	vperm.xlane v38, v10;
	v30 =	vsel vm6, $0x0, v47  }
0x1f8: {  	v28 =	vmax.f32 v28, v49;
	v49 =	vperm.xlane v31, v10;
	v26 =	vadd.f32 v30, v26  }
0x1f9: {  	vm6 =	vmmov vm14;
	v45 =	vsel vm8, $0x0, v45;
	vm8 =	vmmov vm0  }
0x1fa: {  	v28 =	vmax.f32 v28, v51;
	v51 =	vperm.xlane v31, v11;
	v32 =	vadd.f32 v52, v26  }
0x1fb: {  	v28 =	vmax.f32 v28, v53;
	v50 =	vsel vm14, $0x0, v49;
	v46 =	vperm.xlane v31, v13  }
0x1fc: {  	v53 =	vperm.xlane v38, v8;
	v28 =	vmax.f32 v28, v54;
	v29 =	vperm.xlane v32, v20  }
0x1fd: {  	v49 =	vperm.xlane v31, v17;
	v44 =	vsel vm4, $0x0, v51;
	v41 =	vmax.f32 v28, v41;
	v26 =	vld [tilespmem:$0x200]  }
0x1fe: {  	v41 =	vmax.f32 v41, v42;
	v42 =	vsel vm10, $0x0, v62;
	v30 =	vadd.f32 v55, v29  }
0x1ff: {  	vm10 =	vmmov vm11;
	v62 =	vperm.xlane v31, v16;
	v41 =	vmax.f32 v41, v43  }
0x200: {  	v52 =	vperm.xlane v38, v7;
	v39 =	vadd.f32 v39, v30;
	v30 =	vsub.f32 v38, v27  }
0x201: {  	v41 =	vmax.f32 v41, v59;
	v59 =	vperm.xlane v31, v15;
	v36 =	vsub.f32 v32, v36  }
0x202: {  	v28 =	vperm.xlane v26, v7;
	v60 =	vadd.f32 v57, v39;
	v43 =	vsub.f32 v30, v63  }
0x203: {  	v39 =	vsel vm15, $0x0, v58;
	v56 =	vsub.f32 v30, v53;
	v37 =	vsub.f32 v30, v37  }
0x204: {  	v58 =	vperm.xlane v31, v14;
	v27 =	vadd.f32 v39, v60;
	v39 =	vsub.f32 v30, v48  }
0x205: {  	v57 =	vsel vm11, $0x0, v46;
	v53 =	vld [tilespmem:$0x1FFF0];
	v43 =	vmul.f32 v43, v28;
	v60 =	vperm.xlane v38, v9  }
0x206: {  	v63 =	vsub.f32 v30, v61;
	v37 =	vmul.f32 v37, v28;
	v39 =	vmul.f32 v39, v28  }
0x207: {  	v27 =	vadd.f32 v42, v27;
	v43 =	vmul.f32 $1.442695020e+00, v43;
	v42 =	vsub.f32 v30, v52  }
0x208: {  	v48 =	vsel vm9, $0x0, v62;
	v37 =	vmul.f32 $1.442695020e+00, v37;
	v39 =	vmul.f32 $1.442695020e+00, v39  }
0x209: {  	v27 =	vadd.f32 v50, v27;
	(erf) = vpow2.f32 v43;
	v54 =	vmul.f32 v42, v28  }
0x20a: {  	vm11 =	vnez.u8 v53;
	v53 =	vperm.xlane v38, v14;
	v43 =	vsel vm12, $0x0, v58  }
0x20b: {  	v44 =	vadd.f32 v44, v27;
	(erf) = vpow2.f32 v39;
	v39 =	vmul.f32 $1.442695020e+00, v54  }
0x20c: {  	v58 =	vperm.xlane v38, v12;
	v27 =	vmax.f32 v41, v40;
	v41 =	vmul.f32 v56, v28  }
0x20d: {  	v55 =	vadd.f32 v45, v44;
	(erf) = vpow2.f32 v39;
	v39 =	vsub.f32 v30, v60  }
0x20e: {  	v42 =	vsel vm2, $0x0, v59;
	v54 =	vperm.xlane v38, v11;
	v41 =	vmul.f32 $1.442695020e+00, v41  }
0x20f: {  	vm14 =	vge.f32 v27, $2.000000000e+00;
	v40 =	vadd.f32 v57, v55;
	v39 =	vmul.f32 v39, v28  }
0x210: {  	vm9 =	vge.f32 v27, $3.000000000e+00;
	(erf) = vpow2.f32 v41;
	v41 =	vmul.f32 v63, v28  }
0x211: {  	v63 =	vperm.xlane v38, v13;
	v40 =	vadd.f32 v43, v40;
	v39 =	vmul.f32 $1.442695020e+00, v39  }
0x212: {  	v57 =	vsub.f32 v30, v54;
	v54 =	vperm.xlane v38, v15;
	v41 =	vmul.f32 $1.442695020e+00, v41;
	v50 =	vpop (erf)  }
0x213: {  	v40 =	vadd.f32 v42, v40;
	v51 =	vmul.f32 v50, v22;
	(erf) = vpow2.f32 v39  }
0x214: {  	v43 =	vsel vm0, $0x0, v49;
	v52 =	vpop (erf);
	(erf) = vpow2.f32 v41;
	v41 =	vmul.f32 v57, v28  }
0x215: {  	v40 =	vadd.f32 v48, v40;
	v44 =	vmul.f32 v52, v22;
	v42 =	vnsel vm11, $0x0, v51  }
0x216: {  	vm0 =	vge.f32 v27, $1.500000000e+01;
	vm11 =	vmmov vm13;
	v42 =	vadd.f32 $0.0e+00, v42  }
0x217: {  	v56 =	vpop (erf);
	v41 =	vmul.f32 $1.442695020e+00, v41;
	v40 =	vadd.f32 v43, v40;
	v55 =	vnsel vm13, $0x0, v44  }
0x218: {  	v43 =	vmul.f32 v56, v22;
	v44 =	vsub.f32 v30, v58;
	vm13 =	vge.f32 v27, $4.000000000e+00  }
0x219: {  	v39 =	vadd.f32 $0.0e+00, v55;
	v42 =	vnsel vm14, $0x0, v42;
	vm14 =	vmmov vm15;
	v59 =	vpop (erf)  }
0x21a: {  	(erf) = vpow2.f32 v41;
	v43 =	vnsel vm15, $0x0, v43;
	v45 =	vmul.f32 v59, v22  }
0x21b: {  	v62 =	vmul.f32 v44, v28;
	vm15 =	vge.f32 v27, $5.000000000e+00;
	v44 =	vsub.f32 v30, v63  }
0x21c: {  	v39 =	vnsel vm9, $0x0, v39;
	v60 =	vadd.f32 $0.0e+00, v43;
	vm9 =	vge.f32 v27, $6.000000000e+00  }
0x21d: {  	v39 =	vadd.f32 v39, v42;
	v61 =	vnsel vm5, $0x0, v45;
	v41 =	vmul.f32 $1.442695020e+00, v62  }
0x21e: {  	v63 =	vld [tilespmem:$0x1FFC0];
	v52 =	vmul.f32 v44, v28;
	v44 =	vsub.f32 v30, v53;
	v45 =	vsub.f32 v30, v54  }
0x21f: {  	v42 =	vnsel vm13, $0x0, v60;
	v43 =	vadd.f32 $0.0e+00, v61;
	v48 =	vpop (erf);
	v60 =	vperm.xlane v31, v18  }
0x220: {  	v61 =	vperm.xlane v38, v16;
	v39 =	vadd.f32 v42, v39;
	v42 =	vmul.f32 v48, v22  }
0x221: {  	vm13 =	vge.f32 v27, $7.000000000e+00;
	v49 =	vpop (erf);
	(erf) = vpow2.f32 v41;
	v44 =	vmul.f32 v44, v28  }
0x222: {  	v59 =	vmul.f32 v45, v28;
	v43 =	vnsel vm15, $0x0, v43;
	v50 =	vmul.f32 v49, v22  }
0x223: {  	vm15 =	vmmov vm6;
	vm1 =	vnez.u8 v63;
	v49 =	vperm.xlane v38, v17  }
0x224: {  	v39 =	vadd.f32 v43, v39;
	v51 =	vnsel vm6, $0x0, v42;
	v42 =	vmul.f32 $1.442695020e+00, v52  }
0x225: {  	vm6 =	vmmov vm4;
	v58 =	vmul.f32 $1.442695020e+00, v44;
	v62 =	vmul.f32 $1.442695020e+00, v59  }
0x226: {  	v44 =	vsel vm1, $0x0, v60;
	v41 =	vadd.f32 $0.0e+00, v51;
	v43 =	vnsel vm4, $0x0, v50  }
0x227: {  	vm4 =	vge.f32 v27, $8.000000000e+00;
	v40 =	vadd.f32 v44, v40;
	v50 =	vperm.xlane v31, v19  }
0x228: {  	v43 =	vadd.f32 $0.0e+00, v43;
	(erf) = vpow2.f32 v42;
	v55 =	vpop (erf);
	v42 =	vsub.f32 v30, v61  }
0x229: {  	v41 =	vnsel vm9, $0x0, v41;
	v56 =	vmul.f32 v55, v22;
	(erf) = vpow2.f32 v58  }
0x22a: {  	v53 =	vld [tilespmem:$0x1FFD0];
	vm9 =	vge.f32 v27, $9.000000000e+00;
	v39 =	vadd.f32 v41, v39;
	v42 =	vmul.f32 v42, v28  }
0x22b: {  	v57 =	vnsel vm13, $0x0, v43;
	(erf) = vpow2.f32 v62;
	v43 =	vsub.f32 v30, v49  }
0x22c: {  	v41 =	vnsel vm7, $0x0, v56;
	v39 =	vadd.f32 v57, v39;
	v42 =	vmul.f32 $1.442695020e+00, v42  }
0x22d: {  	v41 =	vadd.f32 $0.0e+00, v41;
	v55 =	vmul.f32 v43, v28;
	v57 =	vperm.xlane v38, v18;
	v48 =	vpop (erf)  }
0x22e: {  	vm13 =	vge.f32 v27, $1.100000000e+01;
	v38 =	vperm.xlane v38, v19;
	v45 =	vmul.f32 v48, v22  }
0x22f: {  	v41 =	vnsel vm4, $0x0, v41;
	vm4 =	vnez.u8 v53;
	(erf) = vpow2.f32 v42  }
0x230: {  	v42 =	vmul.f32 $1.442695020e+00, v55;
	v43 =	vsub.f32 v30, v57;
	v38 =	vsub.f32 v30, v38  }
0x231: {  	v53 =	vperm.xlane v35, v0;
	v41 =	vadd.f32 v41, v39;
	v44 =	vsel vm4, $0x0, v50  }
0x232: {  	v51 =	vnsel vm10, $0x0, v45;
	v39 =	vadd.f32 v44, v40;
	v43 =	vmul.f32 v43, v28  }
0x233: {  	(erf) = vpow2.f32 v42;
	v38 =	vmul.f32 v38, v28;
	v52 =	vpop (erf);
	v54 =	vadd.f32 $0.0e+00, v51  }
0x234: {  	v57 =	vsub.f32 v33, v53;
	v45 =	vmul.f32 v52, v22;
	v43 =	vmul.f32 $1.442695020e+00, v43  }
0x235: {  	v59 =	vpop (erf);
	v38 =	vmul.f32 $1.442695020e+00, v38;
	v56 =	vnsel vm9, $0x0, v54;
	vm9 =	vmmov vm12  }
0x236: {  	v44 =	vmul.f32 v59, v22;
	v59 =	vperm.xlane v35, v6;
	v40 =	vadd.f32 v56, v41  }
0x237: {  	v58 =	vnsel vm12, $0x0, v45;
	vm12 =	vge.f32 v27, $1.000000000e+01;
	(erf) = vpow2.f32 v43  }
0x238: {  	v61 =	vpop (erf);
	v56 =	vsub.f32 v30, v53;
	v53 =	vperm.xlane v35, v7;
	v41 =	vadd.f32 $0.0e+00, v58  }
0x239: {  	v60 =	vnsel vm2, $0x0, v44;
	v44 =	vmul.f32 v61, v22;
	(erf) = vpow2.f32 v38  }
0x23a: {  	v43 =	vsub.f32 v33, v59;
	v42 =	vadd.f32 $0.0e+00, v60;
	(erf) = vpow2.f32 v37  }
0x23b: {  	v58 =	vmul.f32 v56, v28;
	v37 =	vmul.f32 v57, v28;
	v56 =	vsub.f32 v30, v53  }
0x23c: {  	v57 =	vsub.f32 v33, v53;
	v53 =	vperm.xlane v35, v9;
	v41 =	vnsel vm12, $0x0, v41  }
0x23d: {  	v63 =	vnsel vm3, $0x0, v44;
	v48 =	vpop (erf);
	vm12 =	vge.f32 v27, $1.200000000e+01;
	v40 =	vadd.f32 v41, v40  }
0x23e: {  	v62 =	vnsel vm13, $0x0, v42;
	v49 =	vadd.f32 $0.0e+00, v63;
	v50 =	vmul.f32 v48, v22  }
0x23f: {  	vm13 =	vge.f32 v27, $1.300000000e+01;
	v42 =	vmul.f32 $1.442695020e+00, v58;
	v37 =	vmul.f32 $1.442695020e+00, v37  }
0x240: {  	v58 =	vmul.f32 v56, v28;
	v55 =	vpop (erf);
	v40 =	vadd.f32 v62, v40;
	v51 =	vnsel vm12, $0x0, v49  }
0x241: {  	v52 =	vnsel vm8, $0x0, v50;
	v41 =	vmul.f32 v55, v22;
	vm12 =	vge.f32 v27, $1.400000000e+01  }
0x242: {  	v62 =	vsub.f32 v30, v59;
	(erf) = vpow2.f32 v42;
	v59 =	vperm.xlane v35, v8  }
0x243: {  	v54 =	vadd.f32 $0.0e+00, v52;
	(erf) = vpow2.f32 v37;
	v52 =	vmul.f32 v43, v28  }
0x244: {  	v38 =	vadd.f32 v51, v40;
	v41 =	vnsel vm1, $0x0, v41;
	v48 =	vmul.f32 v62, v28  }
0x245: {  	v40 =	vnsel vm13, $0x0, v54;
	v60 =	vadd.f32 $0.0e+00, v41;
	v61 =	vpop (erf);
	vm13 =	veq.s32 v21, $0xF  }
0x246: {  	v54 =	vmul.f32 $1.442695020e+00, v52;
	v38 =	vadd.f32 v40, v38;
	v41 =	vmul.f32 v61, v22  }
0x247: {  	v63 =	vpop (erf);
	v51 =	vmul.f32 $1.442695020e+00, v48;
	v48 =	vsub.f32 v33, v59;
	v40 =	vnsel vm12, $0x0, v60  }
0x248: {  	v49 =	vmul.f32 v63, v22;
	vm12 =	vge.f32 v27, $1.700000000e+01;
	v63 =	vsub.f32 v30, v59  }
0x249: {  	v55 =	vpop (erf);
	v38 =	vadd.f32 v40, v38;
	v50 =	vnsel vm4, $0x0, v41;
	(erf) = vpow2.f32 v51  }
0x24a: {  	v42 =	vmul.f32 v55, v22;
	v41 =	vmul.f32 v57, v28;
	v57 =	vsub.f32 v33, v53  }
0x24b: {  	v51 =	vld [tilespmem:$0x1FFF0];
	v37 =	vadd.f32 $0.0e+00, v50;
	v40 =	vsel vm13, $0x0, v49;
	(erf) = vpow2.f32 v54  }
0x24c: {  	vm13 =	vge.f32 v27, $1.600000000e+01;
	v54 =	vsub.f32 v30, v53;
	v40 =	vadd.f32 $0.0e+00, v40  }
0x24d: {  	v42 =	vadd.f32 $0.0e+00, v42;
	v41 =	vmul.f32 $1.442695020e+00, v41;
	v37 =	vnsel vm0, $0x0, v37  }
0x24e: {  	v61 =	vpop (erf);
	v37 =	vadd.f32 v37, v38;
	v40 =	vnsel vm13, $0x0, v40;
	v38 =	vmul.f32 $1.442695020e+00, v58  }
0x24f: {  	v60 =	vnsel vm12, $0x0, v42;
	v42 =	vmul.f32 v61, v22;
	v62 =	vpop (erf);
	vm13 =	vge.f32 v27, $1.800000000e+01  }
0x250: {  	v58 =	vperm.xlane v35, v10;
	v44 =	vmul.f32 v62, v23;
	vm12 =	vnez.u8 v51  }
0x251: {  	v37 =	vadd.f32 v40, v37;
	(erf) = vpow2.f32 v38;
	v38 =	vmul.f32 v63, v28  }
0x252: {  	v49 =	vadd.f32 $0.0e+00, v42;
	(erf) = vpow2.f32 v41;
	v41 =	vmul.f32 v48, v28  }
0x253: {  	v43 =	vnsel vm12, $0x0, v44;
	v37 =	vadd.f32 v37, v60;
	v38 =	vmul.f32 $1.442695020e+00, v38  }
0x254: {  	v40 =	vadd.f32 v43, v49;
	v60 =	vsub.f32 v30, v58;
	v50 =	vpop (erf);
	v41 =	vmul.f32 $1.442695020e+00, v41  }
0x255: {  	v49 =	vsub.f32 v33, v58;
	v42 =	vmul.f32 v50, v22;
	v52 =	vpop (erf);
	(erf) = vpow2.f32 v38  }
0x256: {  	v40 =	vnsel vm13, $0x0, v40;
	v38 =	vmul.f32 v54, v28;
	v43 =	vmul.f32 v52, v23  }
0x257: {  	vm13 =	vge.f32 v27, $1.900000000e+01;
	v48 =	vmul.f32 v60, v28;
	v42 =	vadd.f32 $0.0e+00, v42  }
0x258: {  	(erf) = vpow2.f32 v41;
	v38 =	vmul.f32 $1.442695020e+00, v38;
	v43 =	vnsel vm11, $0x0, v43  }
0x259: {  	v50 =	vperm.xlane v35, v11;
	v55 =	vadd.f32 v43, v42;
	v42 =	vmul.f32 v57, v28  }
0x25a: {  	v37 =	vadd.f32 v37, v40;
	v52 =	vmul.f32 $1.442695020e+00, v48;
	(erf) = vpow2.f32 v38;
	v56 =	vpop (erf)  }
0x25b: {  	v40 =	vnsel vm13, $0x0, v55;
	v41 =	vmul.f32 v56, v22;
	v59 =	vpop (erf);
	v63 =	vmul.f32 $1.442695020e+00, v42  }
0x25c: {  	v55 =	vsub.f32 v30, v50;
	v56 =	vsub.f32 v33, v50;
	v44 =	vmul.f32 v59, v23  }
0x25d: {  	v37 =	vadd.f32 v37, v40;
	v40 =	vmul.f32 v49, v28;
	v59 =	vperm.xlane v35, v12  }
0x25e: {  	v61 =	vadd.f32 $0.0e+00, v41;
	(erf) = vpow2.f32 v63;
	v57 =	vmul.f32 v55, v28  }
0x25f: {  	v58 =	vmul.f32 v56, v28;
	v62 =	vnsel vm14, $0x0, v44;
	(erf) = vpow2.f32 v52  }
0x260: {  	v51 =	vpop (erf);
	v40 =	vmul.f32 $1.442695020e+00, v40;
	v63 =	vsub.f32 v30, v59;
	v52 =	vperm.xlane v35, v13  }
0x261: {  	v48 =	vsub.f32 v33, v59;
	v53 =	vmul.f32 v51, v22;
	v54 =	vpop (erf);
	v60 =	vmul.f32 $1.442695020e+00, v57  }
0x262: {  	v38 =	vadd.f32 v62, v61;
	v44 =	vmul.f32 v54, v23;
	(erf) = vpow2.f32 v40  }
0x263: {  	vm13 =	vge.f32 v27, $2.000000000e+01;
	v50 =	vmul.f32 v63, v28;
	v40 =	vmul.f32 v48, v28  }
0x264: {  	v43 =	vsub.f32 v33, v52;
	v38 =	vnsel vm13, $0x0, v38;
	v42 =	vadd.f32 $0.0e+00, v53  }
0x265: {  	(erf) = vpow2.f32 v60;
	v53 =	vsub.f32 v30, v52;
	v37 =	vadd.f32 v37, v38  }
0x266: {  	v61 =	vnsel vm5, $0x0, v44;
	v62 =	vpop (erf);
	v38 =	vmul.f32 $1.442695020e+00, v58;
	v40 =	vmul.f32 $1.442695020e+00, v40  }
0x267: {  	v44 =	vmul.f32 v62, v22;
	v49 =	vadd.f32 v61, v42;
	v62 =	vperm.xlane v35, v14  }
0x268: {  	vm13 =	vge.f32 v27, $2.100000000e+01;
	(erf) = vpow2.f32 v38;
	v38 =	vmul.f32 $1.442695020e+00, v50  }
0x269: {  	v60 =	vmul.f32 v43, v28;
	v57 =	vmul.f32 v53, v28;
	v41 =	vnsel vm13, $0x0, v49;
	v51 =	vpop (erf)  }
0x26a: {  	v49 =	vsub.f32 v30, v62;
	(erf) = vpow2.f32 v38;
	v42 =	vmul.f32 v51, v23  }
0x26b: {  	v44 =	vadd.f32 $0.0e+00, v44;
	(erf) = vpow2.f32 v40;
	v40 =	vmul.f32 $1.442695020e+00, v57  }
0x26c: {  	vm13 =	vge.f32 v27, $2.200000000e+01;
	v37 =	vadd.f32 v37, v41;
	v56 =	vpop (erf);
	v52 =	vmul.f32 v49, v28  }
0x26d: {  	v41 =	vmul.f32 v56, v22;
	v54 =	vnsel vm15, $0x0, v42;
	v58 =	vpop (erf);
	(erf) = vpow2.f32 v40  }
0x26e: {  	v40 =	vsub.f32 v33, v62;
	v55 =	vadd.f32 v54, v44;
	v42 =	vmul.f32 v58, v23  }
0x26f: {  	v59 =	vadd.f32 $0.0e+00, v41;
	v61 =	vpop (erf);
	v41 =	vmul.f32 $1.442695020e+00, v60;
	v54 =	vperm.xlane v35, v15  }
0x270: {  	v63 =	vmul.f32 v61, v22;
	v40 =	vmul.f32 v40, v28;
	v38 =	vnsel vm13, $0x0, v55  }
0x271: {  	v42 =	vnsel vm6, $0x0, v42;
	vm13 =	vge.f32 v27, $2.300000000e+01;
	v58 =	vsub.f32 v30, v54  }
0x272: {  	(erf) = vpow2.f32 v41;
	v37 =	vadd.f32 v37, v38;
	v38 =	vadd.f32 v42, v59  }
0x273: {  	v48 =	vpop (erf);
	v42 =	vadd.f32 $0.0e+00, v63;
	v40 =	vmul.f32 $1.442695020e+00, v40;
	v63 =	vperm.xlane v35, v16  }
0x274: {  	v60 =	vsub.f32 v33, v54;
	v43 =	vmul.f32 v48, v23;
	v61 =	vmul.f32 v58, v28  }
0x275: {  	v38 =	vnsel vm13, $0x0, v38;
	v51 =	vpop (erf);
	vm13 =	vge.f32 v27, $2.400000000e+01;
	v49 =	vsub.f32 v30, v63  }
0x276: {  	v37 =	vadd.f32 v37, v38;
	v50 =	vnsel vm7, $0x0, v43;
	v41 =	vmul.f32 v51, v22;
	v53 =	vpop (erf)  }
0x277: {  	v43 =	vmul.f32 $1.442695020e+00, v52;
	v38 =	vadd.f32 v50, v42;
	v42 =	vmul.f32 v53, v23  }
0x278: {  	v52 =	vsub.f32 v33, v63;
	v50 =	vperm.xlane v35, v17;
	v51 =	vmul.f32 v49, v28  }
0x279: {  	v53 =	vperm.xlane v31, v20;
	v55 =	vadd.f32 $0.0e+00, v41;
	(erf) = vpow2.f32 v43  }
0x27a: {  	v57 =	vpop (erf);
	v43 =	vmul.f32 v52, v28;
	v38 =	vnsel vm13, $0x0, v38;
	v56 =	vnsel vm10, $0x0, v42  }
0x27b: {  	v59 =	vmul.f32 v57, v22;
	vm13 =	vge.f32 v27, $2.500000000e+01;
	(erf) = vpow2.f32 v40  }
0x27c: {  	v42 =	vmul.f32 v60, v28;
	v40 =	vmul.f32 $1.442695020e+00, v61;
	v54 =	vsub.f32 v30, v50  }
0x27d: {  	v61 =	vperm.xlane v35, v18;
	v35 =	vperm.xlane v35, v19;
	v37 =	vadd.f32 v37, v38  }
0x27e: {  	v38 =	vadd.f32 v56, v55;
	v43 =	vmul.f32 $1.442695020e+00, v43;
	v41 =	vadd.f32 $0.0e+00, v59  }
0x27f: {  	(erf) = vpow2.f32 v40;
	v40 =	vsub.f32 v33, v50;
	v47 =	vsub.f32 v30, v61  }
0x280: {  	v62 =	vpop (erf);
	v42 =	vmul.f32 $1.442695020e+00, v42;
	v52 =	vsub.f32 v33, v61;
	v61 =	vsub.f32 v30, v34  }
0x281: {  	v57 =	vld [tilespmem:$0x1FFE0];
	v34 =	vsub.f32 v33, v34;
	v38 =	vnsel vm13, $0x0, v38;
	v48 =	vmul.f32 v62, v23  }
0x282: {  	v37 =	vadd.f32 v37, v38;
	(erf) = vpow2.f32 v42;
	v42 =	vmul.f32 $1.442695020e+00, v51  }
0x283: {  	v40 =	vmul.f32 v40, v28;
	v34 =	vmul.f32 v34, v28;
	v38 =	vnsel vm9, $0x0, v48  }
0x284: {  	v38 =	vadd.f32 v38, v41;
	v41 =	vmul.f32 v54, v28;
	(erf) = vpow2.f32 v42  }
0x285: {  	vm13 =	vge.f32 v27, $2.600000000e+01;
	v40 =	vmul.f32 $1.442695020e+00, v40;
	v34 =	vmul.f32 $1.442695020e+00, v34  }
0x286: {  	(erf) = vpow2.f32 v43;
	v55 =	vpop (erf);
	v38 =	vnsel vm13, $0x0, v38;
	vm13 =	vnez.u8 v57  }
0x287: {  	v41 =	vmul.f32 $1.442695020e+00, v41;
	v45 =	vmul.f32 v55, v22;
	v56 =	vpop (erf);
	v44 =	vsel vm13, $0x0, v53  }
0x288: {  	v38 =	vadd.f32 v37, v38;
	vm13 =	vge.f32 v27, $2.700000000e+01;
	v42 =	vmul.f32 v56, v23  }
0x289: {  	(erf) = vpow2.f32 v41;
	v37 =	vadd.f32 v44, v39;
	v58 =	vadd.f32 $0.0e+00, v45  }
0x28a: {  	v60 =	vpop (erf);
	(erf) = vpow2.f32 v40;
	v40 =	vmul.f32 v47, v28;
	v59 =	vnsel vm2, $0x0, v42  }
0x28b: {  	v42 =	vmul.f32 v60, v22;
	v31 =	vsub.f32 v37, v31;
	v37 =	vperm.xlane v37, v0  }
0x28c: {  	v41 =	vadd.f32 v59, v58;
	v62 =	vpop (erf);
	v40 =	vmul.f32 $1.442695020e+00, v40;
	v58 =	vsub.f32 v30, v35  }
0x28d: {  	v35 =	vsub.f32 v33, v35;
	v63 =	vmul.f32 v62, v23;
	v49 =	vadd.f32 $0.0e+00, v42  }
0x28e: {  	v42 =	vmul.f32 v52, v28;
	v48 =	vnsel vm13, $0x0, v41;
	(erf) = vpow2.f32 v40  }
0x28f: {  	v51 =	vpop (erf);
	vm13 =	vge.f32 v27, $2.800000000e+01;
	v60 =	vmul.f32 v58, v28;
	v35 =	vmul.f32 v35, v28  }
0x290: {  	v38 =	vadd.f32 v38, v48;
	v41 =	vmul.f32 v51, v22;
	v57 =	vmul.f32 $1.442695020e+00, v42  }
0x291: {  	v50 =	vnsel vm3, $0x0, v63;
	v53 =	vpop (erf);
	v42 =	vmul.f32 v61, v28;
	v63 =	vperm.xlane v32, v0  }
0x292: {  	v39 =	vadd.f32 v50, v49;
	v55 =	vmul.f32 v53, v23;
	v40 =	vmul.f32 $1.442695020e+00, v60  }
0x293: {  	v35 =	vmul.f32 $1.442695020e+00, v35;
	v60 =	vperm.xlane v32, v6;
	v54 =	vadd.f32 $0.0e+00, v41  }
0x294: {  	(erf) = vpow2.f32 v57;
	v47 =	vmul.f32 $1.442695020e+00, v42;
	v48 =	vsub.f32 v30, v63  }
0x295: {  	v39 =	vnsel vm13, $0x0, v39;
	v41 =	vnsel vm8, $0x0, v55;
	vm13 =	vge.f32 v27, $2.900000000e+01  }
0x296: {  	v56 =	vpop (erf);
	(erf) = vpow2.f32 v40;
	v55 =	vsub.f32 v33, v63;
	v38 =	vadd.f32 v38, v39  }
0x297: {  	v43 =	vmul.f32 v56, v22;
	v59 =	vpop (erf);
	v39 =	vadd.f32 v41, v54;
	(erf) = vpow2.f32 v35  }
0x298: {  	v35 =	vmul.f32 v48, v28;
	v56 =	vsub.f32 v36, v63;
	v62 =	vmul.f32 v59, v23  }
0x299: {  	v63 =	vsub.f32 v30, v60;
	(erf) = vpow2.f32 v47;
	v57 =	vmul.f32 v55, v28  }
0x29a: {  	v55 =	vperm.xlane v32, v7;
	v39 =	vnsel vm13, $0x0, v39;
	(erf) = vpow2.f32 v34  }
0x29b: {  	v49 =	vadd.f32 $0.0e+00, v43;
	v54 =	vmul.f32 $1.442695020e+00, v35;
	v59 =	vmul.f32 v56, v28  }
0x29c: {  	vm13 =	vge.f32 v27, $3.000000000e+01;
	v47 =	vmul.f32 v63, v28;
	v63 =	vperm.xlane v32, v8  }
0x29d: {  	v38 =	vadd.f32 v38, v39;
	v50 =	vnsel vm1, $0x0, v62;
	v34 =	vmul.f32 $1.442695020e+00, v57  }
0x29e: {  	v51 =	vpop (erf);
	v39 =	vadd.f32 v50, v49;
	(erf) = vpow2.f32 v54;
	v49 =	vmul.f32 $1.442695020e+00, v47  }
0x29f: {  	v50 =	vsub.f32 v33, v60;
	v54 =	vsub.f32 v36, v60;
	v52 =	vmul.f32 v51, v22  }
0x2a0: {  	v60 =	vsub.f32 v33, v55;
	v39 =	vnsel vm13, $0x0, v39;
	vm13 =	vge.f32 v27, $3.100000000e+01;
	v53 =	vpop (erf)  }
0x2a1: {  	v40 =	vadd.f32 $0.0e+00, v52;
	v38 =	vadd.f32 v38, v39;
	v41 =	vmul.f32 v53, v23  }
0x2a2: {  	(erf) = vpow2.f32 v34;
	v61 =	vpop (erf);
	v53 =	vmul.f32 v50, v28;
	v50 =	vsub.f32 v36, v55  }
0x2a3: {  	v39 =	vmul.f32 v61, v22;
	v62 =	vpop (erf);
	v58 =	vnsel vm4, $0x0, v41;
	v41 =	vmul.f32 $1.442695020e+00, v59  }
0x2a4: {  	v46 =	vpop (erf);
	v59 =	vsub.f32 v30, v55;
	v35 =	vadd.f32 v58, v40;
	v40 =	vmul.f32 v62, v23  }
0x2a5: {  	v45 =	vadd.f32 $0.0e+00, v39;
	v39 =	vmul.f32 v46, v22;
	(erf) = vpow2.f32 v41  }
0x2a6: {  	v62 =	vmul.f32 v59, v28;
	v35 =	vnsel vm13, $0x0, v35;
	vm13 =	veq.s32 v21, $0xF  }
0x2a7: {  	v48 =	vpop (erf);
	v39 =	vadd.f32 $0.0e+00, v39;
	(erf) = vpow2.f32 v49;
	v40 =	vsel vm13, $0x0, v40  }
0x2a8: {  	v35 =	vadd.f32 v38, v35;
	vm13 =	vge.f32 v27, $3.200000000e+01;
	v38 =	vmul.f32 v48, v23  }
0x2a9: {  	v52 =	vpop (erf);
	v49 =	vmul.f32 $1.442695020e+00, v62;
	v34 =	vadd.f32 v40, v45;
	v40 =	vmul.f32 v54, v28  }
0x2aa: {  	v54 =	vsub.f32 v33, v63;
	v51 =	vadd.f32 v38, v39;
	v38 =	vmul.f32 v52, v22  }
0x2ab: {  	v39 =	vmul.f32 $1.442695020e+00, v53;
	v52 =	vsub.f32 v30, v63;
	v53 =	vmul.f32 v50, v28  }
0x2ac: {  	v34 =	vnsel vm13, $0x0, v34;
	vm13 =	vge.f32 v27, $3.300000000e+01;
	v61 =	vmul.f32 $1.442695020e+00, v40  }
0x2ad: {  	v57 =	vpop (erf);
	v40 =	vmul.f32 v54, v28;
	v34 =	vadd.f32 v35, v34;
	v35 =	vnsel vm13, $0x0, v51  }
0x2ae: {  	v56 =	vadd.f32 $0.0e+00, v38;
	v38 =	vmul.f32 v57, v23;
	(erf) = vpow2.f32 v39  }
0x2af: {  	v39 =	vmul.f32 v60, v28;
	v55 =	vmul.f32 v52, v28;
	vm13 =	vge.f32 v27, $3.400000000e+01  }
0x2b0: {  	v57 =	vperm.xlane v32, v9;
	(erf) = vpow2.f32 v61;
	v34 =	vadd.f32 v34, v35  }
0x2b1: {  	v35 =	vadd.f32 v56, v38;
	v39 =	vmul.f32 $1.442695020e+00, v39;
	(erf) = vpow2.f32 v49  }
0x2b2: {  	v38 =	vmul.f32 $1.442695020e+00, v53;
	v56 =	vsub.f32 v36, v63;
	v53 =	vperm.xlane v32, v10;
	v58 =	vpop (erf)  }
0x2b3: {  	v61 =	vsub.f32 v30, v57;
	v42 =	vmul.f32 v58, v24;
	(erf) = vpow2.f32 v39  }
0x2b4: {  	v49 =	vsub.f32 v36, v57;
	v39 =	vmul.f32 $1.442695020e+00, v55;
	v58 =	vmul.f32 $1.442695020e+00, v40  }
0x2b5: {  	v46 =	vsub.f32 v33, v57;
	v60 =	vmul.f32 v56, v28;
	v45 =	vmul.f32 v61, v28  }
0x2b6: {  	v48 =	vpop (erf);
	v50 =	vmul.f32 v49, v28;
	v55 =	vsub.f32 v30, v53;
	v49 =	vperm.xlane v32, v11  }
0x2b7: {  	v51 =	vmul.f32 v48, v22;
	(erf) = vpow2.f32 v38;
	v42 =	vnsel vm12, $0x0, v42  }
0x2b8: {  	v63 =	vmul.f32 $1.442695020e+00, v60;
	v60 =	vsub.f32 v33, v53;
	v35 =	vadd.f32 v35, v42  }
0x2b9: {  	v48 =	vmul.f32 $1.442695020e+00, v45;
	v38 =	vmul.f32 $1.442695020e+00, v50;
	v41 =	vadd.f32 $0.0e+00, v51  }
0x2ba: {  	v43 =	vmul.f32 v60, v28;
	v35 =	vnsel vm13, $0x0, v35;
	v59 =	vpop (erf);
	(erf) = vpow2.f32 v39  }
0x2bb: {  	vm13 =	vge.f32 v27, $3.600000000e+01;
	v40 =	vmul.f32 v59, v23;
	(erf) = vpow2.f32 v58;
	v62 =	vpop (erf)  }
0x2bc: {  	v34 =	vadd.f32 v34, v35;
	v35 =	vmul.f32 v62, v24;
	v47 =	vpop (erf);
	(erf) = vpow2.f32 v63  }
0x2bd: {  	v63 =	vmul.f32 $1.442695020e+00, v43;
	v40 =	vadd.f32 v41, v40;
	v42 =	vmul.f32 v47, v22  }
0x2be: {  	v41 =	vmul.f32 v46, v28;
	(erf) = vpow2.f32 v48;
	v35 =	vnsel vm11, $0x0, v35  }
0x2bf: {  	v47 =	vperm.xlane v32, v18;
	vm11 =	vge.f32 v27, $3.500000000e+01;
	v51 =	vpop (erf);
	v35 =	vadd.f32 v40, v35  }
0x2c0: {  	v52 =	vmul.f32 $1.442695020e+00, v41;
	v42 =	vadd.f32 $0.0e+00, v42;
	v39 =	vmul.f32 v51, v23  }
0x2c1: {  	v54 =	vpop (erf);
	v40 =	vmul.f32 v55, v28;
	v41 =	vsub.f32 v36, v53;
	v51 =	vsub.f32 v30, v49  }
0x2c2: {  	v58 =	vmul.f32 v54, v24;
	v54 =	vsub.f32 v33, v49;
	v35 =	vnsel vm11, $0x0, v35  }
0x2c3: {  	(erf) = vpow2.f32 v52;
	v56 =	vadd.f32 v42, v39;
	v41 =	vmul.f32 v41, v28  }
0x2c4: {  	v40 =	vmul.f32 $1.442695020e+00, v40;
	vm11 =	vge.f32 v27, $4.000000000e+01;
	v57 =	vpop (erf);
	(erf) = vpow2.f32 v38  }
0x2c5: {  	v34 =	vadd.f32 v34, v35;
	v41 =	vmul.f32 $1.442695020e+00, v41;
	v39 =	vmul.f32 v57, v22  }
0x2c6: {  	v38 =	vnsel vm14, $0x0, v58;
	v59 =	vpop (erf);
	(erf) = vpow2.f32 v40;
	v57 =	vmul.f32 v54, v28  }
0x2c7: {  	v35 =	vadd.f32 v56, v38;
	v42 =	vmul.f32 v59, v23;
	v61 =	vpop (erf);
	(erf) = vpow2.f32 v63  }
0x2c8: {  	vm14 =	vge.f32 v27, $3.700000000e+01;
	v63 =	vperm.xlane v32, v12;
	v62 =	vmul.f32 v61, v24  }
0x2c9: {  	v39 =	vadd.f32 $0.0e+00, v39;
	v35 =	vnsel vm13, $0x0, v35;
	(erf) = vpow2.f32 v41  }
0x2ca: {  	v48 =	vpop (erf);
	v41 =	vmul.f32 v51, v28;
	v61 =	vmul.f32 $1.442695020e+00, v57;
	vm13 =	vge.f32 v27, $4.100000000e+01  }
0x2cb: {  	v43 =	vmul.f32 v48, v22;
	v34 =	vadd.f32 v34, v35;
	v51 =	vsub.f32 v30, v63  }
0x2cc: {  	v39 =	vadd.f32 v39, v42;
	v38 =	vnsel vm5, $0x0, v62;
	v41 =	vmul.f32 $1.442695020e+00, v41  }
0x2cd: {  	vm5 =	vge.f32 v27, $3.800000000e+01;
	v62 =	vsub.f32 v36, v49;
	v54 =	vmul.f32 v51, v28  }
0x2ce: {  	v51 =	vperm.xlane v32, v14;
	v50 =	vpop (erf);
	v38 =	vadd.f32 v39, v38;
	(erf) = vpow2.f32 v41  }
0x2cf: {  	v52 =	vadd.f32 $0.0e+00, v43;
	v41 =	vmul.f32 v62, v28;
	v40 =	vmul.f32 v50, v23  }
0x2d0: {  	(erf) = vpow2.f32 v61;
	v57 =	vmul.f32 $1.442695020e+00, v54;
	v53 =	vpop (erf);
	v58 =	vnsel vm14, $0x0, v38  }
0x2d1: {  	vm14 =	vge.f32 v27, $4.200000000e+01;
	v43 =	vmul.f32 v53, v24;
	v55 =	vadd.f32 v52, v40  }
0x2d2: {  	v60 =	vpop (erf);
	v34 =	vadd.f32 v34, v58;
	v52 =	vsub.f32 v33, v63;
	v53 =	vmul.f32 $1.442695020e+00, v41  }
0x2d3: {  	v58 =	vsub.f32 v36, v63;
	v39 =	vmul.f32 v60, v22;
	v49 =	vpop (erf);
	v60 =	vperm.xlane v32, v13  }
0x2d4: {  	v56 =	vnsel vm15, $0x0, v43;
	v38 =	vmul.f32 v49, v23;
	(erf) = vpow2.f32 v53  }
0x2d5: {  	v50 =	vpop (erf);
	v62 =	vmul.f32 v58, v28;
	v53 =	vsub.f32 v30, v51;
	v58 =	vsub.f32 v33, v51  }
0x2d6: {  	v59 =	vadd.f32 v55, v56;
	v39 =	vadd.f32 $0.0e+00, v39;
	v40 =	vmul.f32 v50, v24  }
0x2d7: {  	v56 =	vmul.f32 v52, v28;
	(erf) = vpow2.f32 v57;
	v50 =	vsub.f32 v33, v60  }
0x2d8: {  	v35 =	vmul.f32 $1.442695020e+00, v62;
	v54 =	vmul.f32 v53, v28;
	v48 =	vnsel vm5, $0x0, v59  }
0x2d9: {  	v38 =	vadd.f32 v39, v38;
	v55 =	vnsel vm6, $0x0, v40;
	v59 =	vmul.f32 $1.442695020e+00, v56  }
0x2da: {  	v40 =	vsub.f32 v36, v60;
	v52 =	vmul.f32 v50, v28;
	v34 =	vadd.f32 v34, v48  }
0x2db: {  	v61 =	vpop (erf);
	v48 =	vsub.f32 v30, v60;
	v57 =	vmul.f32 $1.442695020e+00, v54;
	v60 =	vmul.f32 v58, v28  }
0x2dc: {  	vm6 =	vge.f32 v27, $3.900000000e+01;
	v63 =	vmul.f32 v61, v22;
	(erf) = vpow2.f32 v59  }
0x2dd: {  	v38 =	vadd.f32 v38, v55;
	v49 =	vpop (erf);
	v40 =	vmul.f32 v40, v28;
	v39 =	vmul.f32 v48, v28  }
0x2de: {  	v59 =	vsub.f32 v36, v51;
	v42 =	vmul.f32 v49, v23;
	(erf) = vpow2.f32 v35  }
0x2df: {  	v41 =	vadd.f32 $0.0e+00, v63;
	v63 =	vperm.xlane v32, v15;
	v39 =	vmul.f32 $1.442695020e+00, v39  }
0x2e0: {  	v35 =	vmul.f32 $1.442695020e+00, v52;
	v38 =	vnsel vm6, $0x0, v38;
	v55 =	vmul.f32 $1.442695020e+00, v40;
	v56 =	vpop (erf)  }
0x2e1: {  	v50 =	vsub.f32 v30, v63;
	(erf) = vpow2.f32 v39;
	v40 =	vmul.f32 v56, v24  }
0x2e2: {  	v41 =	vadd.f32 v41, v42;
	v39 =	vmul.f32 v59, v28;
	(erf) = vpow2.f32 v35  }
0x2e3: {  	v42 =	vsub.f32 v36, v63;
	v62 =	vpop (erf);
	v35 =	vmul.f32 $1.442695020e+00, v60;
	v51 =	vmul.f32 v50, v28  }
0x2e4: {  	(erf) = vpow2.f32 v55;
	v61 =	vnsel vm7, $0x0, v40;
	v40 =	vmul.f32 v62, v22  }
0x2e5: {  	v34 =	vadd.f32 v34, v38;
	v39 =	vmul.f32 $1.442695020e+00, v39;
	(erf) = vpow2.f32 v57  }
0x2e6: {  	v55 =	vsub.f32 v33, v63;
	v62 =	vmul.f32 v42, v28;
	v63 =	vperm.xlane v32, v16  }
0x2e7: {  	v38 =	vadd.f32 v41, v61;
	v48 =	vpop (erf);
	(erf) = vpow2.f32 v35;
	v35 =	vmul.f32 $1.442695020e+00, v51  }
0x2e8: {  	v40 =	vadd.f32 $0.0e+00, v40;
	v60 =	vmul.f32 v55, v28;
	v41 =	vmul.f32 v48, v23;
	v49 =	vpop (erf)  }
0x2e9: {  	v51 =	vsub.f32 v30, v63;
	(erf) = vpow2.f32 v39;
	v43 =	vmul.f32 v49, v24  }
0x2ea: {  	v55 =	vsub.f32 v33, v63;
	v38 =	vnsel vm11, $0x0, v38;
	v52 =	vadd.f32 v40, v41;
	v54 =	vpop (erf)  }
0x2eb: {  	v40 =	vmul.f32 $1.442695020e+00, v62;
	v53 =	vnsel vm10, $0x0, v43;
	v41 =	vmul.f32 v54, v22  }
0x2ec: {  	v56 =	vadd.f32 v52, v53;
	v57 =	vpop (erf);
	(erf) = vpow2.f32 v35;
	v35 =	vmul.f32 $1.442695020e+00, v60  }
0x2ed: {  	v34 =	vadd.f32 v34, v38;
	v54 =	vmul.f32 v51, v28;
	v59 =	vpop (erf);
	v39 =	vmul.f32 v57, v23  }
0x2ee: {  	v38 =	vnsel vm13, $0x0, v56;
	v58 =	vadd.f32 $0.0e+00, v41;
	v41 =	vmul.f32 v59, v24;
	v61 =	vpop (erf)  }
0x2ef: {  	v57 =	vsub.f32 v36, v63;
	(erf) = vpow2.f32 v35;
	v43 =	vmul.f32 v61, v22  }
0x2f0: {  	v34 =	vadd.f32 v34, v38;
	v48 =	vpop (erf);
	(erf) = vpow2.f32 v40;
	v40 =	vmul.f32 $1.442695020e+00, v54  }
0x2f1: {  	v39 =	vadd.f32 v58, v39;
	v41 =	vnsel vm9, $0x0, v41;
	v58 =	vperm.xlane v32, v17  }
0x2f2: {  	v49 =	vmul.f32 v48, v23;
	v50 =	vpop (erf);
	v32 =	vperm.xlane v32, v19;
	v43 =	vadd.f32 $0.0e+00, v43  }
0x2f3: {  	v53 =	vmul.f32 v50, v24;
	v52 =	vadd.f32 v39, v41;
	v61 =	vsub.f32 v30, v58  }
0x2f4: {  	(erf) = vpow2.f32 v40;
	v62 =	vsub.f32 v33, v58;
	v42 =	vsub.f32 v36, v58  }
0x2f5: {  	v40 =	vmul.f32 v57, v28;
	v57 =	vsub.f32 v30, v32;
	v58 =	vsub.f32 v33, v32  }
0x2f6: {  	v41 =	vmul.f32 v55, v28;
	v32 =	vsub.f32 v36, v32;
	v35 =	vadd.f32 v43, v49  }
0x2f7: {  	v39 =	vnsel vm2, $0x0, v53;
	v63 =	vmul.f32 $1.442695020e+00, v40;
	v49 =	vsub.f32 v30, v47  }
0x2f8: {  	v53 =	vsub.f32 v33, v47;
	v43 =	vsub.f32 v36, v47;
	v59 =	vmul.f32 $1.442695020e+00, v41  }
0x2f9: {  	v38 =	vnsel vm14, $0x0, v52;
	v45 =	vmul.f32 v61, v28;
	v50 =	vmul.f32 v42, v28  }
0x2fa: {  	v32 =	vmul.f32 v32, v28;
	v61 =	vsub.f32 v30, v29;
	v30 =	vsub.f32 v30, v37  }
0x2fb: {  	v56 =	vpop (erf);
	v34 =	vadd.f32 v34, v38;
	v38 =	vmul.f32 v62, v28;
	v52 =	vmul.f32 v49, v28  }
0x2fc: {  	v35 =	vadd.f32 v35, v39;
	v54 =	vmul.f32 v43, v28;
	v39 =	vmul.f32 v56, v22  }
0x2fd: {  	v62 =	vsub.f32 v33, v29;
	(erf) = vpow2.f32 v59;
	v40 =	vmul.f32 $1.442695020e+00, v45  }
0x2fe: {  	v29 =	vsub.f32 v36, v29;
	v32 =	vmul.f32 $1.442695020e+00, v32;
	v30 =	vmul.f32 v30, v28  }
0x2ff: {  	v33 =	vsub.f32 v33, v37;
	(erf) = vpow2.f32 v63;
	v48 =	vmul.f32 $1.442695020e+00, v38  }
0x300: {  	vm15 =	vge.f32 v27, $4.300000000e+01;
	v38 =	vmul.f32 v53, v28;
	v56 =	vmul.f32 $1.442695020e+00, v54  }
0x301: {  	v35 =	vnsel vm15, $0x0, v35;
	v60 =	vpop (erf);
	v29 =	vmul.f32 v29, v28;
	v45 =	vmul.f32 v33, v28  }
0x302: {  	v39 =	vadd.f32 $0.0e+00, v39;
	v41 =	vmul.f32 v60, v23;
	(erf) = vpow2.f32 v40  }
0x303: {  	v34 =	vadd.f32 v34, v35;
	v40 =	vmul.f32 $1.442695020e+00, v50;
	v35 =	vmul.f32 $1.442695020e+00, v52  }
0x304: {  	v46 =	vpop (erf);
	v30 =	vmul.f32 $1.442695020e+00, v30;
	(erf) = vpow2.f32 v48  }
0x305: {  	v38 =	vmul.f32 $1.442695020e+00, v38;
	v39 =	vadd.f32 v39, v41;
	v41 =	vmul.f32 v46, v24  }
0x306: {  	v29 =	vmul.f32 $1.442695020e+00, v29;
	v51 =	vpop (erf);
	(erf) = vpow2.f32 v40;
	v46 =	vsub.f32 v36, v37  }
0x307: {  	v42 =	vmul.f32 v51, v22;
	(erf) = vpow2.f32 v35;
	v41 =	vnsel vm3, $0x0, v41  }
0x308: {  	(erf) = vpow2.f32 v38;
	v39 =	vadd.f32 v39, v41;
	v41 =	vmul.f32 v57, v28  }
0x309: {  	v38 =	vmul.f32 v58, v28;
	v33 =	vmul.f32 v46, v28  }
0x30a: {  	(erf) = vpow2.f32 v56;
	v41 =	vmul.f32 $1.442695020e+00, v41  }
0x30b: {  	vm5 =	vge.f32 v27, $4.400000000e+01;
	v38 =	vmul.f32 $1.442695020e+00, v38;
	v53 =	vmul.f32 $1.442695020e+00, v33  }
0x30c: {  	vm6 =	vge.f32 v27, $4.500000000e+01;
	(erf) = vpow2.f32 v41;
	v41 =	vmul.f32 v61, v28  }
0x30d: {  	vm7 =	vge.f32 v27, $4.600000000e+01;
	v55 =	vpop (erf);
	(erf) = vpow2.f32 v38;
	v38 =	vmul.f32 v62, v28  }
0x30e: {  	v48 =	vsub.f32 v31, v37;
	v40 =	vmul.f32 v55, v23;
	v59 =	vpop (erf);
	v41 =	vmul.f32 $1.442695020e+00, v41  }
0x30f: {  	v42 =	vadd.f32 $0.0e+00, v42;
	v60 =	vpop (erf);
	(erf) = vpow2.f32 v32;
	v38 =	vmul.f32 $1.442695020e+00, v38  }
0x310: {  	v39 =	vnsel vm5, $0x0, v39;
	v35 =	vmul.f32 v59, v24;
	(erf) = vpow2.f32 v41  }
0x311: {  	v34 =	vadd.f32 v34, v39;
	v39 =	vmul.f32 v60, v22;
	v63 =	vpop (erf);
	(erf) = vpow2.f32 v38  }
0x312: {  	vm9 =	vge.f32 v27, $4.700000000e+01;
	v28 =	vmul.f32 v48, v28;
	v44 =	vpop (erf);
	(erf) = vpow2.f32 v29  }
0x313: {  	v40 =	vadd.f32 v42, v40;
	v49 =	vpop (erf);
	v29 =	vmul.f32 $1.442695020e+00, v45;
	(erf) = vpow2.f32 v30  }
0x314: {  	v32 =	vmul.f32 v63, v23;
	v35 =	vnsel vm8, $0x0, v35;
	v39 =	vadd.f32 $0.0e+00, v39;
	v50 =	vpop (erf)  }
0x315: {  	v47 =	vmul.f32 v44, v24;
	v35 =	vadd.f32 v40, v35;
	v52 =	vpop (erf);
	(erf) = vpow2.f32 v29  }
0x316: {  	v28 =	vmul.f32 $1.442695020e+00, v28;
	v31 =	vmul.f32 v49, v22;
	v32 =	vadd.f32 v39, v32;
	v54 =	vpop (erf)  }
0x317: {  	v51 =	vnsel vm1, $0x0, v47;
	v35 =	vnsel vm6, $0x0, v35;
	(erf) = vpow2.f32 v53;
	v55 =	vpop (erf)  }
0x318: {  	v60 =	vmul.f32 v50, v23;
	v30 =	vadd.f32 v32, v51;
	(erf) = vpow2.f32 v28;
	v58 =	vpop (erf)  }
0x319: {  	v57 =	vadd.f32 v34, v35;
	v31 =	vadd.f32 $0.0e+00, v31;
	v62 =	vmul.f32 v52, v24;
	v59 =	vpop (erf)  }
0x31a: {  	vm8 =	veq.s32 v21, $0xF;
	v56 =	vnsel vm7, $0x0, v30;
	v33 =	vmul.f32 v54, v22;
	v61 =	vpop (erf)  }
0x31b: {  	v31 =	vadd.f32 v31, v60;
	v30 =	vnsel vm4, $0x0, v62;
	v29 =	vadd.f32 v57, v56;
	v63 =	vpop (erf)  }
0x31c: {  	v32 =	vmul.f32 v55, v23;
	v33 =	vadd.f32 $0.0e+00, v33;
	v34 =	vmul.f32 v58, v24;
	v39 =	vpop (erf)  }
0x31d: {  	v30 =	vadd.f32 v31, v30;
	v28 =	vmul.f32 v59, v22;
	v41 =	vmul.f32 v39, v22  }
0x31e: {  	v40 =	vadd.f32 v33, v32;
	v34 =	vsel vm8, $0x0, v34;
	v43 =	vmul.f32 v61, v23;
	v42 =	vpop (erf)  }
0x31f: {  	v28 =	vadd.f32 $0.0e+00, v28;
	v23 =	vmul.f32 v42, v23;
	v32 =	vadd.f32 $0.0e+00, v41  }
0x320: {  	v30 =	vnsel vm9, $0x0, v30;
	v31 =	vadd.f32 v40, v34;
	v45 =	vmul.f32 v63, v24;
	v44 =	vpop (erf)  }
0x321: {  	v28 =	vadd.f32 v28, v43;
	v24 =	vmul.f32 v44, v24;
	v46 =	vpop (erf);
	v23 =	vadd.f32 v32, v23  }
0x322: {  	vm10 =	vge.f32 v27, $4.800000000e+01;
	v29 =	vadd.f32 v29, v30;
	v25 =	vmul.f32 v46, v25  }
0x323: {  	v47 =	vnsel vm10, $0x0, v31;
	v28 =	vadd.f32 v45, v28;
	v23 =	vadd.f32 v23, v24  }
0x324: {  	vm11 =	vge.f32 v27, $4.900000000e+01;
	v48 =	vadd.f32 v29, v47;
	v25 =	vnsel vm12, $0x0, v25  }
0x325: {  	v28 =	vnsel vm11, $0x0, v28;
	v23 =	vadd.f32 v23, v25  }
0x326: {  	vm13 =	vge.f32 v27, $5.000000000e+01;
	v24 =	vadd.f32 v48, v28  }
0x327: {  	v23 =	vnsel vm13, $0x0, v23  }
0x328: {  	v23 =	vadd.f32 v24, v23;
	_ =	sdelay $0x1  }
0x329: {  	v24 =	vperm.xlane v23, v0;
	v49 =	vperm.xlane v23, v6;
	_ =	sdelay $0x1  }
0x32a: {  	v50 =	vperm.xlane v23, v7;
	v24 =	vadd.f32 v49, v24;
	_ =	sdelay $0x1  }
0x32b: {  	v51 =	vperm.xlane v23, v8;
	v24 =	vadd.f32 v50, v24;
	_ =	sdelay $0x1  }
0x32c: {  	v52 =	vperm.xlane v23, v9;
	v24 =	vadd.f32 v51, v24;
	_ =	sdelay $0x1  }
0x32d: {  	v53 =	vperm.xlane v23, v10;
	v24 =	vadd.f32 v52, v24;
	_ =	sdelay $0x1  }
0x32e: {  	v54 =	vperm.xlane v23, v11;
	v24 =	vadd.f32 v53, v24;
	_ =	sdelay $0x1  }
0x32f: {  	v55 =	vperm.xlane v23, v12;
	v24 =	vadd.f32 v54, v24;
	_ =	sdelay $0x1  }
0x330: {  	v56 =	vperm.xlane v23, v13;
	v24 =	vadd.f32 v55, v24;
	_ =	sdelay $0x1  }
0x331: {  	v57 =	vperm.xlane v23, v14;
	v24 =	vadd.f32 v56, v24;
	_ =	sdelay $0x1  }
0x332: {  	v58 =	vperm.xlane v23, v15;
	v24 =	vadd.f32 v57, v24;
	_ =	sdelay $0x1  }
0x333: {  	v59 =	vperm.xlane v23, v16;
	v24 =	vadd.f32 v58, v24;
	_ =	sdelay $0x1  }
0x334: {  	v60 =	vperm.xlane v23, v17;
	v24 =	vadd.f32 v59, v24;
	_ =	sdelay $0x1  }
0x335: {  	v61 =	vperm.xlane v23, v18;
	v24 =	vadd.f32 v60, v24;
	_ =	sdelay $0x1  }
0x336: {  	v62 =	vperm.xlane v23, v19;
	v24 =	vadd.f32 v61, v24;
	_ =	sdelay $0x1  }
0x337: {  	v23 =	vperm.xlane v23, v20;
	v24 =	vadd.f32 v62, v24;
	_ =	sdelay $0x1  }
0x338: {  	v63 =	vperm.xlane v26, v6;
	v22 =	vperm.xlane v22, v0;
	v23 =	vadd.f32 v23, v24  }
0x339: {  	vm14 =	vcmask $0x3F0C  }
0x33a: {  	vm15 =	vcmask $0x3F08;
	v22 =	vsel vm14, $0x0, v22;
	v23 =	vmul.f32 v23, v63  }
0x33b: {  	v22 =	vsel vm15, v22, v27  }
0x33c: {  	v22 =	vsel vm12, v23, v22  }
.Ltmp4:
0x33d: {  	[tilespmem:$0x680] =	vst v22;
	(pc) =	sbr.rel .LBB2_5-.Ltmp4, $4  }
0x33e: {  	[hbm4b:s5+s2] =	stream.linear.scatter [tilespmem:s13], [sflag:$0x1], $0x80, $0x38;
	[tilespmem:$0x740] =	vst v63  }
0x33f: {  	_ =	swait.ge [sflag:s9], $0x80  }
0x340: {  	[sflag:s9] =	ssyncset.done $0x0  }
0x341: {  	[sflag:s9] =	ssyncadd.s32 $0xFFFFFF80  }
.LBB2_6:
0x342: {  	_ =	sfence.sel $0x180000  }
0x343: {  	[bflag:$0x0] =	sbarrier.arrive $0xFFFF  }
0x344: {  	p0 =	sne.s32 s3, $0x0;
	_ =	strace $0x90000047  }
0x345: {  	s0 =	sadd.s32 @!p0 $0x100000, s0;
	[bflag:$0x2] =	sbarrier.arrive $0xFFFF  }
0x346: {  	[sflag:s0] =	ssyncadd.tile.s32 @!p0 $0x1;
	_ =	shalt  }
.Lfunc_end2:
_tile_overlayer_lowered:
.L_overlay_start_2:
0x347: {  	(tag) =	ssettag $0x2  }
0x348: {  	s0 =	rddreg [dreg:$0x0];
	s2 =	stileid.u32  }
0x349: {  	s1 =	rddreg [dreg:$0x1];
	p0 =	sne.s32 s2, $0x0  }
0x34a: {  	s3 =	rddreg [dreg:$0x2];
	[bflag:$0x3] =	sbarrier.arrive $0xFFFF;
	s2 =	simm.s32 @!p0 $0x1C01  }
0x34b: {  	[timem:s3], [sflag:s2] =	dma.local @!p0 [hbm:s0], s1  }
0x34c: {  	s0 =	simm.s32 @!p0 $0x1  }
0x34d: {  	_ =	swait.ge @!p0 [sflag:s0], s1  }
0x34e: {  	s1 =	ssub.s32 @!p0 $0x0, s1;
	[sflag:s0] =	ssyncset.done @!p0 $0x0  }
0x34f: {  	[sflag:s0] =	ssyncadd.s32 @!p0 s1  }
0x350: {  	[bflag:$0x3] =	sbarrier.arrive $0xFFFF  }
0x351: {  	_ =	shalt  }

</sc_bundles>
